<compile_context>
chip_gen: v7x
topology: tpu7x:2x2x1
jax: 0.10.2.dev20260603
libtpu: 0.0.44.dev20260713+nightly
codegen_flags: <defaults>
</compile_context>

<pallas_src>
import functools

import jax
import jax.numpy as jnp
from jax import lax
from jax.experimental import pallas as pl
from jax.experimental.pallas import tpu as pltpu
from jax.experimental.pallas import tpu_sc as plsc

N, E, D, H, O, B = 10000, 320000, 128, 128, 128, 8192
NC, NS, LANES = 2, 16, 16
K = 80
EB = 25
NBLK = E // NS // K // EB
NPAD = 10240
DPT = NPAD // NS
APT = N // NS
IC, IK = 4, 128
RB = 2000
GR = N // RB
CPT = B // (NC * NS)

_mesh = plsc.VectorSubcoreMesh(core_axis_name="c", subcore_axis_name="s")


@functools.partial(
    pl.kernel,
    out_type=(
        jax.ShapeDtypeStruct((NC, N, D), jnp.float32),
        jax.ShapeDtypeStruct((NC, NPAD), jnp.float32),
        jax.ShapeDtypeStruct((NC, NS, IC, IK), jnp.int32),
    ),
    mesh=_mesh,
    scratch_types=[
        pltpu.VMEM((K, D), jnp.float32),
        pltpu.VMEM((K, D), jnp.float32),
        pltpu.VMEM((K, D), jnp.float32),
        pltpu.VMEM((2, EB, K), jnp.int32),
        pltpu.VMEM((IC, IK), jnp.int32),
        pltpu.VMEM((IC, IK), jnp.int32),
        pltpu.VMEM((IC * IK,), jnp.float32),
        pltpu.VMEM((DPT,), jnp.float32),
        pltpu.VMEM((IK,), jnp.float32),
        pltpu.VMEM_SHARED((N, D), jnp.float32),
        pltpu.VMEM_SHARED((NPAD,), jnp.float32),
        pltpu.VMEM_SHARED((NPAD,), jnp.float32),
        pltpu.VMEM_SHARED((NS * LANES,), jnp.float32),
        pltpu.SemaphoreType.DMA,
        pltpu.SemaphoreType.DMA,
        pltpu.SemaphoreType.DMA,
        pltpu.SemaphoreType.DMA,
        pltpu.SemaphoreType.DMA,
        pltpu.SemaphoreType.DMA,
        pltpu.SemaphoreType.DMA,
    ],
    compiler_params=pltpu.CompilerParams(needs_layout_passes=False),
)
def _stage_a(x2, edges, ids,
             agg_out, deg_out, idx_out,
             buf0, buf1, buf2, ebuf, ids_vm, idx_vm, rk_vm,
             zero1d, ones_vm, agg_sp, deg_sp, pres_sp, tot_sp,
             semG0, semG1, semG2, semS0, semS1, semS2, semD):
    cid = lax.axis_index("c")
    sid = lax.axis_index("s")
    dbase = sid * DPT
    abase = sid * APT
    bufs = (buf0, buf1, buf2)
    gsems = (semG0, semG1, semG2)
    ssems = (semS0, semS1, semS2)

    z16 = jnp.zeros((LANES,), jnp.float32)
    o16 = jnp.ones((LANES,), jnp.float32)

    def _zrow(r, carry):
        for c in range(D // LANES):
            buf0[r, pl.ds(c * LANES, LANES)] = z16
        return carry
    lax.fori_loop(0, K, _zrow, 0)

    def _z1d(k, carry):
        zero1d[pl.ds(k * LANES, LANES)] = z16
        return carry
    lax.fori_loop(0, DPT // LANES, _z1d, 0)

    for c in range(IK // LANES):
        ones_vm[pl.ds(c * LANES, LANES)] = o16

    for z in range(7):
        pltpu.async_copy(buf0, agg_sp.at[pl.ds(abase + z * K, K)], ssems[0])
    pltpu.async_copy(buf0.at[pl.ds(0, APT - 7 * K)],
                     agg_sp.at[pl.ds(abase + 7 * K, APT - 7 * K)], ssems[1])
    pltpu.async_copy(zero1d, deg_sp.at[pl.ds(dbase, DPT)], ssems[2])
    pltpu.async_copy(zero1d, pres_sp.at[pl.ds(dbase, DPT)], semD)
    for z in range(7):
        pltpu.make_async_copy(buf0, agg_sp.at[pl.ds(abase + z * K, K)],
                              ssems[0]).wait()
    pltpu.make_async_copy(buf0.at[pl.ds(0, APT - 7 * K)],
                          agg_sp.at[pl.ds(abase + 7 * K, APT - 7 * K)],
                          ssems[1]).wait()
    pltpu.make_async_copy(zero1d, deg_sp.at[pl.ds(dbase, DPT)],
                          ssems[2]).wait()
    pltpu.make_async_copy(zero1d, pres_sp.at[pl.ds(dbase, DPT)],
                          semD).wait()

    pltpu.sync_copy(ids.at[cid, sid], ids_vm)

    plsc.subcore_barrier()

    for ci in range(IC):
        pltpu.sync_copy(ones_vm, pres_sp.at[ids_vm.at[ci]], add=True)

    plsc.subcore_barrier()

    def _eblk(b, carry):
        pltpu.sync_copy(edges.at[cid, sid, b], ebuf)
        for c in range(3):
            pltpu.async_copy(x2.at[ebuf.at[0, c]], bufs[c], gsems[c])
        for c in range(EB):
            i3 = c % 3
            pltpu.make_async_copy(x2.at[ebuf.at[0, c]], bufs[i3],
                                  gsems[i3]).wait()
            pltpu.async_copy(bufs[i3], agg_sp.at[ebuf.at[1, c]], ssems[i3],
                             add=True)
            pltpu.async_copy(ones_vm.at[pl.ds(0, K)],
                             deg_sp.at[ebuf.at[1, c]], semD, add=True)
            if c >= 1 and c + 2 < EB:
                j3 = (c - 1) % 3
                pltpu.make_async_copy(bufs[j3], agg_sp.at[ebuf.at[1, c - 1]],
                                      ssems[j3]).wait()
                pltpu.async_copy(x2.at[ebuf.at[0, c + 2]], bufs[j3],
                                 gsems[j3])
        for c in (EB - 3, EB - 2, EB - 1):
            pltpu.make_async_copy(bufs[c % 3], agg_sp.at[ebuf.at[1, c]],
                                  ssems[c % 3]).wait()
        for c in range(EB):
            pltpu.make_async_copy(ones_vm.at[pl.ds(0, K)],
                                  deg_sp.at[ebuf.at[1, c]], semD).wait()
        return carry
    lax.fori_loop(0, NBLK, _eblk, 0)

    pltpu.sync_copy(pres_sp.at[pl.ds(dbase, DPT)], zero1d)

    def _pbody(k, cin):
        v = zero1d[pl.ds(k * LANES, LANES)]
        p1 = jnp.minimum(v, 1.0)
        cs = plsc.cumsum(p1)
        zero1d[pl.ds(k * LANES, LANES)] = cin + cs - p1
        return cin + cs[LANES - 1]
    total = lax.fori_loop(0, DPT // LANES, _pbody, jnp.float32(0.0))
    rk_vm[pl.ds(0, LANES)] = jnp.zeros((LANES,), jnp.float32) + total
    pltpu.sync_copy(rk_vm.at[pl.ds(0, LANES)],
                    tot_sp.at[pl.ds(sid * LANES, LANES)])

    plsc.subcore_barrier()

    pltpu.sync_copy(tot_sp, rk_vm.at[pl.ds(0, NS * LANES)])
    lane = lax.iota(jnp.int32, LANES)
    tots = plsc.load_gather(rk_vm, [lane * LANES])
    ex = plsc.cumsum(tots) - tots
    sel = jnp.where(lane == sid, ex, 0.0)
    off = plsc.cumsum(sel)[LANES - 1]

    def _obody(k, carry):
        sl = pl.ds(k * LANES, LANES)
        zero1d[sl] = zero1d[sl] + off
        return carry
    lax.fori_loop(0, DPT // LANES, _obody, 0)
    pltpu.sync_copy(zero1d, pres_sp.at[pl.ds(dbase, DPT)])

    _nz = N // K // NS + 1
    for z in range(_nz):
        cix = z * NS + sid

        @pl.when(cix < N // K)
        def _(z=z, cix=cix):
            i2 = z % 2
            if z >= 2:
                pc = (z - 2) * NS + sid
                pltpu.make_async_copy(bufs[i2],
                                      agg_out.at[cid, pl.ds(pc * K, K)],
                                      ssems[i2]).wait()
            pltpu.async_copy(agg_sp.at[pl.ds(cix * K, K)], bufs[i2],
                             gsems[i2]).wait()
            pltpu.async_copy(bufs[i2], agg_out.at[cid, pl.ds(cix * K, K)],
                             ssems[i2])
    for z in (_nz - 2, _nz - 1):
        cix = z * NS + sid

        @pl.when(cix < N // K)
        def _(z=z, cix=cix):
            pltpu.make_async_copy(bufs[z % 2],
                                  agg_out.at[cid, pl.ds(cix * K, K)],
                                  ssems[z % 2]).wait()
    pltpu.sync_copy(deg_sp.at[pl.ds(dbase, DPT)], zero1d)
    pltpu.sync_copy(zero1d, deg_out.at[cid, pl.ds(dbase, DPT)])

    plsc.subcore_barrier()

    for ci in range(IC):
        pltpu.async_copy(pres_sp.at[ids_vm.at[ci]],
                         rk_vm.at[pl.ds(ci * IK, IK)], semG0).wait()
    off = cid * N
    for ci in range(IC):
        for s8 in range(IK // LANES):
            rv = rk_vm[pl.ds(ci * IK + s8 * LANES, LANES)]
            idx_vm[ci, pl.ds(s8 * LANES, LANES)] = rv.astype(jnp.int32) + off
    pltpu.sync_copy(idx_vm, idx_out.at[cid, sid])


def _tc_body(x_ref, agg_ref, deg_ref, ws_ref, wn_ref, wh_ref, bs_ref, bn_ref,
             bo_ref, p_ref):
    x = x_ref[...]
    a = agg_ref[0]
    dg = deg_ref[0, 0].reshape(RB, 1)
    mean = a / jnp.maximum(dg, 1.0)
    t = jnp.dot(x, ws_ref[...], preferred_element_type=jnp.float32)
    t = t + jnp.dot(mean, wn_ref[...], preferred_element_type=jnp.float32)
    t = t + bs_ref[...] + bn_ref[...]
    h = jnp.maximum(t, 0.0)
    nrm = jnp.sqrt(jnp.sum(h * h, axis=1, keepdims=True))
    s = h / jnp.maximum(nrm, 1e-12)
    gmask = (pl.program_id(0) == 1).astype(jnp.float32)
    p_ref[0] = (jnp.dot(s, wh_ref[0], preferred_element_type=jnp.float32)
                + gmask * bo_ref[...])


def _stage_b(x2, agg, deg3, w_self, w_neigh, wh, bs, bn, bo):
    return pl.pallas_call(
        _tc_body,
        grid=(NC, GR),
        in_specs=[
            pl.BlockSpec((RB, D), lambda g, r: (g * GR + r, 0)),
            pl.BlockSpec((1, RB, D), lambda g, r: (g, r, 0)),
            pl.BlockSpec((1, 1, RB), lambda g, r: (g * GR + r, 0, 0)),
            pl.BlockSpec((D, H), lambda g, r: (0, 0)),
            pl.BlockSpec((D, H), lambda g, r: (0, 0)),
            pl.BlockSpec((1, H, O), lambda g, r: (g, 0, 0)),
            pl.BlockSpec((1, H), lambda g, r: (0, 0)),
            pl.BlockSpec((1, H), lambda g, r: (0, 0)),
            pl.BlockSpec((1, O), lambda g, r: (0, 0)),
        ],
        out_specs=pl.BlockSpec((1, RB, O), lambda g, r: (g, r, 0)),
        out_shape=jax.ShapeDtypeStruct((NC, N, O), jnp.float32),
    )(x2, agg, deg3, w_self, w_neigh, wh, bs, bn, bo)


@functools.partial(
    pl.kernel,
    out_type=jax.ShapeDtypeStruct((B, O), jnp.float32),
    mesh=_mesh,
    scratch_types=[
        pltpu.VMEM((CPT // IK, IK), jnp.int32),
        pltpu.VMEM((CPT // IK, IK), jnp.int32),
        pltpu.VMEM((CPT, O), jnp.float32),
        pltpu.VMEM((CPT, O), jnp.float32),
        pltpu.SemaphoreType.DMA,
        pltpu.SemaphoreType.DMA,
    ],
    compiler_params=pltpu.CompilerParams(needs_layout_passes=False),
)
def _stage_c(p2, idxr, out, idxA, idxB, rowsA, rowsB, semA, semB):
    cid = lax.axis_index("c")
    sid = lax.axis_index("s")
    w = cid * NS + sid

    pltpu.sync_copy(idxr.at[0, w], idxA)
    pltpu.sync_copy(idxr.at[1, w], idxB)
    for cc in range(CPT // IK):
        pltpu.async_copy(p2.at[idxA.at[cc]],
                         rowsA.at[pl.ds(cc * IK, IK)], semA)
        pltpu.async_copy(p2.at[idxB.at[cc]],
                         rowsB.at[pl.ds(cc * IK, IK)], semB)
    for cc in range(CPT // IK):
        pltpu.make_async_copy(p2.at[idxA.at[cc]],
                              rowsA.at[pl.ds(cc * IK, IK)], semA).wait()
        pltpu.make_async_copy(p2.at[idxB.at[cc]],
                              rowsB.at[pl.ds(cc * IK, IK)], semB).wait()

    def _rbody(r, carry):
        for c8 in range(O // LANES):
            sl = pl.ds(c8 * LANES, LANES)
            rowsA[r, sl] = rowsA[r, sl] + rowsB[r, sl]
        return carry
    lax.fori_loop(0, CPT, _rbody, 0)

    pltpu.sync_copy(rowsA, out.at[pl.ds(w * CPT, CPT)])


def kernel(x_i, edge_index_i, node_ids_i, x_j, edge_index_j, node_ids_j,
           W_self, b_self, W_neigh, b_neigh, W_out, b_out):
    x_i = x_i.astype(jnp.float32)
    x_j = x_j.astype(jnp.float32)
    x2 = jnp.concatenate([x_i, x_j], axis=0)
    ei = edge_index_i.astype(jnp.int32)
    ej = edge_index_j.astype(jnp.int32)
    e_i = ei.reshape(2, NS, NBLK, EB, K)
    e_j = jnp.stack([ej[0] + N, ej[1]]).reshape(2, NS, NBLK, EB, K)
    edges = jnp.stack([e_i, e_j]).transpose(0, 2, 3, 1, 4, 5)
    ids = jnp.stack([node_ids_i.astype(jnp.int32).reshape(NS, IC, IK),
                     node_ids_j.astype(jnp.int32).reshape(NS, IC, IK)])

    agg, deg, idx = _stage_a(x2, edges, ids)
    deg3 = deg[:, :N].reshape(NC * GR, 1, RB)
    bs = b_self.astype(jnp.float32).reshape(1, H)
    bn = b_neigh.astype(jnp.float32).reshape(1, H)
    wh = W_out.astype(jnp.float32).reshape(NC, H, O)
    p = _stage_b(x2, agg, deg3, W_self.astype(jnp.float32),
                 W_neigh.astype(jnp.float32), wh, bs, bn,
                 b_out.astype(jnp.float32).reshape(1, O))

    p2 = p.reshape(NC * N, O)
    idxr = idx.reshape(NC, NC * NS, CPT // IK, IK)
    h = _stage_c(p2, idxr)
    return h[None]

# --- scband reference (transcript-rebuilt; emitter-appended) ---
"""Pipeline reference for scband-static-sage-78675210928332 (READ-ONLY COPY).

The authoritative reference and input builder live on the scoring server;
editing this copy changes nothing except your own understanding.
"""

import jax, jax.numpy as jnp
import numpy as np

N, E, D, H, O, B = 10000, 320000, 128, 128, 128, 8192


def setup_inputs(seed: int = 0) -> dict:
    key = jax.random.key(seed)
    ks = jax.random.split(key, 14)
    x_i = jax.random.normal(ks[0], (N, D), dtype=jnp.float32)
    x_j = jax.random.normal(ks[1], (N, D), dtype=jnp.float32)
    edge_index_i = jax.random.randint(ks[2], (2, E), 0, N)
    edge_index_j = jax.random.randint(ks[3], (2, E), 0, N)
    node_ids_i = jax.random.randint(ks[4], (B,), 0, N)
    node_ids_j = jax.random.randint(ks[5], (B,), 0, N)
    s_in = 1.0 / np.sqrt(D)
    s_cat = 1.0 / np.sqrt(2 * H)
    W_self = jax.random.uniform(ks[6], (D, H), minval=-s_in, maxval=s_in, dtype=jnp.float32)
    b_self = jax.random.uniform(ks[7], (H,), minval=-s_in, maxval=s_in, dtype=jnp.float32)
    W_neigh = jax.random.uniform(ks[8], (D, H), minval=-s_in, maxval=s_in, dtype=jnp.float32)
    b_neigh = jax.random.uniform(ks[9], (H,), minval=-s_in, maxval=s_in, dtype=jnp.float32)
    W_out = jax.random.uniform(ks[10], (2 * H, O), minval=-s_cat, maxval=s_cat, dtype=jnp.float32)
    b_out = jax.random.uniform(ks[11], (O,), minval=-s_cat, maxval=s_cat, dtype=jnp.float32)
    return {"x_i": x_i, "edge_index_i": edge_index_i, "node_ids_i": node_ids_i,
            "x_j": x_j, "edge_index_j": edge_index_j, "node_ids_j": node_ids_j,
            "W_self": W_self, "b_self": b_self, "W_neigh": W_neigh, "b_neigh": b_neigh,
            "W_out": W_out, "b_out": b_out}


def _sage(x, edge_index, W_self, b_self, W_neigh, b_neigh):
    # GraphSAGE (mean aggregator): h = relu(W_self x + W_neigh mean_{src->dst} x_src)
    src = edge_index[0]
    dst = edge_index[1]
    n = x.shape[0]
    msgs = jnp.take(x, src, axis=0)
    agg = jax.ops.segment_sum(msgs, dst, num_segments=n)
    deg = jax.ops.segment_sum(jnp.ones(src.shape[0], dtype=x.dtype), dst, num_segments=n)
    mean = agg / jnp.clip(deg, 1.0, None)[:, None]
    return jax.nn.relu(x @ W_self + b_self + mean @ W_neigh + b_neigh)


def _l2_normalize(x):
    # F.normalize(x, p=2, dim=1)
    nrm = jnp.sqrt(jnp.sum(x * x, axis=1, keepdims=True))
    return x / jnp.maximum(nrm, 1e-12)


def _unique_inverse(ids):
    s = jnp.sort(ids)
    flags = jnp.concatenate(
        [jnp.zeros((1,), dtype=s.dtype), (s[1:] != s[:-1]).astype(s.dtype)])
    ranks = jnp.cumsum(flags)
    return ranks[jnp.searchsorted(s, ids)]


def reference(x_i, edge_index_i, node_ids_i, x_j, edge_index_j, node_ids_j,
              W_self, b_self, W_neigh, b_neigh, W_out, b_out):
    sage_o_i = _l2_normalize(_sage(x_i, edge_index_i, W_self, b_self, W_neigh, b_neigh))
    sage_o_j = _l2_normalize(_sage(x_j, edge_index_j, W_self, b_self, W_neigh, b_neigh))
    idx_i = _unique_inverse(node_ids_i)
    idx_j = _unique_inverse(node_ids_j)
    cat = jnp.concatenate((sage_o_i[idx_i], sage_o_j[idx_j]), axis=-1)
    h_cur = cat @ W_out + b_out
    if h_cur.shape[-1] == 1:
        h_cur = jnp.squeeze(h_cur, axis=-1)
    return jnp.stack([h_cur])

if __name__ == "__main__":
    import jax
    _d = setup_inputs()
    print(jax.jit(kernel)(*tuple(_d.values())))

</pallas_src>

<mosaic_0001>
#map = affine_map<(d0, d1) -> (0, 0)>
#map1 = affine_map<(d0, d1) -> (0, 0, 0, 0)>
module attributes {stable_mosaic.version = 14 : i64} {
  func.func @_stage_c(%arg0: i32, %arg1: i32, %arg2: memref<20000x128xf32, #tpu.memory_space<hbm>>, %arg3: memref<2x32x2x128xi32, #tpu.memory_space<hbm>>, %arg4: memref<8192x128xf32, #tpu.memory_space<hbm>>, %arg5: memref<2x128xi32, #tpu.memory_space<vmem>>, %arg6: memref<2x128xi32, #tpu.memory_space<vmem>>, %arg7: memref<256x128xf32, #tpu.memory_space<vmem>>, %arg8: memref<256x128xf32, #tpu.memory_space<vmem>>, %arg9: memref<!tpu.dma_semaphore, #tpu.memory_space<semaphore_mem>>, %arg10: memref<!tpu.dma_semaphore, #tpu.memory_space<semaphore_mem>>) attributes {dimension_semantics = [#tpu.dimension_semantics<core_parallel>, #tpu.dimension_semantics<subcore_parallel>], iteration_bounds = array<i64: 2, 16>, scalar_prefetch = 0 : i64, scratch_operands = 6 : i64, tpu.core_type = #tpu.core_type<sc_vector_subcore>, window_params = [{transform_indices = #map}, {transform_indices = #map1}, {transform_indices = #map}]} {
    %mul3A = arith.constant 16 : i32
    %mul3A_0 = arith.muli %arg0, %mul3A : i32
    %add3A = arith.addi %mul3A_0, %arg1 : i32
    %run_scoped3A = arith.constant 0 : i32
    "tpu.region"() ({
      %run_scoped3A_87 = tpu.sem_alloc : memref<!tpu.dma_semaphore, #tpu.memory_space<semaphore_mem>>
      %dma_start3A_88 = arith.constant 0 : i32
      %dma_start3A_89 = arith.constant 0 : i32
      %dma_start3A_90 = tpu.memref_slice %arg3[%run_scoped3A, %add3A, %dma_start3A_88, %dma_start3A_89] : memref<2x32x2x128xi32, #tpu.memory_space<hbm>> -> memref<1x1x2x128xi32, #tpu.memory_space<hbm>>
      %dma_start3A_91 = tpu.memref_squeeze %dma_start3A_90 : memref<1x1x2x128xi32, #tpu.memory_space<hbm>> -> memref<2x128xi32, #tpu.memory_space<hbm>>
      %dma_start3A_92 = arith.constant 0 : i32
      %dma_start3A_93 = arith.constant 0 : i32
      %dma_start3A_94 = tpu.memref_slice %arg3[%run_scoped3A, %add3A, %dma_start3A_92, %dma_start3A_93] : memref<2x32x2x128xi32, #tpu.memory_space<hbm>> -> memref<1x1x2x128xi32, #tpu.memory_space<hbm>>
      %dma_start3A_95 = tpu.memref_squeeze %dma_start3A_94 : memref<1x1x2x128xi32, #tpu.memory_space<hbm>> -> memref<2x128xi32, #tpu.memory_space<hbm>>
      tpu.enqueue_dma source(%dma_start3A_95 : memref<2x128xi32, #tpu.memory_space<hbm>>) target(%arg5 : memref<2x128xi32, #tpu.memory_space<vmem>>) target_semaphore(%run_scoped3A_87 : memref<!tpu.dma_semaphore, #tpu.memory_space<semaphore_mem>>)
      %dma_wait3A_96 = arith.constant 0 : i32
      %dma_wait3A_97 = arith.constant 0 : i32
      %dma_wait3A_98 = tpu.memref_slice %arg3[%run_scoped3A, %add3A, %dma_wait3A_96, %dma_wait3A_97] : memref<2x32x2x128xi32, #tpu.memory_space<hbm>> -> memref<1x1x2x128xi32, #tpu.memory_space<hbm>>
      %dma_wait3A_99 = tpu.memref_squeeze %dma_wait3A_98 : memref<1x1x2x128xi32, #tpu.memory_space<hbm>> -> memref<2x128xi32, #tpu.memory_space<hbm>>
      %dma_wait3A_100 = arith.constant 0 : i32
      %dma_wait3A_101 = arith.constant 0 : i32
      %dma_wait3A_102 = tpu.memref_slice %arg3[%run_scoped3A, %add3A, %dma_wait3A_100, %dma_wait3A_101] : memref<2x32x2x128xi32, #tpu.memory_space<hbm>> -> memref<1x1x2x128xi32, #tpu.memory_space<hbm>>
      %dma_wait3A_103 = tpu.memref_squeeze %dma_wait3A_102 : memref<1x1x2x128xi32, #tpu.memory_space<hbm>> -> memref<2x128xi32, #tpu.memory_space<hbm>>
      tpu.wait_dma2 semaphore(%run_scoped3A_87 : memref<!tpu.dma_semaphore, #tpu.memory_space<semaphore_mem>>) src(%dma_wait3A_103 : memref<2x128xi32, #tpu.memory_space<hbm>>) dst(%arg5 : memref<2x128xi32, #tpu.memory_space<vmem>>)
      tpu.yield
    }) : () -> ()
    %run_scoped3A_1 = arith.constant 1 : i32
    "tpu.region"() ({
      %run_scoped3A_87 = tpu.sem_alloc : memref<!tpu.dma_semaphore, #tpu.memory_space<semaphore_mem>>
      %dma_start3A_88 = arith.constant 0 : i32
      %dma_start3A_89 = arith.constant 0 : i32
      %dma_start3A_90 = tpu.memref_slice %arg3[%run_scoped3A_1, %add3A, %dma_start3A_88, %dma_start3A_89] : memref<2x32x2x128xi32, #tpu.memory_space<hbm>> -> memref<1x1x2x128xi32, #tpu.memory_space<hbm>>
      %dma_start3A_91 = tpu.memref_squeeze %dma_start3A_90 : memref<1x1x2x128xi32, #tpu.memory_space<hbm>> -> memref<2x128xi32, #tpu.memory_space<hbm>>
      %dma_start3A_92 = arith.constant 0 : i32
      %dma_start3A_93 = arith.constant 0 : i32
      %dma_start3A_94 = tpu.memref_slice %arg3[%run_scoped3A_1, %add3A, %dma_start3A_92, %dma_start3A_93] : memref<2x32x2x128xi32, #tpu.memory_space<hbm>> -> memref<1x1x2x128xi32, #tpu.memory_space<hbm>>
      %dma_start3A_95 = tpu.memref_squeeze %dma_start3A_94 : memref<1x1x2x128xi32, #tpu.memory_space<hbm>> -> memref<2x128xi32, #tpu.memory_space<hbm>>
      tpu.enqueue_dma source(%dma_start3A_95 : memref<2x128xi32, #tpu.memory_space<hbm>>) target(%arg6 : memref<2x128xi32, #tpu.memory_space<vmem>>) target_semaphore(%run_scoped3A_87 : memref<!tpu.dma_semaphore, #tpu.memory_space<semaphore_mem>>)
      %dma_wait3A_96 = arith.constant 0 : i32
      %dma_wait3A_97 = arith.constant 0 : i32
      %dma_wait3A_98 = tpu.memref_slice %arg3[%run_scoped3A_1, %add3A, %dma_wait3A_96, %dma_wait3A_97] : memref<2x32x2x128xi32, #tpu.memory_space<hbm>> -> memref<1x1x2x128xi32, #tpu.memory_space<hbm>>
      %dma_wait3A_99 = tpu.memref_squeeze %dma_wait3A_98 : memref<1x1x2x128xi32, #tpu.memory_space<hbm>> -> memref<2x128xi32, #tpu.memory_space<hbm>>
      %dma_wait3A_100 = arith.constant 0 : i32
      %dma_wait3A_101 = arith.constant 0 : i32
      %dma_wait3A_102 = tpu.memref_slice %arg3[%run_scoped3A_1, %add3A, %dma_wait3A_100, %dma_wait3A_101] : memref<2x32x2x128xi32, #tpu.memory_space<hbm>> -> memref<1x1x2x128xi32, #tpu.memory_space<hbm>>
      %dma_wait3A_103 = tpu.memref_squeeze %dma_wait3A_102 : memref<1x1x2x128xi32, #tpu.memory_space<hbm>> -> memref<2x128xi32, #tpu.memory_space<hbm>>
      tpu.wait_dma2 semaphore(%run_scoped3A_87 : memref<!tpu.dma_semaphore, #tpu.memory_space<semaphore_mem>>) src(%dma_wait3A_103 : memref<2x128xi32, #tpu.memory_space<hbm>>) dst(%arg6 : memref<2x128xi32, #tpu.memory_space<vmem>>)
      tpu.yield
    }) : () -> ()
    %dma_start3A = arith.constant 0 : i32
    %dma_start3A_2 = arith.constant 0 : i32
    %dma_start3A_3 = arith.constant 0 : i32
    %dma_start3A_4 = tpu.memref_slice %arg7[%dma_start3A_2, %dma_start3A_3] : memref<256x128xf32, #tpu.memory_space<vmem>> -> memref<128x128xf32, #tpu.memory_space<vmem>>
    %dma_start3A_5 = arith.constant 0 : i32
    %dma_start3A_6 = tpu.memref_slice %arg5[%dma_start3A, %dma_start3A_5] : memref<2x128xi32, #tpu.memory_space<vmem>> -> memref<1x128xi32, #tpu.memory_space<vmem>>
    %dma_start3A_7 = tpu.memref_squeeze %dma_start3A_6 : memref<1x128xi32, #tpu.memory_space<vmem>> -> memref<128xi32, #tpu.memory_space<vmem>>
    %dma_start3A_8 = arith.constant 0 : i32
    %dma_start3A_9 = arith.constant 0 : i32
    %dma_start3A_10 = tpu.memref_slice %arg2[%dma_start3A_8, %dma_start3A_9] : memref<20000x128xf32, #tpu.memory_space<hbm>> -> memref<20000x128xf32, #tpu.memory_space<hbm>>
    tpu.enqueue_indirect_dma source(%dma_start3A_10 : memref<20000x128xf32, #tpu.memory_space<hbm>>) target(%dma_start3A_4 : memref<128x128xf32, #tpu.memory_space<vmem>>) offsets(%dma_start3A_7 : memref<128xi32, #tpu.memory_space<vmem>>) semaphore(%arg9 : memref<!tpu.dma_semaphore, #tpu.memory_space<semaphore_mem>>)
    %dma_start3A_11 = arith.constant 0 : i32
    %dma_start3A_12 = arith.constant 0 : i32
    %dma_start3A_13 = arith.constant 0 : i32
    %dma_start3A_14 = tpu.memref_slice %arg8[%dma_start3A_12, %dma_start3A_13] : memref<256x128xf32, #tpu.memory_space<vmem>> -> memref<128x128xf32, #tpu.memory_space<vmem>>
    %dma_start3A_15 = arith.constant 0 : i32
    %dma_start3A_16 = tpu.memref_slice %arg6[%dma_start3A_11, %dma_start3A_15] : memref<2x128xi32, #tpu.memory_space<vmem>> -> memref<1x128xi32, #tpu.memory_space<vmem>>
    %dma_start3A_17 = tpu.memref_squeeze %dma_start3A_16 : memref<1x128xi32, #tpu.memory_space<vmem>> -> memref<128xi32, #tpu.memory_space<vmem>>
    %dma_start3A_18 = arith.constant 0 : i32
    %dma_start3A_19 = arith.constant 0 : i32
    %dma_start3A_20 = tpu.memref_slice %arg2[%dma_start3A_18, %dma_start3A_19] : memref<20000x128xf32, #tpu.memory_space<hbm>> -> memref<20000x128xf32, #tpu.memory_space<hbm>>
    tpu.enqueue_indirect_dma source(%dma_start3A_20 : memref<20000x128xf32, #tpu.memory_space<hbm>>) target(%dma_start3A_14 : memref<128x128xf32, #tpu.memory_space<vmem>>) offsets(%dma_start3A_17 : memref<128xi32, #tpu.memory_space<vmem>>) semaphore(%arg10 : memref<!tpu.dma_semaphore, #tpu.memory_space<semaphore_mem>>)
    %dma_start3A_21 = arith.constant 1 : i32
    %dma_start3A_22 = arith.constant 128 : i32
    %dma_start3A_23 = arith.constant 0 : i32
    %dma_start3A_24 = tpu.memref_slice %arg7[%dma_start3A_22, %dma_start3A_23] : memref<256x128xf32, #tpu.memory_space<vmem>> -> memref<128x128xf32, #tpu.memory_space<vmem>>
    %dma_start3A_25 = arith.constant 0 : i32
    %dma_start3A_26 = tpu.memref_slice %arg5[%dma_start3A_21, %dma_start3A_25] : memref<2x128xi32, #tpu.memory_space<vmem>> -> memref<1x128xi32, #tpu.memory_space<vmem>>
    %dma_start3A_27 = tpu.memref_squeeze %dma_start3A_26 : memref<1x128xi32, #tpu.memory_space<vmem>> -> memref<128xi32, #tpu.memory_space<vmem>>
    %dma_start3A_28 = arith.constant 0 : i32
    %dma_start3A_29 = arith.constant 0 : i32
    %dma_start3A_30 = tpu.memref_slice %arg2[%dma_start3A_28, %dma_start3A_29] : memref<20000x128xf32, #tpu.memory_space<hbm>> -> memref<20000x128xf32, #tpu.memory_space<hbm>>
    tpu.enqueue_indirect_dma source(%dma_start3A_30 : memref<20000x128xf32, #tpu.memory_space<hbm>>) target(%dma_start3A_24 : memref<128x128xf32, #tpu.memory_space<vmem>>) offsets(%dma_start3A_27 : memref<128xi32, #tpu.memory_space<vmem>>) semaphore(%arg9 : memref<!tpu.dma_semaphore, #tpu.memory_space<semaphore_mem>>)
    %dma_start3A_31 = arith.constant 1 : i32
    %dma_start3A_32 = arith.constant 128 : i32
    %dma_start3A_33 = arith.constant 0 : i32
    %dma_start3A_34 = tpu.memref_slice %arg8[%dma_start3A_32, %dma_start3A_33] : memref<256x128xf32, #tpu.memory_space<vmem>> -> memref<128x128xf32, #tpu.memory_space<vmem>>
    %dma_start3A_35 = arith.constant 0 : i32
    %dma_start3A_36 = tpu.memref_slice %arg6[%dma_start3A_31, %dma_start3A_35] : memref<2x128xi32, #tpu.memory_space<vmem>> -> memref<1x128xi32, #tpu.memory_space<vmem>>
    %dma_start3A_37 = tpu.memref_squeeze %dma_start3A_36 : memref<1x128xi32, #tpu.memory_space<vmem>> -> memref<128xi32, #tpu.memory_space<vmem>>
    %dma_start3A_38 = arith.constant 0 : i32
    %dma_start3A_39 = arith.constant 0 : i32
    %dma_start3A_40 = tpu.memref_slice %arg2[%dma_start3A_38, %dma_start3A_39] : memref<20000x128xf32, #tpu.memory_space<hbm>> -> memref<20000x128xf32, #tpu.memory_space<hbm>>
    tpu.enqueue_indirect_dma source(%dma_start3A_40 : memref<20000x128xf32, #tpu.memory_space<hbm>>) target(%dma_start3A_34 : memref<128x128xf32, #tpu.memory_space<vmem>>) offsets(%dma_start3A_37 : memref<128xi32, #tpu.memory_space<vmem>>) semaphore(%arg10 : memref<!tpu.dma_semaphore, #tpu.memory_space<semaphore_mem>>)
    %dma_wait3A = arith.constant 0 : i32
    %dma_wait3A_41 = arith.constant 0 : i32
    %dma_wait3A_42 = arith.constant 0 : i32
    %dma_wait3A_43 = tpu.memref_slice %arg7[%dma_wait3A_41, %dma_wait3A_42] : memref<256x128xf32, #tpu.memory_space<vmem>> -> memref<128x128xf32, #tpu.memory_space<vmem>>
    %dma_wait3A_44 = arith.constant 0 : i32
    %dma_wait3A_45 = tpu.memref_slice %arg5[%dma_wait3A, %dma_wait3A_44] : memref<2x128xi32, #tpu.memory_space<vmem>> -> memref<1x128xi32, #tpu.memory_space<vmem>>
    %dma_wait3A_46 = tpu.memref_squeeze %dma_wait3A_45 : memref<1x128xi32, #tpu.memory_space<vmem>> -> memref<128xi32, #tpu.memory_space<vmem>>
    %dma_wait3A_47 = arith.constant 0 : i32
    %dma_wait3A_48 = arith.constant 0 : i32
    %dma_wait3A_49 = tpu.memref_slice %arg2[%dma_wait3A_47, %dma_wait3A_48] : memref<20000x128xf32, #tpu.memory_space<hbm>> -> memref<20000x128xf32, #tpu.memory_space<hbm>>
    tpu.wait_indirect_dma semaphore(%arg9 : memref<!tpu.dma_semaphore, #tpu.memory_space<semaphore_mem>>) src(%dma_wait3A_49 : memref<20000x128xf32, #tpu.memory_space<hbm>>) dst(%dma_wait3A_43 : memref<128x128xf32, #tpu.memory_space<vmem>>)
    %dma_wait3A_50 = arith.constant 0 : i32
    %dma_wait3A_51 = arith.constant 0 : i32
    %dma_wait3A_52 = arith.constant 0 : i32
    %dma_wait3A_53 = tpu.memref_slice %arg8[%dma_wait3A_51, %dma_wait3A_52] : memref<256x128xf32, #tpu.memory_space<vmem>> -> memref<128x128xf32, #tpu.memory_space<vmem>>
    %dma_wait3A_54 = arith.constant 0 : i32
    %dma_wait3A_55 = tpu.memref_slice %arg6[%dma_wait3A_50, %dma_wait3A_54] : memref<2x128xi32, #tpu.memory_space<vmem>> -> memref<1x128xi32, #tpu.memory_space<vmem>>
    %dma_wait3A_56 = tpu.memref_squeeze %dma_wait3A_55 : memref<1x128xi32, #tpu.memory_space<vmem>> -> memref<128xi32, #tpu.memory_space<vmem>>
    %dma_wait3A_57 = arith.constant 0 : i32
    %dma_wait3A_58 = arith.constant 0 : i32
    %dma_wait3A_59 = tpu.memref_slice %arg2[%dma_wait3A_57, %dma_wait3A_58] : memref<20000x128xf32, #tpu.memory_space<hbm>> -> memref<20000x128xf32, #tpu.memory_space<hbm>>
    tpu.wait_indirect_dma semaphore(%arg10 : memref<!tpu.dma_semaphore, #tpu.memory_space<semaphore_mem>>) src(%dma_wait3A_59 : memref<20000x128xf32, #tpu.memory_space<hbm>>) dst(%dma_wait3A_53 : memref<128x128xf32, #tpu.memory_space<vmem>>)
    %dma_wait3A_60 = arith.constant 1 : i32
    %dma_wait3A_61 = arith.constant 128 : i32
    %dma_wait3A_62 = arith.constant 0 : i32
    %dma_wait3A_63 = tpu.memref_slice %arg7[%dma_wait3A_61, %dma_wait3A_62] : memref<256x128xf32, #tpu.memory_space<vmem>> -> memref<128x128xf32, #tpu.memory_space<vmem>>
    %dma_wait3A_64 = arith.constant 0 : i32
    %dma_wait3A_65 = tpu.memref_slice %arg5[%dma_wait3A_60, %dma_wait3A_64] : memref<2x128xi32, #tpu.memory_space<vmem>> -> memref<1x128xi32, #tpu.memory_space<vmem>>
    %dma_wait3A_66 = tpu.memref_squeeze %dma_wait3A_65 : memref<1x128xi32, #tpu.memory_space<vmem>> -> memref<128xi32, #tpu.memory_space<vmem>>
    %dma_wait3A_67 = arith.constant 0 : i32
    %dma_wait3A_68 = arith.constant 0 : i32
    %dma_wait3A_69 = tpu.memref_slice %arg2[%dma_wait3A_67, %dma_wait3A_68] : memref<20000x128xf32, #tpu.memory_space<hbm>> -> memref<20000x128xf32, #tpu.memory_space<hbm>>
    tpu.wait_indirect_dma semaphore(%arg9 : memref<!tpu.dma_semaphore, #tpu.memory_space<semaphore_mem>>) src(%dma_wait3A_69 : memref<20000x128xf32, #tpu.memory_space<hbm>>) dst(%dma_wait3A_63 : memref<128x128xf32, #tpu.memory_space<vmem>>)
    %dma_wait3A_70 = arith.constant 1 : i32
    %dma_wait3A_71 = arith.constant 128 : i32
    %dma_wait3A_72 = arith.constant 0 : i32
    %dma_wait3A_73 = tpu.memref_slice %arg8[%dma_wait3A_71, %dma_wait3A_72] : memref<256x128xf32, #tpu.memory_space<vmem>> -> memref<128x128xf32, #tpu.memory_space<vmem>>
    %dma_wait3A_74 = arith.constant 0 : i32
    %dma_wait3A_75 = tpu.memref_slice %arg6[%dma_wait3A_70, %dma_wait3A_74] : memref<2x128xi32, #tpu.memory_space<vmem>> -> memref<1x128xi32, #tpu.memory_space<vmem>>
    %dma_wait3A_76 = tpu.memref_squeeze %dma_wait3A_75 : memref<1x128xi32, #tpu.memory_space<vmem>> -> memref<128xi32, #tpu.memory_space<vmem>>
    %dma_wait3A_77 = arith.constant 0 : i32
    %dma_wait3A_78 = arith.constant 0 : i32
    %dma_wait3A_79 = tpu.memref_slice %arg2[%dma_wait3A_77, %dma_wait3A_78] : memref<20000x128xf32, #tpu.memory_space<hbm>> -> memref<20000x128xf32, #tpu.memory_space<hbm>>
    tpu.wait_indirect_dma semaphore(%arg10 : memref<!tpu.dma_semaphore, #tpu.memory_space<semaphore_mem>>) src(%dma_wait3A_79 : memref<20000x128xf32, #tpu.memory_space<hbm>>) dst(%dma_wait3A_73 : memref<128x128xf32, #tpu.memory_space<vmem>>)
    %scan3A = arith.constant 0 : i32
    %scan3A_80 = arith.constant 0 : i32
    %scan3A_81 = arith.constant 256 : i32
    %scan3A_82 = arith.addi %scan3A_80, %scan3A_81 : i32
    %scan3A_83 = arith.constant 1 : i32
    scf.for %scan3A_87 = %scan3A_80 to %scan3A_82 step %scan3A_83  : i32 {
      %get3A = arith.index_cast %scan3A_87 : i32 to index
      %get3A_88 = arith.constant 0 : index
      %get3A_89 = tpu.vector_load %arg7[%get3A, %get3A_88] {strides = array<i32>} : memref<256x128xf32, #tpu.memory_space<vmem>>, vector<16xf32>,
      %get3A_90 = arith.index_cast %scan3A_87 : i32 to index
      %get3A_91 = arith.constant 0 : index
      %get3A_92 = tpu.vector_load %arg8[%get3A_90, %get3A_91] {strides = array<i32>} : memref<256x128xf32, #tpu.memory_space<vmem>>, vector<16xf32>,
      %add3A_93 = arith.addf %get3A_89, %get3A_92 : vector<16xf32>
      %swap3A = arith.index_cast %scan3A_87 : i32 to index
      %swap3A_94 = arith.constant 0 : index
      %swap3A_95 = tpu.vector_load %arg7[%swap3A, %swap3A_94] {strides = array<i32>} : memref<256x128xf32, #tpu.memory_space<vmem>>, vector<16xf32>,
      tpu.vector_store %arg7[%swap3A, %swap3A_94], %add3A_93 {strides = array<i32>} : memref<256x128xf32, #tpu.memory_space<vmem>>, vector<16xf32>,
      %get3A_96 = arith.index_cast %scan3A_87 : i32 to index
      %get3A_97 = arith.constant 16 : index
      %get3A_98 = tpu.vector_load %arg7[%get3A_96, %get3A_97] {strides = array<i32>} : memref<256x128xf32, #tpu.memory_space<vmem>>, vector<16xf32>,
      %get3A_99 = arith.index_cast %scan3A_87 : i32 to index
      %get3A_100 = arith.constant 16 : index
      %get3A_101 = tpu.vector_load %arg8[%get3A_99, %get3A_100] {strides = array<i32>} : memref<256x128xf32, #tpu.memory_space<vmem>>, vector<16xf32>,
      %add3A_102 = arith.addf %get3A_98, %get3A_101 : vector<16xf32>
      %swap3A_103 = arith.index_cast %scan3A_87 : i32 to index
      %swap3A_104 = arith.constant 16 : index
      %swap3A_105 = tpu.vector_load %arg7[%swap3A_103, %swap3A_104] {strides = array<i32>} : memref<256x128xf32, #tpu.memory_space<vmem>>, vector<16xf32>,
      tpu.vector_store %arg7[%swap3A_103, %swap3A_104], %add3A_102 {strides = array<i32>} : memref<256x128xf32, #tpu.memory_space<vmem>>, vector<16xf32>,
      %get3A_106 = arith.index_cast %scan3A_87 : i32 to index
      %get3A_107 = arith.constant 32 : index
      %get3A_108 = tpu.vector_load %arg7[%get3A_106, %get3A_107] {strides = array<i32>} : memref<256x128xf32, #tpu.memory_space<vmem>>, vector<16xf32>,
      %get3A_109 = arith.index_cast %scan3A_87 : i32 to index
      %get3A_110 = arith.constant 32 : index
      %get3A_111 = tpu.vector_load %arg8[%get3A_109, %get3A_110] {strides = array<i32>} : memref<256x128xf32, #tpu.memory_space<vmem>>, vector<16xf32>,
      %add3A_112 = arith.addf %get3A_108, %get3A_111 : vector<16xf32>
      %swap3A_113 = arith.index_cast %scan3A_87 : i32 to index
      %swap3A_114 = arith.constant 32 : index
      %swap3A_115 = tpu.vector_load %arg7[%swap3A_113, %swap3A_114] {strides = array<i32>} : memref<256x128xf32, #tpu.memory_space<vmem>>, vector<16xf32>,
      tpu.vector_store %arg7[%swap3A_113, %swap3A_114], %add3A_112 {strides = array<i32>} : memref<256x128xf32, #tpu.memory_space<vmem>>, vector<16xf32>,
      %get3A_116 = arith.index_cast %scan3A_87 : i32 to index
      %get3A_117 = arith.constant 48 : index
      %get3A_118 = tpu.vector_load %arg7[%get3A_116, %get3A_117] {strides = array<i32>} : memref<256x128xf32, #tpu.memory_space<vmem>>, vector<16xf32>,
      %get3A_119 = arith.index_cast %scan3A_87 : i32 to index
      %get3A_120 = arith.constant 48 : index
      %get3A_121 = tpu.vector_load %arg8[%get3A_119, %get3A_120] {strides = array<i32>} : memref<256x128xf32, #tpu.memory_space<vmem>>, vector<16xf32>,
      %add3A_122 = arith.addf %get3A_118, %get3A_121 : vector<16xf32>
      %swap3A_123 = arith.index_cast %scan3A_87 : i32 to index
      %swap3A_124 = arith.constant 48 : index
      %swap3A_125 = tpu.vector_load %arg7[%swap3A_123, %swap3A_124] {strides = array<i32>} : memref<256x128xf32, #tpu.memory_space<vmem>>, vector<16xf32>,
      tpu.vector_store %arg7[%swap3A_123, %swap3A_124], %add3A_122 {strides = array<i32>} : memref<256x128xf32, #tpu.memory_space<vmem>>, vector<16xf32>,
      %get3A_126 = arith.index_cast %scan3A_87 : i32 to index
      %get3A_127 = arith.constant 64 : index
      %get3A_128 = tpu.vector_load %arg7[%get3A_126, %get3A_127] {strides = array<i32>} : memref<256x128xf32, #tpu.memory_space<vmem>>, vector<16xf32>,
      %get3A_129 = arith.index_cast %scan3A_87 : i32 to index
      %get3A_130 = arith.constant 64 : index
      %get3A_131 = tpu.vector_load %arg8[%get3A_129, %get3A_130] {strides = array<i32>} : memref<256x128xf32, #tpu.memory_space<vmem>>, vector<16xf32>,
      %add3A_132 = arith.addf %get3A_128, %get3A_131 : vector<16xf32>
      %swap3A_133 = arith.index_cast %scan3A_87 : i32 to index
      %swap3A_134 = arith.constant 64 : index
      %swap3A_135 = tpu.vector_load %arg7[%swap3A_133, %swap3A_134] {strides = array<i32>} : memref<256x128xf32, #tpu.memory_space<vmem>>, vector<16xf32>,
      tpu.vector_store %arg7[%swap3A_133, %swap3A_134], %add3A_132 {strides = array<i32>} : memref<256x128xf32, #tpu.memory_space<vmem>>, vector<16xf32>,
      %get3A_136 = arith.index_cast %scan3A_87 : i32 to index
      %get3A_137 = arith.constant 80 : index
      %get3A_138 = tpu.vector_load %arg7[%get3A_136, %get3A_137] {strides = array<i32>} : memref<256x128xf32, #tpu.memory_space<vmem>>, vector<16xf32>,
      %get3A_139 = arith.index_cast %scan3A_87 : i32 to index
      %get3A_140 = arith.constant 80 : index
      %get3A_141 = tpu.vector_load %arg8[%get3A_139, %get3A_140] {strides = array<i32>} : memref<256x128xf32, #tpu.memory_space<vmem>>, vector<16xf32>,
      %add3A_142 = arith.addf %get3A_138, %get3A_141 : vector<16xf32>
      %swap3A_143 = arith.index_cast %scan3A_87 : i32 to index
      %swap3A_144 = arith.constant 80 : index
      %swap3A_145 = tpu.vector_load %arg7[%swap3A_143, %swap3A_144] {strides = array<i32>} : memref<256x128xf32, #tpu.memory_space<vmem>>, vector<16xf32>,
      tpu.vector_store %arg7[%swap3A_143, %swap3A_144], %add3A_142 {strides = array<i32>} : memref<256x128xf32, #tpu.memory_space<vmem>>, vector<16xf32>,
      %get3A_146 = arith.index_cast %scan3A_87 : i32 to index
      %get3A_147 = arith.constant 96 : index
      %get3A_148 = tpu.vector_load %arg7[%get3A_146, %get3A_147] {strides = array<i32>} : memref<256x128xf32, #tpu.memory_space<vmem>>, vector<16xf32>,
      %get3A_149 = arith.index_cast %scan3A_87 : i32 to index
      %get3A_150 = arith.constant 96 : index
      %get3A_151 = tpu.vector_load %arg8[%get3A_149, %get3A_150] {strides = array<i32>} : memref<256x128xf32, #tpu.memory_space<vmem>>, vector<16xf32>,
      %add3A_152 = arith.addf %get3A_148, %get3A_151 : vector<16xf32>
      %swap3A_153 = arith.index_cast %scan3A_87 : i32 to index
      %swap3A_154 = arith.constant 96 : index
      %swap3A_155 = tpu.vector_load %arg7[%swap3A_153, %swap3A_154] {strides = array<i32>} : memref<256x128xf32, #tpu.memory_space<vmem>>, vector<16xf32>,
      tpu.vector_store %arg7[%swap3A_153, %swap3A_154], %add3A_152 {strides = array<i32>} : memref<256x128xf32, #tpu.memory_space<vmem>>, vector<16xf32>,
      %get3A_156 = arith.index_cast %scan3A_87 : i32 to index
      %get3A_157 = arith.constant 112 : index
      %get3A_158 = tpu.vector_load %arg7[%get3A_156, %get3A_157] {strides = array<i32>} : memref<256x128xf32, #tpu.memory_space<vmem>>, vector<16xf32>,
      %get3A_159 = arith.index_cast %scan3A_87 : i32 to index
      %get3A_160 = arith.constant 112 : index
      %get3A_161 = tpu.vector_load %arg8[%get3A_159, %get3A_160] {strides = array<i32>} : memref<256x128xf32, #tpu.memory_space<vmem>>, vector<16xf32>,
      %add3A_162 = arith.addf %get3A_158, %get3A_161 : vector<16xf32>
      %swap3A_163 = arith.index_cast %scan3A_87 : i32 to index
      %swap3A_164 = arith.constant 112 : index
      %swap3A_165 = tpu.vector_load %arg7[%swap3A_163, %swap3A_164] {strides = array<i32>} : memref<256x128xf32, #tpu.memory_space<vmem>>, vector<16xf32>,
      tpu.vector_store %arg7[%swap3A_163, %swap3A_164], %add3A_162 {strides = array<i32>} : memref<256x128xf32, #tpu.memory_space<vmem>>, vector<16xf32>,
    }
    %scan3A_84 = arith.constant 256 : i32
    %mul3A_85 = arith.constant 256 : i32
    %mul3A_86 = arith.muli %add3A, %mul3A_85 : i32
    "tpu.region"() ({
      %run_scoped3A_87 = tpu.sem_alloc : memref<!tpu.dma_semaphore, #tpu.memory_space<semaphore_mem>>
      %dma_start3A_88 = arith.constant 0 : i32
      %dma_start3A_89 = tpu.memref_slice %arg4[%mul3A_86, %dma_start3A_88] : memref<8192x128xf32, #tpu.memory_space<hbm>> -> memref<256x128xf32, #tpu.memory_space<hbm>>
      %dma_start3A_90 = arith.constant 0 : i32
      %dma_start3A_91 = tpu.memref_slice %arg4[%mul3A_86, %dma_start3A_90] : memref<8192x128xf32, #tpu.memory_space<hbm>> -> memref<256x128xf32, #tpu.memory_space<hbm>>
      tpu.enqueue_dma source(%arg7 : memref<256x128xf32, #tpu.memory_space<vmem>>) target(%dma_start3A_91 : memref<256x128xf32, #tpu.memory_space<hbm>>) target_semaphore(%run_scoped3A_87 : memref<!tpu.dma_semaphore, #tpu.memory_space<semaphore_mem>>)
      %dma_wait3A_92 = arith.constant 0 : i32
      %dma_wait3A_93 = tpu.memref_slice %arg4[%mul3A_86, %dma_wait3A_92] : memref<8192x128xf32, #tpu.memory_space<hbm>> -> memref<256x128xf32, #tpu.memory_space<hbm>>
      %dma_wait3A_94 = arith.constant 0 : i32
      %dma_wait3A_95 = tpu.memref_slice %arg4[%mul3A_86, %dma_wait3A_94] : memref<8192x128xf32, #tpu.memory_space<hbm>> -> memref<256x128xf32, #tpu.memory_space<hbm>>
      tpu.wait_dma2 semaphore(%run_scoped3A_87 : memref<!tpu.dma_semaphore, #tpu.memory_space<semaphore_mem>>) src(%arg7 : memref<256x128xf32, #tpu.memory_space<vmem>>) dst(%dma_wait3A_95 : memref<256x128xf32, #tpu.memory_space<hbm>>)
      tpu.yield
    }) : () -> ()
    return
  }
}

#map = affine_map<(d0, d1) -> (0, 0)>
#map1 = affine_map<(d0, d1) -> (0, 0, 0, 0, 0, 0)>
#map2 = affine_map<(d0, d1) -> (0, 0, 0, 0)>
#map3 = affine_map<(d0, d1) -> (0, 0, 0)>
module attributes {stable_mosaic.version = 14 : i64} {
  func.func @_stage_a(%arg0: i32, %arg1: i32, %arg2: memref<20000x128xf32, #tpu.memory_space<hbm>>, %arg3: memref<2x16x10x2x25x80xi32, #tpu.memory_space<hbm>>, %arg4: memref<2x16x4x128xi32, #tpu.memory_space<hbm>>, %arg5: memref<2x10000x128xf32, #tpu.memory_space<hbm>>, %arg6: memref<2x10240xf32, #tpu.memory_space<hbm>>, %arg7: memref<2x16x4x128xi32, #tpu.memory_space<hbm>>, %arg8: memref<80x128xf32, #tpu.memory_space<vmem>>, %arg9: memref<80x128xf32, #tpu.memory_space<vmem>>, %arg10: memref<80x128xf32, #tpu.memory_space<vmem>>, %arg11: memref<2x25x80xi32, #tpu.memory_space<vmem>>, %arg12: memref<4x128xi32, #tpu.memory_space<vmem>>, %arg13: memref<4x128xi32, #tpu.memory_space<vmem>>, %arg14: memref<512xf32, #tpu.memory_space<vmem>>, %arg15: memref<640xf32, #tpu.memory_space<vmem>>, %arg16: memref<128xf32, #tpu.memory_space<vmem>>, %arg17: memref<10000x128xf32, #tpu.memory_space<vmem_shared>>, %arg18: memref<10240xf32, #tpu.memory_space<vmem_shared>>, %arg19: memref<10240xf32, #tpu.memory_space<vmem_shared>>, %arg20: memref<256xf32, #tpu.memory_space<vmem_shared>>, %arg21: memref<!tpu.dma_semaphore, #tpu.memory_space<semaphore_mem>>, %arg22: memref<!tpu.dma_semaphore, #tpu.memory_space<semaphore_mem>>, %arg23: memref<!tpu.dma_semaphore, #tpu.memory_space<semaphore_mem>>, %arg24: memref<!tpu.dma_semaphore, #tpu.memory_space<semaphore_mem>>, %arg25: memref<!tpu.dma_semaphore, #tpu.memory_space<semaphore_mem>>, %arg26: memref<!tpu.dma_semaphore, #tpu.memory_space<semaphore_mem>>, %arg27: memref<!tpu.dma_semaphore, #tpu.memory_space<semaphore_mem>>) attributes {dimension_semantics = [#tpu.dimension_semantics<core_parallel>, #tpu.dimension_semantics<subcore_parallel>], iteration_bounds = array<i64: 2, 16>, scalar_prefetch = 0 : i64, scratch_operands = 20 : i64, tpu.core_type = #tpu.core_type<sc_vector_subcore>, window_params = [{transform_indices = #map}, {transform_indices = #map1}, {transform_indices = #map2}, {transform_indices = #map3}, {transform_indices = #map}, {transform_indices = #map2}]} {
    %mul3A = arith.constant 640 : i32
    %mul3A_0 = arith.muli %arg1, %mul3A : i32
    %mul3A_1 = arith.constant 625 : i32
    %mul3A_2 = arith.muli %arg1, %mul3A_1 : i32
    %broadcast_in_dim3A = arith.constant 0.000000e+00 : f32
    %broadcast_in_dim3A_3 = vector.broadcast %broadcast_in_dim3A : f32 to vector<16xf32>
    %broadcast_in_dim3A_4 = arith.constant 1.000000e+00 : f32
    %broadcast_in_dim3A_5 = vector.broadcast %broadcast_in_dim3A_4 : f32 to vector<16xf32>
    %scan3A = arith.constant 0 : i32
    %scan3A_6 = arith.constant 0 : i32
    %scan3A_7 = arith.constant 80 : i32
    %scan3A_8 = arith.addi %scan3A_6, %scan3A_7 : i32
    %scan3A_9 = arith.constant 1 : i32
    scf.for %scan3A_608 = %scan3A_6 to %scan3A_8 step %scan3A_9  : i32 {
      %swap3A_609 = arith.index_cast %scan3A_608 : i32 to index
      %swap3A_610 = arith.constant 0 : index
      %swap3A_611 = tpu.vector_load %arg8[%swap3A_609, %swap3A_610] {strides = array<i32>} : memref<80x128xf32, #tpu.memory_space<vmem>>, vector<16xf32>,
      tpu.vector_store %arg8[%swap3A_609, %swap3A_610], %broadcast_in_dim3A_3 {strides = array<i32>} : memref<80x128xf32, #tpu.memory_space<vmem>>, vector<16xf32>,
      %swap3A_612 = arith.index_cast %scan3A_608 : i32 to index
      %swap3A_613 = arith.constant 16 : index
      %swap3A_614 = tpu.vector_load %arg8[%swap3A_612, %swap3A_613] {strides = array<i32>} : memref<80x128xf32, #tpu.memory_space<vmem>>, vector<16xf32>,
      tpu.vector_store %arg8[%swap3A_612, %swap3A_613], %broadcast_in_dim3A_3 {strides = array<i32>} : memref<80x128xf32, #tpu.memory_space<vmem>>, vector<16xf32>,
      %swap3A_615 = arith.index_cast %scan3A_608 : i32 to index
      %swap3A_616 = arith.constant 32 : index
      %swap3A_617 = tpu.vector_load %arg8[%swap3A_615, %swap3A_616] {strides = array<i32>} : memref<80x128xf32, #tpu.memory_space<vmem>>, vector<16xf32>,
      tpu.vector_store %arg8[%swap3A_615, %swap3A_616], %broadcast_in_dim3A_3 {strides = array<i32>} : memref<80x128xf32, #tpu.memory_space<vmem>>, vector<16xf32>,
      %swap3A_618 = arith.index_cast %scan3A_608 : i32 to index
      %swap3A_619 = arith.constant 48 : index
      %swap3A_620 = tpu.vector_load %arg8[%swap3A_618, %swap3A_619] {strides = array<i32>} : memref<80x128xf32, #tpu.memory_space<vmem>>, vector<16xf32>,
      tpu.vector_store %arg8[%swap3A_618, %swap3A_619], %broadcast_in_dim3A_3 {strides = array<i32>} : memref<80x128xf32, #tpu.memory_space<vmem>>, vector<16xf32>,
      %swap3A_621 = arith.index_cast %scan3A_608 : i32 to index
      %swap3A_622 = arith.constant 64 : index
      %swap3A_623 = tpu.vector_load %arg8[%swap3A_621, %swap3A_622] {strides = array<i32>} : memref<80x128xf32, #tpu.memory_space<vmem>>, vector<16xf32>,
      tpu.vector_store %arg8[%swap3A_621, %swap3A_622], %broadcast_in_dim3A_3 {strides = array<i32>} : memref<80x128xf32, #tpu.memory_space<vmem>>, vector<16xf32>,
      %swap3A_624 = arith.index_cast %scan3A_608 : i32 to index
      %swap3A_625 = arith.constant 80 : index
      %swap3A_626 = tpu.vector_load %arg8[%swap3A_624, %swap3A_625] {strides = array<i32>} : memref<80x128xf32, #tpu.memory_space<vmem>>, vector<16xf32>,
      tpu.vector_store %arg8[%swap3A_624, %swap3A_625], %broadcast_in_dim3A_3 {strides = array<i32>} : memref<80x128xf32, #tpu.memory_space<vmem>>, vector<16xf32>,
      %swap3A_627 = arith.index_cast %scan3A_608 : i32 to index
      %swap3A_628 = arith.constant 96 : index
      %swap3A_629 = tpu.vector_load %arg8[%swap3A_627, %swap3A_628] {strides = array<i32>} : memref<80x128xf32, #tpu.memory_space<vmem>>, vector<16xf32>,
      tpu.vector_store %arg8[%swap3A_627, %swap3A_628], %broadcast_in_dim3A_3 {strides = array<i32>} : memref<80x128xf32, #tpu.memory_space<vmem>>, vector<16xf32>,
      %swap3A_630 = arith.index_cast %scan3A_608 : i32 to index
      %swap3A_631 = arith.constant 112 : index
      %swap3A_632 = tpu.vector_load %arg8[%swap3A_630, %swap3A_631] {strides = array<i32>} : memref<80x128xf32, #tpu.memory_space<vmem>>, vector<16xf32>,
      tpu.vector_store %arg8[%swap3A_630, %swap3A_631], %broadcast_in_dim3A_3 {strides = array<i32>} : memref<80x128xf32, #tpu.memory_space<vmem>>, vector<16xf32>,
    }
    %scan3A_10 = arith.constant 80 : i32
    %scan3A_11 = arith.constant 0 : i32
    %scan3A_12 = arith.constant 0 : i32
    %scan3A_13 = arith.constant 40 : i32
    %scan3A_14 = arith.addi %scan3A_12, %scan3A_13 : i32
    %scan3A_15 = arith.constant 1 : i32
    scf.for %scan3A_608 = %scan3A_12 to %scan3A_14 step %scan3A_15  : i32 {
      %mul3A_609 = arith.constant 16 : i32
      %mul3A_610 = arith.muli %scan3A_608, %mul3A_609 : i32
      %swap3A_611 = arith.index_cast %mul3A_610 : i32 to index
      %swap3A_612 = tpu.vector_load %arg15[%swap3A_611] {strides = array<i32>} : memref<640xf32, #tpu.memory_space<vmem>>, vector<16xf32>,
      tpu.vector_store %arg15[%swap3A_611], %broadcast_in_dim3A_3 {strides = array<i32>} : memref<640xf32, #tpu.memory_space<vmem>>, vector<16xf32>,
    }
    %scan3A_16 = arith.constant 40 : i32
    %swap3A = arith.constant 0 : index
    %swap3A_17 = tpu.vector_load %arg16[%swap3A] {strides = array<i32>} : memref<128xf32, #tpu.memory_space<vmem>>, vector<16xf32>,
    tpu.vector_store %arg16[%swap3A], %broadcast_in_dim3A_5 {strides = array<i32>} : memref<128xf32, #tpu.memory_space<vmem>>, vector<16xf32>,
    %swap3A_18 = arith.constant 16 : index
    %swap3A_19 = tpu.vector_load %arg16[%swap3A_18] {strides = array<i32>} : memref<128xf32, #tpu.memory_space<vmem>>, vector<16xf32>,
    tpu.vector_store %arg16[%swap3A_18], %broadcast_in_dim3A_5 {strides = array<i32>} : memref<128xf32, #tpu.memory_space<vmem>>, vector<16xf32>,
    %swap3A_20 = arith.constant 32 : index
    %swap3A_21 = tpu.vector_load %arg16[%swap3A_20] {strides = array<i32>} : memref<128xf32, #tpu.memory_space<vmem>>, vector<16xf32>,
    tpu.vector_store %arg16[%swap3A_20], %broadcast_in_dim3A_5 {strides = array<i32>} : memref<128xf32, #tpu.memory_space<vmem>>, vector<16xf32>,
    %swap3A_22 = arith.constant 48 : index
    %swap3A_23 = tpu.vector_load %arg16[%swap3A_22] {strides = array<i32>} : memref<128xf32, #tpu.memory_space<vmem>>, vector<16xf32>,
    tpu.vector_store %arg16[%swap3A_22], %broadcast_in_dim3A_5 {strides = array<i32>} : memref<128xf32, #tpu.memory_space<vmem>>, vector<16xf32>,
    %swap3A_24 = arith.constant 64 : index
    %swap3A_25 = tpu.vector_load %arg16[%swap3A_24] {strides = array<i32>} : memref<128xf32, #tpu.memory_space<vmem>>, vector<16xf32>,
    tpu.vector_store %arg16[%swap3A_24], %broadcast_in_dim3A_5 {strides = array<i32>} : memref<128xf32, #tpu.memory_space<vmem>>, vector<16xf32>,
    %swap3A_26 = arith.constant 80 : index
    %swap3A_27 = tpu.vector_load %arg16[%swap3A_26] {strides = array<i32>} : memref<128xf32, #tpu.memory_space<vmem>>, vector<16xf32>,
    tpu.vector_store %arg16[%swap3A_26], %broadcast_in_dim3A_5 {strides = array<i32>} : memref<128xf32, #tpu.memory_space<vmem>>, vector<16xf32>,
    %swap3A_28 = arith.constant 96 : index
    %swap3A_29 = tpu.vector_load %arg16[%swap3A_28] {strides = array<i32>} : memref<128xf32, #tpu.memory_space<vmem>>, vector<16xf32>,
    tpu.vector_store %arg16[%swap3A_28], %broadcast_in_dim3A_5 {strides = array<i32>} : memref<128xf32, #tpu.memory_space<vmem>>, vector<16xf32>,
    %swap3A_30 = arith.constant 112 : index
    %swap3A_31 = tpu.vector_load %arg16[%swap3A_30] {strides = array<i32>} : memref<128xf32, #tpu.memory_space<vmem>>, vector<16xf32>,
    tpu.vector_store %arg16[%swap3A_30], %broadcast_in_dim3A_5 {strides = array<i32>} : memref<128xf32, #tpu.memory_space<vmem>>, vector<16xf32>,
    %add3A = arith.constant 0 : i32
    %add3A_32 = arith.addi %mul3A_2, %add3A : i32
    %dma_start3A = arith.constant 0 : i32
    %dma_start3A_33 = tpu.memref_slice %arg17[%add3A_32, %dma_start3A] : memref<10000x128xf32, #tpu.memory_space<vmem_shared>> -> memref<80x128xf32, #tpu.memory_space<vmem_shared>>
    %dma_start3A_34 = arith.constant 0 : i32
    %dma_start3A_35 = tpu.memref_slice %arg17[%add3A_32, %dma_start3A_34] : memref<10000x128xf32, #tpu.memory_space<vmem_shared>> -> memref<80x128xf32, #tpu.memory_space<vmem_shared>>
    tpu.enqueue_dma source(%arg8 : memref<80x128xf32, #tpu.memory_space<vmem>>) target(%dma_start3A_35 : memref<80x128xf32, #tpu.memory_space<vmem_shared>>) target_semaphore(%arg24 : memref<!tpu.dma_semaphore, #tpu.memory_space<semaphore_mem>>)
    %add3A_36 = arith.constant 80 : i32
    %add3A_37 = arith.addi %mul3A_2, %add3A_36 : i32
    %dma_start3A_38 = arith.constant 0 : i32
    %dma_start3A_39 = tpu.memref_slice %arg17[%add3A_37, %dma_start3A_38] : memref<10000x128xf32, #tpu.memory_space<vmem_shared>> -> memref<80x128xf32, #tpu.memory_space<vmem_shared>>
    %dma_start3A_40 = arith.constant 0 : i32
    %dma_start3A_41 = tpu.memref_slice %arg17[%add3A_37, %dma_start3A_40] : memref<10000x128xf32, #tpu.memory_space<vmem_shared>> -> memref<80x128xf32, #tpu.memory_space<vmem_shared>>
    tpu.enqueue_dma source(%arg8 : memref<80x128xf32, #tpu.memory_space<vmem>>) target(%dma_start3A_41 : memref<80x128xf32, #tpu.memory_space<vmem_shared>>) target_semaphore(%arg24 : memref<!tpu.dma_semaphore, #tpu.memory_space<semaphore_mem>>)
    %add3A_42 = arith.constant 160 : i32
    %add3A_43 = arith.addi %mul3A_2, %add3A_42 : i32
    %dma_start3A_44 = arith.constant 0 : i32
    %dma_start3A_45 = tpu.memref_slice %arg17[%add3A_43, %dma_start3A_44] : memref<10000x128xf32, #tpu.memory_space<vmem_shared>> -> memref<80x128xf32, #tpu.memory_space<vmem_shared>>
    %dma_start3A_46 = arith.constant 0 : i32
    %dma_start3A_47 = tpu.memref_slice %arg17[%add3A_43, %dma_start3A_46] : memref<10000x128xf32, #tpu.memory_space<vmem_shared>> -> memref<80x128xf32, #tpu.memory_space<vmem_shared>>
    tpu.enqueue_dma source(%arg8 : memref<80x128xf32, #tpu.memory_space<vmem>>) target(%dma_start3A_47 : memref<80x128xf32, #tpu.memory_space<vmem_shared>>) target_semaphore(%arg24 : memref<!tpu.dma_semaphore, #tpu.memory_space<semaphore_mem>>)
    %add3A_48 = arith.constant 240 : i32
    %add3A_49 = arith.addi %mul3A_2, %add3A_48 : i32
    %dma_start3A_50 = arith.constant 0 : i32
    %dma_start3A_51 = tpu.memref_slice %arg17[%add3A_49, %dma_start3A_50] : memref<10000x128xf32, #tpu.memory_space<vmem_shared>> -> memref<80x128xf32, #tpu.memory_space<vmem_shared>>
    %dma_start3A_52 = arith.constant 0 : i32
    %dma_start3A_53 = tpu.memref_slice %arg17[%add3A_49, %dma_start3A_52] : memref<10000x128xf32, #tpu.memory_space<vmem_shared>> -> memref<80x128xf32, #tpu.memory_space<vmem_shared>>
    tpu.enqueue_dma source(%arg8 : memref<80x128xf32, #tpu.memory_space<vmem>>) target(%dma_start3A_53 : memref<80x128xf32, #tpu.memory_space<vmem_shared>>) target_semaphore(%arg24 : memref<!tpu.dma_semaphore, #tpu.memory_space<semaphore_mem>>)
    %add3A_54 = arith.constant 320 : i32
    %add3A_55 = arith.addi %mul3A_2, %add3A_54 : i32
    %dma_start3A_56 = arith.constant 0 : i32
    %dma_start3A_57 = tpu.memref_slice %arg17[%add3A_55, %dma_start3A_56] : memref<10000x128xf32, #tpu.memory_space<vmem_shared>> -> memref<80x128xf32, #tpu.memory_space<vmem_shared>>
    %dma_start3A_58 = arith.constant 0 : i32
    %dma_start3A_59 = tpu.memref_slice %arg17[%add3A_55, %dma_start3A_58] : memref<10000x128xf32, #tpu.memory_space<vmem_shared>> -> memref<80x128xf32, #tpu.memory_space<vmem_shared>>
    tpu.enqueue_dma source(%arg8 : memref<80x128xf32, #tpu.memory_space<vmem>>) target(%dma_start3A_59 : memref<80x128xf32, #tpu.memory_space<vmem_shared>>) target_semaphore(%arg24 : memref<!tpu.dma_semaphore, #tpu.memory_space<semaphore_mem>>)
    %add3A_60 = arith.constant 400 : i32
    %add3A_61 = arith.addi %mul3A_2, %add3A_60 : i32
    %dma_start3A_62 = arith.constant 0 : i32
    %dma_start3A_63 = tpu.memref_slice %arg17[%add3A_61, %dma_start3A_62] : memref<10000x128xf32, #tpu.memory_space<vmem_shared>> -> memref<80x128xf32, #tpu.memory_space<vmem_shared>>
    %dma_start3A_64 = arith.constant 0 : i32
    %dma_start3A_65 = tpu.memref_slice %arg17[%add3A_61, %dma_start3A_64] : memref<10000x128xf32, #tpu.memory_space<vmem_shared>> -> memref<80x128xf32, #tpu.memory_space<vmem_shared>>
    tpu.enqueue_dma source(%arg8 : memref<80x128xf32, #tpu.memory_space<vmem>>) target(%dma_start3A_65 : memref<80x128xf32, #tpu.memory_space<vmem_shared>>) target_semaphore(%arg24 : memref<!tpu.dma_semaphore, #tpu.memory_space<semaphore_mem>>)
    %add3A_66 = arith.constant 480 : i32
    %add3A_67 = arith.addi %mul3A_2, %add3A_66 : i32
    %dma_start3A_68 = arith.constant 0 : i32
    %dma_start3A_69 = tpu.memref_slice %arg17[%add3A_67, %dma_start3A_68] : memref<10000x128xf32, #tpu.memory_space<vmem_shared>> -> memref<80x128xf32, #tpu.memory_space<vmem_shared>>
    %dma_start3A_70 = arith.constant 0 : i32
    %dma_start3A_71 = tpu.memref_slice %arg17[%add3A_67, %dma_start3A_70] : memref<10000x128xf32, #tpu.memory_space<vmem_shared>> -> memref<80x128xf32, #tpu.memory_space<vmem_shared>>
    tpu.enqueue_dma source(%arg8 : memref<80x128xf32, #tpu.memory_space<vmem>>) target(%dma_start3A_71 : memref<80x128xf32, #tpu.memory_space<vmem_shared>>) target_semaphore(%arg24 : memref<!tpu.dma_semaphore, #tpu.memory_space<semaphore_mem>>)
    %add3A_72 = arith.constant 560 : i32
    %add3A_73 = arith.addi %mul3A_2, %add3A_72 : i32
    %dma_start3A_74 = arith.constant 0 : i32
    %dma_start3A_75 = arith.constant 0 : i32
    %dma_start3A_76 = tpu.memref_slice %arg8[%dma_start3A_74, %dma_start3A_75] : memref<80x128xf32, #tpu.memory_space<vmem>> -> memref<65x128xf32, #tpu.memory_space<vmem>>
    %dma_start3A_77 = arith.constant 0 : i32
    %dma_start3A_78 = tpu.memref_slice %arg17[%add3A_73, %dma_start3A_77] : memref<10000x128xf32, #tpu.memory_space<vmem_shared>> -> memref<65x128xf32, #tpu.memory_space<vmem_shared>>
    %dma_start3A_79 = arith.constant 0 : i32
    %dma_start3A_80 = tpu.memref_slice %arg17[%add3A_73, %dma_start3A_79] : memref<10000x128xf32, #tpu.memory_space<vmem_shared>> -> memref<65x128xf32, #tpu.memory_space<vmem_shared>>
    %dma_start3A_81 = arith.constant 0 : i32
    %dma_start3A_82 = arith.constant 0 : i32
    %dma_start3A_83 = tpu.memref_slice %arg8[%dma_start3A_81, %dma_start3A_82] : memref<80x128xf32, #tpu.memory_space<vmem>> -> memref<65x128xf32, #tpu.memory_space<vmem>>
    tpu.enqueue_dma source(%dma_start3A_83 : memref<65x128xf32, #tpu.memory_space<vmem>>) target(%dma_start3A_80 : memref<65x128xf32, #tpu.memory_space<vmem_shared>>) target_semaphore(%arg25 : memref<!tpu.dma_semaphore, #tpu.memory_space<semaphore_mem>>)
    %dma_start3A_84 = tpu.memref_slice %arg18[%mul3A_0] : memref<10240xf32, #tpu.memory_space<vmem_shared>> -> memref<640xf32, #tpu.memory_space<vmem_shared>>
    %dma_start3A_85 = tpu.memref_slice %arg18[%mul3A_0] : memref<10240xf32, #tpu.memory_space<vmem_shared>> -> memref<640xf32, #tpu.memory_space<vmem_shared>>
    tpu.enqueue_dma source(%arg15 : memref<640xf32, #tpu.memory_space<vmem>>) target(%dma_start3A_85 : memref<640xf32, #tpu.memory_space<vmem_shared>>) target_semaphore(%arg26 : memref<!tpu.dma_semaphore, #tpu.memory_space<semaphore_mem>>)
    %dma_start3A_86 = tpu.memref_slice %arg19[%mul3A_0] : memref<10240xf32, #tpu.memory_space<vmem_shared>> -> memref<640xf32, #tpu.memory_space<vmem_shared>>
    %dma_start3A_87 = tpu.memref_slice %arg19[%mul3A_0] : memref<10240xf32, #tpu.memory_space<vmem_shared>> -> memref<640xf32, #tpu.memory_space<vmem_shared>>
    tpu.enqueue_dma source(%arg15 : memref<640xf32, #tpu.memory_space<vmem>>) target(%dma_start3A_87 : memref<640xf32, #tpu.memory_space<vmem_shared>>) target_semaphore(%arg27 : memref<!tpu.dma_semaphore, #tpu.memory_space<semaphore_mem>>)
    %add3A_88 = arith.constant 0 : i32
    %add3A_89 = arith.addi %mul3A_2, %add3A_88 : i32
    %dma_wait3A = arith.constant 0 : i32
    %dma_wait3A_90 = tpu.memref_slice %arg17[%add3A_89, %dma_wait3A] : memref<10000x128xf32, #tpu.memory_space<vmem_shared>> -> memref<80x128xf32, #tpu.memory_space<vmem_shared>>
    %dma_wait3A_91 = arith.constant 0 : i32
    %dma_wait3A_92 = tpu.memref_slice %arg17[%add3A_89, %dma_wait3A_91] : memref<10000x128xf32, #tpu.memory_space<vmem_shared>> -> memref<80x128xf32, #tpu.memory_space<vmem_shared>>
    tpu.wait_dma2 semaphore(%arg24 : memref<!tpu.dma_semaphore, #tpu.memory_space<semaphore_mem>>) src(%arg8 : memref<80x128xf32, #tpu.memory_space<vmem>>) dst(%dma_wait3A_92 : memref<80x128xf32, #tpu.memory_space<vmem_shared>>)
    %add3A_93 = arith.constant 80 : i32
    %add3A_94 = arith.addi %mul3A_2, %add3A_93 : i32
    %dma_wait3A_95 = arith.constant 0 : i32
    %dma_wait3A_96 = tpu.memref_slice %arg17[%add3A_94, %dma_wait3A_95] : memref<10000x128xf32, #tpu.memory_space<vmem_shared>> -> memref<80x128xf32, #tpu.memory_space<vmem_shared>>
    %dma_wait3A_97 = arith.constant 0 : i32
    %dma_wait3A_98 = tpu.memref_slice %arg17[%add3A_94, %dma_wait3A_97] : memref<10000x128xf32, #tpu.memory_space<vmem_shared>> -> memref<80x128xf32, #tpu.memory_space<vmem_shared>>
    tpu.wait_dma2 semaphore(%arg24 : memref<!tpu.dma_semaphore, #tpu.memory_space<semaphore_mem>>) src(%arg8 : memref<80x128xf32, #tpu.memory_space<vmem>>) dst(%dma_wait3A_98 : memref<80x128xf32, #tpu.memory_space<vmem_shared>>)
    %add3A_99 = arith.constant 160 : i32
    %add3A_100 = arith.addi %mul3A_2, %add3A_99 : i32
    %dma_wait3A_101 = arith.constant 0 : i32
    %dma_wait3A_102 = tpu.memref_slice %arg17[%add3A_100, %dma_wait3A_101] : memref<10000x128xf32, #tpu.memory_space<vmem_shared>> -> memref<80x128xf32, #tpu.memory_space<vmem_shared>>
    %dma_wait3A_103 = arith.constant 0 : i32
    %dma_wait3A_104 = tpu.memref_slice %arg17[%add3A_100, %dma_wait3A_103] : memref<10000x128xf32, #tpu.memory_space<vmem_shared>> -> memref<80x128xf32, #tpu.memory_space<vmem_shared>>
    tpu.wait_dma2 semaphore(%arg24 : memref<!tpu.dma_semaphore, #tpu.memory_space<semaphore_mem>>) src(%arg8 : memref<80x128xf32, #tpu.memory_space<vmem>>) dst(%dma_wait3A_104 : memref<80x128xf32, #tpu.memory_space<vmem_shared>>)
    %add3A_105 = arith.constant 240 : i32
    %add3A_106 = arith.addi %mul3A_2, %add3A_105 : i32
    %dma_wait3A_107 = arith.constant 0 : i32
    %dma_wait3A_108 = tpu.memref_slice %arg17[%add3A_106, %dma_wait3A_107] : memref<10000x128xf32, #tpu.memory_space<vmem_shared>> -> memref<80x128xf32, #tpu.memory_space<vmem_shared>>
    %dma_wait3A_109 = arith.constant 0 : i32
    %dma_wait3A_110 = tpu.memref_slice %arg17[%add3A_106, %dma_wait3A_109] : memref<10000x128xf32, #tpu.memory_space<vmem_shared>> -> memref<80x128xf32, #tpu.memory_space<vmem_shared>>
    tpu.wait_dma2 semaphore(%arg24 : memref<!tpu.dma_semaphore, #tpu.memory_space<semaphore_mem>>) src(%arg8 : memref<80x128xf32, #tpu.memory_space<vmem>>) dst(%dma_wait3A_110 : memref<80x128xf32, #tpu.memory_space<vmem_shared>>)
    %add3A_111 = arith.constant 320 : i32
    %add3A_112 = arith.addi %mul3A_2, %add3A_111 : i32
    %dma_wait3A_113 = arith.constant 0 : i32
    %dma_wait3A_114 = tpu.memref_slice %arg17[%add3A_112, %dma_wait3A_113] : memref<10000x128xf32, #tpu.memory_space<vmem_shared>> -> memref<80x128xf32, #tpu.memory_space<vmem_shared>>
    %dma_wait3A_115 = arith.constant 0 : i32
    %dma_wait3A_116 = tpu.memref_slice %arg17[%add3A_112, %dma_wait3A_115] : memref<10000x128xf32, #tpu.memory_space<vmem_shared>> -> memref<80x128xf32, #tpu.memory_space<vmem_shared>>
    tpu.wait_dma2 semaphore(%arg24 : memref<!tpu.dma_semaphore, #tpu.memory_space<semaphore_mem>>) src(%arg8 : memref<80x128xf32, #tpu.memory_space<vmem>>) dst(%dma_wait3A_116 : memref<80x128xf32, #tpu.memory_space<vmem_shared>>)
    %add3A_117 = arith.constant 400 : i32
    %add3A_118 = arith.addi %mul3A_2, %add3A_117 : i32
    %dma_wait3A_119 = arith.constant 0 : i32
    %dma_wait3A_120 = tpu.memref_slice %arg17[%add3A_118, %dma_wait3A_119] : memref<10000x128xf32, #tpu.memory_space<vmem_shared>> -> memref<80x128xf32, #tpu.memory_space<vmem_shared>>
    %dma_wait3A_121 = arith.constant 0 : i32
    %dma_wait3A_122 = tpu.memref_slice %arg17[%add3A_118, %dma_wait3A_121] : memref<10000x128xf32, #tpu.memory_space<vmem_shared>> -> memref<80x128xf32, #tpu.memory_space<vmem_shared>>
    tpu.wait_dma2 semaphore(%arg24 : memref<!tpu.dma_semaphore, #tpu.memory_space<semaphore_mem>>) src(%arg8 : memref<80x128xf32, #tpu.memory_space<vmem>>) dst(%dma_wait3A_122 : memref<80x128xf32, #tpu.memory_space<vmem_shared>>)
    %add3A_123 = arith.constant 480 : i32
    %add3A_124 = arith.addi %mul3A_2, %add3A_123 : i32
    %dma_wait3A_125 = arith.constant 0 : i32
    %dma_wait3A_126 = tpu.memref_slice %arg17[%add3A_124, %dma_wait3A_125] : memref<10000x128xf32, #tpu.memory_space<vmem_shared>> -> memref<80x128xf32, #tpu.memory_space<vmem_shared>>
    %dma_wait3A_127 = arith.constant 0 : i32
    %dma_wait3A_128 = tpu.memref_slice %arg17[%add3A_124, %dma_wait3A_127] : memref<10000x128xf32, #tpu.memory_space<vmem_shared>> -> memref<80x128xf32, #tpu.memory_space<vmem_shared>>
    tpu.wait_dma2 semaphore(%arg24 : memref<!tpu.dma_semaphore, #tpu.memory_space<semaphore_mem>>) src(%arg8 : memref<80x128xf32, #tpu.memory_space<vmem>>) dst(%dma_wait3A_128 : memref<80x128xf32, #tpu.memory_space<vmem_shared>>)
    %add3A_129 = arith.constant 560 : i32
    %add3A_130 = arith.addi %mul3A_2, %add3A_129 : i32
    %dma_wait3A_131 = arith.constant 0 : i32
    %dma_wait3A_132 = arith.constant 0 : i32
    %dma_wait3A_133 = tpu.memref_slice %arg8[%dma_wait3A_131, %dma_wait3A_132] : memref<80x128xf32, #tpu.memory_space<vmem>> -> memref<65x128xf32, #tpu.memory_space<vmem>>
    %dma_wait3A_134 = arith.constant 0 : i32
    %dma_wait3A_135 = tpu.memref_slice %arg17[%add3A_130, %dma_wait3A_134] : memref<10000x128xf32, #tpu.memory_space<vmem_shared>> -> memref<65x128xf32, #tpu.memory_space<vmem_shared>>
    %dma_wait3A_136 = arith.constant 0 : i32
    %dma_wait3A_137 = tpu.memref_slice %arg17[%add3A_130, %dma_wait3A_136] : memref<10000x128xf32, #tpu.memory_space<vmem_shared>> -> memref<65x128xf32, #tpu.memory_space<vmem_shared>>
    %dma_wait3A_138 = arith.constant 0 : i32
    %dma_wait3A_139 = arith.constant 0 : i32
    %dma_wait3A_140 = tpu.memref_slice %arg8[%dma_wait3A_138, %dma_wait3A_139] : memref<80x128xf32, #tpu.memory_space<vmem>> -> memref<65x128xf32, #tpu.memory_space<vmem>>
    tpu.wait_dma2 semaphore(%arg25 : memref<!tpu.dma_semaphore, #tpu.memory_space<semaphore_mem>>) src(%dma_wait3A_140 : memref<65x128xf32, #tpu.memory_space<vmem>>) dst(%dma_wait3A_137 : memref<65x128xf32, #tpu.memory_space<vmem_shared>>)
    %dma_wait3A_141 = tpu.memref_slice %arg18[%mul3A_0] : memref<10240xf32, #tpu.memory_space<vmem_shared>> -> memref<640xf32, #tpu.memory_space<vmem_shared>>
    %dma_wait3A_142 = tpu.memref_slice %arg18[%mul3A_0] : memref<10240xf32, #tpu.memory_space<vmem_shared>> -> memref<640xf32, #tpu.memory_space<vmem_shared>>
    tpu.wait_dma2 semaphore(%arg26 : memref<!tpu.dma_semaphore, #tpu.memory_space<semaphore_mem>>) src(%arg15 : memref<640xf32, #tpu.memory_space<vmem>>) dst(%dma_wait3A_142 : memref<640xf32, #tpu.memory_space<vmem_shared>>)
    %dma_wait3A_143 = tpu.memref_slice %arg19[%mul3A_0] : memref<10240xf32, #tpu.memory_space<vmem_shared>> -> memref<640xf32, #tpu.memory_space<vmem_shared>>
    %dma_wait3A_144 = tpu.memref_slice %arg19[%mul3A_0] : memref<10240xf32, #tpu.memory_space<vmem_shared>> -> memref<640xf32, #tpu.memory_space<vmem_shared>>
    tpu.wait_dma2 semaphore(%arg27 : memref<!tpu.dma_semaphore, #tpu.memory_space<semaphore_mem>>) src(%arg15 : memref<640xf32, #tpu.memory_space<vmem>>) dst(%dma_wait3A_144 : memref<640xf32, #tpu.memory_space<vmem_shared>>)
    "tpu.region"() ({
      %run_scoped3A_608 = tpu.sem_alloc : memref<!tpu.dma_semaphore, #tpu.memory_space<semaphore_mem>>
      %dma_start3A_609 = arith.constant 0 : i32
      %dma_start3A_610 = arith.constant 0 : i32
      %dma_start3A_611 = tpu.memref_slice %arg4[%arg0, %arg1, %dma_start3A_609, %dma_start3A_610] : memref<2x16x4x128xi32, #tpu.memory_space<hbm>> -> memref<1x1x4x128xi32, #tpu.memory_space<hbm>>
      %dma_start3A_612 = tpu.memref_squeeze %dma_start3A_611 : memref<1x1x4x128xi32, #tpu.memory_space<hbm>> -> memref<4x128xi32, #tpu.memory_space<hbm>>
      %dma_start3A_613 = arith.constant 0 : i32
      %dma_start3A_614 = arith.constant 0 : i32
      %dma_start3A_615 = tpu.memref_slice %arg4[%arg0, %arg1, %dma_start3A_613, %dma_start3A_614] : memref<2x16x4x128xi32, #tpu.memory_space<hbm>> -> memref<1x1x4x128xi32, #tpu.memory_space<hbm>>
      %dma_start3A_616 = tpu.memref_squeeze %dma_start3A_615 : memref<1x1x4x128xi32, #tpu.memory_space<hbm>> -> memref<4x128xi32, #tpu.memory_space<hbm>>
      tpu.enqueue_dma source(%dma_start3A_616 : memref<4x128xi32, #tpu.memory_space<hbm>>) target(%arg12 : memref<4x128xi32, #tpu.memory_space<vmem>>) target_semaphore(%run_scoped3A_608 : memref<!tpu.dma_semaphore, #tpu.memory_space<semaphore_mem>>)
      %dma_wait3A_617 = arith.constant 0 : i32
      %dma_wait3A_618 = arith.constant 0 : i32
      %dma_wait3A_619 = tpu.memref_slice %arg4[%arg0, %arg1, %dma_wait3A_617, %dma_wait3A_618] : memref<2x16x4x128xi32, #tpu.memory_space<hbm>> -> memref<1x1x4x128xi32, #tpu.memory_space<hbm>>
      %dma_wait3A_620 = tpu.memref_squeeze %dma_wait3A_619 : memref<1x1x4x128xi32, #tpu.memory_space<hbm>> -> memref<4x128xi32, #tpu.memory_space<hbm>>
      %dma_wait3A_621 = arith.constant 0 : i32
      %dma_wait3A_622 = arith.constant 0 : i32
      %dma_wait3A_623 = tpu.memref_slice %arg4[%arg0, %arg1, %dma_wait3A_621, %dma_wait3A_622] : memref<2x16x4x128xi32, #tpu.memory_space<hbm>> -> memref<1x1x4x128xi32, #tpu.memory_space<hbm>>
      %dma_wait3A_624 = tpu.memref_squeeze %dma_wait3A_623 : memref<1x1x4x128xi32, #tpu.memory_space<hbm>> -> memref<4x128xi32, #tpu.memory_space<hbm>>
      tpu.wait_dma2 semaphore(%run_scoped3A_608 : memref<!tpu.dma_semaphore, #tpu.memory_space<semaphore_mem>>) src(%dma_wait3A_624 : memref<4x128xi32, #tpu.memory_space<hbm>>) dst(%arg12 : memref<4x128xi32, #tpu.memory_space<vmem>>)
      tpu.yield
    }) : () -> ()
    %barrier3A = arith.constant 0 : index
    tpu.barrier barrier_id(%barrier3A)
    %run_scoped3A = arith.constant 0 : i32
    "tpu.region"() ({
      %run_scoped3A_608 = tpu.sem_alloc : memref<!tpu.dma_semaphore, #tpu.memory_space<semaphore_mem>>
      %dma_start3A_609 = arith.constant 0 : i32
      %dma_start3A_610 = tpu.memref_slice %arg12[%run_scoped3A, %dma_start3A_609] : memref<4x128xi32, #tpu.memory_space<vmem>> -> memref<1x128xi32, #tpu.memory_space<vmem>>
      %dma_start3A_611 = tpu.memref_squeeze %dma_start3A_610 : memref<1x128xi32, #tpu.memory_space<vmem>> -> memref<128xi32, #tpu.memory_space<vmem>>
      %dma_start3A_612 = arith.constant 0 : i32
      %dma_start3A_613 = tpu.memref_slice %arg19[%dma_start3A_612] : memref<10240xf32, #tpu.memory_space<vmem_shared>> -> memref<10240xf32, #tpu.memory_space<vmem_shared>>
      tpu.enqueue_indirect_dma source(%arg16 : memref<128xf32, #tpu.memory_space<vmem>>) target(%dma_start3A_613 : memref<10240xf32, #tpu.memory_space<vmem_shared>>) offsets(%dma_start3A_611 : memref<128xi32, #tpu.memory_space<vmem>>) semaphore(%run_scoped3A_608 : memref<!tpu.dma_semaphore, #tpu.memory_space<semaphore_mem>>) {add = true}
      %dma_wait3A_614 = arith.constant 0 : i32
      %dma_wait3A_615 = tpu.memref_slice %arg12[%run_scoped3A, %dma_wait3A_614] : memref<4x128xi32, #tpu.memory_space<vmem>> -> memref<1x128xi32, #tpu.memory_space<vmem>>
      %dma_wait3A_616 = tpu.memref_squeeze %dma_wait3A_615 : memref<1x128xi32, #tpu.memory_space<vmem>> -> memref<128xi32, #tpu.memory_space<vmem>>
      %dma_wait3A_617 = arith.constant 0 : i32
      %dma_wait3A_618 = tpu.memref_slice %arg19[%dma_wait3A_617] : memref<10240xf32, #tpu.memory_space<vmem_shared>> -> memref<10240xf32, #tpu.memory_space<vmem_shared>>
      tpu.wait_indirect_dma semaphore(%run_scoped3A_608 : memref<!tpu.dma_semaphore, #tpu.memory_space<semaphore_mem>>) src(%arg16 : memref<128xf32, #tpu.memory_space<vmem>>) dst(%dma_wait3A_618 : memref<10240xf32, #tpu.memory_space<vmem_shared>>)
      tpu.yield
    }) : () -> ()
    %run_scoped3A_145 = arith.constant 1 : i32
    "tpu.region"() ({
      %run_scoped3A_608 = tpu.sem_alloc : memref<!tpu.dma_semaphore, #tpu.memory_space<semaphore_mem>>
      %dma_start3A_609 = arith.constant 0 : i32
      %dma_start3A_610 = tpu.memref_slice %arg12[%run_scoped3A_145, %dma_start3A_609] : memref<4x128xi32, #tpu.memory_space<vmem>> -> memref<1x128xi32, #tpu.memory_space<vmem>>
      %dma_start3A_611 = tpu.memref_squeeze %dma_start3A_610 : memref<1x128xi32, #tpu.memory_space<vmem>> -> memref<128xi32, #tpu.memory_space<vmem>>
      %dma_start3A_612 = arith.constant 0 : i32
      %dma_start3A_613 = tpu.memref_slice %arg19[%dma_start3A_612] : memref<10240xf32, #tpu.memory_space<vmem_shared>> -> memref<10240xf32, #tpu.memory_space<vmem_shared>>
      tpu.enqueue_indirect_dma source(%arg16 : memref<128xf32, #tpu.memory_space<vmem>>) target(%dma_start3A_613 : memref<10240xf32, #tpu.memory_space<vmem_shared>>) offsets(%dma_start3A_611 : memref<128xi32, #tpu.memory_space<vmem>>) semaphore(%run_scoped3A_608 : memref<!tpu.dma_semaphore, #tpu.memory_space<semaphore_mem>>) {add = true}
      %dma_wait3A_614 = arith.constant 0 : i32
      %dma_wait3A_615 = tpu.memref_slice %arg12[%run_scoped3A_145, %dma_wait3A_614] : memref<4x128xi32, #tpu.memory_space<vmem>> -> memref<1x128xi32, #tpu.memory_space<vmem>>
      %dma_wait3A_616 = tpu.memref_squeeze %dma_wait3A_615 : memref<1x128xi32, #tpu.memory_space<vmem>> -> memref<128xi32, #tpu.memory_space<vmem>>
      %dma_wait3A_617 = arith.constant 0 : i32
      %dma_wait3A_618 = tpu.memref_slice %arg19[%dma_wait3A_617] : memref<10240xf32, #tpu.memory_space<vmem_shared>> -> memref<10240xf32, #tpu.memory_space<vmem_shared>>
      tpu.wait_indirect_dma semaphore(%run_scoped3A_608 : memref<!tpu.dma_semaphore, #tpu.memory_space<semaphore_mem>>) src(%arg16 : memref<128xf32, #tpu.memory_space<vmem>>) dst(%dma_wait3A_618 : memref<10240xf32, #tpu.memory_space<vmem_shared>>)
      tpu.yield
    }) : () -> ()
    %run_scoped3A_146 = arith.constant 2 : i32
    "tpu.region"() ({
      %run_scoped3A_608 = tpu.sem_alloc : memref<!tpu.dma_semaphore, #tpu.memory_space<semaphore_mem>>
      %dma_start3A_609 = arith.constant 0 : i32
      %dma_start3A_610 = tpu.memref_slice %arg12[%run_scoped3A_146, %dma_start3A_609] : memref<4x128xi32, #tpu.memory_space<vmem>> -> memref<1x128xi32, #tpu.memory_space<vmem>>
      %dma_start3A_611 = tpu.memref_squeeze %dma_start3A_610 : memref<1x128xi32, #tpu.memory_space<vmem>> -> memref<128xi32, #tpu.memory_space<vmem>>
      %dma_start3A_612 = arith.constant 0 : i32
      %dma_start3A_613 = tpu.memref_slice %arg19[%dma_start3A_612] : memref<10240xf32, #tpu.memory_space<vmem_shared>> -> memref<10240xf32, #tpu.memory_space<vmem_shared>>
      tpu.enqueue_indirect_dma source(%arg16 : memref<128xf32, #tpu.memory_space<vmem>>) target(%dma_start3A_613 : memref<10240xf32, #tpu.memory_space<vmem_shared>>) offsets(%dma_start3A_611 : memref<128xi32, #tpu.memory_space<vmem>>) semaphore(%run_scoped3A_608 : memref<!tpu.dma_semaphore, #tpu.memory_space<semaphore_mem>>) {add = true}
      %dma_wait3A_614 = arith.constant 0 : i32
      %dma_wait3A_615 = tpu.memref_slice %arg12[%run_scoped3A_146, %dma_wait3A_614] : memref<4x128xi32, #tpu.memory_space<vmem>> -> memref<1x128xi32, #tpu.memory_space<vmem>>
      %dma_wait3A_616 = tpu.memref_squeeze %dma_wait3A_615 : memref<1x128xi32, #tpu.memory_space<vmem>> -> memref<128xi32, #tpu.memory_space<vmem>>
      %dma_wait3A_617 = arith.constant 0 : i32
      %dma_wait3A_618 = tpu.memref_slice %arg19[%dma_wait3A_617] : memref<10240xf32, #tpu.memory_space<vmem_shared>> -> memref<10240xf32, #tpu.memory_space<vmem_shared>>
      tpu.wait_indirect_dma semaphore(%run_scoped3A_608 : memref<!tpu.dma_semaphore, #tpu.memory_space<semaphore_mem>>) src(%arg16 : memref<128xf32, #tpu.memory_space<vmem>>) dst(%dma_wait3A_618 : memref<10240xf32, #tpu.memory_space<vmem_shared>>)
      tpu.yield
    }) : () -> ()
    %run_scoped3A_147 = arith.constant 3 : i32
    "tpu.region"() ({
      %run_scoped3A_608 = tpu.sem_alloc : memref<!tpu.dma_semaphore, #tpu.memory_space<semaphore_mem>>
      %dma_start3A_609 = arith.constant 0 : i32
      %dma_start3A_610 = tpu.memref_slice %arg12[%run_scoped3A_147, %dma_start3A_609] : memref<4x128xi32, #tpu.memory_space<vmem>> -> memref<1x128xi32, #tpu.memory_space<vmem>>
      %dma_start3A_611 = tpu.memref_squeeze %dma_start3A_610 : memref<1x128xi32, #tpu.memory_space<vmem>> -> memref<128xi32, #tpu.memory_space<vmem>>
      %dma_start3A_612 = arith.constant 0 : i32
      %dma_start3A_613 = tpu.memref_slice %arg19[%dma_start3A_612] : memref<10240xf32, #tpu.memory_space<vmem_shared>> -> memref<10240xf32, #tpu.memory_space<vmem_shared>>
      tpu.enqueue_indirect_dma source(%arg16 : memref<128xf32, #tpu.memory_space<vmem>>) target(%dma_start3A_613 : memref<10240xf32, #tpu.memory_space<vmem_shared>>) offsets(%dma_start3A_611 : memref<128xi32, #tpu.memory_space<vmem>>) semaphore(%run_scoped3A_608 : memref<!tpu.dma_semaphore, #tpu.memory_space<semaphore_mem>>) {add = true}
      %dma_wait3A_614 = arith.constant 0 : i32
      %dma_wait3A_615 = tpu.memref_slice %arg12[%run_scoped3A_147, %dma_wait3A_614] : memref<4x128xi32, #tpu.memory_space<vmem>> -> memref<1x128xi32, #tpu.memory_space<vmem>>
      %dma_wait3A_616 = tpu.memref_squeeze %dma_wait3A_615 : memref<1x128xi32, #tpu.memory_space<vmem>> -> memref<128xi32, #tpu.memory_space<vmem>>
      %dma_wait3A_617 = arith.constant 0 : i32
      %dma_wait3A_618 = tpu.memref_slice %arg19[%dma_wait3A_617] : memref<10240xf32, #tpu.memory_space<vmem_shared>> -> memref<10240xf32, #tpu.memory_space<vmem_shared>>
      tpu.wait_indirect_dma semaphore(%run_scoped3A_608 : memref<!tpu.dma_semaphore, #tpu.memory_space<semaphore_mem>>) src(%arg16 : memref<128xf32, #tpu.memory_space<vmem>>) dst(%dma_wait3A_618 : memref<10240xf32, #tpu.memory_space<vmem_shared>>)
      tpu.yield
    }) : () -> ()
    %barrier3A_148 = arith.constant 0 : index
    tpu.barrier barrier_id(%barrier3A_148)
    %scan3A_149 = arith.constant 0 : i32
    %scan3A_150 = arith.constant 0 : i32
    %scan3A_151 = arith.constant 10 : i32
    %scan3A_152 = arith.addi %scan3A_150, %scan3A_151 : i32
    %scan3A_153 = arith.constant 1 : i32
    scf.for %scan3A_608 = %scan3A_150 to %scan3A_152 step %scan3A_153  : i32 {
      "tpu.region"() ({
        %run_scoped3A_1859 = tpu.sem_alloc : memref<!tpu.dma_semaphore, #tpu.memory_space<semaphore_mem>>
        %dma_start3A_1860 = arith.constant 0 : i32
        %dma_start3A_1861 = arith.constant 0 : i32
        %dma_start3A_1862 = arith.constant 0 : i32
        %dma_start3A_1863 = tpu.memref_slice %arg3[%arg0, %arg1, %scan3A_608, %dma_start3A_1860, %dma_start3A_1861, %dma_start3A_1862] : memref<2x16x10x2x25x80xi32, #tpu.memory_space<hbm>> -> memref<1x1x1x2x25x80xi32, #tpu.memory_space<hbm>>
        %dma_start3A_1864 = tpu.memref_squeeze %dma_start3A_1863 : memref<1x1x1x2x25x80xi32, #tpu.memory_space<hbm>> -> memref<2x25x80xi32, #tpu.memory_space<hbm>>
        %dma_start3A_1865 = arith.constant 0 : i32
        %dma_start3A_1866 = arith.constant 0 : i32
        %dma_start3A_1867 = arith.constant 0 : i32
        %dma_start3A_1868 = tpu.memref_slice %arg3[%arg0, %arg1, %scan3A_608, %dma_start3A_1865, %dma_start3A_1866, %dma_start3A_1867] : memref<2x16x10x2x25x80xi32, #tpu.memory_space<hbm>> -> memref<1x1x1x2x25x80xi32, #tpu.memory_space<hbm>>
        %dma_start3A_1869 = tpu.memref_squeeze %dma_start3A_1868 : memref<1x1x1x2x25x80xi32, #tpu.memory_space<hbm>> -> memref<2x25x80xi32, #tpu.memory_space<hbm>>
        tpu.enqueue_dma source(%dma_start3A_1869 : memref<2x25x80xi32, #tpu.memory_space<hbm>>) target(%arg11 : memref<2x25x80xi32, #tpu.memory_space<vmem>>) target_semaphore(%run_scoped3A_1859 : memref<!tpu.dma_semaphore, #tpu.memory_space<semaphore_mem>>)
        %dma_wait3A_1870 = arith.constant 0 : i32
        %dma_wait3A_1871 = arith.constant 0 : i32
        %dma_wait3A_1872 = arith.constant 0 : i32
        %dma_wait3A_1873 = tpu.memref_slice %arg3[%arg0, %arg1, %scan3A_608, %dma_wait3A_1870, %dma_wait3A_1871, %dma_wait3A_1872] : memref<2x16x10x2x25x80xi32, #tpu.memory_space<hbm>> -> memref<1x1x1x2x25x80xi32, #tpu.memory_space<hbm>>
        %dma_wait3A_1874 = tpu.memref_squeeze %dma_wait3A_1873 : memref<1x1x1x2x25x80xi32, #tpu.memory_space<hbm>> -> memref<2x25x80xi32, #tpu.memory_space<hbm>>
        %dma_wait3A_1875 = arith.constant 0 : i32
        %dma_wait3A_1876 = arith.constant 0 : i32
        %dma_wait3A_1877 = arith.constant 0 : i32
        %dma_wait3A_1878 = tpu.memref_slice %arg3[%arg0, %arg1, %scan3A_608, %dma_wait3A_1875, %dma_wait3A_1876, %dma_wait3A_1877] : memref<2x16x10x2x25x80xi32, #tpu.memory_space<hbm>> -> memref<1x1x1x2x25x80xi32, #tpu.memory_space<hbm>>
        %dma_wait3A_1879 = tpu.memref_squeeze %dma_wait3A_1878 : memref<1x1x1x2x25x80xi32, #tpu.memory_space<hbm>> -> memref<2x25x80xi32, #tpu.memory_space<hbm>>
        tpu.wait_dma2 semaphore(%run_scoped3A_1859 : memref<!tpu.dma_semaphore, #tpu.memory_space<semaphore_mem>>) src(%dma_wait3A_1879 : memref<2x25x80xi32, #tpu.memory_space<hbm>>) dst(%arg11 : memref<2x25x80xi32, #tpu.memory_space<vmem>>)
        tpu.yield
      }) : () -> ()
      %dma_start3A_609 = arith.constant 0 : i32
      %dma_start3A_610 = arith.constant 0 : i32
      %dma_start3A_611 = arith.constant 0 : i32
      %dma_start3A_612 = tpu.memref_slice %arg11[%dma_start3A_609, %dma_start3A_610, %dma_start3A_611] : memref<2x25x80xi32, #tpu.memory_space<vmem>> -> memref<1x1x80xi32, #tpu.memory_space<vmem>>
      %dma_start3A_613 = tpu.memref_squeeze %dma_start3A_612 : memref<1x1x80xi32, #tpu.memory_space<vmem>> -> memref<80xi32, #tpu.memory_space<vmem>>
      %dma_start3A_614 = arith.constant 0 : i32
      %dma_start3A_615 = arith.constant 0 : i32
      %dma_start3A_616 = tpu.memref_slice %arg2[%dma_start3A_614, %dma_start3A_615] : memref<20000x128xf32, #tpu.memory_space<hbm>> -> memref<20000x128xf32, #tpu.memory_space<hbm>>
      tpu.enqueue_indirect_dma source(%dma_start3A_616 : memref<20000x128xf32, #tpu.memory_space<hbm>>) target(%arg8 : memref<80x128xf32, #tpu.memory_space<vmem>>) offsets(%dma_start3A_613 : memref<80xi32, #tpu.memory_space<vmem>>) semaphore(%arg21 : memref<!tpu.dma_semaphore, #tpu.memory_space<semaphore_mem>>)
      %dma_start3A_617 = arith.constant 0 : i32
      %dma_start3A_618 = arith.constant 1 : i32
      %dma_start3A_619 = arith.constant 0 : i32
      %dma_start3A_620 = tpu.memref_slice %arg11[%dma_start3A_617, %dma_start3A_618, %dma_start3A_619] : memref<2x25x80xi32, #tpu.memory_space<vmem>> -> memref<1x1x80xi32, #tpu.memory_space<vmem>>
      %dma_start3A_621 = tpu.memref_squeeze %dma_start3A_620 : memref<1x1x80xi32, #tpu.memory_space<vmem>> -> memref<80xi32, #tpu.memory_space<vmem>>
      %dma_start3A_622 = arith.constant 0 : i32
      %dma_start3A_623 = arith.constant 0 : i32
      %dma_start3A_624 = tpu.memref_slice %arg2[%dma_start3A_622, %dma_start3A_623] : memref<20000x128xf32, #tpu.memory_space<hbm>> -> memref<20000x128xf32, #tpu.memory_space<hbm>>
      tpu.enqueue_indirect_dma source(%dma_start3A_624 : memref<20000x128xf32, #tpu.memory_space<hbm>>) target(%arg9 : memref<80x128xf32, #tpu.memory_space<vmem>>) offsets(%dma_start3A_621 : memref<80xi32, #tpu.memory_space<vmem>>) semaphore(%arg22 : memref<!tpu.dma_semaphore, #tpu.memory_space<semaphore_mem>>)
      %dma_start3A_625 = arith.constant 0 : i32
      %dma_start3A_626 = arith.constant 2 : i32
      %dma_start3A_627 = arith.constant 0 : i32
      %dma_start3A_628 = tpu.memref_slice %arg11[%dma_start3A_625, %dma_start3A_626, %dma_start3A_627] : memref<2x25x80xi32, #tpu.memory_space<vmem>> -> memref<1x1x80xi32, #tpu.memory_space<vmem>>
      %dma_start3A_629 = tpu.memref_squeeze %dma_start3A_628 : memref<1x1x80xi32, #tpu.memory_space<vmem>> -> memref<80xi32, #tpu.memory_space<vmem>>
      %dma_start3A_630 = arith.constant 0 : i32
      %dma_start3A_631 = arith.constant 0 : i32
      %dma_start3A_632 = tpu.memref_slice %arg2[%dma_start3A_630, %dma_start3A_631] : memref<20000x128xf32, #tpu.memory_space<hbm>> -> memref<20000x128xf32, #tpu.memory_space<hbm>>
      tpu.enqueue_indirect_dma source(%dma_start3A_632 : memref<20000x128xf32, #tpu.memory_space<hbm>>) target(%arg10 : memref<80x128xf32, #tpu.memory_space<vmem>>) offsets(%dma_start3A_629 : memref<80xi32, #tpu.memory_space<vmem>>) semaphore(%arg23 : memref<!tpu.dma_semaphore, #tpu.memory_space<semaphore_mem>>)
      %dma_wait3A_633 = arith.constant 0 : i32
      %dma_wait3A_634 = arith.constant 0 : i32
      %dma_wait3A_635 = arith.constant 0 : i32
      %dma_wait3A_636 = tpu.memref_slice %arg11[%dma_wait3A_633, %dma_wait3A_634, %dma_wait3A_635] : memref<2x25x80xi32, #tpu.memory_space<vmem>> -> memref<1x1x80xi32, #tpu.memory_space<vmem>>
      %dma_wait3A_637 = tpu.memref_squeeze %dma_wait3A_636 : memref<1x1x80xi32, #tpu.memory_space<vmem>> -> memref<80xi32, #tpu.memory_space<vmem>>
      %dma_wait3A_638 = arith.constant 0 : i32
      %dma_wait3A_639 = arith.constant 0 : i32
      %dma_wait3A_640 = tpu.memref_slice %arg2[%dma_wait3A_638, %dma_wait3A_639] : memref<20000x128xf32, #tpu.memory_space<hbm>> -> memref<20000x128xf32, #tpu.memory_space<hbm>>
      tpu.wait_indirect_dma semaphore(%arg21 : memref<!tpu.dma_semaphore, #tpu.memory_space<semaphore_mem>>) src(%dma_wait3A_640 : memref<20000x128xf32, #tpu.memory_space<hbm>>) dst(%arg8 : memref<80x128xf32, #tpu.memory_space<vmem>>)
      %dma_start3A_641 = arith.constant 1 : i32
      %dma_start3A_642 = arith.constant 0 : i32
      %dma_start3A_643 = arith.constant 0 : i32
      %dma_start3A_644 = tpu.memref_slice %arg11[%dma_start3A_641, %dma_start3A_642, %dma_start3A_643] : memref<2x25x80xi32, #tpu.memory_space<vmem>> -> memref<1x1x80xi32, #tpu.memory_space<vmem>>
      %dma_start3A_645 = tpu.memref_squeeze %dma_start3A_644 : memref<1x1x80xi32, #tpu.memory_space<vmem>> -> memref<80xi32, #tpu.memory_space<vmem>>
      %dma_start3A_646 = arith.constant 0 : i32
      %dma_start3A_647 = arith.constant 0 : i32
      %dma_start3A_648 = tpu.memref_slice %arg17[%dma_start3A_646, %dma_start3A_647] : memref<10000x128xf32, #tpu.memory_space<vmem_shared>> -> memref<10000x128xf32, #tpu.memory_space<vmem_shared>>
      tpu.enqueue_indirect_dma source(%arg8 : memref<80x128xf32, #tpu.memory_space<vmem>>) target(%dma_start3A_648 : memref<10000x128xf32, #tpu.memory_space<vmem_shared>>) offsets(%dma_start3A_645 : memref<80xi32, #tpu.memory_space<vmem>>) semaphore(%arg24 : memref<!tpu.dma_semaphore, #tpu.memory_space<semaphore_mem>>) {add = true}
      %dma_start3A_649 = arith.constant 1 : i32
      %dma_start3A_650 = arith.constant 0 : i32
      %dma_start3A_651 = arith.constant 0 : i32
      %dma_start3A_652 = tpu.memref_slice %arg16[%dma_start3A_651] : memref<128xf32, #tpu.memory_space<vmem>> -> memref<80xf32, #tpu.memory_space<vmem>>
      %dma_start3A_653 = arith.constant 0 : i32
      %dma_start3A_654 = tpu.memref_slice %arg11[%dma_start3A_649, %dma_start3A_650, %dma_start3A_653] : memref<2x25x80xi32, #tpu.memory_space<vmem>> -> memref<1x1x80xi32, #tpu.memory_space<vmem>>
      %dma_start3A_655 = tpu.memref_squeeze %dma_start3A_654 : memref<1x1x80xi32, #tpu.memory_space<vmem>> -> memref<80xi32, #tpu.memory_space<vmem>>
      %dma_start3A_656 = arith.constant 0 : i32
      %dma_start3A_657 = tpu.memref_slice %arg18[%dma_start3A_656] : memref<10240xf32, #tpu.memory_space<vmem_shared>> -> memref<10240xf32, #tpu.memory_space<vmem_shared>>
      tpu.enqueue_indirect_dma source(%dma_start3A_652 : memref<80xf32, #tpu.memory_space<vmem>>) target(%dma_start3A_657 : memref<10240xf32, #tpu.memory_space<vmem_shared>>) offsets(%dma_start3A_655 : memref<80xi32, #tpu.memory_space<vmem>>) semaphore(%arg27 : memref<!tpu.dma_semaphore, #tpu.memory_space<semaphore_mem>>) {add = true}
      %dma_wait3A_658 = arith.constant 0 : i32
      %dma_wait3A_659 = arith.constant 1 : i32
      %dma_wait3A_660 = arith.constant 0 : i32
      %dma_wait3A_661 = tpu.memref_slice %arg11[%dma_wait3A_658, %dma_wait3A_659, %dma_wait3A_660] : memref<2x25x80xi32, #tpu.memory_space<vmem>> -> memref<1x1x80xi32, #tpu.memory_space<vmem>>
      %dma_wait3A_662 = tpu.memref_squeeze %dma_wait3A_661 : memref<1x1x80xi32, #tpu.memory_space<vmem>> -> memref<80xi32, #tpu.memory_space<vmem>>
      %dma_wait3A_663 = arith.constant 0 : i32
      %dma_wait3A_664 = arith.constant 0 : i32
      %dma_wait3A_665 = tpu.memref_slice %arg2[%dma_wait3A_663, %dma_wait3A_664] : memref<20000x128xf32, #tpu.memory_space<hbm>> -> memref<20000x128xf32, #tpu.memory_space<hbm>>
      tpu.wait_indirect_dma semaphore(%arg22 : memref<!tpu.dma_semaphore, #tpu.memory_space<semaphore_mem>>) src(%dma_wait3A_665 : memref<20000x128xf32, #tpu.memory_space<hbm>>) dst(%arg9 : memref<80x128xf32, #tpu.memory_space<vmem>>)
      %dma_start3A_666 = arith.constant 1 : i32
      %dma_start3A_667 = arith.constant 1 : i32
      %dma_start3A_668 = arith.constant 0 : i32
      %dma_start3A_669 = tpu.memref_slice %arg11[%dma_start3A_666, %dma_start3A_667, %dma_start3A_668] : memref<2x25x80xi32, #tpu.memory_space<vmem>> -> memref<1x1x80xi32, #tpu.memory_space<vmem>>
      %dma_start3A_670 = tpu.memref_squeeze %dma_start3A_669 : memref<1x1x80xi32, #tpu.memory_space<vmem>> -> memref<80xi32, #tpu.memory_space<vmem>>
      %dma_start3A_671 = arith.constant 0 : i32
      %dma_start3A_672 = arith.constant 0 : i32
      %dma_start3A_673 = tpu.memref_slice %arg17[%dma_start3A_671, %dma_start3A_672] : memref<10000x128xf32, #tpu.memory_space<vmem_shared>> -> memref<10000x128xf32, #tpu.memory_space<vmem_shared>>
      tpu.enqueue_indirect_dma source(%arg9 : memref<80x128xf32, #tpu.memory_space<vmem>>) target(%dma_start3A_673 : memref<10000x128xf32, #tpu.memory_space<vmem_shared>>) offsets(%dma_start3A_670 : memref<80xi32, #tpu.memory_space<vmem>>) semaphore(%arg25 : memref<!tpu.dma_semaphore, #tpu.memory_space<semaphore_mem>>) {add = true}
      %dma_start3A_674 = arith.constant 1 : i32
      %dma_start3A_675 = arith.constant 1 : i32
      %dma_start3A_676 = arith.constant 0 : i32
      %dma_start3A_677 = tpu.memref_slice %arg16[%dma_start3A_676] : memref<128xf32, #tpu.memory_space<vmem>> -> memref<80xf32, #tpu.memory_space<vmem>>
      %dma_start3A_678 = arith.constant 0 : i32
      %dma_start3A_679 = tpu.memref_slice %arg11[%dma_start3A_674, %dma_start3A_675, %dma_start3A_678] : memref<2x25x80xi32, #tpu.memory_space<vmem>> -> memref<1x1x80xi32, #tpu.memory_space<vmem>>
      %dma_start3A_680 = tpu.memref_squeeze %dma_start3A_679 : memref<1x1x80xi32, #tpu.memory_space<vmem>> -> memref<80xi32, #tpu.memory_space<vmem>>
      %dma_start3A_681 = arith.constant 0 : i32
      %dma_start3A_682 = tpu.memref_slice %arg18[%dma_start3A_681] : memref<10240xf32, #tpu.memory_space<vmem_shared>> -> memref<10240xf32, #tpu.memory_space<vmem_shared>>
      tpu.enqueue_indirect_dma source(%dma_start3A_677 : memref<80xf32, #tpu.memory_space<vmem>>) target(%dma_start3A_682 : memref<10240xf32, #tpu.memory_space<vmem_shared>>) offsets(%dma_start3A_680 : memref<80xi32, #tpu.memory_space<vmem>>) semaphore(%arg27 : memref<!tpu.dma_semaphore, #tpu.memory_space<semaphore_mem>>) {add = true}
      %dma_wait3A_683 = arith.constant 1 : i32
      %dma_wait3A_684 = arith.constant 0 : i32
      %dma_wait3A_685 = arith.constant 0 : i32
      %dma_wait3A_686 = tpu.memref_slice %arg11[%dma_wait3A_683, %dma_wait3A_684, %dma_wait3A_685] : memref<2x25x80xi32, #tpu.memory_space<vmem>> -> memref<1x1x80xi32, #tpu.memory_space<vmem>>
      %dma_wait3A_687 = tpu.memref_squeeze %dma_wait3A_686 : memref<1x1x80xi32, #tpu.memory_space<vmem>> -> memref<80xi32, #tpu.memory_space<vmem>>
      %dma_wait3A_688 = arith.constant 0 : i32
      %dma_wait3A_689 = arith.constant 0 : i32
      %dma_wait3A_690 = tpu.memref_slice %arg17[%dma_wait3A_688, %dma_wait3A_689] : memref<10000x128xf32, #tpu.memory_space<vmem_shared>> -> memref<10000x128xf32, #tpu.memory_space<vmem_shared>>
      tpu.wait_indirect_dma semaphore(%arg24 : memref<!tpu.dma_semaphore, #tpu.memory_space<semaphore_mem>>) src(%arg8 : memref<80x128xf32, #tpu.memory_space<vmem>>) dst(%dma_wait3A_690 : memref<10000x128xf32, #tpu.memory_space<vmem_shared>>)
      %dma_start3A_691 = arith.constant 0 : i32
      %dma_start3A_692 = arith.constant 3 : i32
      %dma_start3A_693 = arith.constant 0 : i32
      %dma_start3A_694 = tpu.memref_slice %arg11[%dma_start3A_691, %dma_start3A_692, %dma_start3A_693] : memref<2x25x80xi32, #tpu.memory_space<vmem>> -> memref<1x1x80xi32, #tpu.memory_space<vmem>>
      %dma_start3A_695 = tpu.memref_squeeze %dma_start3A_694 : memref<1x1x80xi32, #tpu.memory_space<vmem>> -> memref<80xi32, #tpu.memory_space<vmem>>
      %dma_start3A_696 = arith.constant 0 : i32
      %dma_start3A_697 = arith.constant 0 : i32
      %dma_start3A_698 = tpu.memref_slice %arg2[%dma_start3A_696, %dma_start3A_697] : memref<20000x128xf32, #tpu.memory_space<hbm>> -> memref<20000x128xf32, #tpu.memory_space<hbm>>
      tpu.enqueue_indirect_dma source(%dma_start3A_698 : memref<20000x128xf32, #tpu.memory_space<hbm>>) target(%arg8 : memref<80x128xf32, #tpu.memory_space<vmem>>) offsets(%dma_start3A_695 : memref<80xi32, #tpu.memory_space<vmem>>) semaphore(%arg21 : memref<!tpu.dma_semaphore, #tpu.memory_space<semaphore_mem>>)
      %dma_wait3A_699 = arith.constant 0 : i32
      %dma_wait3A_700 = arith.constant 2 : i32
      %dma_wait3A_701 = arith.constant 0 : i32
      %dma_wait3A_702 = tpu.memref_slice %arg11[%dma_wait3A_699, %dma_wait3A_700, %dma_wait3A_701] : memref<2x25x80xi32, #tpu.memory_space<vmem>> -> memref<1x1x80xi32, #tpu.memory_space<vmem>>
      %dma_wait3A_703 = tpu.memref_squeeze %dma_wait3A_702 : memref<1x1x80xi32, #tpu.memory_space<vmem>> -> memref<80xi32, #tpu.memory_space<vmem>>
      %dma_wait3A_704 = arith.constant 0 : i32
      %dma_wait3A_705 = arith.constant 0 : i32
      %dma_wait3A_706 = tpu.memref_slice %arg2[%dma_wait3A_704, %dma_wait3A_705] : memref<20000x128xf32, #tpu.memory_space<hbm>> -> memref<20000x128xf32, #tpu.memory_space<hbm>>
      tpu.wait_indirect_dma semaphore(%arg23 : memref<!tpu.dma_semaphore, #tpu.memory_space<semaphore_mem>>) src(%dma_wait3A_706 : memref<20000x128xf32, #tpu.memory_space<hbm>>) dst(%arg10 : memref<80x128xf32, #tpu.memory_space<vmem>>)
      %dma_start3A_707 = arith.constant 1 : i32
      %dma_start3A_708 = arith.constant 2 : i32
      %dma_start3A_709 = arith.constant 0 : i32
      %dma_start3A_710 = tpu.memref_slice %arg11[%dma_start3A_707, %dma_start3A_708, %dma_start3A_709] : memref<2x25x80xi32, #tpu.memory_space<vmem>> -> memref<1x1x80xi32, #tpu.memory_space<vmem>>
      %dma_start3A_711 = tpu.memref_squeeze %dma_start3A_710 : memref<1x1x80xi32, #tpu.memory_space<vmem>> -> memref<80xi32, #tpu.memory_space<vmem>>
      %dma_start3A_712 = arith.constant 0 : i32
      %dma_start3A_713 = arith.constant 0 : i32
      %dma_start3A_714 = tpu.memref_slice %arg17[%dma_start3A_712, %dma_start3A_713] : memref<10000x128xf32, #tpu.memory_space<vmem_shared>> -> memref<10000x128xf32, #tpu.memory_space<vmem_shared>>
      tpu.enqueue_indirect_dma source(%arg10 : memref<80x128xf32, #tpu.memory_space<vmem>>) target(%dma_start3A_714 : memref<10000x128xf32, #tpu.memory_space<vmem_shared>>) offsets(%dma_start3A_711 : memref<80xi32, #tpu.memory_space<vmem>>) semaphore(%arg26 : memref<!tpu.dma_semaphore, #tpu.memory_space<semaphore_mem>>) {add = true}
      %dma_start3A_715 = arith.constant 1 : i32
      %dma_start3A_716 = arith.constant 2 : i32
      %dma_start3A_717 = arith.constant 0 : i32
      %dma_start3A_718 = tpu.memref_slice %arg16[%dma_start3A_717] : memref<128xf32, #tpu.memory_space<vmem>> -> memref<80xf32, #tpu.memory_space<vmem>>
      %dma_start3A_719 = arith.constant 0 : i32
      %dma_start3A_720 = tpu.memref_slice %arg11[%dma_start3A_715, %dma_start3A_716, %dma_start3A_719] : memref<2x25x80xi32, #tpu.memory_space<vmem>> -> memref<1x1x80xi32, #tpu.memory_space<vmem>>
      %dma_start3A_721 = tpu.memref_squeeze %dma_start3A_720 : memref<1x1x80xi32, #tpu.memory_space<vmem>> -> memref<80xi32, #tpu.memory_space<vmem>>
      %dma_start3A_722 = arith.constant 0 : i32
      %dma_start3A_723 = tpu.memref_slice %arg18[%dma_start3A_722] : memref<10240xf32, #tpu.memory_space<vmem_shared>> -> memref<10240xf32, #tpu.memory_space<vmem_shared>>
      tpu.enqueue_indirect_dma source(%dma_start3A_718 : memref<80xf32, #tpu.memory_space<vmem>>) target(%dma_start3A_723 : memref<10240xf32, #tpu.memory_space<vmem_shared>>) offsets(%dma_start3A_721 : memref<80xi32, #tpu.memory_space<vmem>>) semaphore(%arg27 : memref<!tpu.dma_semaphore, #tpu.memory_space<semaphore_mem>>) {add = true}
      %dma_wait3A_724 = arith.constant 1 : i32
      %dma_wait3A_725 = arith.constant 1 : i32
      %dma_wait3A_726 = arith.constant 0 : i32
      %dma_wait3A_727 = tpu.memref_slice %arg11[%dma_wait3A_724, %dma_wait3A_725, %dma_wait3A_726] : memref<2x25x80xi32, #tpu.memory_space<vmem>> -> memref<1x1x80xi32, #tpu.memory_space<vmem>>
      %dma_wait3A_728 = tpu.memref_squeeze %dma_wait3A_727 : memref<1x1x80xi32, #tpu.memory_space<vmem>> -> memref<80xi32, #tpu.memory_space<vmem>>
      %dma_wait3A_729 = arith.constant 0 : i32
      %dma_wait3A_730 = arith.constant 0 : i32
      %dma_wait3A_731 = tpu.memref_slice %arg17[%dma_wait3A_729, %dma_wait3A_730] : memref<10000x128xf32, #tpu.memory_space<vmem_shared>> -> memref<10000x128xf32, #tpu.memory_space<vmem_shared>>
      tpu.wait_indirect_dma semaphore(%arg25 : memref<!tpu.dma_semaphore, #tpu.memory_space<semaphore_mem>>) src(%arg9 : memref<80x128xf32, #tpu.memory_space<vmem>>) dst(%dma_wait3A_731 : memref<10000x128xf32, #tpu.memory_space<vmem_shared>>)
      %dma_start3A_732 = arith.constant 0 : i32
      %dma_start3A_733 = arith.constant 4 : i32
      %dma_start3A_734 = arith.constant 0 : i32
      %dma_start3A_735 = tpu.memref_slice %arg11[%dma_start3A_732, %dma_start3A_733, %dma_start3A_734] : memref<2x25x80xi32, #tpu.memory_space<vmem>> -> memref<1x1x80xi32, #tpu.memory_space<vmem>>
      %dma_start3A_736 = tpu.memref_squeeze %dma_start3A_735 : memref<1x1x80xi32, #tpu.memory_space<vmem>> -> memref<80xi32, #tpu.memory_space<vmem>>
      %dma_start3A_737 = arith.constant 0 : i32
      %dma_start3A_738 = arith.constant 0 : i32
      %dma_start3A_739 = tpu.memref_slice %arg2[%dma_start3A_737, %dma_start3A_738] : memref<20000x128xf32, #tpu.memory_space<hbm>> -> memref<20000x128xf32, #tpu.memory_space<hbm>>
      tpu.enqueue_indirect_dma source(%dma_start3A_739 : memref<20000x128xf32, #tpu.memory_space<hbm>>) target(%arg9 : memref<80x128xf32, #tpu.memory_space<vmem>>) offsets(%dma_start3A_736 : memref<80xi32, #tpu.memory_space<vmem>>) semaphore(%arg22 : memref<!tpu.dma_semaphore, #tpu.memory_space<semaphore_mem>>)
      %dma_wait3A_740 = arith.constant 0 : i32
      %dma_wait3A_741 = arith.constant 3 : i32
      %dma_wait3A_742 = arith.constant 0 : i32
      %dma_wait3A_743 = tpu.memref_slice %arg11[%dma_wait3A_740, %dma_wait3A_741, %dma_wait3A_742] : memref<2x25x80xi32, #tpu.memory_space<vmem>> -> memref<1x1x80xi32, #tpu.memory_space<vmem>>
      %dma_wait3A_744 = tpu.memref_squeeze %dma_wait3A_743 : memref<1x1x80xi32, #tpu.memory_space<vmem>> -> memref<80xi32, #tpu.memory_space<vmem>>
      %dma_wait3A_745 = arith.constant 0 : i32
      %dma_wait3A_746 = arith.constant 0 : i32
      %dma_wait3A_747 = tpu.memref_slice %arg2[%dma_wait3A_745, %dma_wait3A_746] : memref<20000x128xf32, #tpu.memory_space<hbm>> -> memref<20000x128xf32, #tpu.memory_space<hbm>>
      tpu.wait_indirect_dma semaphore(%arg21 : memref<!tpu.dma_semaphore, #tpu.memory_space<semaphore_mem>>) src(%dma_wait3A_747 : memref<20000x128xf32, #tpu.memory_space<hbm>>) dst(%arg8 : memref<80x128xf32, #tpu.memory_space<vmem>>)
      %dma_start3A_748 = arith.constant 1 : i32
      %dma_start3A_749 = arith.constant 3 : i32
      %dma_start3A_750 = arith.constant 0 : i32
      %dma_start3A_751 = tpu.memref_slice %arg11[%dma_start3A_748, %dma_start3A_749, %dma_start3A_750] : memref<2x25x80xi32, #tpu.memory_space<vmem>> -> memref<1x1x80xi32, #tpu.memory_space<vmem>>
      %dma_start3A_752 = tpu.memref_squeeze %dma_start3A_751 : memref<1x1x80xi32, #tpu.memory_space<vmem>> -> memref<80xi32, #tpu.memory_space<vmem>>
      %dma_start3A_753 = arith.constant 0 : i32
      %dma_start3A_754 = arith.constant 0 : i32
      %dma_start3A_755 = tpu.memref_slice %arg17[%dma_start3A_753, %dma_start3A_754] : memref<10000x128xf32, #tpu.memory_space<vmem_shared>> -> memref<10000x128xf32, #tpu.memory_space<vmem_shared>>
      tpu.enqueue_indirect_dma source(%arg8 : memref<80x128xf32, #tpu.memory_space<vmem>>) target(%dma_start3A_755 : memref<10000x128xf32, #tpu.memory_space<vmem_shared>>) offsets(%dma_start3A_752 : memref<80xi32, #tpu.memory_space<vmem>>) semaphore(%arg24 : memref<!tpu.dma_semaphore, #tpu.memory_space<semaphore_mem>>) {add = true}
      %dma_start3A_756 = arith.constant 1 : i32
      %dma_start3A_757 = arith.constant 3 : i32
      %dma_start3A_758 = arith.constant 0 : i32
      %dma_start3A_759 = tpu.memref_slice %arg16[%dma_start3A_758] : memref<128xf32, #tpu.memory_space<vmem>> -> memref<80xf32, #tpu.memory_space<vmem>>
      %dma_start3A_760 = arith.constant 0 : i32
      %dma_start3A_761 = tpu.memref_slice %arg11[%dma_start3A_756, %dma_start3A_757, %dma_start3A_760] : memref<2x25x80xi32, #tpu.memory_space<vmem>> -> memref<1x1x80xi32, #tpu.memory_space<vmem>>
      %dma_start3A_762 = tpu.memref_squeeze %dma_start3A_761 : memref<1x1x80xi32, #tpu.memory_space<vmem>> -> memref<80xi32, #tpu.memory_space<vmem>>
      %dma_start3A_763 = arith.constant 0 : i32
      %dma_start3A_764 = tpu.memref_slice %arg18[%dma_start3A_763] : memref<10240xf32, #tpu.memory_space<vmem_shared>> -> memref<10240xf32, #tpu.memory_space<vmem_shared>>
      tpu.enqueue_indirect_dma source(%dma_start3A_759 : memref<80xf32, #tpu.memory_space<vmem>>) target(%dma_start3A_764 : memref<10240xf32, #tpu.memory_space<vmem_shared>>) offsets(%dma_start3A_762 : memref<80xi32, #tpu.memory_space<vmem>>) semaphore(%arg27 : memref<!tpu.dma_semaphore, #tpu.memory_space<semaphore_mem>>) {add = true}
      %dma_wait3A_765 = arith.constant 1 : i32
      %dma_wait3A_766 = arith.constant 2 : i32
      %dma_wait3A_767 = arith.constant 0 : i32
      %dma_wait3A_768 = tpu.memref_slice %arg11[%dma_wait3A_765, %dma_wait3A_766, %dma_wait3A_767] : memref<2x25x80xi32, #tpu.memory_space<vmem>> -> memref<1x1x80xi32, #tpu.memory_space<vmem>>
      %dma_wait3A_769 = tpu.memref_squeeze %dma_wait3A_768 : memref<1x1x80xi32, #tpu.memory_space<vmem>> -> memref<80xi32, #tpu.memory_space<vmem>>
      %dma_wait3A_770 = arith.constant 0 : i32
      %dma_wait3A_771 = arith.constant 0 : i32
      %dma_wait3A_772 = tpu.memref_slice %arg17[%dma_wait3A_770, %dma_wait3A_771] : memref<10000x128xf32, #tpu.memory_space<vmem_shared>> -> memref<10000x128xf32, #tpu.memory_space<vmem_shared>>
      tpu.wait_indirect_dma semaphore(%arg26 : memref<!tpu.dma_semaphore, #tpu.memory_space<semaphore_mem>>) src(%arg10 : memref<80x128xf32, #tpu.memory_space<vmem>>) dst(%dma_wait3A_772 : memref<10000x128xf32, #tpu.memory_space<vmem_shared>>)
      %dma_start3A_773 = arith.constant 0 : i32
      %dma_start3A_774 = arith.constant 5 : i32
      %dma_start3A_775 = arith.constant 0 : i32
      %dma_start3A_776 = tpu.memref_slice %arg11[%dma_start3A_773, %dma_start3A_774, %dma_start3A_775] : memref<2x25x80xi32, #tpu.memory_space<vmem>> -> memref<1x1x80xi32, #tpu.memory_space<vmem>>
      %dma_start3A_777 = tpu.memref_squeeze %dma_start3A_776 : memref<1x1x80xi32, #tpu.memory_space<vmem>> -> memref<80xi32, #tpu.memory_space<vmem>>
      %dma_start3A_778 = arith.constant 0 : i32
      %dma_start3A_779 = arith.constant 0 : i32
      %dma_start3A_780 = tpu.memref_slice %arg2[%dma_start3A_778, %dma_start3A_779] : memref<20000x128xf32, #tpu.memory_space<hbm>> -> memref<20000x128xf32, #tpu.memory_space<hbm>>
      tpu.enqueue_indirect_dma source(%dma_start3A_780 : memref<20000x128xf32, #tpu.memory_space<hbm>>) target(%arg10 : memref<80x128xf32, #tpu.memory_space<vmem>>) offsets(%dma_start3A_777 : memref<80xi32, #tpu.memory_space<vmem>>) semaphore(%arg23 : memref<!tpu.dma_semaphore, #tpu.memory_space<semaphore_mem>>)
      %dma_wait3A_781 = arith.constant 0 : i32
      %dma_wait3A_782 = arith.constant 4 : i32
      %dma_wait3A_783 = arith.constant 0 : i32
      %dma_wait3A_784 = tpu.memref_slice %arg11[%dma_wait3A_781, %dma_wait3A_782, %dma_wait3A_783] : memref<2x25x80xi32, #tpu.memory_space<vmem>> -> memref<1x1x80xi32, #tpu.memory_space<vmem>>
      %dma_wait3A_785 = tpu.memref_squeeze %dma_wait3A_784 : memref<1x1x80xi32, #tpu.memory_space<vmem>> -> memref<80xi32, #tpu.memory_space<vmem>>
      %dma_wait3A_786 = arith.constant 0 : i32
      %dma_wait3A_787 = arith.constant 0 : i32
      %dma_wait3A_788 = tpu.memref_slice %arg2[%dma_wait3A_786, %dma_wait3A_787] : memref<20000x128xf32, #tpu.memory_space<hbm>> -> memref<20000x128xf32, #tpu.memory_space<hbm>>
      tpu.wait_indirect_dma semaphore(%arg22 : memref<!tpu.dma_semaphore, #tpu.memory_space<semaphore_mem>>) src(%dma_wait3A_788 : memref<20000x128xf32, #tpu.memory_space<hbm>>) dst(%arg9 : memref<80x128xf32, #tpu.memory_space<vmem>>)
      %dma_start3A_789 = arith.constant 1 : i32
      %dma_start3A_790 = arith.constant 4 : i32
      %dma_start3A_791 = arith.constant 0 : i32
      %dma_start3A_792 = tpu.memref_slice %arg11[%dma_start3A_789, %dma_start3A_790, %dma_start3A_791] : memref<2x25x80xi32, #tpu.memory_space<vmem>> -> memref<1x1x80xi32, #tpu.memory_space<vmem>>
      %dma_start3A_793 = tpu.memref_squeeze %dma_start3A_792 : memref<1x1x80xi32, #tpu.memory_space<vmem>> -> memref<80xi32, #tpu.memory_space<vmem>>
      %dma_start3A_794 = arith.constant 0 : i32
      %dma_start3A_795 = arith.constant 0 : i32
      %dma_start3A_796 = tpu.memref_slice %arg17[%dma_start3A_794, %dma_start3A_795] : memref<10000x128xf32, #tpu.memory_space<vmem_shared>> -> memref<10000x128xf32, #tpu.memory_space<vmem_shared>>
      tpu.enqueue_indirect_dma source(%arg9 : memref<80x128xf32, #tpu.memory_space<vmem>>) target(%dma_start3A_796 : memref<10000x128xf32, #tpu.memory_space<vmem_shared>>) offsets(%dma_start3A_793 : memref<80xi32, #tpu.memory_space<vmem>>) semaphore(%arg25 : memref<!tpu.dma_semaphore, #tpu.memory_space<semaphore_mem>>) {add = true}
      %dma_start3A_797 = arith.constant 1 : i32
      %dma_start3A_798 = arith.constant 4 : i32
      %dma_start3A_799 = arith.constant 0 : i32
      %dma_start3A_800 = tpu.memref_slice %arg16[%dma_start3A_799] : memref<128xf32, #tpu.memory_space<vmem>> -> memref<80xf32, #tpu.memory_space<vmem>>
      %dma_start3A_801 = arith.constant 0 : i32
      %dma_start3A_802 = tpu.memref_slice %arg11[%dma_start3A_797, %dma_start3A_798, %dma_start3A_801] : memref<2x25x80xi32, #tpu.memory_space<vmem>> -> memref<1x1x80xi32, #tpu.memory_space<vmem>>
      %dma_start3A_803 = tpu.memref_squeeze %dma_start3A_802 : memref<1x1x80xi32, #tpu.memory_space<vmem>> -> memref<80xi32, #tpu.memory_space<vmem>>
      %dma_start3A_804 = arith.constant 0 : i32
      %dma_start3A_805 = tpu.memref_slice %arg18[%dma_start3A_804] : memref<10240xf32, #tpu.memory_space<vmem_shared>> -> memref<10240xf32, #tpu.memory_space<vmem_shared>>
      tpu.enqueue_indirect_dma source(%dma_start3A_800 : memref<80xf32, #tpu.memory_space<vmem>>) target(%dma_start3A_805 : memref<10240xf32, #tpu.memory_space<vmem_shared>>) offsets(%dma_start3A_803 : memref<80xi32, #tpu.memory_space<vmem>>) semaphore(%arg27 : memref<!tpu.dma_semaphore, #tpu.memory_space<semaphore_mem>>) {add = true}
      %dma_wait3A_806 = arith.constant 1 : i32
      %dma_wait3A_807 = arith.constant 3 : i32
      %dma_wait3A_808 = arith.constant 0 : i32
      %dma_wait3A_809 = tpu.memref_slice %arg11[%dma_wait3A_806, %dma_wait3A_807, %dma_wait3A_808] : memref<2x25x80xi32, #tpu.memory_space<vmem>> -> memref<1x1x80xi32, #tpu.memory_space<vmem>>
      %dma_wait3A_810 = tpu.memref_squeeze %dma_wait3A_809 : memref<1x1x80xi32, #tpu.memory_space<vmem>> -> memref<80xi32, #tpu.memory_space<vmem>>
      %dma_wait3A_811 = arith.constant 0 : i32
      %dma_wait3A_812 = arith.constant 0 : i32
      %dma_wait3A_813 = tpu.memref_slice %arg17[%dma_wait3A_811, %dma_wait3A_812] : memref<10000x128xf32, #tpu.memory_space<vmem_shared>> -> memref<10000x128xf32, #tpu.memory_space<vmem_shared>>
      tpu.wait_indirect_dma semaphore(%arg24 : memref<!tpu.dma_semaphore, #tpu.memory_space<semaphore_mem>>) src(%arg8 : memref<80x128xf32, #tpu.memory_space<vmem>>) dst(%dma_wait3A_813 : memref<10000x128xf32, #tpu.memory_space<vmem_shared>>)
      %dma_start3A_814 = arith.constant 0 : i32
      %dma_start3A_815 = arith.constant 6 : i32
      %dma_start3A_816 = arith.constant 0 : i32
      %dma_start3A_817 = tpu.memref_slice %arg11[%dma_start3A_814, %dma_start3A_815, %dma_start3A_816] : memref<2x25x80xi32, #tpu.memory_space<vmem>> -> memref<1x1x80xi32, #tpu.memory_space<vmem>>
      %dma_start3A_818 = tpu.memref_squeeze %dma_start3A_817 : memref<1x1x80xi32, #tpu.memory_space<vmem>> -> memref<80xi32, #tpu.memory_space<vmem>>
      %dma_start3A_819 = arith.constant 0 : i32
      %dma_start3A_820 = arith.constant 0 : i32
      %dma_start3A_821 = tpu.memref_slice %arg2[%dma_start3A_819, %dma_start3A_820] : memref<20000x128xf32, #tpu.memory_space<hbm>> -> memref<20000x128xf32, #tpu.memory_space<hbm>>
      tpu.enqueue_indirect_dma source(%dma_start3A_821 : memref<20000x128xf32, #tpu.memory_space<hbm>>) target(%arg8 : memref<80x128xf32, #tpu.memory_space<vmem>>) offsets(%dma_start3A_818 : memref<80xi32, #tpu.memory_space<vmem>>) semaphore(%arg21 : memref<!tpu.dma_semaphore, #tpu.memory_space<semaphore_mem>>)
      %dma_wait3A_822 = arith.constant 0 : i32
      %dma_wait3A_823 = arith.constant 5 : i32
      %dma_wait3A_824 = arith.constant 0 : i32
      %dma_wait3A_825 = tpu.memref_slice %arg11[%dma_wait3A_822, %dma_wait3A_823, %dma_wait3A_824] : memref<2x25x80xi32, #tpu.memory_space<vmem>> -> memref<1x1x80xi32, #tpu.memory_space<vmem>>
      %dma_wait3A_826 = tpu.memref_squeeze %dma_wait3A_825 : memref<1x1x80xi32, #tpu.memory_space<vmem>> -> memref<80xi32, #tpu.memory_space<vmem>>
      %dma_wait3A_827 = arith.constant 0 : i32
      %dma_wait3A_828 = arith.constant 0 : i32
      %dma_wait3A_829 = tpu.memref_slice %arg2[%dma_wait3A_827, %dma_wait3A_828] : memref<20000x128xf32, #tpu.memory_space<hbm>> -> memref<20000x128xf32, #tpu.memory_space<hbm>>
      tpu.wait_indirect_dma semaphore(%arg23 : memref<!tpu.dma_semaphore, #tpu.memory_space<semaphore_mem>>) src(%dma_wait3A_829 : memref<20000x128xf32, #tpu.memory_space<hbm>>) dst(%arg10 : memref<80x128xf32, #tpu.memory_space<vmem>>)
      %dma_start3A_830 = arith.constant 1 : i32
      %dma_start3A_831 = arith.constant 5 : i32
      %dma_start3A_832 = arith.constant 0 : i32
      %dma_start3A_833 = tpu.memref_slice %arg11[%dma_start3A_830, %dma_start3A_831, %dma_start3A_832] : memref<2x25x80xi32, #tpu.memory_space<vmem>> -> memref<1x1x80xi32, #tpu.memory_space<vmem>>
      %dma_start3A_834 = tpu.memref_squeeze %dma_start3A_833 : memref<1x1x80xi32, #tpu.memory_space<vmem>> -> memref<80xi32, #tpu.memory_space<vmem>>
      %dma_start3A_835 = arith.constant 0 : i32
      %dma_start3A_836 = arith.constant 0 : i32
      %dma_start3A_837 = tpu.memref_slice %arg17[%dma_start3A_835, %dma_start3A_836] : memref<10000x128xf32, #tpu.memory_space<vmem_shared>> -> memref<10000x128xf32, #tpu.memory_space<vmem_shared>>
      tpu.enqueue_indirect_dma source(%arg10 : memref<80x128xf32, #tpu.memory_space<vmem>>) target(%dma_start3A_837 : memref<10000x128xf32, #tpu.memory_space<vmem_shared>>) offsets(%dma_start3A_834 : memref<80xi32, #tpu.memory_space<vmem>>) semaphore(%arg26 : memref<!tpu.dma_semaphore, #tpu.memory_space<semaphore_mem>>) {add = true}
      %dma_start3A_838 = arith.constant 1 : i32
      %dma_start3A_839 = arith.constant 5 : i32
      %dma_start3A_840 = arith.constant 0 : i32
      %dma_start3A_841 = tpu.memref_slice %arg16[%dma_start3A_840] : memref<128xf32, #tpu.memory_space<vmem>> -> memref<80xf32, #tpu.memory_space<vmem>>
      %dma_start3A_842 = arith.constant 0 : i32
      %dma_start3A_843 = tpu.memref_slice %arg11[%dma_start3A_838, %dma_start3A_839, %dma_start3A_842] : memref<2x25x80xi32, #tpu.memory_space<vmem>> -> memref<1x1x80xi32, #tpu.memory_space<vmem>>
      %dma_start3A_844 = tpu.memref_squeeze %dma_start3A_843 : memref<1x1x80xi32, #tpu.memory_space<vmem>> -> memref<80xi32, #tpu.memory_space<vmem>>
      %dma_start3A_845 = arith.constant 0 : i32
      %dma_start3A_846 = tpu.memref_slice %arg18[%dma_start3A_845] : memref<10240xf32, #tpu.memory_space<vmem_shared>> -> memref<10240xf32, #tpu.memory_space<vmem_shared>>
      tpu.enqueue_indirect_dma source(%dma_start3A_841 : memref<80xf32, #tpu.memory_space<vmem>>) target(%dma_start3A_846 : memref<10240xf32, #tpu.memory_space<vmem_shared>>) offsets(%dma_start3A_844 : memref<80xi32, #tpu.memory_space<vmem>>) semaphore(%arg27 : memref<!tpu.dma_semaphore, #tpu.memory_space<semaphore_mem>>) {add = true}
      %dma_wait3A_847 = arith.constant 1 : i32
      %dma_wait3A_848 = arith.constant 4 : i32
      %dma_wait3A_849 = arith.constant 0 : i32
      %dma_wait3A_850 = tpu.memref_slice %arg11[%dma_wait3A_847, %dma_wait3A_848, %dma_wait3A_849] : memref<2x25x80xi32, #tpu.memory_space<vmem>> -> memref<1x1x80xi32, #tpu.memory_space<vmem>>
      %dma_wait3A_851 = tpu.memref_squeeze %dma_wait3A_850 : memref<1x1x80xi32, #tpu.memory_space<vmem>> -> memref<80xi32, #tpu.memory_space<vmem>>
      %dma_wait3A_852 = arith.constant 0 : i32
      %dma_wait3A_853 = arith.constant 0 : i32
      %dma_wait3A_854 = tpu.memref_slice %arg17[%dma_wait3A_852, %dma_wait3A_853] : memref<10000x128xf32, #tpu.memory_space<vmem_shared>> -> memref<10000x128xf32, #tpu.memory_space<vmem_shared>>
      tpu.wait_indirect_dma semaphore(%arg25 : memref<!tpu.dma_semaphore, #tpu.memory_space<semaphore_mem>>) src(%arg9 : memref<80x128xf32, #tpu.memory_space<vmem>>) dst(%dma_wait3A_854 : memref<10000x128xf32, #tpu.memory_space<vmem_shared>>)
      %dma_start3A_855 = arith.constant 0 : i32
      %dma_start3A_856 = arith.constant 7 : i32
      %dma_start3A_857 = arith.constant 0 : i32
      %dma_start3A_858 = tpu.memref_slice %arg11[%dma_start3A_855, %dma_start3A_856, %dma_start3A_857] : memref<2x25x80xi32, #tpu.memory_space<vmem>> -> memref<1x1x80xi32, #tpu.memory_space<vmem>>
      %dma_start3A_859 = tpu.memref_squeeze %dma_start3A_858 : memref<1x1x80xi32, #tpu.memory_space<vmem>> -> memref<80xi32, #tpu.memory_space<vmem>>
      %dma_start3A_860 = arith.constant 0 : i32
      %dma_start3A_861 = arith.constant 0 : i32
      %dma_start3A_862 = tpu.memref_slice %arg2[%dma_start3A_860, %dma_start3A_861] : memref<20000x128xf32, #tpu.memory_space<hbm>> -> memref<20000x128xf32, #tpu.memory_space<hbm>>
      tpu.enqueue_indirect_dma source(%dma_start3A_862 : memref<20000x128xf32, #tpu.memory_space<hbm>>) target(%arg9 : memref<80x128xf32, #tpu.memory_space<vmem>>) offsets(%dma_start3A_859 : memref<80xi32, #tpu.memory_space<vmem>>) semaphore(%arg22 : memref<!tpu.dma_semaphore, #tpu.memory_space<semaphore_mem>>)
      %dma_wait3A_863 = arith.constant 0 : i32
      %dma_wait3A_864 = arith.constant 6 : i32
      %dma_wait3A_865 = arith.constant 0 : i32
      %dma_wait3A_866 = tpu.memref_slice %arg11[%dma_wait3A_863, %dma_wait3A_864, %dma_wait3A_865] : memref<2x25x80xi32, #tpu.memory_space<vmem>> -> memref<1x1x80xi32, #tpu.memory_space<vmem>>
      %dma_wait3A_867 = tpu.memref_squeeze %dma_wait3A_866 : memref<1x1x80xi32, #tpu.memory_space<vmem>> -> memref<80xi32, #tpu.memory_space<vmem>>
      %dma_wait3A_868 = arith.constant 0 : i32
      %dma_wait3A_869 = arith.constant 0 : i32
      %dma_wait3A_870 = tpu.memref_slice %arg2[%dma_wait3A_868, %dma_wait3A_869] : memref<20000x128xf32, #tpu.memory_space<hbm>> -> memref<20000x128xf32, #tpu.memory_space<hbm>>
      tpu.wait_indirect_dma semaphore(%arg21 : memref<!tpu.dma_semaphore, #tpu.memory_space<semaphore_mem>>) src(%dma_wait3A_870 : memref<20000x128xf32, #tpu.memory_space<hbm>>) dst(%arg8 : memref<80x128xf32, #tpu.memory_space<vmem>>)
      %dma_start3A_871 = arith.constant 1 : i32
      %dma_start3A_872 = arith.constant 6 : i32
      %dma_start3A_873 = arith.constant 0 : i32
      %dma_start3A_874 = tpu.memref_slice %arg11[%dma_start3A_871, %dma_start3A_872, %dma_start3A_873] : memref<2x25x80xi32, #tpu.memory_space<vmem>> -> memref<1x1x80xi32, #tpu.memory_space<vmem>>
      %dma_start3A_875 = tpu.memref_squeeze %dma_start3A_874 : memref<1x1x80xi32, #tpu.memory_space<vmem>> -> memref<80xi32, #tpu.memory_space<vmem>>
      %dma_start3A_876 = arith.constant 0 : i32
      %dma_start3A_877 = arith.constant 0 : i32
      %dma_start3A_878 = tpu.memref_slice %arg17[%dma_start3A_876, %dma_start3A_877] : memref<10000x128xf32, #tpu.memory_space<vmem_shared>> -> memref<10000x128xf32, #tpu.memory_space<vmem_shared>>
      tpu.enqueue_indirect_dma source(%arg8 : memref<80x128xf32, #tpu.memory_space<vmem>>) target(%dma_start3A_878 : memref<10000x128xf32, #tpu.memory_space<vmem_shared>>) offsets(%dma_start3A_875 : memref<80xi32, #tpu.memory_space<vmem>>) semaphore(%arg24 : memref<!tpu.dma_semaphore, #tpu.memory_space<semaphore_mem>>) {add = true}
      %dma_start3A_879 = arith.constant 1 : i32
      %dma_start3A_880 = arith.constant 6 : i32
      %dma_start3A_881 = arith.constant 0 : i32
      %dma_start3A_882 = tpu.memref_slice %arg16[%dma_start3A_881] : memref<128xf32, #tpu.memory_space<vmem>> -> memref<80xf32, #tpu.memory_space<vmem>>
      %dma_start3A_883 = arith.constant 0 : i32
      %dma_start3A_884 = tpu.memref_slice %arg11[%dma_start3A_879, %dma_start3A_880, %dma_start3A_883] : memref<2x25x80xi32, #tpu.memory_space<vmem>> -> memref<1x1x80xi32, #tpu.memory_space<vmem>>
      %dma_start3A_885 = tpu.memref_squeeze %dma_start3A_884 : memref<1x1x80xi32, #tpu.memory_space<vmem>> -> memref<80xi32, #tpu.memory_space<vmem>>
      %dma_start3A_886 = arith.constant 0 : i32
      %dma_start3A_887 = tpu.memref_slice %arg18[%dma_start3A_886] : memref<10240xf32, #tpu.memory_space<vmem_shared>> -> memref<10240xf32, #tpu.memory_space<vmem_shared>>
      tpu.enqueue_indirect_dma source(%dma_start3A_882 : memref<80xf32, #tpu.memory_space<vmem>>) target(%dma_start3A_887 : memref<10240xf32, #tpu.memory_space<vmem_shared>>) offsets(%dma_start3A_885 : memref<80xi32, #tpu.memory_space<vmem>>) semaphore(%arg27 : memref<!tpu.dma_semaphore, #tpu.memory_space<semaphore_mem>>) {add = true}
      %dma_wait3A_888 = arith.constant 1 : i32
      %dma_wait3A_889 = arith.constant 5 : i32
      %dma_wait3A_890 = arith.constant 0 : i32
      %dma_wait3A_891 = tpu.memref_slice %arg11[%dma_wait3A_888, %dma_wait3A_889, %dma_wait3A_890] : memref<2x25x80xi32, #tpu.memory_space<vmem>> -> memref<1x1x80xi32, #tpu.memory_space<vmem>>
      %dma_wait3A_892 = tpu.memref_squeeze %dma_wait3A_891 : memref<1x1x80xi32, #tpu.memory_space<vmem>> -> memref<80xi32, #tpu.memory_space<vmem>>
      %dma_wait3A_893 = arith.constant 0 : i32
      %dma_wait3A_894 = arith.constant 0 : i32
      %dma_wait3A_895 = tpu.memref_slice %arg17[%dma_wait3A_893, %dma_wait3A_894] : memref<10000x128xf32, #tpu.memory_space<vmem_shared>> -> memref<10000x128xf32, #tpu.memory_space<vmem_shared>>
      tpu.wait_indirect_dma semaphore(%arg26 : memref<!tpu.dma_semaphore, #tpu.memory_space<semaphore_mem>>) src(%arg10 : memref<80x128xf32, #tpu.memory_space<vmem>>) dst(%dma_wait3A_895 : memref<10000x128xf32, #tpu.memory_space<vmem_shared>>)
      %dma_start3A_896 = arith.constant 0 : i32
      %dma_start3A_897 = arith.constant 8 : i32
      %dma_start3A_898 = arith.constant 0 : i32
      %dma_start3A_899 = tpu.memref_slice %arg11[%dma_start3A_896, %dma_start3A_897, %dma_start3A_898] : memref<2x25x80xi32, #tpu.memory_space<vmem>> -> memref<1x1x80xi32, #tpu.memory_space<vmem>>
      %dma_start3A_900 = tpu.memref_squeeze %dma_start3A_899 : memref<1x1x80xi32, #tpu.memory_space<vmem>> -> memref<80xi32, #tpu.memory_space<vmem>>
      %dma_start3A_901 = arith.constant 0 : i32
      %dma_start3A_902 = arith.constant 0 : i32
      %dma_start3A_903 = tpu.memref_slice %arg2[%dma_start3A_901, %dma_start3A_902] : memref<20000x128xf32, #tpu.memory_space<hbm>> -> memref<20000x128xf32, #tpu.memory_space<hbm>>
      tpu.enqueue_indirect_dma source(%dma_start3A_903 : memref<20000x128xf32, #tpu.memory_space<hbm>>) target(%arg10 : memref<80x128xf32, #tpu.memory_space<vmem>>) offsets(%dma_start3A_900 : memref<80xi32, #tpu.memory_space<vmem>>) semaphore(%arg23 : memref<!tpu.dma_semaphore, #tpu.memory_space<semaphore_mem>>)
      %dma_wait3A_904 = arith.constant 0 : i32
      %dma_wait3A_905 = arith.constant 7 : i32
      %dma_wait3A_906 = arith.constant 0 : i32
      %dma_wait3A_907 = tpu.memref_slice %arg11[%dma_wait3A_904, %dma_wait3A_905, %dma_wait3A_906] : memref<2x25x80xi32, #tpu.memory_space<vmem>> -> memref<1x1x80xi32, #tpu.memory_space<vmem>>
      %dma_wait3A_908 = tpu.memref_squeeze %dma_wait3A_907 : memref<1x1x80xi32, #tpu.memory_space<vmem>> -> memref<80xi32, #tpu.memory_space<vmem>>
      %dma_wait3A_909 = arith.constant 0 : i32
      %dma_wait3A_910 = arith.constant 0 : i32
      %dma_wait3A_911 = tpu.memref_slice %arg2[%dma_wait3A_909, %dma_wait3A_910] : memref<20000x128xf32, #tpu.memory_space<hbm>> -> memref<20000x128xf32, #tpu.memory_space<hbm>>
      tpu.wait_indirect_dma semaphore(%arg22 : memref<!tpu.dma_semaphore, #tpu.memory_space<semaphore_mem>>) src(%dma_wait3A_911 : memref<20000x128xf32, #tpu.memory_space<hbm>>) dst(%arg9 : memref<80x128xf32, #tpu.memory_space<vmem>>)
      %dma_start3A_912 = arith.constant 1 : i32
      %dma_start3A_913 = arith.constant 7 : i32
      %dma_start3A_914 = arith.constant 0 : i32
      %dma_start3A_915 = tpu.memref_slice %arg11[%dma_start3A_912, %dma_start3A_913, %dma_start3A_914] : memref<2x25x80xi32, #tpu.memory_space<vmem>> -> memref<1x1x80xi32, #tpu.memory_space<vmem>>
      %dma_start3A_916 = tpu.memref_squeeze %dma_start3A_915 : memref<1x1x80xi32, #tpu.memory_space<vmem>> -> memref<80xi32, #tpu.memory_space<vmem>>
      %dma_start3A_917 = arith.constant 0 : i32
      %dma_start3A_918 = arith.constant 0 : i32
      %dma_start3A_919 = tpu.memref_slice %arg17[%dma_start3A_917, %dma_start3A_918] : memref<10000x128xf32, #tpu.memory_space<vmem_shared>> -> memref<10000x128xf32, #tpu.memory_space<vmem_shared>>
      tpu.enqueue_indirect_dma source(%arg9 : memref<80x128xf32, #tpu.memory_space<vmem>>) target(%dma_start3A_919 : memref<10000x128xf32, #tpu.memory_space<vmem_shared>>) offsets(%dma_start3A_916 : memref<80xi32, #tpu.memory_space<vmem>>) semaphore(%arg25 : memref<!tpu.dma_semaphore, #tpu.memory_space<semaphore_mem>>) {add = true}
      %dma_start3A_920 = arith.constant 1 : i32
      %dma_start3A_921 = arith.constant 7 : i32
      %dma_start3A_922 = arith.constant 0 : i32
      %dma_start3A_923 = tpu.memref_slice %arg16[%dma_start3A_922] : memref<128xf32, #tpu.memory_space<vmem>> -> memref<80xf32, #tpu.memory_space<vmem>>
      %dma_start3A_924 = arith.constant 0 : i32
      %dma_start3A_925 = tpu.memref_slice %arg11[%dma_start3A_920, %dma_start3A_921, %dma_start3A_924] : memref<2x25x80xi32, #tpu.memory_space<vmem>> -> memref<1x1x80xi32, #tpu.memory_space<vmem>>
      %dma_start3A_926 = tpu.memref_squeeze %dma_start3A_925 : memref<1x1x80xi32, #tpu.memory_space<vmem>> -> memref<80xi32, #tpu.memory_space<vmem>>
      %dma_start3A_927 = arith.constant 0 : i32
      %dma_start3A_928 = tpu.memref_slice %arg18[%dma_start3A_927] : memref<10240xf32, #tpu.memory_space<vmem_shared>> -> memref<10240xf32, #tpu.memory_space<vmem_shared>>
      tpu.enqueue_indirect_dma source(%dma_start3A_923 : memref<80xf32, #tpu.memory_space<vmem>>) target(%dma_start3A_928 : memref<10240xf32, #tpu.memory_space<vmem_shared>>) offsets(%dma_start3A_926 : memref<80xi32, #tpu.memory_space<vmem>>) semaphore(%arg27 : memref<!tpu.dma_semaphore, #tpu.memory_space<semaphore_mem>>) {add = true}
      %dma_wait3A_929 = arith.constant 1 : i32
      %dma_wait3A_930 = arith.constant 6 : i32
      %dma_wait3A_931 = arith.constant 0 : i32
      %dma_wait3A_932 = tpu.memref_slice %arg11[%dma_wait3A_929, %dma_wait3A_930, %dma_wait3A_931] : memref<2x25x80xi32, #tpu.memory_space<vmem>> -> memref<1x1x80xi32, #tpu.memory_space<vmem>>
      %dma_wait3A_933 = tpu.memref_squeeze %dma_wait3A_932 : memref<1x1x80xi32, #tpu.memory_space<vmem>> -> memref<80xi32, #tpu.memory_space<vmem>>
      %dma_wait3A_934 = arith.constant 0 : i32
      %dma_wait3A_935 = arith.constant 0 : i32
      %dma_wait3A_936 = tpu.memref_slice %arg17[%dma_wait3A_934, %dma_wait3A_935] : memref<10000x128xf32, #tpu.memory_space<vmem_shared>> -> memref<10000x128xf32, #tpu.memory_space<vmem_shared>>
      tpu.wait_indirect_dma semaphore(%arg24 : memref<!tpu.dma_semaphore, #tpu.memory_space<semaphore_mem>>) src(%arg8 : memref<80x128xf32, #tpu.memory_space<vmem>>) dst(%dma_wait3A_936 : memref<10000x128xf32, #tpu.memory_space<vmem_shared>>)
      %dma_start3A_937 = arith.constant 0 : i32
      %dma_start3A_938 = arith.constant 9 : i32
      %dma_start3A_939 = arith.constant 0 : i32
      %dma_start3A_940 = tpu.memref_slice %arg11[%dma_start3A_937, %dma_start3A_938, %dma_start3A_939] : memref<2x25x80xi32, #tpu.memory_space<vmem>> -> memref<1x1x80xi32, #tpu.memory_space<vmem>>
      %dma_start3A_941 = tpu.memref_squeeze %dma_start3A_940 : memref<1x1x80xi32, #tpu.memory_space<vmem>> -> memref<80xi32, #tpu.memory_space<vmem>>
      %dma_start3A_942 = arith.constant 0 : i32
      %dma_start3A_943 = arith.constant 0 : i32
      %dma_start3A_944 = tpu.memref_slice %arg2[%dma_start3A_942, %dma_start3A_943] : memref<20000x128xf32, #tpu.memory_space<hbm>> -> memref<20000x128xf32, #tpu.memory_space<hbm>>
      tpu.enqueue_indirect_dma source(%dma_start3A_944 : memref<20000x128xf32, #tpu.memory_space<hbm>>) target(%arg8 : memref<80x128xf32, #tpu.memory_space<vmem>>) offsets(%dma_start3A_941 : memref<80xi32, #tpu.memory_space<vmem>>) semaphore(%arg21 : memref<!tpu.dma_semaphore, #tpu.memory_space<semaphore_mem>>)
      %dma_wait3A_945 = arith.constant 0 : i32
      %dma_wait3A_946 = arith.constant 8 : i32
      %dma_wait3A_947 = arith.constant 0 : i32
      %dma_wait3A_948 = tpu.memref_slice %arg11[%dma_wait3A_945, %dma_wait3A_946, %dma_wait3A_947] : memref<2x25x80xi32, #tpu.memory_space<vmem>> -> memref<1x1x80xi32, #tpu.memory_space<vmem>>
      %dma_wait3A_949 = tpu.memref_squeeze %dma_wait3A_948 : memref<1x1x80xi32, #tpu.memory_space<vmem>> -> memref<80xi32, #tpu.memory_space<vmem>>
      %dma_wait3A_950 = arith.constant 0 : i32
      %dma_wait3A_951 = arith.constant 0 : i32
      %dma_wait3A_952 = tpu.memref_slice %arg2[%dma_wait3A_950, %dma_wait3A_951] : memref<20000x128xf32, #tpu.memory_space<hbm>> -> memref<20000x128xf32, #tpu.memory_space<hbm>>
      tpu.wait_indirect_dma semaphore(%arg23 : memref<!tpu.dma_semaphore, #tpu.memory_space<semaphore_mem>>) src(%dma_wait3A_952 : memref<20000x128xf32, #tpu.memory_space<hbm>>) dst(%arg10 : memref<80x128xf32, #tpu.memory_space<vmem>>)
      %dma_start3A_953 = arith.constant 1 : i32
      %dma_start3A_954 = arith.constant 8 : i32
      %dma_start3A_955 = arith.constant 0 : i32
      %dma_start3A_956 = tpu.memref_slice %arg11[%dma_start3A_953, %dma_start3A_954, %dma_start3A_955] : memref<2x25x80xi32, #tpu.memory_space<vmem>> -> memref<1x1x80xi32, #tpu.memory_space<vmem>>
      %dma_start3A_957 = tpu.memref_squeeze %dma_start3A_956 : memref<1x1x80xi32, #tpu.memory_space<vmem>> -> memref<80xi32, #tpu.memory_space<vmem>>
      %dma_start3A_958 = arith.constant 0 : i32
      %dma_start3A_959 = arith.constant 0 : i32
      %dma_start3A_960 = tpu.memref_slice %arg17[%dma_start3A_958, %dma_start3A_959] : memref<10000x128xf32, #tpu.memory_space<vmem_shared>> -> memref<10000x128xf32, #tpu.memory_space<vmem_shared>>
      tpu.enqueue_indirect_dma source(%arg10 : memref<80x128xf32, #tpu.memory_space<vmem>>) target(%dma_start3A_960 : memref<10000x128xf32, #tpu.memory_space<vmem_shared>>) offsets(%dma_start3A_957 : memref<80xi32, #tpu.memory_space<vmem>>) semaphore(%arg26 : memref<!tpu.dma_semaphore, #tpu.memory_space<semaphore_mem>>) {add = true}
      %dma_start3A_961 = arith.constant 1 : i32
      %dma_start3A_962 = arith.constant 8 : i32
      %dma_start3A_963 = arith.constant 0 : i32
      %dma_start3A_964 = tpu.memref_slice %arg16[%dma_start3A_963] : memref<128xf32, #tpu.memory_space<vmem>> -> memref<80xf32, #tpu.memory_space<vmem>>
      %dma_start3A_965 = arith.constant 0 : i32
      %dma_start3A_966 = tpu.memref_slice %arg11[%dma_start3A_961, %dma_start3A_962, %dma_start3A_965] : memref<2x25x80xi32, #tpu.memory_space<vmem>> -> memref<1x1x80xi32, #tpu.memory_space<vmem>>
      %dma_start3A_967 = tpu.memref_squeeze %dma_start3A_966 : memref<1x1x80xi32, #tpu.memory_space<vmem>> -> memref<80xi32, #tpu.memory_space<vmem>>
      %dma_start3A_968 = arith.constant 0 : i32
      %dma_start3A_969 = tpu.memref_slice %arg18[%dma_start3A_968] : memref<10240xf32, #tpu.memory_space<vmem_shared>> -> memref<10240xf32, #tpu.memory_space<vmem_shared>>
      tpu.enqueue_indirect_dma source(%dma_start3A_964 : memref<80xf32, #tpu.memory_space<vmem>>) target(%dma_start3A_969 : memref<10240xf32, #tpu.memory_space<vmem_shared>>) offsets(%dma_start3A_967 : memref<80xi32, #tpu.memory_space<vmem>>) semaphore(%arg27 : memref<!tpu.dma_semaphore, #tpu.memory_space<semaphore_mem>>) {add = true}
      %dma_wait3A_970 = arith.constant 1 : i32
      %dma_wait3A_971 = arith.constant 7 : i32
      %dma_wait3A_972 = arith.constant 0 : i32
      %dma_wait3A_973 = tpu.memref_slice %arg11[%dma_wait3A_970, %dma_wait3A_971, %dma_wait3A_972] : memref<2x25x80xi32, #tpu.memory_space<vmem>> -> memref<1x1x80xi32, #tpu.memory_space<vmem>>
      %dma_wait3A_974 = tpu.memref_squeeze %dma_wait3A_973 : memref<1x1x80xi32, #tpu.memory_space<vmem>> -> memref<80xi32, #tpu.memory_space<vmem>>
      %dma_wait3A_975 = arith.constant 0 : i32
      %dma_wait3A_976 = arith.constant 0 : i32
      %dma_wait3A_977 = tpu.memref_slice %arg17[%dma_wait3A_975, %dma_wait3A_976] : memref<10000x128xf32, #tpu.memory_space<vmem_shared>> -> memref<10000x128xf32, #tpu.memory_space<vmem_shared>>
      tpu.wait_indirect_dma semaphore(%arg25 : memref<!tpu.dma_semaphore, #tpu.memory_space<semaphore_mem>>) src(%arg9 : memref<80x128xf32, #tpu.memory_space<vmem>>) dst(%dma_wait3A_977 : memref<10000x128xf32, #tpu.memory_space<vmem_shared>>)
      %dma_start3A_978 = arith.constant 0 : i32
      %dma_start3A_979 = arith.constant 10 : i32
      %dma_start3A_980 = arith.constant 0 : i32
      %dma_start3A_981 = tpu.memref_slice %arg11[%dma_start3A_978, %dma_start3A_979, %dma_start3A_980] : memref<2x25x80xi32, #tpu.memory_space<vmem>> -> memref<1x1x80xi32, #tpu.memory_space<vmem>>
      %dma_start3A_982 = tpu.memref_squeeze %dma_start3A_981 : memref<1x1x80xi32, #tpu.memory_space<vmem>> -> memref<80xi32, #tpu.memory_space<vmem>>
      %dma_start3A_983 = arith.constant 0 : i32
      %dma_start3A_984 = arith.constant 0 : i32
      %dma_start3A_985 = tpu.memref_slice %arg2[%dma_start3A_983, %dma_start3A_984] : memref<20000x128xf32, #tpu.memory_space<hbm>> -> memref<20000x128xf32, #tpu.memory_space<hbm>>
      tpu.enqueue_indirect_dma source(%dma_start3A_985 : memref<20000x128xf32, #tpu.memory_space<hbm>>) target(%arg9 : memref<80x128xf32, #tpu.memory_space<vmem>>) offsets(%dma_start3A_982 : memref<80xi32, #tpu.memory_space<vmem>>) semaphore(%arg22 : memref<!tpu.dma_semaphore, #tpu.memory_space<semaphore_mem>>)
      %dma_wait3A_986 = arith.constant 0 : i32
      %dma_wait3A_987 = arith.constant 9 : i32
      %dma_wait3A_988 = arith.constant 0 : i32
      %dma_wait3A_989 = tpu.memref_slice %arg11[%dma_wait3A_986, %dma_wait3A_987, %dma_wait3A_988] : memref<2x25x80xi32, #tpu.memory_space<vmem>> -> memref<1x1x80xi32, #tpu.memory_space<vmem>>
      %dma_wait3A_990 = tpu.memref_squeeze %dma_wait3A_989 : memref<1x1x80xi32, #tpu.memory_space<vmem>> -> memref<80xi32, #tpu.memory_space<vmem>>
      %dma_wait3A_991 = arith.constant 0 : i32
      %dma_wait3A_992 = arith.constant 0 : i32
      %dma_wait3A_993 = tpu.memref_slice %arg2[%dma_wait3A_991, %dma_wait3A_992] : memref<20000x128xf32, #tpu.memory_space<hbm>> -> memref<20000x128xf32, #tpu.memory_space<hbm>>
      tpu.wait_indirect_dma semaphore(%arg21 : memref<!tpu.dma_semaphore, #tpu.memory_space<semaphore_mem>>) src(%dma_wait3A_993 : memref<20000x128xf32, #tpu.memory_space<hbm>>) dst(%arg8 : memref<80x128xf32, #tpu.memory_space<vmem>>)
      %dma_start3A_994 = arith.constant 1 : i32
      %dma_start3A_995 = arith.constant 9 : i32
      %dma_start3A_996 = arith.constant 0 : i32
      %dma_start3A_997 = tpu.memref_slice %arg11[%dma_start3A_994, %dma_start3A_995, %dma_start3A_996] : memref<2x25x80xi32, #tpu.memory_space<vmem>> -> memref<1x1x80xi32, #tpu.memory_space<vmem>>
      %dma_start3A_998 = tpu.memref_squeeze %dma_start3A_997 : memref<1x1x80xi32, #tpu.memory_space<vmem>> -> memref<80xi32, #tpu.memory_space<vmem>>
      %dma_start3A_999 = arith.constant 0 : i32
      %dma_start3A_1000 = arith.constant 0 : i32
      %dma_start3A_1001 = tpu.memref_slice %arg17[%dma_start3A_999, %dma_start3A_1000] : memref<10000x128xf32, #tpu.memory_space<vmem_shared>> -> memref<10000x128xf32, #tpu.memory_space<vmem_shared>>
      tpu.enqueue_indirect_dma source(%arg8 : memref<80x128xf32, #tpu.memory_space<vmem>>) target(%dma_start3A_1001 : memref<10000x128xf32, #tpu.memory_space<vmem_shared>>) offsets(%dma_start3A_998 : memref<80xi32, #tpu.memory_space<vmem>>) semaphore(%arg24 : memref<!tpu.dma_semaphore, #tpu.memory_space<semaphore_mem>>) {add = true}
      %dma_start3A_1002 = arith.constant 1 : i32
      %dma_start3A_1003 = arith.constant 9 : i32
      %dma_start3A_1004 = arith.constant 0 : i32
      %dma_start3A_1005 = tpu.memref_slice %arg16[%dma_start3A_1004] : memref<128xf32, #tpu.memory_space<vmem>> -> memref<80xf32, #tpu.memory_space<vmem>>
      %dma_start3A_1006 = arith.constant 0 : i32
      %dma_start3A_1007 = tpu.memref_slice %arg11[%dma_start3A_1002, %dma_start3A_1003, %dma_start3A_1006] : memref<2x25x80xi32, #tpu.memory_space<vmem>> -> memref<1x1x80xi32, #tpu.memory_space<vmem>>
      %dma_start3A_1008 = tpu.memref_squeeze %dma_start3A_1007 : memref<1x1x80xi32, #tpu.memory_space<vmem>> -> memref<80xi32, #tpu.memory_space<vmem>>
      %dma_start3A_1009 = arith.constant 0 : i32
      %dma_start3A_1010 = tpu.memref_slice %arg18[%dma_start3A_1009] : memref<10240xf32, #tpu.memory_space<vmem_shared>> -> memref<10240xf32, #tpu.memory_space<vmem_shared>>
      tpu.enqueue_indirect_dma source(%dma_start3A_1005 : memref<80xf32, #tpu.memory_space<vmem>>) target(%dma_start3A_1010 : memref<10240xf32, #tpu.memory_space<vmem_shared>>) offsets(%dma_start3A_1008 : memref<80xi32, #tpu.memory_space<vmem>>) semaphore(%arg27 : memref<!tpu.dma_semaphore, #tpu.memory_space<semaphore_mem>>) {add = true}
      %dma_wait3A_1011 = arith.constant 1 : i32
      %dma_wait3A_1012 = arith.constant 8 : i32
      %dma_wait3A_1013 = arith.constant 0 : i32
      %dma_wait3A_1014 = tpu.memref_slice %arg11[%dma_wait3A_1011, %dma_wait3A_1012, %dma_wait3A_1013] : memref<2x25x80xi32, #tpu.memory_space<vmem>> -> memref<1x1x80xi32, #tpu.memory_space<vmem>>
      %dma_wait3A_1015 = tpu.memref_squeeze %dma_wait3A_1014 : memref<1x1x80xi32, #tpu.memory_space<vmem>> -> memref<80xi32, #tpu.memory_space<vmem>>
      %dma_wait3A_1016 = arith.constant 0 : i32
      %dma_wait3A_1017 = arith.constant 0 : i32
      %dma_wait3A_1018 = tpu.memref_slice %arg17[%dma_wait3A_1016, %dma_wait3A_1017] : memref<10000x128xf32, #tpu.memory_space<vmem_shared>> -> memref<10000x128xf32, #tpu.memory_space<vmem_shared>>
      tpu.wait_indirect_dma semaphore(%arg26 : memref<!tpu.dma_semaphore, #tpu.memory_space<semaphore_mem>>) src(%arg10 : memref<80x128xf32, #tpu.memory_space<vmem>>) dst(%dma_wait3A_1018 : memref<10000x128xf32, #tpu.memory_space<vmem_shared>>)
      %dma_start3A_1019 = arith.constant 0 : i32
      %dma_start3A_1020 = arith.constant 11 : i32
      %dma_start3A_1021 = arith.constant 0 : i32
      %dma_start3A_1022 = tpu.memref_slice %arg11[%dma_start3A_1019, %dma_start3A_1020, %dma_start3A_1021] : memref<2x25x80xi32, #tpu.memory_space<vmem>> -> memref<1x1x80xi32, #tpu.memory_space<vmem>>
      %dma_start3A_1023 = tpu.memref_squeeze %dma_start3A_1022 : memref<1x1x80xi32, #tpu.memory_space<vmem>> -> memref<80xi32, #tpu.memory_space<vmem>>
      %dma_start3A_1024 = arith.constant 0 : i32
      %dma_start3A_1025 = arith.constant 0 : i32
      %dma_start3A_1026 = tpu.memref_slice %arg2[%dma_start3A_1024, %dma_start3A_1025] : memref<20000x128xf32, #tpu.memory_space<hbm>> -> memref<20000x128xf32, #tpu.memory_space<hbm>>
      tpu.enqueue_indirect_dma source(%dma_start3A_1026 : memref<20000x128xf32, #tpu.memory_space<hbm>>) target(%arg10 : memref<80x128xf32, #tpu.memory_space<vmem>>) offsets(%dma_start3A_1023 : memref<80xi32, #tpu.memory_space<vmem>>) semaphore(%arg23 : memref<!tpu.dma_semaphore, #tpu.memory_space<semaphore_mem>>)
      %dma_wait3A_1027 = arith.constant 0 : i32
      %dma_wait3A_1028 = arith.constant 10 : i32
      %dma_wait3A_1029 = arith.constant 0 : i32
      %dma_wait3A_1030 = tpu.memref_slice %arg11[%dma_wait3A_1027, %dma_wait3A_1028, %dma_wait3A_1029] : memref<2x25x80xi32, #tpu.memory_space<vmem>> -> memref<1x1x80xi32, #tpu.memory_space<vmem>>
      %dma_wait3A_1031 = tpu.memref_squeeze %dma_wait3A_1030 : memref<1x1x80xi32, #tpu.memory_space<vmem>> -> memref<80xi32, #tpu.memory_space<vmem>>
      %dma_wait3A_1032 = arith.constant 0 : i32
      %dma_wait3A_1033 = arith.constant 0 : i32
      %dma_wait3A_1034 = tpu.memref_slice %arg2[%dma_wait3A_1032, %dma_wait3A_1033] : memref<20000x128xf32, #tpu.memory_space<hbm>> -> memref<20000x128xf32, #tpu.memory_space<hbm>>
      tpu.wait_indirect_dma semaphore(%arg22 : memref<!tpu.dma_semaphore, #tpu.memory_space<semaphore_mem>>) src(%dma_wait3A_1034 : memref<20000x128xf32, #tpu.memory_space<hbm>>) dst(%arg9 : memref<80x128xf32, #tpu.memory_space<vmem>>)
      %dma_start3A_1035 = arith.constant 1 : i32
      %dma_start3A_1036 = arith.constant 10 : i32
      %dma_start3A_1037 = arith.constant 0 : i32
      %dma_start3A_1038 = tpu.memref_slice %arg11[%dma_start3A_1035, %dma_start3A_1036, %dma_start3A_1037] : memref<2x25x80xi32, #tpu.memory_space<vmem>> -> memref<1x1x80xi32, #tpu.memory_space<vmem>>
      %dma_start3A_1039 = tpu.memref_squeeze %dma_start3A_1038 : memref<1x1x80xi32, #tpu.memory_space<vmem>> -> memref<80xi32, #tpu.memory_space<vmem>>
      %dma_start3A_1040 = arith.constant 0 : i32
      %dma_start3A_1041 = arith.constant 0 : i32
      %dma_start3A_1042 = tpu.memref_slice %arg17[%dma_start3A_1040, %dma_start3A_1041] : memref<10000x128xf32, #tpu.memory_space<vmem_shared>> -> memref<10000x128xf32, #tpu.memory_space<vmem_shared>>
      tpu.enqueue_indirect_dma source(%arg9 : memref<80x128xf32, #tpu.memory_space<vmem>>) target(%dma_start3A_1042 : memref<10000x128xf32, #tpu.memory_space<vmem_shared>>) offsets(%dma_start3A_1039 : memref<80xi32, #tpu.memory_space<vmem>>) semaphore(%arg25 : memref<!tpu.dma_semaphore, #tpu.memory_space<semaphore_mem>>) {add = true}
      %dma_start3A_1043 = arith.constant 1 : i32
      %dma_start3A_1044 = arith.constant 10 : i32
      %dma_start3A_1045 = arith.constant 0 : i32
      %dma_start3A_1046 = tpu.memref_slice %arg16[%dma_start3A_1045] : memref<128xf32, #tpu.memory_space<vmem>> -> memref<80xf32, #tpu.memory_space<vmem>>
      %dma_start3A_1047 = arith.constant 0 : i32
      %dma_start3A_1048 = tpu.memref_slice %arg11[%dma_start3A_1043, %dma_start3A_1044, %dma_start3A_1047] : memref<2x25x80xi32, #tpu.memory_space<vmem>> -> memref<1x1x80xi32, #tpu.memory_space<vmem>>
      %dma_start3A_1049 = tpu.memref_squeeze %dma_start3A_1048 : memref<1x1x80xi32, #tpu.memory_space<vmem>> -> memref<80xi32, #tpu.memory_space<vmem>>
      %dma_start3A_1050 = arith.constant 0 : i32
      %dma_start3A_1051 = tpu.memref_slice %arg18[%dma_start3A_1050] : memref<10240xf32, #tpu.memory_space<vmem_shared>> -> memref<10240xf32, #tpu.memory_space<vmem_shared>>
      tpu.enqueue_indirect_dma source(%dma_start3A_1046 : memref<80xf32, #tpu.memory_space<vmem>>) target(%dma_start3A_1051 : memref<10240xf32, #tpu.memory_space<vmem_shared>>) offsets(%dma_start3A_1049 : memref<80xi32, #tpu.memory_space<vmem>>) semaphore(%arg27 : memref<!tpu.dma_semaphore, #tpu.memory_space<semaphore_mem>>) {add = true}
      %dma_wait3A_1052 = arith.constant 1 : i32
      %dma_wait3A_1053 = arith.constant 9 : i32
      %dma_wait3A_1054 = arith.constant 0 : i32
      %dma_wait3A_1055 = tpu.memref_slice %arg11[%dma_wait3A_1052, %dma_wait3A_1053, %dma_wait3A_1054] : memref<2x25x80xi32, #tpu.memory_space<vmem>> -> memref<1x1x80xi32, #tpu.memory_space<vmem>>
      %dma_wait3A_1056 = tpu.memref_squeeze %dma_wait3A_1055 : memref<1x1x80xi32, #tpu.memory_space<vmem>> -> memref<80xi32, #tpu.memory_space<vmem>>
      %dma_wait3A_1057 = arith.constant 0 : i32
      %dma_wait3A_1058 = arith.constant 0 : i32
      %dma_wait3A_1059 = tpu.memref_slice %arg17[%dma_wait3A_1057, %dma_wait3A_1058] : memref<10000x128xf32, #tpu.memory_space<vmem_shared>> -> memref<10000x128xf32, #tpu.memory_space<vmem_shared>>
      tpu.wait_indirect_dma semaphore(%arg24 : memref<!tpu.dma_semaphore, #tpu.memory_space<semaphore_mem>>) src(%arg8 : memref<80x128xf32, #tpu.memory_space<vmem>>) dst(%dma_wait3A_1059 : memref<10000x128xf32, #tpu.memory_space<vmem_shared>>)
      %dma_start3A_1060 = arith.constant 0 : i32
      %dma_start3A_1061 = arith.constant 12 : i32
      %dma_start3A_1062 = arith.constant 0 : i32
      %dma_start3A_1063 = tpu.memref_slice %arg11[%dma_start3A_1060, %dma_start3A_1061, %dma_start3A_1062] : memref<2x25x80xi32, #tpu.memory_space<vmem>> -> memref<1x1x80xi32, #tpu.memory_space<vmem>>
      %dma_start3A_1064 = tpu.memref_squeeze %dma_start3A_1063 : memref<1x1x80xi32, #tpu.memory_space<vmem>> -> memref<80xi32, #tpu.memory_space<vmem>>
      %dma_start3A_1065 = arith.constant 0 : i32
      %dma_start3A_1066 = arith.constant 0 : i32
      %dma_start3A_1067 = tpu.memref_slice %arg2[%dma_start3A_1065, %dma_start3A_1066] : memref<20000x128xf32, #tpu.memory_space<hbm>> -> memref<20000x128xf32, #tpu.memory_space<hbm>>
      tpu.enqueue_indirect_dma source(%dma_start3A_1067 : memref<20000x128xf32, #tpu.memory_space<hbm>>) target(%arg8 : memref<80x128xf32, #tpu.memory_space<vmem>>) offsets(%dma_start3A_1064 : memref<80xi32, #tpu.memory_space<vmem>>) semaphore(%arg21 : memref<!tpu.dma_semaphore, #tpu.memory_space<semaphore_mem>>)
      %dma_wait3A_1068 = arith.constant 0 : i32
      %dma_wait3A_1069 = arith.constant 11 : i32
      %dma_wait3A_1070 = arith.constant 0 : i32
      %dma_wait3A_1071 = tpu.memref_slice %arg11[%dma_wait3A_1068, %dma_wait3A_1069, %dma_wait3A_1070] : memref<2x25x80xi32, #tpu.memory_space<vmem>> -> memref<1x1x80xi32, #tpu.memory_space<vmem>>
      %dma_wait3A_1072 = tpu.memref_squeeze %dma_wait3A_1071 : memref<1x1x80xi32, #tpu.memory_space<vmem>> -> memref<80xi32, #tpu.memory_space<vmem>>
      %dma_wait3A_1073 = arith.constant 0 : i32
      %dma_wait3A_1074 = arith.constant 0 : i32
      %dma_wait3A_1075 = tpu.memref_slice %arg2[%dma_wait3A_1073, %dma_wait3A_1074] : memref<20000x128xf32, #tpu.memory_space<hbm>> -> memref<20000x128xf32, #tpu.memory_space<hbm>>
      tpu.wait_indirect_dma semaphore(%arg23 : memref<!tpu.dma_semaphore, #tpu.memory_space<semaphore_mem>>) src(%dma_wait3A_1075 : memref<20000x128xf32, #tpu.memory_space<hbm>>) dst(%arg10 : memref<80x128xf32, #tpu.memory_space<vmem>>)
      %dma_start3A_1076 = arith.constant 1 : i32
      %dma_start3A_1077 = arith.constant 11 : i32
      %dma_start3A_1078 = arith.constant 0 : i32
      %dma_start3A_1079 = tpu.memref_slice %arg11[%dma_start3A_1076, %dma_start3A_1077, %dma_start3A_1078] : memref<2x25x80xi32, #tpu.memory_space<vmem>> -> memref<1x1x80xi32, #tpu.memory_space<vmem>>
      %dma_start3A_1080 = tpu.memref_squeeze %dma_start3A_1079 : memref<1x1x80xi32, #tpu.memory_space<vmem>> -> memref<80xi32, #tpu.memory_space<vmem>>
      %dma_start3A_1081 = arith.constant 0 : i32
      %dma_start3A_1082 = arith.constant 0 : i32
      %dma_start3A_1083 = tpu.memref_slice %arg17[%dma_start3A_1081, %dma_start3A_1082] : memref<10000x128xf32, #tpu.memory_space<vmem_shared>> -> memref<10000x128xf32, #tpu.memory_space<vmem_shared>>
      tpu.enqueue_indirect_dma source(%arg10 : memref<80x128xf32, #tpu.memory_space<vmem>>) target(%dma_start3A_1083 : memref<10000x128xf32, #tpu.memory_space<vmem_shared>>) offsets(%dma_start3A_1080 : memref<80xi32, #tpu.memory_space<vmem>>) semaphore(%arg26 : memref<!tpu.dma_semaphore, #tpu.memory_space<semaphore_mem>>) {add = true}
      %dma_start3A_1084 = arith.constant 1 : i32
      %dma_start3A_1085 = arith.constant 11 : i32
      %dma_start3A_1086 = arith.constant 0 : i32
      %dma_start3A_1087 = tpu.memref_slice %arg16[%dma_start3A_1086] : memref<128xf32, #tpu.memory_space<vmem>> -> memref<80xf32, #tpu.memory_space<vmem>>
      %dma_start3A_1088 = arith.constant 0 : i32
      %dma_start3A_1089 = tpu.memref_slice %arg11[%dma_start3A_1084, %dma_start3A_1085, %dma_start3A_1088] : memref<2x25x80xi32, #tpu.memory_space<vmem>> -> memref<1x1x80xi32, #tpu.memory_space<vmem>>
      %dma_start3A_1090 = tpu.memref_squeeze %dma_start3A_1089 : memref<1x1x80xi32, #tpu.memory_space<vmem>> -> memref<80xi32, #tpu.memory_space<vmem>>
      %dma_start3A_1091 = arith.constant 0 : i32
      %dma_start3A_1092 = tpu.memref_slice %arg18[%dma_start3A_1091] : memref<10240xf32, #tpu.memory_space<vmem_shared>> -> memref<10240xf32, #tpu.memory_space<vmem_shared>>
      tpu.enqueue_indirect_dma source(%dma_start3A_1087 : memref<80xf32, #tpu.memory_space<vmem>>) target(%dma_start3A_1092 : memref<10240xf32, #tpu.memory_space<vmem_shared>>) offsets(%dma_start3A_1090 : memref<80xi32, #tpu.memory_space<vmem>>) semaphore(%arg27 : memref<!tpu.dma_semaphore, #tpu.memory_space<semaphore_mem>>) {add = true}
      %dma_wait3A_1093 = arith.constant 1 : i32
      %dma_wait3A_1094 = arith.constant 10 : i32
      %dma_wait3A_1095 = arith.constant 0 : i32
      %dma_wait3A_1096 = tpu.memref_slice %arg11[%dma_wait3A_1093, %dma_wait3A_1094, %dma_wait3A_1095] : memref<2x25x80xi32, #tpu.memory_space<vmem>> -> memref<1x1x80xi32, #tpu.memory_space<vmem>>
      %dma_wait3A_1097 = tpu.memref_squeeze %dma_wait3A_1096 : memref<1x1x80xi32, #tpu.memory_space<vmem>> -> memref<80xi32, #tpu.memory_space<vmem>>
      %dma_wait3A_1098 = arith.constant 0 : i32
      %dma_wait3A_1099 = arith.constant 0 : i32
      %dma_wait3A_1100 = tpu.memref_slice %arg17[%dma_wait3A_1098, %dma_wait3A_1099] : memref<10000x128xf32, #tpu.memory_space<vmem_shared>> -> memref<10000x128xf32, #tpu.memory_space<vmem_shared>>
      tpu.wait_indirect_dma semaphore(%arg25 : memref<!tpu.dma_semaphore, #tpu.memory_space<semaphore_mem>>) src(%arg9 : memref<80x128xf32, #tpu.memory_space<vmem>>) dst(%dma_wait3A_1100 : memref<10000x128xf32, #tpu.memory_space<vmem_shared>>)
      %dma_start3A_1101 = arith.constant 0 : i32
      %dma_start3A_1102 = arith.constant 13 : i32
      %dma_start3A_1103 = arith.constant 0 : i32
      %dma_start3A_1104 = tpu.memref_slice %arg11[%dma_start3A_1101, %dma_start3A_1102, %dma_start3A_1103] : memref<2x25x80xi32, #tpu.memory_space<vmem>> -> memref<1x1x80xi32, #tpu.memory_space<vmem>>
      %dma_start3A_1105 = tpu.memref_squeeze %dma_start3A_1104 : memref<1x1x80xi32, #tpu.memory_space<vmem>> -> memref<80xi32, #tpu.memory_space<vmem>>
      %dma_start3A_1106 = arith.constant 0 : i32
      %dma_start3A_1107 = arith.constant 0 : i32
      %dma_start3A_1108 = tpu.memref_slice %arg2[%dma_start3A_1106, %dma_start3A_1107] : memref<20000x128xf32, #tpu.memory_space<hbm>> -> memref<20000x128xf32, #tpu.memory_space<hbm>>
      tpu.enqueue_indirect_dma source(%dma_start3A_1108 : memref<20000x128xf32, #tpu.memory_space<hbm>>) target(%arg9 : memref<80x128xf32, #tpu.memory_space<vmem>>) offsets(%dma_start3A_1105 : memref<80xi32, #tpu.memory_space<vmem>>) semaphore(%arg22 : memref<!tpu.dma_semaphore, #tpu.memory_space<semaphore_mem>>)
      %dma_wait3A_1109 = arith.constant 0 : i32
      %dma_wait3A_1110 = arith.constant 12 : i32
      %dma_wait3A_1111 = arith.constant 0 : i32
      %dma_wait3A_1112 = tpu.memref_slice %arg11[%dma_wait3A_1109, %dma_wait3A_1110, %dma_wait3A_1111] : memref<2x25x80xi32, #tpu.memory_space<vmem>> -> memref<1x1x80xi32, #tpu.memory_space<vmem>>
      %dma_wait3A_1113 = tpu.memref_squeeze %dma_wait3A_1112 : memref<1x1x80xi32, #tpu.memory_space<vmem>> -> memref<80xi32, #tpu.memory_space<vmem>>
      %dma_wait3A_1114 = arith.constant 0 : i32
      %dma_wait3A_1115 = arith.constant 0 : i32
      %dma_wait3A_1116 = tpu.memref_slice %arg2[%dma_wait3A_1114, %dma_wait3A_1115] : memref<20000x128xf32, #tpu.memory_space<hbm>> -> memref<20000x128xf32, #tpu.memory_space<hbm>>
      tpu.wait_indirect_dma semaphore(%arg21 : memref<!tpu.dma_semaphore, #tpu.memory_space<semaphore_mem>>) src(%dma_wait3A_1116 : memref<20000x128xf32, #tpu.memory_space<hbm>>) dst(%arg8 : memref<80x128xf32, #tpu.memory_space<vmem>>)
      %dma_start3A_1117 = arith.constant 1 : i32
      %dma_start3A_1118 = arith.constant 12 : i32
      %dma_start3A_1119 = arith.constant 0 : i32
      %dma_start3A_1120 = tpu.memref_slice %arg11[%dma_start3A_1117, %dma_start3A_1118, %dma_start3A_1119] : memref<2x25x80xi32, #tpu.memory_space<vmem>> -> memref<1x1x80xi32, #tpu.memory_space<vmem>>
      %dma_start3A_1121 = tpu.memref_squeeze %dma_start3A_1120 : memref<1x1x80xi32, #tpu.memory_space<vmem>> -> memref<80xi32, #tpu.memory_space<vmem>>
      %dma_start3A_1122 = arith.constant 0 : i32
      %dma_start3A_1123 = arith.constant 0 : i32
      %dma_start3A_1124 = tpu.memref_slice %arg17[%dma_start3A_1122, %dma_start3A_1123] : memref<10000x128xf32, #tpu.memory_space<vmem_shared>> -> memref<10000x128xf32, #tpu.memory_space<vmem_shared>>
      tpu.enqueue_indirect_dma source(%arg8 : memref<80x128xf32, #tpu.memory_space<vmem>>) target(%dma_start3A_1124 : memref<10000x128xf32, #tpu.memory_space<vmem_shared>>) offsets(%dma_start3A_1121 : memref<80xi32, #tpu.memory_space<vmem>>) semaphore(%arg24 : memref<!tpu.dma_semaphore, #tpu.memory_space<semaphore_mem>>) {add = true}
      %dma_start3A_1125 = arith.constant 1 : i32
      %dma_start3A_1126 = arith.constant 12 : i32
      %dma_start3A_1127 = arith.constant 0 : i32
      %dma_start3A_1128 = tpu.memref_slice %arg16[%dma_start3A_1127] : memref<128xf32, #tpu.memory_space<vmem>> -> memref<80xf32, #tpu.memory_space<vmem>>
      %dma_start3A_1129 = arith.constant 0 : i32
      %dma_start3A_1130 = tpu.memref_slice %arg11[%dma_start3A_1125, %dma_start3A_1126, %dma_start3A_1129] : memref<2x25x80xi32, #tpu.memory_space<vmem>> -> memref<1x1x80xi32, #tpu.memory_space<vmem>>
      %dma_start3A_1131 = tpu.memref_squeeze %dma_start3A_1130 : memref<1x1x80xi32, #tpu.memory_space<vmem>> -> memref<80xi32, #tpu.memory_space<vmem>>
      %dma_start3A_1132 = arith.constant 0 : i32
      %dma_start3A_1133 = tpu.memref_slice %arg18[%dma_start3A_1132] : memref<10240xf32, #tpu.memory_space<vmem_shared>> -> memref<10240xf32, #tpu.memory_space<vmem_shared>>
      tpu.enqueue_indirect_dma source(%dma_start3A_1128 : memref<80xf32, #tpu.memory_space<vmem>>) target(%dma_start3A_1133 : memref<10240xf32, #tpu.memory_space<vmem_shared>>) offsets(%dma_start3A_1131 : memref<80xi32, #tpu.memory_space<vmem>>) semaphore(%arg27 : memref<!tpu.dma_semaphore, #tpu.memory_space<semaphore_mem>>) {add = true}
      %dma_wait3A_1134 = arith.constant 1 : i32
      %dma_wait3A_1135 = arith.constant 11 : i32
      %dma_wait3A_1136 = arith.constant 0 : i32
      %dma_wait3A_1137 = tpu.memref_slice %arg11[%dma_wait3A_1134, %dma_wait3A_1135, %dma_wait3A_1136] : memref<2x25x80xi32, #tpu.memory_space<vmem>> -> memref<1x1x80xi32, #tpu.memory_space<vmem>>
      %dma_wait3A_1138 = tpu.memref_squeeze %dma_wait3A_1137 : memref<1x1x80xi32, #tpu.memory_space<vmem>> -> memref<80xi32, #tpu.memory_space<vmem>>
      %dma_wait3A_1139 = arith.constant 0 : i32
      %dma_wait3A_1140 = arith.constant 0 : i32
      %dma_wait3A_1141 = tpu.memref_slice %arg17[%dma_wait3A_1139, %dma_wait3A_1140] : memref<10000x128xf32, #tpu.memory_space<vmem_shared>> -> memref<10000x128xf32, #tpu.memory_space<vmem_shared>>
      tpu.wait_indirect_dma semaphore(%arg26 : memref<!tpu.dma_semaphore, #tpu.memory_space<semaphore_mem>>) src(%arg10 : memref<80x128xf32, #tpu.memory_space<vmem>>) dst(%dma_wait3A_1141 : memref<10000x128xf32, #tpu.memory_space<vmem_shared>>)
      %dma_start3A_1142 = arith.constant 0 : i32
      %dma_start3A_1143 = arith.constant 14 : i32
      %dma_start3A_1144 = arith.constant 0 : i32
      %dma_start3A_1145 = tpu.memref_slice %arg11[%dma_start3A_1142, %dma_start3A_1143, %dma_start3A_1144] : memref<2x25x80xi32, #tpu.memory_space<vmem>> -> memref<1x1x80xi32, #tpu.memory_space<vmem>>
      %dma_start3A_1146 = tpu.memref_squeeze %dma_start3A_1145 : memref<1x1x80xi32, #tpu.memory_space<vmem>> -> memref<80xi32, #tpu.memory_space<vmem>>
      %dma_start3A_1147 = arith.constant 0 : i32
      %dma_start3A_1148 = arith.constant 0 : i32
      %dma_start3A_1149 = tpu.memref_slice %arg2[%dma_start3A_1147, %dma_start3A_1148] : memref<20000x128xf32, #tpu.memory_space<hbm>> -> memref<20000x128xf32, #tpu.memory_space<hbm>>
      tpu.enqueue_indirect_dma source(%dma_start3A_1149 : memref<20000x128xf32, #tpu.memory_space<hbm>>) target(%arg10 : memref<80x128xf32, #tpu.memory_space<vmem>>) offsets(%dma_start3A_1146 : memref<80xi32, #tpu.memory_space<vmem>>) semaphore(%arg23 : memref<!tpu.dma_semaphore, #tpu.memory_space<semaphore_mem>>)
      %dma_wait3A_1150 = arith.constant 0 : i32
      %dma_wait3A_1151 = arith.constant 13 : i32
      %dma_wait3A_1152 = arith.constant 0 : i32
      %dma_wait3A_1153 = tpu.memref_slice %arg11[%dma_wait3A_1150, %dma_wait3A_1151, %dma_wait3A_1152] : memref<2x25x80xi32, #tpu.memory_space<vmem>> -> memref<1x1x80xi32, #tpu.memory_space<vmem>>
      %dma_wait3A_1154 = tpu.memref_squeeze %dma_wait3A_1153 : memref<1x1x80xi32, #tpu.memory_space<vmem>> -> memref<80xi32, #tpu.memory_space<vmem>>
      %dma_wait3A_1155 = arith.constant 0 : i32
      %dma_wait3A_1156 = arith.constant 0 : i32
      %dma_wait3A_1157 = tpu.memref_slice %arg2[%dma_wait3A_1155, %dma_wait3A_1156] : memref<20000x128xf32, #tpu.memory_space<hbm>> -> memref<20000x128xf32, #tpu.memory_space<hbm>>
      tpu.wait_indirect_dma semaphore(%arg22 : memref<!tpu.dma_semaphore, #tpu.memory_space<semaphore_mem>>) src(%dma_wait3A_1157 : memref<20000x128xf32, #tpu.memory_space<hbm>>) dst(%arg9 : memref<80x128xf32, #tpu.memory_space<vmem>>)
      %dma_start3A_1158 = arith.constant 1 : i32
      %dma_start3A_1159 = arith.constant 13 : i32
      %dma_start3A_1160 = arith.constant 0 : i32
      %dma_start3A_1161 = tpu.memref_slice %arg11[%dma_start3A_1158, %dma_start3A_1159, %dma_start3A_1160] : memref<2x25x80xi32, #tpu.memory_space<vmem>> -> memref<1x1x80xi32, #tpu.memory_space<vmem>>
      %dma_start3A_1162 = tpu.memref_squeeze %dma_start3A_1161 : memref<1x1x80xi32, #tpu.memory_space<vmem>> -> memref<80xi32, #tpu.memory_space<vmem>>
      %dma_start3A_1163 = arith.constant 0 : i32
      %dma_start3A_1164 = arith.constant 0 : i32
      %dma_start3A_1165 = tpu.memref_slice %arg17[%dma_start3A_1163, %dma_start3A_1164] : memref<10000x128xf32, #tpu.memory_space<vmem_shared>> -> memref<10000x128xf32, #tpu.memory_space<vmem_shared>>
      tpu.enqueue_indirect_dma source(%arg9 : memref<80x128xf32, #tpu.memory_space<vmem>>) target(%dma_start3A_1165 : memref<10000x128xf32, #tpu.memory_space<vmem_shared>>) offsets(%dma_start3A_1162 : memref<80xi32, #tpu.memory_space<vmem>>) semaphore(%arg25 : memref<!tpu.dma_semaphore, #tpu.memory_space<semaphore_mem>>) {add = true}
      %dma_start3A_1166 = arith.constant 1 : i32
      %dma_start3A_1167 = arith.constant 13 : i32
      %dma_start3A_1168 = arith.constant 0 : i32
      %dma_start3A_1169 = tpu.memref_slice %arg16[%dma_start3A_1168] : memref<128xf32, #tpu.memory_space<vmem>> -> memref<80xf32, #tpu.memory_space<vmem>>
      %dma_start3A_1170 = arith.constant 0 : i32
      %dma_start3A_1171 = tpu.memref_slice %arg11[%dma_start3A_1166, %dma_start3A_1167, %dma_start3A_1170] : memref<2x25x80xi32, #tpu.memory_space<vmem>> -> memref<1x1x80xi32, #tpu.memory_space<vmem>>
      %dma_start3A_1172 = tpu.memref_squeeze %dma_start3A_1171 : memref<1x1x80xi32, #tpu.memory_space<vmem>> -> memref<80xi32, #tpu.memory_space<vmem>>
      %dma_start3A_1173 = arith.constant 0 : i32
      %dma_start3A_1174 = tpu.memref_slice %arg18[%dma_start3A_1173] : memref<10240xf32, #tpu.memory_space<vmem_shared>> -> memref<10240xf32, #tpu.memory_space<vmem_shared>>
      tpu.enqueue_indirect_dma source(%dma_start3A_1169 : memref<80xf32, #tpu.memory_space<vmem>>) target(%dma_start3A_1174 : memref<10240xf32, #tpu.memory_space<vmem_shared>>) offsets(%dma_start3A_1172 : memref<80xi32, #tpu.memory_space<vmem>>) semaphore(%arg27 : memref<!tpu.dma_semaphore, #tpu.memory_space<semaphore_mem>>) {add = true}
      %dma_wait3A_1175 = arith.constant 1 : i32
      %dma_wait3A_1176 = arith.constant 12 : i32
      %dma_wait3A_1177 = arith.constant 0 : i32
      %dma_wait3A_1178 = tpu.memref_slice %arg11[%dma_wait3A_1175, %dma_wait3A_1176, %dma_wait3A_1177] : memref<2x25x80xi32, #tpu.memory_space<vmem>> -> memref<1x1x80xi32, #tpu.memory_space<vmem>>
      %dma_wait3A_1179 = tpu.memref_squeeze %dma_wait3A_1178 : memref<1x1x80xi32, #tpu.memory_space<vmem>> -> memref<80xi32, #tpu.memory_space<vmem>>
      %dma_wait3A_1180 = arith.constant 0 : i32
      %dma_wait3A_1181 = arith.constant 0 : i32
      %dma_wait3A_1182 = tpu.memref_slice %arg17[%dma_wait3A_1180, %dma_wait3A_1181] : memref<10000x128xf32, #tpu.memory_space<vmem_shared>> -> memref<10000x128xf32, #tpu.memory_space<vmem_shared>>
      tpu.wait_indirect_dma semaphore(%arg24 : memref<!tpu.dma_semaphore, #tpu.memory_space<semaphore_mem>>) src(%arg8 : memref<80x128xf32, #tpu.memory_space<vmem>>) dst(%dma_wait3A_1182 : memref<10000x128xf32, #tpu.memory_space<vmem_shared>>)
      %dma_start3A_1183 = arith.constant 0 : i32
      %dma_start3A_1184 = arith.constant 15 : i32
      %dma_start3A_1185 = arith.constant 0 : i32
      %dma_start3A_1186 = tpu.memref_slice %arg11[%dma_start3A_1183, %dma_start3A_1184, %dma_start3A_1185] : memref<2x25x80xi32, #tpu.memory_space<vmem>> -> memref<1x1x80xi32, #tpu.memory_space<vmem>>
      %dma_start3A_1187 = tpu.memref_squeeze %dma_start3A_1186 : memref<1x1x80xi32, #tpu.memory_space<vmem>> -> memref<80xi32, #tpu.memory_space<vmem>>
      %dma_start3A_1188 = arith.constant 0 : i32
      %dma_start3A_1189 = arith.constant 0 : i32
      %dma_start3A_1190 = tpu.memref_slice %arg2[%dma_start3A_1188, %dma_start3A_1189] : memref<20000x128xf32, #tpu.memory_space<hbm>> -> memref<20000x128xf32, #tpu.memory_space<hbm>>
      tpu.enqueue_indirect_dma source(%dma_start3A_1190 : memref<20000x128xf32, #tpu.memory_space<hbm>>) target(%arg8 : memref<80x128xf32, #tpu.memory_space<vmem>>) offsets(%dma_start3A_1187 : memref<80xi32, #tpu.memory_space<vmem>>) semaphore(%arg21 : memref<!tpu.dma_semaphore, #tpu.memory_space<semaphore_mem>>)
      %dma_wait3A_1191 = arith.constant 0 : i32
      %dma_wait3A_1192 = arith.constant 14 : i32
      %dma_wait3A_1193 = arith.constant 0 : i32
      %dma_wait3A_1194 = tpu.memref_slice %arg11[%dma_wait3A_1191, %dma_wait3A_1192, %dma_wait3A_1193] : memref<2x25x80xi32, #tpu.memory_space<vmem>> -> memref<1x1x80xi32, #tpu.memory_space<vmem>>
      %dma_wait3A_1195 = tpu.memref_squeeze %dma_wait3A_1194 : memref<1x1x80xi32, #tpu.memory_space<vmem>> -> memref<80xi32, #tpu.memory_space<vmem>>
      %dma_wait3A_1196 = arith.constant 0 : i32
      %dma_wait3A_1197 = arith.constant 0 : i32
      %dma_wait3A_1198 = tpu.memref_slice %arg2[%dma_wait3A_1196, %dma_wait3A_1197] : memref<20000x128xf32, #tpu.memory_space<hbm>> -> memref<20000x128xf32, #tpu.memory_space<hbm>>
      tpu.wait_indirect_dma semaphore(%arg23 : memref<!tpu.dma_semaphore, #tpu.memory_space<semaphore_mem>>) src(%dma_wait3A_1198 : memref<20000x128xf32, #tpu.memory_space<hbm>>) dst(%arg10 : memref<80x128xf32, #tpu.memory_space<vmem>>)
      %dma_start3A_1199 = arith.constant 1 : i32
      %dma_start3A_1200 = arith.constant 14 : i32
      %dma_start3A_1201 = arith.constant 0 : i32
      %dma_start3A_1202 = tpu.memref_slice %arg11[%dma_start3A_1199, %dma_start3A_1200, %dma_start3A_1201] : memref<2x25x80xi32, #tpu.memory_space<vmem>> -> memref<1x1x80xi32, #tpu.memory_space<vmem>>
      %dma_start3A_1203 = tpu.memref_squeeze %dma_start3A_1202 : memref<1x1x80xi32, #tpu.memory_space<vmem>> -> memref<80xi32, #tpu.memory_space<vmem>>
      %dma_start3A_1204 = arith.constant 0 : i32
      %dma_start3A_1205 = arith.constant 0 : i32
      %dma_start3A_1206 = tpu.memref_slice %arg17[%dma_start3A_1204, %dma_start3A_1205] : memref<10000x128xf32, #tpu.memory_space<vmem_shared>> -> memref<10000x128xf32, #tpu.memory_space<vmem_shared>>
      tpu.enqueue_indirect_dma source(%arg10 : memref<80x128xf32, #tpu.memory_space<vmem>>) target(%dma_start3A_1206 : memref<10000x128xf32, #tpu.memory_space<vmem_shared>>) offsets(%dma_start3A_1203 : memref<80xi32, #tpu.memory_space<vmem>>) semaphore(%arg26 : memref<!tpu.dma_semaphore, #tpu.memory_space<semaphore_mem>>) {add = true}
      %dma_start3A_1207 = arith.constant 1 : i32
      %dma_start3A_1208 = arith.constant 14 : i32
      %dma_start3A_1209 = arith.constant 0 : i32
      %dma_start3A_1210 = tpu.memref_slice %arg16[%dma_start3A_1209] : memref<128xf32, #tpu.memory_space<vmem>> -> memref<80xf32, #tpu.memory_space<vmem>>
      %dma_start3A_1211 = arith.constant 0 : i32
      %dma_start3A_1212 = tpu.memref_slice %arg11[%dma_start3A_1207, %dma_start3A_1208, %dma_start3A_1211] : memref<2x25x80xi32, #tpu.memory_space<vmem>> -> memref<1x1x80xi32, #tpu.memory_space<vmem>>
      %dma_start3A_1213 = tpu.memref_squeeze %dma_start3A_1212 : memref<1x1x80xi32, #tpu.memory_space<vmem>> -> memref<80xi32, #tpu.memory_space<vmem>>
      %dma_start3A_1214 = arith.constant 0 : i32
      %dma_start3A_1215 = tpu.memref_slice %arg18[%dma_start3A_1214] : memref<10240xf32, #tpu.memory_space<vmem_shared>> -> memref<10240xf32, #tpu.memory_space<vmem_shared>>
      tpu.enqueue_indirect_dma source(%dma_start3A_1210 : memref<80xf32, #tpu.memory_space<vmem>>) target(%dma_start3A_1215 : memref<10240xf32, #tpu.memory_space<vmem_shared>>) offsets(%dma_start3A_1213 : memref<80xi32, #tpu.memory_space<vmem>>) semaphore(%arg27 : memref<!tpu.dma_semaphore, #tpu.memory_space<semaphore_mem>>) {add = true}
      %dma_wait3A_1216 = arith.constant 1 : i32
      %dma_wait3A_1217 = arith.constant 13 : i32
      %dma_wait3A_1218 = arith.constant 0 : i32
      %dma_wait3A_1219 = tpu.memref_slice %arg11[%dma_wait3A_1216, %dma_wait3A_1217, %dma_wait3A_1218] : memref<2x25x80xi32, #tpu.memory_space<vmem>> -> memref<1x1x80xi32, #tpu.memory_space<vmem>>
      %dma_wait3A_1220 = tpu.memref_squeeze %dma_wait3A_1219 : memref<1x1x80xi32, #tpu.memory_space<vmem>> -> memref<80xi32, #tpu.memory_space<vmem>>
      %dma_wait3A_1221 = arith.constant 0 : i32
      %dma_wait3A_1222 = arith.constant 0 : i32
      %dma_wait3A_1223 = tpu.memref_slice %arg17[%dma_wait3A_1221, %dma_wait3A_1222] : memref<10000x128xf32, #tpu.memory_space<vmem_shared>> -> memref<10000x128xf32, #tpu.memory_space<vmem_shared>>
      tpu.wait_indirect_dma semaphore(%arg25 : memref<!tpu.dma_semaphore, #tpu.memory_space<semaphore_mem>>) src(%arg9 : memref<80x128xf32, #tpu.memory_space<vmem>>) dst(%dma_wait3A_1223 : memref<10000x128xf32, #tpu.memory_space<vmem_shared>>)
      %dma_start3A_1224 = arith.constant 0 : i32
      %dma_start3A_1225 = arith.constant 16 : i32
      %dma_start3A_1226 = arith.constant 0 : i32
      %dma_start3A_1227 = tpu.memref_slice %arg11[%dma_start3A_1224, %dma_start3A_1225, %dma_start3A_1226] : memref<2x25x80xi32, #tpu.memory_space<vmem>> -> memref<1x1x80xi32, #tpu.memory_space<vmem>>
      %dma_start3A_1228 = tpu.memref_squeeze %dma_start3A_1227 : memref<1x1x80xi32, #tpu.memory_space<vmem>> -> memref<80xi32, #tpu.memory_space<vmem>>
      %dma_start3A_1229 = arith.constant 0 : i32
      %dma_start3A_1230 = arith.constant 0 : i32
      %dma_start3A_1231 = tpu.memref_slice %arg2[%dma_start3A_1229, %dma_start3A_1230] : memref<20000x128xf32, #tpu.memory_space<hbm>> -> memref<20000x128xf32, #tpu.memory_space<hbm>>
      tpu.enqueue_indirect_dma source(%dma_start3A_1231 : memref<20000x128xf32, #tpu.memory_space<hbm>>) target(%arg9 : memref<80x128xf32, #tpu.memory_space<vmem>>) offsets(%dma_start3A_1228 : memref<80xi32, #tpu.memory_space<vmem>>) semaphore(%arg22 : memref<!tpu.dma_semaphore, #tpu.memory_space<semaphore_mem>>)
      %dma_wait3A_1232 = arith.constant 0 : i32
      %dma_wait3A_1233 = arith.constant 15 : i32
      %dma_wait3A_1234 = arith.constant 0 : i32
      %dma_wait3A_1235 = tpu.memref_slice %arg11[%dma_wait3A_1232, %dma_wait3A_1233, %dma_wait3A_1234] : memref<2x25x80xi32, #tpu.memory_space<vmem>> -> memref<1x1x80xi32, #tpu.memory_space<vmem>>
      %dma_wait3A_1236 = tpu.memref_squeeze %dma_wait3A_1235 : memref<1x1x80xi32, #tpu.memory_space<vmem>> -> memref<80xi32, #tpu.memory_space<vmem>>
      %dma_wait3A_1237 = arith.constant 0 : i32
      %dma_wait3A_1238 = arith.constant 0 : i32
      %dma_wait3A_1239 = tpu.memref_slice %arg2[%dma_wait3A_1237, %dma_wait3A_1238] : memref<20000x128xf32, #tpu.memory_space<hbm>> -> memref<20000x128xf32, #tpu.memory_space<hbm>>
      tpu.wait_indirect_dma semaphore(%arg21 : memref<!tpu.dma_semaphore, #tpu.memory_space<semaphore_mem>>) src(%dma_wait3A_1239 : memref<20000x128xf32, #tpu.memory_space<hbm>>) dst(%arg8 : memref<80x128xf32, #tpu.memory_space<vmem>>)
      %dma_start3A_1240 = arith.constant 1 : i32
      %dma_start3A_1241 = arith.constant 15 : i32
      %dma_start3A_1242 = arith.constant 0 : i32
      %dma_start3A_1243 = tpu.memref_slice %arg11[%dma_start3A_1240, %dma_start3A_1241, %dma_start3A_1242] : memref<2x25x80xi32, #tpu.memory_space<vmem>> -> memref<1x1x80xi32, #tpu.memory_space<vmem>>
      %dma_start3A_1244 = tpu.memref_squeeze %dma_start3A_1243 : memref<1x1x80xi32, #tpu.memory_space<vmem>> -> memref<80xi32, #tpu.memory_space<vmem>>
      %dma_start3A_1245 = arith.constant 0 : i32
      %dma_start3A_1246 = arith.constant 0 : i32
      %dma_start3A_1247 = tpu.memref_slice %arg17[%dma_start3A_1245, %dma_start3A_1246] : memref<10000x128xf32, #tpu.memory_space<vmem_shared>> -> memref<10000x128xf32, #tpu.memory_space<vmem_shared>>
      tpu.enqueue_indirect_dma source(%arg8 : memref<80x128xf32, #tpu.memory_space<vmem>>) target(%dma_start3A_1247 : memref<10000x128xf32, #tpu.memory_space<vmem_shared>>) offsets(%dma_start3A_1244 : memref<80xi32, #tpu.memory_space<vmem>>) semaphore(%arg24 : memref<!tpu.dma_semaphore, #tpu.memory_space<semaphore_mem>>) {add = true}
      %dma_start3A_1248 = arith.constant 1 : i32
      %dma_start3A_1249 = arith.constant 15 : i32
      %dma_start3A_1250 = arith.constant 0 : i32
      %dma_start3A_1251 = tpu.memref_slice %arg16[%dma_start3A_1250] : memref<128xf32, #tpu.memory_space<vmem>> -> memref<80xf32, #tpu.memory_space<vmem>>
      %dma_start3A_1252 = arith.constant 0 : i32
      %dma_start3A_1253 = tpu.memref_slice %arg11[%dma_start3A_1248, %dma_start3A_1249, %dma_start3A_1252] : memref<2x25x80xi32, #tpu.memory_space<vmem>> -> memref<1x1x80xi32, #tpu.memory_space<vmem>>
      %dma_start3A_1254 = tpu.memref_squeeze %dma_start3A_1253 : memref<1x1x80xi32, #tpu.memory_space<vmem>> -> memref<80xi32, #tpu.memory_space<vmem>>
      %dma_start3A_1255 = arith.constant 0 : i32
      %dma_start3A_1256 = tpu.memref_slice %arg18[%dma_start3A_1255] : memref<10240xf32, #tpu.memory_space<vmem_shared>> -> memref<10240xf32, #tpu.memory_space<vmem_shared>>
      tpu.enqueue_indirect_dma source(%dma_start3A_1251 : memref<80xf32, #tpu.memory_space<vmem>>) target(%dma_start3A_1256 : memref<10240xf32, #tpu.memory_space<vmem_shared>>) offsets(%dma_start3A_1254 : memref<80xi32, #tpu.memory_space<vmem>>) semaphore(%arg27 : memref<!tpu.dma_semaphore, #tpu.memory_space<semaphore_mem>>) {add = true}
      %dma_wait3A_1257 = arith.constant 1 : i32
      %dma_wait3A_1258 = arith.constant 14 : i32
      %dma_wait3A_1259 = arith.constant 0 : i32
      %dma_wait3A_1260 = tpu.memref_slice %arg11[%dma_wait3A_1257, %dma_wait3A_1258, %dma_wait3A_1259] : memref<2x25x80xi32, #tpu.memory_space<vmem>> -> memref<1x1x80xi32, #tpu.memory_space<vmem>>
      %dma_wait3A_1261 = tpu.memref_squeeze %dma_wait3A_1260 : memref<1x1x80xi32, #tpu.memory_space<vmem>> -> memref<80xi32, #tpu.memory_space<vmem>>
      %dma_wait3A_1262 = arith.constant 0 : i32
      %dma_wait3A_1263 = arith.constant 0 : i32
      %dma_wait3A_1264 = tpu.memref_slice %arg17[%dma_wait3A_1262, %dma_wait3A_1263] : memref<10000x128xf32, #tpu.memory_space<vmem_shared>> -> memref<10000x128xf32, #tpu.memory_space<vmem_shared>>
      tpu.wait_indirect_dma semaphore(%arg26 : memref<!tpu.dma_semaphore, #tpu.memory_space<semaphore_mem>>) src(%arg10 : memref<80x128xf32, #tpu.memory_space<vmem>>) dst(%dma_wait3A_1264 : memref<10000x128xf32, #tpu.memory_space<vmem_shared>>)
      %dma_start3A_1265 = arith.constant 0 : i32
      %dma_start3A_1266 = arith.constant 17 : i32
      %dma_start3A_1267 = arith.constant 0 : i32
      %dma_start3A_1268 = tpu.memref_slice %arg11[%dma_start3A_1265, %dma_start3A_1266, %dma_start3A_1267] : memref<2x25x80xi32, #tpu.memory_space<vmem>> -> memref<1x1x80xi32, #tpu.memory_space<vmem>>
      %dma_start3A_1269 = tpu.memref_squeeze %dma_start3A_1268 : memref<1x1x80xi32, #tpu.memory_space<vmem>> -> memref<80xi32, #tpu.memory_space<vmem>>
      %dma_start3A_1270 = arith.constant 0 : i32
      %dma_start3A_1271 = arith.constant 0 : i32
      %dma_start3A_1272 = tpu.memref_slice %arg2[%dma_start3A_1270, %dma_start3A_1271] : memref<20000x128xf32, #tpu.memory_space<hbm>> -> memref<20000x128xf32, #tpu.memory_space<hbm>>
      tpu.enqueue_indirect_dma source(%dma_start3A_1272 : memref<20000x128xf32, #tpu.memory_space<hbm>>) target(%arg10 : memref<80x128xf32, #tpu.memory_space<vmem>>) offsets(%dma_start3A_1269 : memref<80xi32, #tpu.memory_space<vmem>>) semaphore(%arg23 : memref<!tpu.dma_semaphore, #tpu.memory_space<semaphore_mem>>)
      %dma_wait3A_1273 = arith.constant 0 : i32
      %dma_wait3A_1274 = arith.constant 16 : i32
      %dma_wait3A_1275 = arith.constant 0 : i32
      %dma_wait3A_1276 = tpu.memref_slice %arg11[%dma_wait3A_1273, %dma_wait3A_1274, %dma_wait3A_1275] : memref<2x25x80xi32, #tpu.memory_space<vmem>> -> memref<1x1x80xi32, #tpu.memory_space<vmem>>
      %dma_wait3A_1277 = tpu.memref_squeeze %dma_wait3A_1276 : memref<1x1x80xi32, #tpu.memory_space<vmem>> -> memref<80xi32, #tpu.memory_space<vmem>>
      %dma_wait3A_1278 = arith.constant 0 : i32
      %dma_wait3A_1279 = arith.constant 0 : i32
      %dma_wait3A_1280 = tpu.memref_slice %arg2[%dma_wait3A_1278, %dma_wait3A_1279] : memref<20000x128xf32, #tpu.memory_space<hbm>> -> memref<20000x128xf32, #tpu.memory_space<hbm>>
      tpu.wait_indirect_dma semaphore(%arg22 : memref<!tpu.dma_semaphore, #tpu.memory_space<semaphore_mem>>) src(%dma_wait3A_1280 : memref<20000x128xf32, #tpu.memory_space<hbm>>) dst(%arg9 : memref<80x128xf32, #tpu.memory_space<vmem>>)
      %dma_start3A_1281 = arith.constant 1 : i32
      %dma_start3A_1282 = arith.constant 16 : i32
      %dma_start3A_1283 = arith.constant 0 : i32
      %dma_start3A_1284 = tpu.memref_slice %arg11[%dma_start3A_1281, %dma_start3A_1282, %dma_start3A_1283] : memref<2x25x80xi32, #tpu.memory_space<vmem>> -> memref<1x1x80xi32, #tpu.memory_space<vmem>>
      %dma_start3A_1285 = tpu.memref_squeeze %dma_start3A_1284 : memref<1x1x80xi32, #tpu.memory_space<vmem>> -> memref<80xi32, #tpu.memory_space<vmem>>
      %dma_start3A_1286 = arith.constant 0 : i32
      %dma_start3A_1287 = arith.constant 0 : i32
      %dma_start3A_1288 = tpu.memref_slice %arg17[%dma_start3A_1286, %dma_start3A_1287] : memref<10000x128xf32, #tpu.memory_space<vmem_shared>> -> memref<10000x128xf32, #tpu.memory_space<vmem_shared>>
      tpu.enqueue_indirect_dma source(%arg9 : memref<80x128xf32, #tpu.memory_space<vmem>>) target(%dma_start3A_1288 : memref<10000x128xf32, #tpu.memory_space<vmem_shared>>) offsets(%dma_start3A_1285 : memref<80xi32, #tpu.memory_space<vmem>>) semaphore(%arg25 : memref<!tpu.dma_semaphore, #tpu.memory_space<semaphore_mem>>) {add = true}
      %dma_start3A_1289 = arith.constant 1 : i32
      %dma_start3A_1290 = arith.constant 16 : i32
      %dma_start3A_1291 = arith.constant 0 : i32
      %dma_start3A_1292 = tpu.memref_slice %arg16[%dma_start3A_1291] : memref<128xf32, #tpu.memory_space<vmem>> -> memref<80xf32, #tpu.memory_space<vmem>>
      %dma_start3A_1293 = arith.constant 0 : i32
      %dma_start3A_1294 = tpu.memref_slice %arg11[%dma_start3A_1289, %dma_start3A_1290, %dma_start3A_1293] : memref<2x25x80xi32, #tpu.memory_space<vmem>> -> memref<1x1x80xi32, #tpu.memory_space<vmem>>
      %dma_start3A_1295 = tpu.memref_squeeze %dma_start3A_1294 : memref<1x1x80xi32, #tpu.memory_space<vmem>> -> memref<80xi32, #tpu.memory_space<vmem>>
      %dma_start3A_1296 = arith.constant 0 : i32
      %dma_start3A_1297 = tpu.memref_slice %arg18[%dma_start3A_1296] : memref<10240xf32, #tpu.memory_space<vmem_shared>> -> memref<10240xf32, #tpu.memory_space<vmem_shared>>
      tpu.enqueue_indirect_dma source(%dma_start3A_1292 : memref<80xf32, #tpu.memory_space<vmem>>) target(%dma_start3A_1297 : memref<10240xf32, #tpu.memory_space<vmem_shared>>) offsets(%dma_start3A_1295 : memref<80xi32, #tpu.memory_space<vmem>>) semaphore(%arg27 : memref<!tpu.dma_semaphore, #tpu.memory_space<semaphore_mem>>) {add = true}
      %dma_wait3A_1298 = arith.constant 1 : i32
      %dma_wait3A_1299 = arith.constant 15 : i32
      %dma_wait3A_1300 = arith.constant 0 : i32
      %dma_wait3A_1301 = tpu.memref_slice %arg11[%dma_wait3A_1298, %dma_wait3A_1299, %dma_wait3A_1300] : memref<2x25x80xi32, #tpu.memory_space<vmem>> -> memref<1x1x80xi32, #tpu.memory_space<vmem>>
      %dma_wait3A_1302 = tpu.memref_squeeze %dma_wait3A_1301 : memref<1x1x80xi32, #tpu.memory_space<vmem>> -> memref<80xi32, #tpu.memory_space<vmem>>
      %dma_wait3A_1303 = arith.constant 0 : i32
      %dma_wait3A_1304 = arith.constant 0 : i32
      %dma_wait3A_1305 = tpu.memref_slice %arg17[%dma_wait3A_1303, %dma_wait3A_1304] : memref<10000x128xf32, #tpu.memory_space<vmem_shared>> -> memref<10000x128xf32, #tpu.memory_space<vmem_shared>>
      tpu.wait_indirect_dma semaphore(%arg24 : memref<!tpu.dma_semaphore, #tpu.memory_space<semaphore_mem>>) src(%arg8 : memref<80x128xf32, #tpu.memory_space<vmem>>) dst(%dma_wait3A_1305 : memref<10000x128xf32, #tpu.memory_space<vmem_shared>>)
      %dma_start3A_1306 = arith.constant 0 : i32
      %dma_start3A_1307 = arith.constant 18 : i32
      %dma_start3A_1308 = arith.constant 0 : i32
      %dma_start3A_1309 = tpu.memref_slice %arg11[%dma_start3A_1306, %dma_start3A_1307, %dma_start3A_1308] : memref<2x25x80xi32, #tpu.memory_space<vmem>> -> memref<1x1x80xi32, #tpu.memory_space<vmem>>
      %dma_start3A_1310 = tpu.memref_squeeze %dma_start3A_1309 : memref<1x1x80xi32, #tpu.memory_space<vmem>> -> memref<80xi32, #tpu.memory_space<vmem>>
      %dma_start3A_1311 = arith.constant 0 : i32
      %dma_start3A_1312 = arith.constant 0 : i32
      %dma_start3A_1313 = tpu.memref_slice %arg2[%dma_start3A_1311, %dma_start3A_1312] : memref<20000x128xf32, #tpu.memory_space<hbm>> -> memref<20000x128xf32, #tpu.memory_space<hbm>>
      tpu.enqueue_indirect_dma source(%dma_start3A_1313 : memref<20000x128xf32, #tpu.memory_space<hbm>>) target(%arg8 : memref<80x128xf32, #tpu.memory_space<vmem>>) offsets(%dma_start3A_1310 : memref<80xi32, #tpu.memory_space<vmem>>) semaphore(%arg21 : memref<!tpu.dma_semaphore, #tpu.memory_space<semaphore_mem>>)
      %dma_wait3A_1314 = arith.constant 0 : i32
      %dma_wait3A_1315 = arith.constant 17 : i32
      %dma_wait3A_1316 = arith.constant 0 : i32
      %dma_wait3A_1317 = tpu.memref_slice %arg11[%dma_wait3A_1314, %dma_wait3A_1315, %dma_wait3A_1316] : memref<2x25x80xi32, #tpu.memory_space<vmem>> -> memref<1x1x80xi32, #tpu.memory_space<vmem>>
      %dma_wait3A_1318 = tpu.memref_squeeze %dma_wait3A_1317 : memref<1x1x80xi32, #tpu.memory_space<vmem>> -> memref<80xi32, #tpu.memory_space<vmem>>
      %dma_wait3A_1319 = arith.constant 0 : i32
      %dma_wait3A_1320 = arith.constant 0 : i32
      %dma_wait3A_1321 = tpu.memref_slice %arg2[%dma_wait3A_1319, %dma_wait3A_1320] : memref<20000x128xf32, #tpu.memory_space<hbm>> -> memref<20000x128xf32, #tpu.memory_space<hbm>>
      tpu.wait_indirect_dma semaphore(%arg23 : memref<!tpu.dma_semaphore, #tpu.memory_space<semaphore_mem>>) src(%dma_wait3A_1321 : memref<20000x128xf32, #tpu.memory_space<hbm>>) dst(%arg10 : memref<80x128xf32, #tpu.memory_space<vmem>>)
      %dma_start3A_1322 = arith.constant 1 : i32
      %dma_start3A_1323 = arith.constant 17 : i32
      %dma_start3A_1324 = arith.constant 0 : i32
      %dma_start3A_1325 = tpu.memref_slice %arg11[%dma_start3A_1322, %dma_start3A_1323, %dma_start3A_1324] : memref<2x25x80xi32, #tpu.memory_space<vmem>> -> memref<1x1x80xi32, #tpu.memory_space<vmem>>
      %dma_start3A_1326 = tpu.memref_squeeze %dma_start3A_1325 : memref<1x1x80xi32, #tpu.memory_space<vmem>> -> memref<80xi32, #tpu.memory_space<vmem>>
      %dma_start3A_1327 = arith.constant 0 : i32
      %dma_start3A_1328 = arith.constant 0 : i32
      %dma_start3A_1329 = tpu.memref_slice %arg17[%dma_start3A_1327, %dma_start3A_1328] : memref<10000x128xf32, #tpu.memory_space<vmem_shared>> -> memref<10000x128xf32, #tpu.memory_space<vmem_shared>>
      tpu.enqueue_indirect_dma source(%arg10 : memref<80x128xf32, #tpu.memory_space<vmem>>) target(%dma_start3A_1329 : memref<10000x128xf32, #tpu.memory_space<vmem_shared>>) offsets(%dma_start3A_1326 : memref<80xi32, #tpu.memory_space<vmem>>) semaphore(%arg26 : memref<!tpu.dma_semaphore, #tpu.memory_space<semaphore_mem>>) {add = true}
      %dma_start3A_1330 = arith.constant 1 : i32
      %dma_start3A_1331 = arith.constant 17 : i32
      %dma_start3A_1332 = arith.constant 0 : i32
      %dma_start3A_1333 = tpu.memref_slice %arg16[%dma_start3A_1332] : memref<128xf32, #tpu.memory_space<vmem>> -> memref<80xf32, #tpu.memory_space<vmem>>
      %dma_start3A_1334 = arith.constant 0 : i32
      %dma_start3A_1335 = tpu.memref_slice %arg11[%dma_start3A_1330, %dma_start3A_1331, %dma_start3A_1334] : memref<2x25x80xi32, #tpu.memory_space<vmem>> -> memref<1x1x80xi32, #tpu.memory_space<vmem>>
      %dma_start3A_1336 = tpu.memref_squeeze %dma_start3A_1335 : memref<1x1x80xi32, #tpu.memory_space<vmem>> -> memref<80xi32, #tpu.memory_space<vmem>>
      %dma_start3A_1337 = arith.constant 0 : i32
      %dma_start3A_1338 = tpu.memref_slice %arg18[%dma_start3A_1337] : memref<10240xf32, #tpu.memory_space<vmem_shared>> -> memref<10240xf32, #tpu.memory_space<vmem_shared>>
      tpu.enqueue_indirect_dma source(%dma_start3A_1333 : memref<80xf32, #tpu.memory_space<vmem>>) target(%dma_start3A_1338 : memref<10240xf32, #tpu.memory_space<vmem_shared>>) offsets(%dma_start3A_1336 : memref<80xi32, #tpu.memory_space<vmem>>) semaphore(%arg27 : memref<!tpu.dma_semaphore, #tpu.memory_space<semaphore_mem>>) {add = true}
      %dma_wait3A_1339 = arith.constant 1 : i32
      %dma_wait3A_1340 = arith.constant 16 : i32
      %dma_wait3A_1341 = arith.constant 0 : i32
      %dma_wait3A_1342 = tpu.memref_slice %arg11[%dma_wait3A_1339, %dma_wait3A_1340, %dma_wait3A_1341] : memref<2x25x80xi32, #tpu.memory_space<vmem>> -> memref<1x1x80xi32, #tpu.memory_space<vmem>>
      %dma_wait3A_1343 = tpu.memref_squeeze %dma_wait3A_1342 : memref<1x1x80xi32, #tpu.memory_space<vmem>> -> memref<80xi32, #tpu.memory_space<vmem>>
      %dma_wait3A_1344 = arith.constant 0 : i32
      %dma_wait3A_1345 = arith.constant 0 : i32
      %dma_wait3A_1346 = tpu.memref_slice %arg17[%dma_wait3A_1344, %dma_wait3A_1345] : memref<10000x128xf32, #tpu.memory_space<vmem_shared>> -> memref<10000x128xf32, #tpu.memory_space<vmem_shared>>
      tpu.wait_indirect_dma semaphore(%arg25 : memref<!tpu.dma_semaphore, #tpu.memory_space<semaphore_mem>>) src(%arg9 : memref<80x128xf32, #tpu.memory_space<vmem>>) dst(%dma_wait3A_1346 : memref<10000x128xf32, #tpu.memory_space<vmem_shared>>)
      %dma_start3A_1347 = arith.constant 0 : i32
      %dma_start3A_1348 = arith.constant 19 : i32
      %dma_start3A_1349 = arith.constant 0 : i32
      %dma_start3A_1350 = tpu.memref_slice %arg11[%dma_start3A_1347, %dma_start3A_1348, %dma_start3A_1349] : memref<2x25x80xi32, #tpu.memory_space<vmem>> -> memref<1x1x80xi32, #tpu.memory_space<vmem>>
      %dma_start3A_1351 = tpu.memref_squeeze %dma_start3A_1350 : memref<1x1x80xi32, #tpu.memory_space<vmem>> -> memref<80xi32, #tpu.memory_space<vmem>>
      %dma_start3A_1352 = arith.constant 0 : i32
      %dma_start3A_1353 = arith.constant 0 : i32
      %dma_start3A_1354 = tpu.memref_slice %arg2[%dma_start3A_1352, %dma_start3A_1353] : memref<20000x128xf32, #tpu.memory_space<hbm>> -> memref<20000x128xf32, #tpu.memory_space<hbm>>
      tpu.enqueue_indirect_dma source(%dma_start3A_1354 : memref<20000x128xf32, #tpu.memory_space<hbm>>) target(%arg9 : memref<80x128xf32, #tpu.memory_space<vmem>>) offsets(%dma_start3A_1351 : memref<80xi32, #tpu.memory_space<vmem>>) semaphore(%arg22 : memref<!tpu.dma_semaphore, #tpu.memory_space<semaphore_mem>>)
      %dma_wait3A_1355 = arith.constant 0 : i32
      %dma_wait3A_1356 = arith.constant 18 : i32
      %dma_wait3A_1357 = arith.constant 0 : i32
      %dma_wait3A_1358 = tpu.memref_slice %arg11[%dma_wait3A_1355, %dma_wait3A_1356, %dma_wait3A_1357] : memref<2x25x80xi32, #tpu.memory_space<vmem>> -> memref<1x1x80xi32, #tpu.memory_space<vmem>>
      %dma_wait3A_1359 = tpu.memref_squeeze %dma_wait3A_1358 : memref<1x1x80xi32, #tpu.memory_space<vmem>> -> memref<80xi32, #tpu.memory_space<vmem>>
      %dma_wait3A_1360 = arith.constant 0 : i32
      %dma_wait3A_1361 = arith.constant 0 : i32
      %dma_wait3A_1362 = tpu.memref_slice %arg2[%dma_wait3A_1360, %dma_wait3A_1361] : memref<20000x128xf32, #tpu.memory_space<hbm>> -> memref<20000x128xf32, #tpu.memory_space<hbm>>
      tpu.wait_indirect_dma semaphore(%arg21 : memref<!tpu.dma_semaphore, #tpu.memory_space<semaphore_mem>>) src(%dma_wait3A_1362 : memref<20000x128xf32, #tpu.memory_space<hbm>>) dst(%arg8 : memref<80x128xf32, #tpu.memory_space<vmem>>)
      %dma_start3A_1363 = arith.constant 1 : i32
      %dma_start3A_1364 = arith.constant 18 : i32
      %dma_start3A_1365 = arith.constant 0 : i32
      %dma_start3A_1366 = tpu.memref_slice %arg11[%dma_start3A_1363, %dma_start3A_1364, %dma_start3A_1365] : memref<2x25x80xi32, #tpu.memory_space<vmem>> -> memref<1x1x80xi32, #tpu.memory_space<vmem>>
      %dma_start3A_1367 = tpu.memref_squeeze %dma_start3A_1366 : memref<1x1x80xi32, #tpu.memory_space<vmem>> -> memref<80xi32, #tpu.memory_space<vmem>>
      %dma_start3A_1368 = arith.constant 0 : i32
      %dma_start3A_1369 = arith.constant 0 : i32
      %dma_start3A_1370 = tpu.memref_slice %arg17[%dma_start3A_1368, %dma_start3A_1369] : memref<10000x128xf32, #tpu.memory_space<vmem_shared>> -> memref<10000x128xf32, #tpu.memory_space<vmem_shared>>
      tpu.enqueue_indirect_dma source(%arg8 : memref<80x128xf32, #tpu.memory_space<vmem>>) target(%dma_start3A_1370 : memref<10000x128xf32, #tpu.memory_space<vmem_shared>>) offsets(%dma_start3A_1367 : memref<80xi32, #tpu.memory_space<vmem>>) semaphore(%arg24 : memref<!tpu.dma_semaphore, #tpu.memory_space<semaphore_mem>>) {add = true}
      %dma_start3A_1371 = arith.constant 1 : i32
      %dma_start3A_1372 = arith.constant 18 : i32
      %dma_start3A_1373 = arith.constant 0 : i32
      %dma_start3A_1374 = tpu.memref_slice %arg16[%dma_start3A_1373] : memref<128xf32, #tpu.memory_space<vmem>> -> memref<80xf32, #tpu.memory_space<vmem>>
      %dma_start3A_1375 = arith.constant 0 : i32
      %dma_start3A_1376 = tpu.memref_slice %arg11[%dma_start3A_1371, %dma_start3A_1372, %dma_start3A_1375] : memref<2x25x80xi32, #tpu.memory_space<vmem>> -> memref<1x1x80xi32, #tpu.memory_space<vmem>>
      %dma_start3A_1377 = tpu.memref_squeeze %dma_start3A_1376 : memref<1x1x80xi32, #tpu.memory_space<vmem>> -> memref<80xi32, #tpu.memory_space<vmem>>
      %dma_start3A_1378 = arith.constant 0 : i32
      %dma_start3A_1379 = tpu.memref_slice %arg18[%dma_start3A_1378] : memref<10240xf32, #tpu.memory_space<vmem_shared>> -> memref<10240xf32, #tpu.memory_space<vmem_shared>>
      tpu.enqueue_indirect_dma source(%dma_start3A_1374 : memref<80xf32, #tpu.memory_space<vmem>>) target(%dma_start3A_1379 : memref<10240xf32, #tpu.memory_space<vmem_shared>>) offsets(%dma_start3A_1377 : memref<80xi32, #tpu.memory_space<vmem>>) semaphore(%arg27 : memref<!tpu.dma_semaphore, #tpu.memory_space<semaphore_mem>>) {add = true}
      %dma_wait3A_1380 = arith.constant 1 : i32
      %dma_wait3A_1381 = arith.constant 17 : i32
      %dma_wait3A_1382 = arith.constant 0 : i32
      %dma_wait3A_1383 = tpu.memref_slice %arg11[%dma_wait3A_1380, %dma_wait3A_1381, %dma_wait3A_1382] : memref<2x25x80xi32, #tpu.memory_space<vmem>> -> memref<1x1x80xi32, #tpu.memory_space<vmem>>
      %dma_wait3A_1384 = tpu.memref_squeeze %dma_wait3A_1383 : memref<1x1x80xi32, #tpu.memory_space<vmem>> -> memref<80xi32, #tpu.memory_space<vmem>>
      %dma_wait3A_1385 = arith.constant 0 : i32
      %dma_wait3A_1386 = arith.constant 0 : i32
      %dma_wait3A_1387 = tpu.memref_slice %arg17[%dma_wait3A_1385, %dma_wait3A_1386] : memref<10000x128xf32, #tpu.memory_space<vmem_shared>> -> memref<10000x128xf32, #tpu.memory_space<vmem_shared>>
      tpu.wait_indirect_dma semaphore(%arg26 : memref<!tpu.dma_semaphore, #tpu.memory_space<semaphore_mem>>) src(%arg10 : memref<80x128xf32, #tpu.memory_space<vmem>>) dst(%dma_wait3A_1387 : memref<10000x128xf32, #tpu.memory_space<vmem_shared>>)
      %dma_start3A_1388 = arith.constant 0 : i32
      %dma_start3A_1389 = arith.constant 20 : i32
      %dma_start3A_1390 = arith.constant 0 : i32
      %dma_start3A_1391 = tpu.memref_slice %arg11[%dma_start3A_1388, %dma_start3A_1389, %dma_start3A_1390] : memref<2x25x80xi32, #tpu.memory_space<vmem>> -> memref<1x1x80xi32, #tpu.memory_space<vmem>>
      %dma_start3A_1392 = tpu.memref_squeeze %dma_start3A_1391 : memref<1x1x80xi32, #tpu.memory_space<vmem>> -> memref<80xi32, #tpu.memory_space<vmem>>
      %dma_start3A_1393 = arith.constant 0 : i32
      %dma_start3A_1394 = arith.constant 0 : i32
      %dma_start3A_1395 = tpu.memref_slice %arg2[%dma_start3A_1393, %dma_start3A_1394] : memref<20000x128xf32, #tpu.memory_space<hbm>> -> memref<20000x128xf32, #tpu.memory_space<hbm>>
      tpu.enqueue_indirect_dma source(%dma_start3A_1395 : memref<20000x128xf32, #tpu.memory_space<hbm>>) target(%arg10 : memref<80x128xf32, #tpu.memory_space<vmem>>) offsets(%dma_start3A_1392 : memref<80xi32, #tpu.memory_space<vmem>>) semaphore(%arg23 : memref<!tpu.dma_semaphore, #tpu.memory_space<semaphore_mem>>)
      %dma_wait3A_1396 = arith.constant 0 : i32
      %dma_wait3A_1397 = arith.constant 19 : i32
      %dma_wait3A_1398 = arith.constant 0 : i32
      %dma_wait3A_1399 = tpu.memref_slice %arg11[%dma_wait3A_1396, %dma_wait3A_1397, %dma_wait3A_1398] : memref<2x25x80xi32, #tpu.memory_space<vmem>> -> memref<1x1x80xi32, #tpu.memory_space<vmem>>
      %dma_wait3A_1400 = tpu.memref_squeeze %dma_wait3A_1399 : memref<1x1x80xi32, #tpu.memory_space<vmem>> -> memref<80xi32, #tpu.memory_space<vmem>>
      %dma_wait3A_1401 = arith.constant 0 : i32
      %dma_wait3A_1402 = arith.constant 0 : i32
      %dma_wait3A_1403 = tpu.memref_slice %arg2[%dma_wait3A_1401, %dma_wait3A_1402] : memref<20000x128xf32, #tpu.memory_space<hbm>> -> memref<20000x128xf32, #tpu.memory_space<hbm>>
      tpu.wait_indirect_dma semaphore(%arg22 : memref<!tpu.dma_semaphore, #tpu.memory_space<semaphore_mem>>) src(%dma_wait3A_1403 : memref<20000x128xf32, #tpu.memory_space<hbm>>) dst(%arg9 : memref<80x128xf32, #tpu.memory_space<vmem>>)
      %dma_start3A_1404 = arith.constant 1 : i32
      %dma_start3A_1405 = arith.constant 19 : i32
      %dma_start3A_1406 = arith.constant 0 : i32
      %dma_start3A_1407 = tpu.memref_slice %arg11[%dma_start3A_1404, %dma_start3A_1405, %dma_start3A_1406] : memref<2x25x80xi32, #tpu.memory_space<vmem>> -> memref<1x1x80xi32, #tpu.memory_space<vmem>>
      %dma_start3A_1408 = tpu.memref_squeeze %dma_start3A_1407 : memref<1x1x80xi32, #tpu.memory_space<vmem>> -> memref<80xi32, #tpu.memory_space<vmem>>
      %dma_start3A_1409 = arith.constant 0 : i32
      %dma_start3A_1410 = arith.constant 0 : i32
      %dma_start3A_1411 = tpu.memref_slice %arg17[%dma_start3A_1409, %dma_start3A_1410] : memref<10000x128xf32, #tpu.memory_space<vmem_shared>> -> memref<10000x128xf32, #tpu.memory_space<vmem_shared>>
      tpu.enqueue_indirect_dma source(%arg9 : memref<80x128xf32, #tpu.memory_space<vmem>>) target(%dma_start3A_1411 : memref<10000x128xf32, #tpu.memory_space<vmem_shared>>) offsets(%dma_start3A_1408 : memref<80xi32, #tpu.memory_space<vmem>>) semaphore(%arg25 : memref<!tpu.dma_semaphore, #tpu.memory_space<semaphore_mem>>) {add = true}
      %dma_start3A_1412 = arith.constant 1 : i32
      %dma_start3A_1413 = arith.constant 19 : i32
      %dma_start3A_1414 = arith.constant 0 : i32
      %dma_start3A_1415 = tpu.memref_slice %arg16[%dma_start3A_1414] : memref<128xf32, #tpu.memory_space<vmem>> -> memref<80xf32, #tpu.memory_space<vmem>>
      %dma_start3A_1416 = arith.constant 0 : i32
      %dma_start3A_1417 = tpu.memref_slice %arg11[%dma_start3A_1412, %dma_start3A_1413, %dma_start3A_1416] : memref<2x25x80xi32, #tpu.memory_space<vmem>> -> memref<1x1x80xi32, #tpu.memory_space<vmem>>
      %dma_start3A_1418 = tpu.memref_squeeze %dma_start3A_1417 : memref<1x1x80xi32, #tpu.memory_space<vmem>> -> memref<80xi32, #tpu.memory_space<vmem>>
      %dma_start3A_1419 = arith.constant 0 : i32
      %dma_start3A_1420 = tpu.memref_slice %arg18[%dma_start3A_1419] : memref<10240xf32, #tpu.memory_space<vmem_shared>> -> memref<10240xf32, #tpu.memory_space<vmem_shared>>
      tpu.enqueue_indirect_dma source(%dma_start3A_1415 : memref<80xf32, #tpu.memory_space<vmem>>) target(%dma_start3A_1420 : memref<10240xf32, #tpu.memory_space<vmem_shared>>) offsets(%dma_start3A_1418 : memref<80xi32, #tpu.memory_space<vmem>>) semaphore(%arg27 : memref<!tpu.dma_semaphore, #tpu.memory_space<semaphore_mem>>) {add = true}
      %dma_wait3A_1421 = arith.constant 1 : i32
      %dma_wait3A_1422 = arith.constant 18 : i32
      %dma_wait3A_1423 = arith.constant 0 : i32
      %dma_wait3A_1424 = tpu.memref_slice %arg11[%dma_wait3A_1421, %dma_wait3A_1422, %dma_wait3A_1423] : memref<2x25x80xi32, #tpu.memory_space<vmem>> -> memref<1x1x80xi32, #tpu.memory_space<vmem>>
      %dma_wait3A_1425 = tpu.memref_squeeze %dma_wait3A_1424 : memref<1x1x80xi32, #tpu.memory_space<vmem>> -> memref<80xi32, #tpu.memory_space<vmem>>
      %dma_wait3A_1426 = arith.constant 0 : i32
      %dma_wait3A_1427 = arith.constant 0 : i32
      %dma_wait3A_1428 = tpu.memref_slice %arg17[%dma_wait3A_1426, %dma_wait3A_1427] : memref<10000x128xf32, #tpu.memory_space<vmem_shared>> -> memref<10000x128xf32, #tpu.memory_space<vmem_shared>>
      tpu.wait_indirect_dma semaphore(%arg24 : memref<!tpu.dma_semaphore, #tpu.memory_space<semaphore_mem>>) src(%arg8 : memref<80x128xf32, #tpu.memory_space<vmem>>) dst(%dma_wait3A_1428 : memref<10000x128xf32, #tpu.memory_space<vmem_shared>>)
      %dma_start3A_1429 = arith.constant 0 : i32
      %dma_start3A_1430 = arith.constant 21 : i32
      %dma_start3A_1431 = arith.constant 0 : i32
      %dma_start3A_1432 = tpu.memref_slice %arg11[%dma_start3A_1429, %dma_start3A_1430, %dma_start3A_1431] : memref<2x25x80xi32, #tpu.memory_space<vmem>> -> memref<1x1x80xi32, #tpu.memory_space<vmem>>
      %dma_start3A_1433 = tpu.memref_squeeze %dma_start3A_1432 : memref<1x1x80xi32, #tpu.memory_space<vmem>> -> memref<80xi32, #tpu.memory_space<vmem>>
      %dma_start3A_1434 = arith.constant 0 : i32
      %dma_start3A_1435 = arith.constant 0 : i32
      %dma_start3A_1436 = tpu.memref_slice %arg2[%dma_start3A_1434, %dma_start3A_1435] : memref<20000x128xf32, #tpu.memory_space<hbm>> -> memref<20000x128xf32, #tpu.memory_space<hbm>>
      tpu.enqueue_indirect_dma source(%dma_start3A_1436 : memref<20000x128xf32, #tpu.memory_space<hbm>>) target(%arg8 : memref<80x128xf32, #tpu.memory_space<vmem>>) offsets(%dma_start3A_1433 : memref<80xi32, #tpu.memory_space<vmem>>) semaphore(%arg21 : memref<!tpu.dma_semaphore, #tpu.memory_space<semaphore_mem>>)
      %dma_wait3A_1437 = arith.constant 0 : i32
      %dma_wait3A_1438 = arith.constant 20 : i32
      %dma_wait3A_1439 = arith.constant 0 : i32
      %dma_wait3A_1440 = tpu.memref_slice %arg11[%dma_wait3A_1437, %dma_wait3A_1438, %dma_wait3A_1439] : memref<2x25x80xi32, #tpu.memory_space<vmem>> -> memref<1x1x80xi32, #tpu.memory_space<vmem>>
      %dma_wait3A_1441 = tpu.memref_squeeze %dma_wait3A_1440 : memref<1x1x80xi32, #tpu.memory_space<vmem>> -> memref<80xi32, #tpu.memory_space<vmem>>
      %dma_wait3A_1442 = arith.constant 0 : i32
      %dma_wait3A_1443 = arith.constant 0 : i32
      %dma_wait3A_1444 = tpu.memref_slice %arg2[%dma_wait3A_1442, %dma_wait3A_1443] : memref<20000x128xf32, #tpu.memory_space<hbm>> -> memref<20000x128xf32, #tpu.memory_space<hbm>>
      tpu.wait_indirect_dma semaphore(%arg23 : memref<!tpu.dma_semaphore, #tpu.memory_space<semaphore_mem>>) src(%dma_wait3A_1444 : memref<20000x128xf32, #tpu.memory_space<hbm>>) dst(%arg10 : memref<80x128xf32, #tpu.memory_space<vmem>>)
      %dma_start3A_1445 = arith.constant 1 : i32
      %dma_start3A_1446 = arith.constant 20 : i32
      %dma_start3A_1447 = arith.constant 0 : i32
      %dma_start3A_1448 = tpu.memref_slice %arg11[%dma_start3A_1445, %dma_start3A_1446, %dma_start3A_1447] : memref<2x25x80xi32, #tpu.memory_space<vmem>> -> memref<1x1x80xi32, #tpu.memory_space<vmem>>
      %dma_start3A_1449 = tpu.memref_squeeze %dma_start3A_1448 : memref<1x1x80xi32, #tpu.memory_space<vmem>> -> memref<80xi32, #tpu.memory_space<vmem>>
      %dma_start3A_1450 = arith.constant 0 : i32
      %dma_start3A_1451 = arith.constant 0 : i32
      %dma_start3A_1452 = tpu.memref_slice %arg17[%dma_start3A_1450, %dma_start3A_1451] : memref<10000x128xf32, #tpu.memory_space<vmem_shared>> -> memref<10000x128xf32, #tpu.memory_space<vmem_shared>>
      tpu.enqueue_indirect_dma source(%arg10 : memref<80x128xf32, #tpu.memory_space<vmem>>) target(%dma_start3A_1452 : memref<10000x128xf32, #tpu.memory_space<vmem_shared>>) offsets(%dma_start3A_1449 : memref<80xi32, #tpu.memory_space<vmem>>) semaphore(%arg26 : memref<!tpu.dma_semaphore, #tpu.memory_space<semaphore_mem>>) {add = true}
      %dma_start3A_1453 = arith.constant 1 : i32
      %dma_start3A_1454 = arith.constant 20 : i32
      %dma_start3A_1455 = arith.constant 0 : i32
      %dma_start3A_1456 = tpu.memref_slice %arg16[%dma_start3A_1455] : memref<128xf32, #tpu.memory_space<vmem>> -> memref<80xf32, #tpu.memory_space<vmem>>
      %dma_start3A_1457 = arith.constant 0 : i32
      %dma_start3A_1458 = tpu.memref_slice %arg11[%dma_start3A_1453, %dma_start3A_1454, %dma_start3A_1457] : memref<2x25x80xi32, #tpu.memory_space<vmem>> -> memref<1x1x80xi32, #tpu.memory_space<vmem>>
      %dma_start3A_1459 = tpu.memref_squeeze %dma_start3A_1458 : memref<1x1x80xi32, #tpu.memory_space<vmem>> -> memref<80xi32, #tpu.memory_space<vmem>>
      %dma_start3A_1460 = arith.constant 0 : i32
      %dma_start3A_1461 = tpu.memref_slice %arg18[%dma_start3A_1460] : memref<10240xf32, #tpu.memory_space<vmem_shared>> -> memref<10240xf32, #tpu.memory_space<vmem_shared>>
      tpu.enqueue_indirect_dma source(%dma_start3A_1456 : memref<80xf32, #tpu.memory_space<vmem>>) target(%dma_start3A_1461 : memref<10240xf32, #tpu.memory_space<vmem_shared>>) offsets(%dma_start3A_1459 : memref<80xi32, #tpu.memory_space<vmem>>) semaphore(%arg27 : memref<!tpu.dma_semaphore, #tpu.memory_space<semaphore_mem>>) {add = true}
      %dma_wait3A_1462 = arith.constant 1 : i32
      %dma_wait3A_1463 = arith.constant 19 : i32
      %dma_wait3A_1464 = arith.constant 0 : i32
      %dma_wait3A_1465 = tpu.memref_slice %arg11[%dma_wait3A_1462, %dma_wait3A_1463, %dma_wait3A_1464] : memref<2x25x80xi32, #tpu.memory_space<vmem>> -> memref<1x1x80xi32, #tpu.memory_space<vmem>>
      %dma_wait3A_1466 = tpu.memref_squeeze %dma_wait3A_1465 : memref<1x1x80xi32, #tpu.memory_space<vmem>> -> memref<80xi32, #tpu.memory_space<vmem>>
      %dma_wait3A_1467 = arith.constant 0 : i32
      %dma_wait3A_1468 = arith.constant 0 : i32
      %dma_wait3A_1469 = tpu.memref_slice %arg17[%dma_wait3A_1467, %dma_wait3A_1468] : memref<10000x128xf32, #tpu.memory_space<vmem_shared>> -> memref<10000x128xf32, #tpu.memory_space<vmem_shared>>
      tpu.wait_indirect_dma semaphore(%arg25 : memref<!tpu.dma_semaphore, #tpu.memory_space<semaphore_mem>>) src(%arg9 : memref<80x128xf32, #tpu.memory_space<vmem>>) dst(%dma_wait3A_1469 : memref<10000x128xf32, #tpu.memory_space<vmem_shared>>)
      %dma_start3A_1470 = arith.constant 0 : i32
      %dma_start3A_1471 = arith.constant 22 : i32
      %dma_start3A_1472 = arith.constant 0 : i32
      %dma_start3A_1473 = tpu.memref_slice %arg11[%dma_start3A_1470, %dma_start3A_1471, %dma_start3A_1472] : memref<2x25x80xi32, #tpu.memory_space<vmem>> -> memref<1x1x80xi32, #tpu.memory_space<vmem>>
      %dma_start3A_1474 = tpu.memref_squeeze %dma_start3A_1473 : memref<1x1x80xi32, #tpu.memory_space<vmem>> -> memref<80xi32, #tpu.memory_space<vmem>>
      %dma_start3A_1475 = arith.constant 0 : i32
      %dma_start3A_1476 = arith.constant 0 : i32
      %dma_start3A_1477 = tpu.memref_slice %arg2[%dma_start3A_1475, %dma_start3A_1476] : memref<20000x128xf32, #tpu.memory_space<hbm>> -> memref<20000x128xf32, #tpu.memory_space<hbm>>
      tpu.enqueue_indirect_dma source(%dma_start3A_1477 : memref<20000x128xf32, #tpu.memory_space<hbm>>) target(%arg9 : memref<80x128xf32, #tpu.memory_space<vmem>>) offsets(%dma_start3A_1474 : memref<80xi32, #tpu.memory_space<vmem>>) semaphore(%arg22 : memref<!tpu.dma_semaphore, #tpu.memory_space<semaphore_mem>>)
      %dma_wait3A_1478 = arith.constant 0 : i32
      %dma_wait3A_1479 = arith.constant 21 : i32
      %dma_wait3A_1480 = arith.constant 0 : i32
      %dma_wait3A_1481 = tpu.memref_slice %arg11[%dma_wait3A_1478, %dma_wait3A_1479, %dma_wait3A_1480] : memref<2x25x80xi32, #tpu.memory_space<vmem>> -> memref<1x1x80xi32, #tpu.memory_space<vmem>>
      %dma_wait3A_1482 = tpu.memref_squeeze %dma_wait3A_1481 : memref<1x1x80xi32, #tpu.memory_space<vmem>> -> memref<80xi32, #tpu.memory_space<vmem>>
      %dma_wait3A_1483 = arith.constant 0 : i32
      %dma_wait3A_1484 = arith.constant 0 : i32
      %dma_wait3A_1485 = tpu.memref_slice %arg2[%dma_wait3A_1483, %dma_wait3A_1484] : memref<20000x128xf32, #tpu.memory_space<hbm>> -> memref<20000x128xf32, #tpu.memory_space<hbm>>
      tpu.wait_indirect_dma semaphore(%arg21 : memref<!tpu.dma_semaphore, #tpu.memory_space<semaphore_mem>>) src(%dma_wait3A_1485 : memref<20000x128xf32, #tpu.memory_space<hbm>>) dst(%arg8 : memref<80x128xf32, #tpu.memory_space<vmem>>)
      %dma_start3A_1486 = arith.constant 1 : i32
      %dma_start3A_1487 = arith.constant 21 : i32
      %dma_start3A_1488 = arith.constant 0 : i32
      %dma_start3A_1489 = tpu.memref_slice %arg11[%dma_start3A_1486, %dma_start3A_1487, %dma_start3A_1488] : memref<2x25x80xi32, #tpu.memory_space<vmem>> -> memref<1x1x80xi32, #tpu.memory_space<vmem>>
      %dma_start3A_1490 = tpu.memref_squeeze %dma_start3A_1489 : memref<1x1x80xi32, #tpu.memory_space<vmem>> -> memref<80xi32, #tpu.memory_space<vmem>>
      %dma_start3A_1491 = arith.constant 0 : i32
      %dma_start3A_1492 = arith.constant 0 : i32
      %dma_start3A_1493 = tpu.memref_slice %arg17[%dma_start3A_1491, %dma_start3A_1492] : memref<10000x128xf32, #tpu.memory_space<vmem_shared>> -> memref<10000x128xf32, #tpu.memory_space<vmem_shared>>
      tpu.enqueue_indirect_dma source(%arg8 : memref<80x128xf32, #tpu.memory_space<vmem>>) target(%dma_start3A_1493 : memref<10000x128xf32, #tpu.memory_space<vmem_shared>>) offsets(%dma_start3A_1490 : memref<80xi32, #tpu.memory_space<vmem>>) semaphore(%arg24 : memref<!tpu.dma_semaphore, #tpu.memory_space<semaphore_mem>>) {add = true}
      %dma_start3A_1494 = arith.constant 1 : i32
      %dma_start3A_1495 = arith.constant 21 : i32
      %dma_start3A_1496 = arith.constant 0 : i32
      %dma_start3A_1497 = tpu.memref_slice %arg16[%dma_start3A_1496] : memref<128xf32, #tpu.memory_space<vmem>> -> memref<80xf32, #tpu.memory_space<vmem>>
      %dma_start3A_1498 = arith.constant 0 : i32
      %dma_start3A_1499 = tpu.memref_slice %arg11[%dma_start3A_1494, %dma_start3A_1495, %dma_start3A_1498] : memref<2x25x80xi32, #tpu.memory_space<vmem>> -> memref<1x1x80xi32, #tpu.memory_space<vmem>>
      %dma_start3A_1500 = tpu.memref_squeeze %dma_start3A_1499 : memref<1x1x80xi32, #tpu.memory_space<vmem>> -> memref<80xi32, #tpu.memory_space<vmem>>
      %dma_start3A_1501 = arith.constant 0 : i32
      %dma_start3A_1502 = tpu.memref_slice %arg18[%dma_start3A_1501] : memref<10240xf32, #tpu.memory_space<vmem_shared>> -> memref<10240xf32, #tpu.memory_space<vmem_shared>>
      tpu.enqueue_indirect_dma source(%dma_start3A_1497 : memref<80xf32, #tpu.memory_space<vmem>>) target(%dma_start3A_1502 : memref<10240xf32, #tpu.memory_space<vmem_shared>>) offsets(%dma_start3A_1500 : memref<80xi32, #tpu.memory_space<vmem>>) semaphore(%arg27 : memref<!tpu.dma_semaphore, #tpu.memory_space<semaphore_mem>>) {add = true}
      %dma_wait3A_1503 = arith.constant 1 : i32
      %dma_wait3A_1504 = arith.constant 20 : i32
      %dma_wait3A_1505 = arith.constant 0 : i32
      %dma_wait3A_1506 = tpu.memref_slice %arg11[%dma_wait3A_1503, %dma_wait3A_1504, %dma_wait3A_1505] : memref<2x25x80xi32, #tpu.memory_space<vmem>> -> memref<1x1x80xi32, #tpu.memory_space<vmem>>
      %dma_wait3A_1507 = tpu.memref_squeeze %dma_wait3A_1506 : memref<1x1x80xi32, #tpu.memory_space<vmem>> -> memref<80xi32, #tpu.memory_space<vmem>>
      %dma_wait3A_1508 = arith.constant 0 : i32
      %dma_wait3A_1509 = arith.constant 0 : i32
      %dma_wait3A_1510 = tpu.memref_slice %arg17[%dma_wait3A_1508, %dma_wait3A_1509] : memref<10000x128xf32, #tpu.memory_space<vmem_shared>> -> memref<10000x128xf32, #tpu.memory_space<vmem_shared>>
      tpu.wait_indirect_dma semaphore(%arg26 : memref<!tpu.dma_semaphore, #tpu.memory_space<semaphore_mem>>) src(%arg10 : memref<80x128xf32, #tpu.memory_space<vmem>>) dst(%dma_wait3A_1510 : memref<10000x128xf32, #tpu.memory_space<vmem_shared>>)
      %dma_start3A_1511 = arith.constant 0 : i32
      %dma_start3A_1512 = arith.constant 23 : i32
      %dma_start3A_1513 = arith.constant 0 : i32
      %dma_start3A_1514 = tpu.memref_slice %arg11[%dma_start3A_1511, %dma_start3A_1512, %dma_start3A_1513] : memref<2x25x80xi32, #tpu.memory_space<vmem>> -> memref<1x1x80xi32, #tpu.memory_space<vmem>>
      %dma_start3A_1515 = tpu.memref_squeeze %dma_start3A_1514 : memref<1x1x80xi32, #tpu.memory_space<vmem>> -> memref<80xi32, #tpu.memory_space<vmem>>
      %dma_start3A_1516 = arith.constant 0 : i32
      %dma_start3A_1517 = arith.constant 0 : i32
      %dma_start3A_1518 = tpu.memref_slice %arg2[%dma_start3A_1516, %dma_start3A_1517] : memref<20000x128xf32, #tpu.memory_space<hbm>> -> memref<20000x128xf32, #tpu.memory_space<hbm>>
      tpu.enqueue_indirect_dma source(%dma_start3A_1518 : memref<20000x128xf32, #tpu.memory_space<hbm>>) target(%arg10 : memref<80x128xf32, #tpu.memory_space<vmem>>) offsets(%dma_start3A_1515 : memref<80xi32, #tpu.memory_space<vmem>>) semaphore(%arg23 : memref<!tpu.dma_semaphore, #tpu.memory_space<semaphore_mem>>)
      %dma_wait3A_1519 = arith.constant 0 : i32
      %dma_wait3A_1520 = arith.constant 22 : i32
      %dma_wait3A_1521 = arith.constant 0 : i32
      %dma_wait3A_1522 = tpu.memref_slice %arg11[%dma_wait3A_1519, %dma_wait3A_1520, %dma_wait3A_1521] : memref<2x25x80xi32, #tpu.memory_space<vmem>> -> memref<1x1x80xi32, #tpu.memory_space<vmem>>
      %dma_wait3A_1523 = tpu.memref_squeeze %dma_wait3A_1522 : memref<1x1x80xi32, #tpu.memory_space<vmem>> -> memref<80xi32, #tpu.memory_space<vmem>>
      %dma_wait3A_1524 = arith.constant 0 : i32
      %dma_wait3A_1525 = arith.constant 0 : i32
      %dma_wait3A_1526 = tpu.memref_slice %arg2[%dma_wait3A_1524, %dma_wait3A_1525] : memref<20000x128xf32, #tpu.memory_space<hbm>> -> memref<20000x128xf32, #tpu.memory_space<hbm>>
      tpu.wait_indirect_dma semaphore(%arg22 : memref<!tpu.dma_semaphore, #tpu.memory_space<semaphore_mem>>) src(%dma_wait3A_1526 : memref<20000x128xf32, #tpu.memory_space<hbm>>) dst(%arg9 : memref<80x128xf32, #tpu.memory_space<vmem>>)
      %dma_start3A_1527 = arith.constant 1 : i32
      %dma_start3A_1528 = arith.constant 22 : i32
      %dma_start3A_1529 = arith.constant 0 : i32
      %dma_start3A_1530 = tpu.memref_slice %arg11[%dma_start3A_1527, %dma_start3A_1528, %dma_start3A_1529] : memref<2x25x80xi32, #tpu.memory_space<vmem>> -> memref<1x1x80xi32, #tpu.memory_space<vmem>>
      %dma_start3A_1531 = tpu.memref_squeeze %dma_start3A_1530 : memref<1x1x80xi32, #tpu.memory_space<vmem>> -> memref<80xi32, #tpu.memory_space<vmem>>
      %dma_start3A_1532 = arith.constant 0 : i32
      %dma_start3A_1533 = arith.constant 0 : i32
      %dma_start3A_1534 = tpu.memref_slice %arg17[%dma_start3A_1532, %dma_start3A_1533] : memref<10000x128xf32, #tpu.memory_space<vmem_shared>> -> memref<10000x128xf32, #tpu.memory_space<vmem_shared>>
      tpu.enqueue_indirect_dma source(%arg9 : memref<80x128xf32, #tpu.memory_space<vmem>>) target(%dma_start3A_1534 : memref<10000x128xf32, #tpu.memory_space<vmem_shared>>) offsets(%dma_start3A_1531 : memref<80xi32, #tpu.memory_space<vmem>>) semaphore(%arg25 : memref<!tpu.dma_semaphore, #tpu.memory_space<semaphore_mem>>) {add = true}
      %dma_start3A_1535 = arith.constant 1 : i32
      %dma_start3A_1536 = arith.constant 22 : i32
      %dma_start3A_1537 = arith.constant 0 : i32
      %dma_start3A_1538 = tpu.memref_slice %arg16[%dma_start3A_1537] : memref<128xf32, #tpu.memory_space<vmem>> -> memref<80xf32, #tpu.memory_space<vmem>>
      %dma_start3A_1539 = arith.constant 0 : i32
      %dma_start3A_1540 = tpu.memref_slice %arg11[%dma_start3A_1535, %dma_start3A_1536, %dma_start3A_1539] : memref<2x25x80xi32, #tpu.memory_space<vmem>> -> memref<1x1x80xi32, #tpu.memory_space<vmem>>
      %dma_start3A_1541 = tpu.memref_squeeze %dma_start3A_1540 : memref<1x1x80xi32, #tpu.memory_space<vmem>> -> memref<80xi32, #tpu.memory_space<vmem>>
      %dma_start3A_1542 = arith.constant 0 : i32
      %dma_start3A_1543 = tpu.memref_slice %arg18[%dma_start3A_1542] : memref<10240xf32, #tpu.memory_space<vmem_shared>> -> memref<10240xf32, #tpu.memory_space<vmem_shared>>
      tpu.enqueue_indirect_dma source(%dma_start3A_1538 : memref<80xf32, #tpu.memory_space<vmem>>) target(%dma_start3A_1543 : memref<10240xf32, #tpu.memory_space<vmem_shared>>) offsets(%dma_start3A_1541 : memref<80xi32, #tpu.memory_space<vmem>>) semaphore(%arg27 : memref<!tpu.dma_semaphore, #tpu.memory_space<semaphore_mem>>) {add = true}
      %dma_wait3A_1544 = arith.constant 1 : i32
      %dma_wait3A_1545 = arith.constant 21 : i32
      %dma_wait3A_1546 = arith.constant 0 : i32
      %dma_wait3A_1547 = tpu.memref_slice %arg11[%dma_wait3A_1544, %dma_wait3A_1545, %dma_wait3A_1546] : memref<2x25x80xi32, #tpu.memory_space<vmem>> -> memref<1x1x80xi32, #tpu.memory_space<vmem>>
      %dma_wait3A_1548 = tpu.memref_squeeze %dma_wait3A_1547 : memref<1x1x80xi32, #tpu.memory_space<vmem>> -> memref<80xi32, #tpu.memory_space<vmem>>
      %dma_wait3A_1549 = arith.constant 0 : i32
      %dma_wait3A_1550 = arith.constant 0 : i32
      %dma_wait3A_1551 = tpu.memref_slice %arg17[%dma_wait3A_1549, %dma_wait3A_1550] : memref<10000x128xf32, #tpu.memory_space<vmem_shared>> -> memref<10000x128xf32, #tpu.memory_space<vmem_shared>>
      tpu.wait_indirect_dma semaphore(%arg24 : memref<!tpu.dma_semaphore, #tpu.memory_space<semaphore_mem>>) src(%arg8 : memref<80x128xf32, #tpu.memory_space<vmem>>) dst(%dma_wait3A_1551 : memref<10000x128xf32, #tpu.memory_space<vmem_shared>>)
      %dma_start3A_1552 = arith.constant 0 : i32
      %dma_start3A_1553 = arith.constant 24 : i32
      %dma_start3A_1554 = arith.constant 0 : i32
      %dma_start3A_1555 = tpu.memref_slice %arg11[%dma_start3A_1552, %dma_start3A_1553, %dma_start3A_1554] : memref<2x25x80xi32, #tpu.memory_space<vmem>> -> memref<1x1x80xi32, #tpu.memory_space<vmem>>
      %dma_start3A_1556 = tpu.memref_squeeze %dma_start3A_1555 : memref<1x1x80xi32, #tpu.memory_space<vmem>> -> memref<80xi32, #tpu.memory_space<vmem>>
      %dma_start3A_1557 = arith.constant 0 : i32
      %dma_start3A_1558 = arith.constant 0 : i32
      %dma_start3A_1559 = tpu.memref_slice %arg2[%dma_start3A_1557, %dma_start3A_1558] : memref<20000x128xf32, #tpu.memory_space<hbm>> -> memref<20000x128xf32, #tpu.memory_space<hbm>>
      tpu.enqueue_indirect_dma source(%dma_start3A_1559 : memref<20000x128xf32, #tpu.memory_space<hbm>>) target(%arg8 : memref<80x128xf32, #tpu.memory_space<vmem>>) offsets(%dma_start3A_1556 : memref<80xi32, #tpu.memory_space<vmem>>) semaphore(%arg21 : memref<!tpu.dma_semaphore, #tpu.memory_space<semaphore_mem>>)
      %dma_wait3A_1560 = arith.constant 0 : i32
      %dma_wait3A_1561 = arith.constant 23 : i32
      %dma_wait3A_1562 = arith.constant 0 : i32
      %dma_wait3A_1563 = tpu.memref_slice %arg11[%dma_wait3A_1560, %dma_wait3A_1561, %dma_wait3A_1562] : memref<2x25x80xi32, #tpu.memory_space<vmem>> -> memref<1x1x80xi32, #tpu.memory_space<vmem>>
      %dma_wait3A_1564 = tpu.memref_squeeze %dma_wait3A_1563 : memref<1x1x80xi32, #tpu.memory_space<vmem>> -> memref<80xi32, #tpu.memory_space<vmem>>
      %dma_wait3A_1565 = arith.constant 0 : i32
      %dma_wait3A_1566 = arith.constant 0 : i32
      %dma_wait3A_1567 = tpu.memref_slice %arg2[%dma_wait3A_1565, %dma_wait3A_1566] : memref<20000x128xf32, #tpu.memory_space<hbm>> -> memref<20000x128xf32, #tpu.memory_space<hbm>>
      tpu.wait_indirect_dma semaphore(%arg23 : memref<!tpu.dma_semaphore, #tpu.memory_space<semaphore_mem>>) src(%dma_wait3A_1567 : memref<20000x128xf32, #tpu.memory_space<hbm>>) dst(%arg10 : memref<80x128xf32, #tpu.memory_space<vmem>>)
      %dma_start3A_1568 = arith.constant 1 : i32
      %dma_start3A_1569 = arith.constant 23 : i32
      %dma_start3A_1570 = arith.constant 0 : i32
      %dma_start3A_1571 = tpu.memref_slice %arg11[%dma_start3A_1568, %dma_start3A_1569, %dma_start3A_1570] : memref<2x25x80xi32, #tpu.memory_space<vmem>> -> memref<1x1x80xi32, #tpu.memory_space<vmem>>
      %dma_start3A_1572 = tpu.memref_squeeze %dma_start3A_1571 : memref<1x1x80xi32, #tpu.memory_space<vmem>> -> memref<80xi32, #tpu.memory_space<vmem>>
      %dma_start3A_1573 = arith.constant 0 : i32
      %dma_start3A_1574 = arith.constant 0 : i32
      %dma_start3A_1575 = tpu.memref_slice %arg17[%dma_start3A_1573, %dma_start3A_1574] : memref<10000x128xf32, #tpu.memory_space<vmem_shared>> -> memref<10000x128xf32, #tpu.memory_space<vmem_shared>>
      tpu.enqueue_indirect_dma source(%arg10 : memref<80x128xf32, #tpu.memory_space<vmem>>) target(%dma_start3A_1575 : memref<10000x128xf32, #tpu.memory_space<vmem_shared>>) offsets(%dma_start3A_1572 : memref<80xi32, #tpu.memory_space<vmem>>) semaphore(%arg26 : memref<!tpu.dma_semaphore, #tpu.memory_space<semaphore_mem>>) {add = true}
      %dma_start3A_1576 = arith.constant 1 : i32
      %dma_start3A_1577 = arith.constant 23 : i32
      %dma_start3A_1578 = arith.constant 0 : i32
      %dma_start3A_1579 = tpu.memref_slice %arg16[%dma_start3A_1578] : memref<128xf32, #tpu.memory_space<vmem>> -> memref<80xf32, #tpu.memory_space<vmem>>
      %dma_start3A_1580 = arith.constant 0 : i32
      %dma_start3A_1581 = tpu.memref_slice %arg11[%dma_start3A_1576, %dma_start3A_1577, %dma_start3A_1580] : memref<2x25x80xi32, #tpu.memory_space<vmem>> -> memref<1x1x80xi32, #tpu.memory_space<vmem>>
      %dma_start3A_1582 = tpu.memref_squeeze %dma_start3A_1581 : memref<1x1x80xi32, #tpu.memory_space<vmem>> -> memref<80xi32, #tpu.memory_space<vmem>>
      %dma_start3A_1583 = arith.constant 0 : i32
      %dma_start3A_1584 = tpu.memref_slice %arg18[%dma_start3A_1583] : memref<10240xf32, #tpu.memory_space<vmem_shared>> -> memref<10240xf32, #tpu.memory_space<vmem_shared>>
      tpu.enqueue_indirect_dma source(%dma_start3A_1579 : memref<80xf32, #tpu.memory_space<vmem>>) target(%dma_start3A_1584 : memref<10240xf32, #tpu.memory_space<vmem_shared>>) offsets(%dma_start3A_1582 : memref<80xi32, #tpu.memory_space<vmem>>) semaphore(%arg27 : memref<!tpu.dma_semaphore, #tpu.memory_space<semaphore_mem>>) {add = true}
      %dma_wait3A_1585 = arith.constant 0 : i32
      %dma_wait3A_1586 = arith.constant 24 : i32
      %dma_wait3A_1587 = arith.constant 0 : i32
      %dma_wait3A_1588 = tpu.memref_slice %arg11[%dma_wait3A_1585, %dma_wait3A_1586, %dma_wait3A_1587] : memref<2x25x80xi32, #tpu.memory_space<vmem>> -> memref<1x1x80xi32, #tpu.memory_space<vmem>>
      %dma_wait3A_1589 = tpu.memref_squeeze %dma_wait3A_1588 : memref<1x1x80xi32, #tpu.memory_space<vmem>> -> memref<80xi32, #tpu.memory_space<vmem>>
      %dma_wait3A_1590 = arith.constant 0 : i32
      %dma_wait3A_1591 = arith.constant 0 : i32
      %dma_wait3A_1592 = tpu.memref_slice %arg2[%dma_wait3A_1590, %dma_wait3A_1591] : memref<20000x128xf32, #tpu.memory_space<hbm>> -> memref<20000x128xf32, #tpu.memory_space<hbm>>
      tpu.wait_indirect_dma semaphore(%arg21 : memref<!tpu.dma_semaphore, #tpu.memory_space<semaphore_mem>>) src(%dma_wait3A_1592 : memref<20000x128xf32, #tpu.memory_space<hbm>>) dst(%arg8 : memref<80x128xf32, #tpu.memory_space<vmem>>)
      %dma_start3A_1593 = arith.constant 1 : i32
      %dma_start3A_1594 = arith.constant 24 : i32
      %dma_start3A_1595 = arith.constant 0 : i32
      %dma_start3A_1596 = tpu.memref_slice %arg11[%dma_start3A_1593, %dma_start3A_1594, %dma_start3A_1595] : memref<2x25x80xi32, #tpu.memory_space<vmem>> -> memref<1x1x80xi32, #tpu.memory_space<vmem>>
      %dma_start3A_1597 = tpu.memref_squeeze %dma_start3A_1596 : memref<1x1x80xi32, #tpu.memory_space<vmem>> -> memref<80xi32, #tpu.memory_space<vmem>>
      %dma_start3A_1598 = arith.constant 0 : i32
      %dma_start3A_1599 = arith.constant 0 : i32
      %dma_start3A_1600 = tpu.memref_slice %arg17[%dma_start3A_1598, %dma_start3A_1599] : memref<10000x128xf32, #tpu.memory_space<vmem_shared>> -> memref<10000x128xf32, #tpu.memory_space<vmem_shared>>
      tpu.enqueue_indirect_dma source(%arg8 : memref<80x128xf32, #tpu.memory_space<vmem>>) target(%dma_start3A_1600 : memref<10000x128xf32, #tpu.memory_space<vmem_shared>>) offsets(%dma_start3A_1597 : memref<80xi32, #tpu.memory_space<vmem>>) semaphore(%arg24 : memref<!tpu.dma_semaphore, #tpu.memory_space<semaphore_mem>>) {add = true}
      %dma_start3A_1601 = arith.constant 1 : i32
      %dma_start3A_1602 = arith.constant 24 : i32
      %dma_start3A_1603 = arith.constant 0 : i32
      %dma_start3A_1604 = tpu.memref_slice %arg16[%dma_start3A_1603] : memref<128xf32, #tpu.memory_space<vmem>> -> memref<80xf32, #tpu.memory_space<vmem>>
      %dma_start3A_1605 = arith.constant 0 : i32
      %dma_start3A_1606 = tpu.memref_slice %arg11[%dma_start3A_1601, %dma_start3A_1602, %dma_start3A_1605] : memref<2x25x80xi32, #tpu.memory_space<vmem>> -> memref<1x1x80xi32, #tpu.memory_space<vmem>>
      %dma_start3A_1607 = tpu.memref_squeeze %dma_start3A_1606 : memref<1x1x80xi32, #tpu.memory_space<vmem>> -> memref<80xi32, #tpu.memory_space<vmem>>
      %dma_start3A_1608 = arith.constant 0 : i32
      %dma_start3A_1609 = tpu.memref_slice %arg18[%dma_start3A_1608] : memref<10240xf32, #tpu.memory_space<vmem_shared>> -> memref<10240xf32, #tpu.memory_space<vmem_shared>>
      tpu.enqueue_indirect_dma source(%dma_start3A_1604 : memref<80xf32, #tpu.memory_space<vmem>>) target(%dma_start3A_1609 : memref<10240xf32, #tpu.memory_space<vmem_shared>>) offsets(%dma_start3A_1607 : memref<80xi32, #tpu.memory_space<vmem>>) semaphore(%arg27 : memref<!tpu.dma_semaphore, #tpu.memory_space<semaphore_mem>>) {add = true}
      %dma_wait3A_1610 = arith.constant 1 : i32
      %dma_wait3A_1611 = arith.constant 22 : i32
      %dma_wait3A_1612 = arith.constant 0 : i32
      %dma_wait3A_1613 = tpu.memref_slice %arg11[%dma_wait3A_1610, %dma_wait3A_1611, %dma_wait3A_1612] : memref<2x25x80xi32, #tpu.memory_space<vmem>> -> memref<1x1x80xi32, #tpu.memory_space<vmem>>
      %dma_wait3A_1614 = tpu.memref_squeeze %dma_wait3A_1613 : memref<1x1x80xi32, #tpu.memory_space<vmem>> -> memref<80xi32, #tpu.memory_space<vmem>>
      %dma_wait3A_1615 = arith.constant 0 : i32
      %dma_wait3A_1616 = arith.constant 0 : i32
      %dma_wait3A_1617 = tpu.memref_slice %arg17[%dma_wait3A_1615, %dma_wait3A_1616] : memref<10000x128xf32, #tpu.memory_space<vmem_shared>> -> memref<10000x128xf32, #tpu.memory_space<vmem_shared>>
      tpu.wait_indirect_dma semaphore(%arg25 : memref<!tpu.dma_semaphore, #tpu.memory_space<semaphore_mem>>) src(%arg9 : memref<80x128xf32, #tpu.memory_space<vmem>>) dst(%dma_wait3A_1617 : memref<10000x128xf32, #tpu.memory_space<vmem_shared>>)
      %dma_wait3A_1618 = arith.constant 1 : i32
      %dma_wait3A_1619 = arith.constant 23 : i32
      %dma_wait3A_1620 = arith.constant 0 : i32
      %dma_wait3A_1621 = tpu.memref_slice %arg11[%dma_wait3A_1618, %dma_wait3A_1619, %dma_wait3A_1620] : memref<2x25x80xi32, #tpu.memory_space<vmem>> -> memref<1x1x80xi32, #tpu.memory_space<vmem>>
      %dma_wait3A_1622 = tpu.memref_squeeze %dma_wait3A_1621 : memref<1x1x80xi32, #tpu.memory_space<vmem>> -> memref<80xi32, #tpu.memory_space<vmem>>
      %dma_wait3A_1623 = arith.constant 0 : i32
      %dma_wait3A_1624 = arith.constant 0 : i32
      %dma_wait3A_1625 = tpu.memref_slice %arg17[%dma_wait3A_1623, %dma_wait3A_1624] : memref<10000x128xf32, #tpu.memory_space<vmem_shared>> -> memref<10000x128xf32, #tpu.memory_space<vmem_shared>>
      tpu.wait_indirect_dma semaphore(%arg26 : memref<!tpu.dma_semaphore, #tpu.memory_space<semaphore_mem>>) src(%arg10 : memref<80x128xf32, #tpu.memory_space<vmem>>) dst(%dma_wait3A_1625 : memref<10000x128xf32, #tpu.memory_space<vmem_shared>>)
      %dma_wait3A_1626 = arith.constant 1 : i32
      %dma_wait3A_1627 = arith.constant 24 : i32
      %dma_wait3A_1628 = arith.constant 0 : i32
      %dma_wait3A_1629 = tpu.memref_slice %arg11[%dma_wait3A_1626, %dma_wait3A_1627, %dma_wait3A_1628] : memref<2x25x80xi32, #tpu.memory_space<vmem>> -> memref<1x1x80xi32, #tpu.memory_space<vmem>>
      %dma_wait3A_1630 = tpu.memref_squeeze %dma_wait3A_1629 : memref<1x1x80xi32, #tpu.memory_space<vmem>> -> memref<80xi32, #tpu.memory_space<vmem>>
      %dma_wait3A_1631 = arith.constant 0 : i32
      %dma_wait3A_1632 = arith.constant 0 : i32
      %dma_wait3A_1633 = tpu.memref_slice %arg17[%dma_wait3A_1631, %dma_wait3A_1632] : memref<10000x128xf32, #tpu.memory_space<vmem_shared>> -> memref<10000x128xf32, #tpu.memory_space<vmem_shared>>
      tpu.wait_indirect_dma semaphore(%arg24 : memref<!tpu.dma_semaphore, #tpu.memory_space<semaphore_mem>>) src(%arg8 : memref<80x128xf32, #tpu.memory_space<vmem>>) dst(%dma_wait3A_1633 : memref<10000x128xf32, #tpu.memory_space<vmem_shared>>)
      %dma_wait3A_1634 = arith.constant 1 : i32
      %dma_wait3A_1635 = arith.constant 0 : i32
      %dma_wait3A_1636 = arith.constant 0 : i32
      %dma_wait3A_1637 = tpu.memref_slice %arg16[%dma_wait3A_1636] : memref<128xf32, #tpu.memory_space<vmem>> -> memref<80xf32, #tpu.memory_space<vmem>>
      %dma_wait3A_1638 = arith.constant 0 : i32
      %dma_wait3A_1639 = tpu.memref_slice %arg11[%dma_wait3A_1634, %dma_wait3A_1635, %dma_wait3A_1638] : memref<2x25x80xi32, #tpu.memory_space<vmem>> -> memref<1x1x80xi32, #tpu.memory_space<vmem>>
      %dma_wait3A_1640 = tpu.memref_squeeze %dma_wait3A_1639 : memref<1x1x80xi32, #tpu.memory_space<vmem>> -> memref<80xi32, #tpu.memory_space<vmem>>
      %dma_wait3A_1641 = arith.constant 0 : i32
      %dma_wait3A_1642 = tpu.memref_slice %arg18[%dma_wait3A_1641] : memref<10240xf32, #tpu.memory_space<vmem_shared>> -> memref<10240xf32, #tpu.memory_space<vmem_shared>>
      tpu.wait_indirect_dma semaphore(%arg27 : memref<!tpu.dma_semaphore, #tpu.memory_space<semaphore_mem>>) src(%dma_wait3A_1637 : memref<80xf32, #tpu.memory_space<vmem>>) dst(%dma_wait3A_1642 : memref<10240xf32, #tpu.memory_space<vmem_shared>>)
      %dma_wait3A_1643 = arith.constant 1 : i32
      %dma_wait3A_1644 = arith.constant 1 : i32
      %dma_wait3A_1645 = arith.constant 0 : i32
      %dma_wait3A_1646 = tpu.memref_slice %arg16[%dma_wait3A_1645] : memref<128xf32, #tpu.memory_space<vmem>> -> memref<80xf32, #tpu.memory_space<vmem>>
      %dma_wait3A_1647 = arith.constant 0 : i32
      %dma_wait3A_1648 = tpu.memref_slice %arg11[%dma_wait3A_1643, %dma_wait3A_1644, %dma_wait3A_1647] : memref<2x25x80xi32, #tpu.memory_space<vmem>> -> memref<1x1x80xi32, #tpu.memory_space<vmem>>
      %dma_wait3A_1649 = tpu.memref_squeeze %dma_wait3A_1648 : memref<1x1x80xi32, #tpu.memory_space<vmem>> -> memref<80xi32, #tpu.memory_space<vmem>>
      %dma_wait3A_1650 = arith.constant 0 : i32
      %dma_wait3A_1651 = tpu.memref_slice %arg18[%dma_wait3A_1650] : memref<10240xf32, #tpu.memory_space<vmem_shared>> -> memref<10240xf32, #tpu.memory_space<vmem_shared>>
      tpu.wait_indirect_dma semaphore(%arg27 : memref<!tpu.dma_semaphore, #tpu.memory_space<semaphore_mem>>) src(%dma_wait3A_1646 : memref<80xf32, #tpu.memory_space<vmem>>) dst(%dma_wait3A_1651 : memref<10240xf32, #tpu.memory_space<vmem_shared>>)
      %dma_wait3A_1652 = arith.constant 1 : i32
      %dma_wait3A_1653 = arith.constant 2 : i32
      %dma_wait3A_1654 = arith.constant 0 : i32
      %dma_wait3A_1655 = tpu.memref_slice %arg16[%dma_wait3A_1654] : memref<128xf32, #tpu.memory_space<vmem>> -> memref<80xf32, #tpu.memory_space<vmem>>
      %dma_wait3A_1656 = arith.constant 0 : i32
      %dma_wait3A_1657 = tpu.memref_slice %arg11[%dma_wait3A_1652, %dma_wait3A_1653, %dma_wait3A_1656] : memref<2x25x80xi32, #tpu.memory_space<vmem>> -> memref<1x1x80xi32, #tpu.memory_space<vmem>>
      %dma_wait3A_1658 = tpu.memref_squeeze %dma_wait3A_1657 : memref<1x1x80xi32, #tpu.memory_space<vmem>> -> memref<80xi32, #tpu.memory_space<vmem>>
      %dma_wait3A_1659 = arith.constant 0 : i32
      %dma_wait3A_1660 = tpu.memref_slice %arg18[%dma_wait3A_1659] : memref<10240xf32, #tpu.memory_space<vmem_shared>> -> memref<10240xf32, #tpu.memory_space<vmem_shared>>
      tpu.wait_indirect_dma semaphore(%arg27 : memref<!tpu.dma_semaphore, #tpu.memory_space<semaphore_mem>>) src(%dma_wait3A_1655 : memref<80xf32, #tpu.memory_space<vmem>>) dst(%dma_wait3A_1660 : memref<10240xf32, #tpu.memory_space<vmem_shared>>)
      %dma_wait3A_1661 = arith.constant 1 : i32
      %dma_wait3A_1662 = arith.constant 3 : i32
      %dma_wait3A_1663 = arith.constant 0 : i32
      %dma_wait3A_1664 = tpu.memref_slice %arg16[%dma_wait3A_1663] : memref<128xf32, #tpu.memory_space<vmem>> -> memref<80xf32, #tpu.memory_space<vmem>>
      %dma_wait3A_1665 = arith.constant 0 : i32
      %dma_wait3A_1666 = tpu.memref_slice %arg11[%dma_wait3A_1661, %dma_wait3A_1662, %dma_wait3A_1665] : memref<2x25x80xi32, #tpu.memory_space<vmem>> -> memref<1x1x80xi32, #tpu.memory_space<vmem>>
      %dma_wait3A_1667 = tpu.memref_squeeze %dma_wait3A_1666 : memref<1x1x80xi32, #tpu.memory_space<vmem>> -> memref<80xi32, #tpu.memory_space<vmem>>
      %dma_wait3A_1668 = arith.constant 0 : i32
      %dma_wait3A_1669 = tpu.memref_slice %arg18[%dma_wait3A_1668] : memref<10240xf32, #tpu.memory_space<vmem_shared>> -> memref<10240xf32, #tpu.memory_space<vmem_shared>>
      tpu.wait_indirect_dma semaphore(%arg27 : memref<!tpu.dma_semaphore, #tpu.memory_space<semaphore_mem>>) src(%dma_wait3A_1664 : memref<80xf32, #tpu.memory_space<vmem>>) dst(%dma_wait3A_1669 : memref<10240xf32, #tpu.memory_space<vmem_shared>>)
      %dma_wait3A_1670 = arith.constant 1 : i32
      %dma_wait3A_1671 = arith.constant 4 : i32
      %dma_wait3A_1672 = arith.constant 0 : i32
      %dma_wait3A_1673 = tpu.memref_slice %arg16[%dma_wait3A_1672] : memref<128xf32, #tpu.memory_space<vmem>> -> memref<80xf32, #tpu.memory_space<vmem>>
      %dma_wait3A_1674 = arith.constant 0 : i32
      %dma_wait3A_1675 = tpu.memref_slice %arg11[%dma_wait3A_1670, %dma_wait3A_1671, %dma_wait3A_1674] : memref<2x25x80xi32, #tpu.memory_space<vmem>> -> memref<1x1x80xi32, #tpu.memory_space<vmem>>
      %dma_wait3A_1676 = tpu.memref_squeeze %dma_wait3A_1675 : memref<1x1x80xi32, #tpu.memory_space<vmem>> -> memref<80xi32, #tpu.memory_space<vmem>>
      %dma_wait3A_1677 = arith.constant 0 : i32
      %dma_wait3A_1678 = tpu.memref_slice %arg18[%dma_wait3A_1677] : memref<10240xf32, #tpu.memory_space<vmem_shared>> -> memref<10240xf32, #tpu.memory_space<vmem_shared>>
      tpu.wait_indirect_dma semaphore(%arg27 : memref<!tpu.dma_semaphore, #tpu.memory_space<semaphore_mem>>) src(%dma_wait3A_1673 : memref<80xf32, #tpu.memory_space<vmem>>) dst(%dma_wait3A_1678 : memref<10240xf32, #tpu.memory_space<vmem_shared>>)
      %dma_wait3A_1679 = arith.constant 1 : i32
      %dma_wait3A_1680 = arith.constant 5 : i32
      %dma_wait3A_1681 = arith.constant 0 : i32
      %dma_wait3A_1682 = tpu.memref_slice %arg16[%dma_wait3A_1681] : memref<128xf32, #tpu.memory_space<vmem>> -> memref<80xf32, #tpu.memory_space<vmem>>
      %dma_wait3A_1683 = arith.constant 0 : i32
      %dma_wait3A_1684 = tpu.memref_slice %arg11[%dma_wait3A_1679, %dma_wait3A_1680, %dma_wait3A_1683] : memref<2x25x80xi32, #tpu.memory_space<vmem>> -> memref<1x1x80xi32, #tpu.memory_space<vmem>>
      %dma_wait3A_1685 = tpu.memref_squeeze %dma_wait3A_1684 : memref<1x1x80xi32, #tpu.memory_space<vmem>> -> memref<80xi32, #tpu.memory_space<vmem>>
      %dma_wait3A_1686 = arith.constant 0 : i32
      %dma_wait3A_1687 = tpu.memref_slice %arg18[%dma_wait3A_1686] : memref<10240xf32, #tpu.memory_space<vmem_shared>> -> memref<10240xf32, #tpu.memory_space<vmem_shared>>
      tpu.wait_indirect_dma semaphore(%arg27 : memref<!tpu.dma_semaphore, #tpu.memory_space<semaphore_mem>>) src(%dma_wait3A_1682 : memref<80xf32, #tpu.memory_space<vmem>>) dst(%dma_wait3A_1687 : memref<10240xf32, #tpu.memory_space<vmem_shared>>)
      %dma_wait3A_1688 = arith.constant 1 : i32
      %dma_wait3A_1689 = arith.constant 6 : i32
      %dma_wait3A_1690 = arith.constant 0 : i32
      %dma_wait3A_1691 = tpu.memref_slice %arg16[%dma_wait3A_1690] : memref<128xf32, #tpu.memory_space<vmem>> -> memref<80xf32, #tpu.memory_space<vmem>>
      %dma_wait3A_1692 = arith.constant 0 : i32
      %dma_wait3A_1693 = tpu.memref_slice %arg11[%dma_wait3A_1688, %dma_wait3A_1689, %dma_wait3A_1692] : memref<2x25x80xi32, #tpu.memory_space<vmem>> -> memref<1x1x80xi32, #tpu.memory_space<vmem>>
      %dma_wait3A_1694 = tpu.memref_squeeze %dma_wait3A_1693 : memref<1x1x80xi32, #tpu.memory_space<vmem>> -> memref<80xi32, #tpu.memory_space<vmem>>
      %dma_wait3A_1695 = arith.constant 0 : i32
      %dma_wait3A_1696 = tpu.memref_slice %arg18[%dma_wait3A_1695] : memref<10240xf32, #tpu.memory_space<vmem_shared>> -> memref<10240xf32, #tpu.memory_space<vmem_shared>>
      tpu.wait_indirect_dma semaphore(%arg27 : memref<!tpu.dma_semaphore, #tpu.memory_space<semaphore_mem>>) src(%dma_wait3A_1691 : memref<80xf32, #tpu.memory_space<vmem>>) dst(%dma_wait3A_1696 : memref<10240xf32, #tpu.memory_space<vmem_shared>>)
      %dma_wait3A_1697 = arith.constant 1 : i32
      %dma_wait3A_1698 = arith.constant 7 : i32
      %dma_wait3A_1699 = arith.constant 0 : i32
      %dma_wait3A_1700 = tpu.memref_slice %arg16[%dma_wait3A_1699] : memref<128xf32, #tpu.memory_space<vmem>> -> memref<80xf32, #tpu.memory_space<vmem>>
      %dma_wait3A_1701 = arith.constant 0 : i32
      %dma_wait3A_1702 = tpu.memref_slice %arg11[%dma_wait3A_1697, %dma_wait3A_1698, %dma_wait3A_1701] : memref<2x25x80xi32, #tpu.memory_space<vmem>> -> memref<1x1x80xi32, #tpu.memory_space<vmem>>
      %dma_wait3A_1703 = tpu.memref_squeeze %dma_wait3A_1702 : memref<1x1x80xi32, #tpu.memory_space<vmem>> -> memref<80xi32, #tpu.memory_space<vmem>>
      %dma_wait3A_1704 = arith.constant 0 : i32
      %dma_wait3A_1705 = tpu.memref_slice %arg18[%dma_wait3A_1704] : memref<10240xf32, #tpu.memory_space<vmem_shared>> -> memref<10240xf32, #tpu.memory_space<vmem_shared>>
      tpu.wait_indirect_dma semaphore(%arg27 : memref<!tpu.dma_semaphore, #tpu.memory_space<semaphore_mem>>) src(%dma_wait3A_1700 : memref<80xf32, #tpu.memory_space<vmem>>) dst(%dma_wait3A_1705 : memref<10240xf32, #tpu.memory_space<vmem_shared>>)
      %dma_wait3A_1706 = arith.constant 1 : i32
      %dma_wait3A_1707 = arith.constant 8 : i32
      %dma_wait3A_1708 = arith.constant 0 : i32
      %dma_wait3A_1709 = tpu.memref_slice %arg16[%dma_wait3A_1708] : memref<128xf32, #tpu.memory_space<vmem>> -> memref<80xf32, #tpu.memory_space<vmem>>
      %dma_wait3A_1710 = arith.constant 0 : i32
      %dma_wait3A_1711 = tpu.memref_slice %arg11[%dma_wait3A_1706, %dma_wait3A_1707, %dma_wait3A_1710] : memref<2x25x80xi32, #tpu.memory_space<vmem>> -> memref<1x1x80xi32, #tpu.memory_space<vmem>>
      %dma_wait3A_1712 = tpu.memref_squeeze %dma_wait3A_1711 : memref<1x1x80xi32, #tpu.memory_space<vmem>> -> memref<80xi32, #tpu.memory_space<vmem>>
      %dma_wait3A_1713 = arith.constant 0 : i32
      %dma_wait3A_1714 = tpu.memref_slice %arg18[%dma_wait3A_1713] : memref<10240xf32, #tpu.memory_space<vmem_shared>> -> memref<10240xf32, #tpu.memory_space<vmem_shared>>
      tpu.wait_indirect_dma semaphore(%arg27 : memref<!tpu.dma_semaphore, #tpu.memory_space<semaphore_mem>>) src(%dma_wait3A_1709 : memref<80xf32, #tpu.memory_space<vmem>>) dst(%dma_wait3A_1714 : memref<10240xf32, #tpu.memory_space<vmem_shared>>)
      %dma_wait3A_1715 = arith.constant 1 : i32
      %dma_wait3A_1716 = arith.constant 9 : i32
      %dma_wait3A_1717 = arith.constant 0 : i32
      %dma_wait3A_1718 = tpu.memref_slice %arg16[%dma_wait3A_1717] : memref<128xf32, #tpu.memory_space<vmem>> -> memref<80xf32, #tpu.memory_space<vmem>>
      %dma_wait3A_1719 = arith.constant 0 : i32
      %dma_wait3A_1720 = tpu.memref_slice %arg11[%dma_wait3A_1715, %dma_wait3A_1716, %dma_wait3A_1719] : memref<2x25x80xi32, #tpu.memory_space<vmem>> -> memref<1x1x80xi32, #tpu.memory_space<vmem>>
      %dma_wait3A_1721 = tpu.memref_squeeze %dma_wait3A_1720 : memref<1x1x80xi32, #tpu.memory_space<vmem>> -> memref<80xi32, #tpu.memory_space<vmem>>
      %dma_wait3A_1722 = arith.constant 0 : i32
      %dma_wait3A_1723 = tpu.memref_slice %arg18[%dma_wait3A_1722] : memref<10240xf32, #tpu.memory_space<vmem_shared>> -> memref<10240xf32, #tpu.memory_space<vmem_shared>>
      tpu.wait_indirect_dma semaphore(%arg27 : memref<!tpu.dma_semaphore, #tpu.memory_space<semaphore_mem>>) src(%dma_wait3A_1718 : memref<80xf32, #tpu.memory_space<vmem>>) dst(%dma_wait3A_1723 : memref<10240xf32, #tpu.memory_space<vmem_shared>>)
      %dma_wait3A_1724 = arith.constant 1 : i32
      %dma_wait3A_1725 = arith.constant 10 : i32
      %dma_wait3A_1726 = arith.constant 0 : i32
      %dma_wait3A_1727 = tpu.memref_slice %arg16[%dma_wait3A_1726] : memref<128xf32, #tpu.memory_space<vmem>> -> memref<80xf32, #tpu.memory_space<vmem>>
      %dma_wait3A_1728 = arith.constant 0 : i32
      %dma_wait3A_1729 = tpu.memref_slice %arg11[%dma_wait3A_1724, %dma_wait3A_1725, %dma_wait3A_1728] : memref<2x25x80xi32, #tpu.memory_space<vmem>> -> memref<1x1x80xi32, #tpu.memory_space<vmem>>
      %dma_wait3A_1730 = tpu.memref_squeeze %dma_wait3A_1729 : memref<1x1x80xi32, #tpu.memory_space<vmem>> -> memref<80xi32, #tpu.memory_space<vmem>>
      %dma_wait3A_1731 = arith.constant 0 : i32
      %dma_wait3A_1732 = tpu.memref_slice %arg18[%dma_wait3A_1731] : memref<10240xf32, #tpu.memory_space<vmem_shared>> -> memref<10240xf32, #tpu.memory_space<vmem_shared>>
      tpu.wait_indirect_dma semaphore(%arg27 : memref<!tpu.dma_semaphore, #tpu.memory_space<semaphore_mem>>) src(%dma_wait3A_1727 : memref<80xf32, #tpu.memory_space<vmem>>) dst(%dma_wait3A_1732 : memref<10240xf32, #tpu.memory_space<vmem_shared>>)
      %dma_wait3A_1733 = arith.constant 1 : i32
      %dma_wait3A_1734 = arith.constant 11 : i32
      %dma_wait3A_1735 = arith.constant 0 : i32
      %dma_wait3A_1736 = tpu.memref_slice %arg16[%dma_wait3A_1735] : memref<128xf32, #tpu.memory_space<vmem>> -> memref<80xf32, #tpu.memory_space<vmem>>
      %dma_wait3A_1737 = arith.constant 0 : i32
      %dma_wait3A_1738 = tpu.memref_slice %arg11[%dma_wait3A_1733, %dma_wait3A_1734, %dma_wait3A_1737] : memref<2x25x80xi32, #tpu.memory_space<vmem>> -> memref<1x1x80xi32, #tpu.memory_space<vmem>>
      %dma_wait3A_1739 = tpu.memref_squeeze %dma_wait3A_1738 : memref<1x1x80xi32, #tpu.memory_space<vmem>> -> memref<80xi32, #tpu.memory_space<vmem>>
      %dma_wait3A_1740 = arith.constant 0 : i32
      %dma_wait3A_1741 = tpu.memref_slice %arg18[%dma_wait3A_1740] : memref<10240xf32, #tpu.memory_space<vmem_shared>> -> memref<10240xf32, #tpu.memory_space<vmem_shared>>
      tpu.wait_indirect_dma semaphore(%arg27 : memref<!tpu.dma_semaphore, #tpu.memory_space<semaphore_mem>>) src(%dma_wait3A_1736 : memref<80xf32, #tpu.memory_space<vmem>>) dst(%dma_wait3A_1741 : memref<10240xf32, #tpu.memory_space<vmem_shared>>)
      %dma_wait3A_1742 = arith.constant 1 : i32
      %dma_wait3A_1743 = arith.constant 12 : i32
      %dma_wait3A_1744 = arith.constant 0 : i32
      %dma_wait3A_1745 = tpu.memref_slice %arg16[%dma_wait3A_1744] : memref<128xf32, #tpu.memory_space<vmem>> -> memref<80xf32, #tpu.memory_space<vmem>>
      %dma_wait3A_1746 = arith.constant 0 : i32
      %dma_wait3A_1747 = tpu.memref_slice %arg11[%dma_wait3A_1742, %dma_wait3A_1743, %dma_wait3A_1746] : memref<2x25x80xi32, #tpu.memory_space<vmem>> -> memref<1x1x80xi32, #tpu.memory_space<vmem>>
      %dma_wait3A_1748 = tpu.memref_squeeze %dma_wait3A_1747 : memref<1x1x80xi32, #tpu.memory_space<vmem>> -> memref<80xi32, #tpu.memory_space<vmem>>
      %dma_wait3A_1749 = arith.constant 0 : i32
      %dma_wait3A_1750 = tpu.memref_slice %arg18[%dma_wait3A_1749] : memref<10240xf32, #tpu.memory_space<vmem_shared>> -> memref<10240xf32, #tpu.memory_space<vmem_shared>>
      tpu.wait_indirect_dma semaphore(%arg27 : memref<!tpu.dma_semaphore, #tpu.memory_space<semaphore_mem>>) src(%dma_wait3A_1745 : memref<80xf32, #tpu.memory_space<vmem>>) dst(%dma_wait3A_1750 : memref<10240xf32, #tpu.memory_space<vmem_shared>>)
      %dma_wait3A_1751 = arith.constant 1 : i32
      %dma_wait3A_1752 = arith.constant 13 : i32
      %dma_wait3A_1753 = arith.constant 0 : i32
      %dma_wait3A_1754 = tpu.memref_slice %arg16[%dma_wait3A_1753] : memref<128xf32, #tpu.memory_space<vmem>> -> memref<80xf32, #tpu.memory_space<vmem>>
      %dma_wait3A_1755 = arith.constant 0 : i32
      %dma_wait3A_1756 = tpu.memref_slice %arg11[%dma_wait3A_1751, %dma_wait3A_1752, %dma_wait3A_1755] : memref<2x25x80xi32, #tpu.memory_space<vmem>> -> memref<1x1x80xi32, #tpu.memory_space<vmem>>
      %dma_wait3A_1757 = tpu.memref_squeeze %dma_wait3A_1756 : memref<1x1x80xi32, #tpu.memory_space<vmem>> -> memref<80xi32, #tpu.memory_space<vmem>>
      %dma_wait3A_1758 = arith.constant 0 : i32
      %dma_wait3A_1759 = tpu.memref_slice %arg18[%dma_wait3A_1758] : memref<10240xf32, #tpu.memory_space<vmem_shared>> -> memref<10240xf32, #tpu.memory_space<vmem_shared>>
      tpu.wait_indirect_dma semaphore(%arg27 : memref<!tpu.dma_semaphore, #tpu.memory_space<semaphore_mem>>) src(%dma_wait3A_1754 : memref<80xf32, #tpu.memory_space<vmem>>) dst(%dma_wait3A_1759 : memref<10240xf32, #tpu.memory_space<vmem_shared>>)
      %dma_wait3A_1760 = arith.constant 1 : i32
      %dma_wait3A_1761 = arith.constant 14 : i32
      %dma_wait3A_1762 = arith.constant 0 : i32
      %dma_wait3A_1763 = tpu.memref_slice %arg16[%dma_wait3A_1762] : memref<128xf32, #tpu.memory_space<vmem>> -> memref<80xf32, #tpu.memory_space<vmem>>
      %dma_wait3A_1764 = arith.constant 0 : i32
      %dma_wait3A_1765 = tpu.memref_slice %arg11[%dma_wait3A_1760, %dma_wait3A_1761, %dma_wait3A_1764] : memref<2x25x80xi32, #tpu.memory_space<vmem>> -> memref<1x1x80xi32, #tpu.memory_space<vmem>>
      %dma_wait3A_1766 = tpu.memref_squeeze %dma_wait3A_1765 : memref<1x1x80xi32, #tpu.memory_space<vmem>> -> memref<80xi32, #tpu.memory_space<vmem>>
      %dma_wait3A_1767 = arith.constant 0 : i32
      %dma_wait3A_1768 = tpu.memref_slice %arg18[%dma_wait3A_1767] : memref<10240xf32, #tpu.memory_space<vmem_shared>> -> memref<10240xf32, #tpu.memory_space<vmem_shared>>
      tpu.wait_indirect_dma semaphore(%arg27 : memref<!tpu.dma_semaphore, #tpu.memory_space<semaphore_mem>>) src(%dma_wait3A_1763 : memref<80xf32, #tpu.memory_space<vmem>>) dst(%dma_wait3A_1768 : memref<10240xf32, #tpu.memory_space<vmem_shared>>)
      %dma_wait3A_1769 = arith.constant 1 : i32
      %dma_wait3A_1770 = arith.constant 15 : i32
      %dma_wait3A_1771 = arith.constant 0 : i32
      %dma_wait3A_1772 = tpu.memref_slice %arg16[%dma_wait3A_1771] : memref<128xf32, #tpu.memory_space<vmem>> -> memref<80xf32, #tpu.memory_space<vmem>>
      %dma_wait3A_1773 = arith.constant 0 : i32
      %dma_wait3A_1774 = tpu.memref_slice %arg11[%dma_wait3A_1769, %dma_wait3A_1770, %dma_wait3A_1773] : memref<2x25x80xi32, #tpu.memory_space<vmem>> -> memref<1x1x80xi32, #tpu.memory_space<vmem>>
      %dma_wait3A_1775 = tpu.memref_squeeze %dma_wait3A_1774 : memref<1x1x80xi32, #tpu.memory_space<vmem>> -> memref<80xi32, #tpu.memory_space<vmem>>
      %dma_wait3A_1776 = arith.constant 0 : i32
      %dma_wait3A_1777 = tpu.memref_slice %arg18[%dma_wait3A_1776] : memref<10240xf32, #tpu.memory_space<vmem_shared>> -> memref<10240xf32, #tpu.memory_space<vmem_shared>>
      tpu.wait_indirect_dma semaphore(%arg27 : memref<!tpu.dma_semaphore, #tpu.memory_space<semaphore_mem>>) src(%dma_wait3A_1772 : memref<80xf32, #tpu.memory_space<vmem>>) dst(%dma_wait3A_1777 : memref<10240xf32, #tpu.memory_space<vmem_shared>>)
      %dma_wait3A_1778 = arith.constant 1 : i32
      %dma_wait3A_1779 = arith.constant 16 : i32
      %dma_wait3A_1780 = arith.constant 0 : i32
      %dma_wait3A_1781 = tpu.memref_slice %arg16[%dma_wait3A_1780] : memref<128xf32, #tpu.memory_space<vmem>> -> memref<80xf32, #tpu.memory_space<vmem>>
      %dma_wait3A_1782 = arith.constant 0 : i32
      %dma_wait3A_1783 = tpu.memref_slice %arg11[%dma_wait3A_1778, %dma_wait3A_1779, %dma_wait3A_1782] : memref<2x25x80xi32, #tpu.memory_space<vmem>> -> memref<1x1x80xi32, #tpu.memory_space<vmem>>
      %dma_wait3A_1784 = tpu.memref_squeeze %dma_wait3A_1783 : memref<1x1x80xi32, #tpu.memory_space<vmem>> -> memref<80xi32, #tpu.memory_space<vmem>>
      %dma_wait3A_1785 = arith.constant 0 : i32
      %dma_wait3A_1786 = tpu.memref_slice %arg18[%dma_wait3A_1785] : memref<10240xf32, #tpu.memory_space<vmem_shared>> -> memref<10240xf32, #tpu.memory_space<vmem_shared>>
      tpu.wait_indirect_dma semaphore(%arg27 : memref<!tpu.dma_semaphore, #tpu.memory_space<semaphore_mem>>) src(%dma_wait3A_1781 : memref<80xf32, #tpu.memory_space<vmem>>) dst(%dma_wait3A_1786 : memref<10240xf32, #tpu.memory_space<vmem_shared>>)
      %dma_wait3A_1787 = arith.constant 1 : i32
      %dma_wait3A_1788 = arith.constant 17 : i32
      %dma_wait3A_1789 = arith.constant 0 : i32
      %dma_wait3A_1790 = tpu.memref_slice %arg16[%dma_wait3A_1789] : memref<128xf32, #tpu.memory_space<vmem>> -> memref<80xf32, #tpu.memory_space<vmem>>
      %dma_wait3A_1791 = arith.constant 0 : i32
      %dma_wait3A_1792 = tpu.memref_slice %arg11[%dma_wait3A_1787, %dma_wait3A_1788, %dma_wait3A_1791] : memref<2x25x80xi32, #tpu.memory_space<vmem>> -> memref<1x1x80xi32, #tpu.memory_space<vmem>>
      %dma_wait3A_1793 = tpu.memref_squeeze %dma_wait3A_1792 : memref<1x1x80xi32, #tpu.memory_space<vmem>> -> memref<80xi32, #tpu.memory_space<vmem>>
      %dma_wait3A_1794 = arith.constant 0 : i32
      %dma_wait3A_1795 = tpu.memref_slice %arg18[%dma_wait3A_1794] : memref<10240xf32, #tpu.memory_space<vmem_shared>> -> memref<10240xf32, #tpu.memory_space<vmem_shared>>
      tpu.wait_indirect_dma semaphore(%arg27 : memref<!tpu.dma_semaphore, #tpu.memory_space<semaphore_mem>>) src(%dma_wait3A_1790 : memref<80xf32, #tpu.memory_space<vmem>>) dst(%dma_wait3A_1795 : memref<10240xf32, #tpu.memory_space<vmem_shared>>)
      %dma_wait3A_1796 = arith.constant 1 : i32
      %dma_wait3A_1797 = arith.constant 18 : i32
      %dma_wait3A_1798 = arith.constant 0 : i32
      %dma_wait3A_1799 = tpu.memref_slice %arg16[%dma_wait3A_1798] : memref<128xf32, #tpu.memory_space<vmem>> -> memref<80xf32, #tpu.memory_space<vmem>>
      %dma_wait3A_1800 = arith.constant 0 : i32
      %dma_wait3A_1801 = tpu.memref_slice %arg11[%dma_wait3A_1796, %dma_wait3A_1797, %dma_wait3A_1800] : memref<2x25x80xi32, #tpu.memory_space<vmem>> -> memref<1x1x80xi32, #tpu.memory_space<vmem>>
      %dma_wait3A_1802 = tpu.memref_squeeze %dma_wait3A_1801 : memref<1x1x80xi32, #tpu.memory_space<vmem>> -> memref<80xi32, #tpu.memory_space<vmem>>
      %dma_wait3A_1803 = arith.constant 0 : i32
      %dma_wait3A_1804 = tpu.memref_slice %arg18[%dma_wait3A_1803] : memref<10240xf32, #tpu.memory_space<vmem_shared>> -> memref<10240xf32, #tpu.memory_space<vmem_shared>>
      tpu.wait_indirect_dma semaphore(%arg27 : memref<!tpu.dma_semaphore, #tpu.memory_space<semaphore_mem>>) src(%dma_wait3A_1799 : memref<80xf32, #tpu.memory_space<vmem>>) dst(%dma_wait3A_1804 : memref<10240xf32, #tpu.memory_space<vmem_shared>>)
      %dma_wait3A_1805 = arith.constant 1 : i32
      %dma_wait3A_1806 = arith.constant 19 : i32
      %dma_wait3A_1807 = arith.constant 0 : i32
      %dma_wait3A_1808 = tpu.memref_slice %arg16[%dma_wait3A_1807] : memref<128xf32, #tpu.memory_space<vmem>> -> memref<80xf32, #tpu.memory_space<vmem>>
      %dma_wait3A_1809 = arith.constant 0 : i32
      %dma_wait3A_1810 = tpu.memref_slice %arg11[%dma_wait3A_1805, %dma_wait3A_1806, %dma_wait3A_1809] : memref<2x25x80xi32, #tpu.memory_space<vmem>> -> memref<1x1x80xi32, #tpu.memory_space<vmem>>
      %dma_wait3A_1811 = tpu.memref_squeeze %dma_wait3A_1810 : memref<1x1x80xi32, #tpu.memory_space<vmem>> -> memref<80xi32, #tpu.memory_space<vmem>>
      %dma_wait3A_1812 = arith.constant 0 : i32
      %dma_wait3A_1813 = tpu.memref_slice %arg18[%dma_wait3A_1812] : memref<10240xf32, #tpu.memory_space<vmem_shared>> -> memref<10240xf32, #tpu.memory_space<vmem_shared>>
      tpu.wait_indirect_dma semaphore(%arg27 : memref<!tpu.dma_semaphore, #tpu.memory_space<semaphore_mem>>) src(%dma_wait3A_1808 : memref<80xf32, #tpu.memory_space<vmem>>) dst(%dma_wait3A_1813 : memref<10240xf32, #tpu.memory_space<vmem_shared>>)
      %dma_wait3A_1814 = arith.constant 1 : i32
      %dma_wait3A_1815 = arith.constant 20 : i32
      %dma_wait3A_1816 = arith.constant 0 : i32
      %dma_wait3A_1817 = tpu.memref_slice %arg16[%dma_wait3A_1816] : memref<128xf32, #tpu.memory_space<vmem>> -> memref<80xf32, #tpu.memory_space<vmem>>
      %dma_wait3A_1818 = arith.constant 0 : i32
      %dma_wait3A_1819 = tpu.memref_slice %arg11[%dma_wait3A_1814, %dma_wait3A_1815, %dma_wait3A_1818] : memref<2x25x80xi32, #tpu.memory_space<vmem>> -> memref<1x1x80xi32, #tpu.memory_space<vmem>>
      %dma_wait3A_1820 = tpu.memref_squeeze %dma_wait3A_1819 : memref<1x1x80xi32, #tpu.memory_space<vmem>> -> memref<80xi32, #tpu.memory_space<vmem>>
      %dma_wait3A_1821 = arith.constant 0 : i32
      %dma_wait3A_1822 = tpu.memref_slice %arg18[%dma_wait3A_1821] : memref<10240xf32, #tpu.memory_space<vmem_shared>> -> memref<10240xf32, #tpu.memory_space<vmem_shared>>
      tpu.wait_indirect_dma semaphore(%arg27 : memref<!tpu.dma_semaphore, #tpu.memory_space<semaphore_mem>>) src(%dma_wait3A_1817 : memref<80xf32, #tpu.memory_space<vmem>>) dst(%dma_wait3A_1822 : memref<10240xf32, #tpu.memory_space<vmem_shared>>)
      %dma_wait3A_1823 = arith.constant 1 : i32
      %dma_wait3A_1824 = arith.constant 21 : i32
      %dma_wait3A_1825 = arith.constant 0 : i32
      %dma_wait3A_1826 = tpu.memref_slice %arg16[%dma_wait3A_1825] : memref<128xf32, #tpu.memory_space<vmem>> -> memref<80xf32, #tpu.memory_space<vmem>>
      %dma_wait3A_1827 = arith.constant 0 : i32
      %dma_wait3A_1828 = tpu.memref_slice %arg11[%dma_wait3A_1823, %dma_wait3A_1824, %dma_wait3A_1827] : memref<2x25x80xi32, #tpu.memory_space<vmem>> -> memref<1x1x80xi32, #tpu.memory_space<vmem>>
      %dma_wait3A_1829 = tpu.memref_squeeze %dma_wait3A_1828 : memref<1x1x80xi32, #tpu.memory_space<vmem>> -> memref<80xi32, #tpu.memory_space<vmem>>
      %dma_wait3A_1830 = arith.constant 0 : i32
      %dma_wait3A_1831 = tpu.memref_slice %arg18[%dma_wait3A_1830] : memref<10240xf32, #tpu.memory_space<vmem_shared>> -> memref<10240xf32, #tpu.memory_space<vmem_shared>>
      tpu.wait_indirect_dma semaphore(%arg27 : memref<!tpu.dma_semaphore, #tpu.memory_space<semaphore_mem>>) src(%dma_wait3A_1826 : memref<80xf32, #tpu.memory_space<vmem>>) dst(%dma_wait3A_1831 : memref<10240xf32, #tpu.memory_space<vmem_shared>>)
      %dma_wait3A_1832 = arith.constant 1 : i32
      %dma_wait3A_1833 = arith.constant 22 : i32
      %dma_wait3A_1834 = arith.constant 0 : i32
      %dma_wait3A_1835 = tpu.memref_slice %arg16[%dma_wait3A_1834] : memref<128xf32, #tpu.memory_space<vmem>> -> memref<80xf32, #tpu.memory_space<vmem>>
      %dma_wait3A_1836 = arith.constant 0 : i32
      %dma_wait3A_1837 = tpu.memref_slice %arg11[%dma_wait3A_1832, %dma_wait3A_1833, %dma_wait3A_1836] : memref<2x25x80xi32, #tpu.memory_space<vmem>> -> memref<1x1x80xi32, #tpu.memory_space<vmem>>
      %dma_wait3A_1838 = tpu.memref_squeeze %dma_wait3A_1837 : memref<1x1x80xi32, #tpu.memory_space<vmem>> -> memref<80xi32, #tpu.memory_space<vmem>>
      %dma_wait3A_1839 = arith.constant 0 : i32
      %dma_wait3A_1840 = tpu.memref_slice %arg18[%dma_wait3A_1839] : memref<10240xf32, #tpu.memory_space<vmem_shared>> -> memref<10240xf32, #tpu.memory_space<vmem_shared>>
      tpu.wait_indirect_dma semaphore(%arg27 : memref<!tpu.dma_semaphore, #tpu.memory_space<semaphore_mem>>) src(%dma_wait3A_1835 : memref<80xf32, #tpu.memory_space<vmem>>) dst(%dma_wait3A_1840 : memref<10240xf32, #tpu.memory_space<vmem_shared>>)
      %dma_wait3A_1841 = arith.constant 1 : i32
      %dma_wait3A_1842 = arith.constant 23 : i32
      %dma_wait3A_1843 = arith.constant 0 : i32
      %dma_wait3A_1844 = tpu.memref_slice %arg16[%dma_wait3A_1843] : memref<128xf32, #tpu.memory_space<vmem>> -> memref<80xf32, #tpu.memory_space<vmem>>
      %dma_wait3A_1845 = arith.constant 0 : i32
      %dma_wait3A_1846 = tpu.memref_slice %arg11[%dma_wait3A_1841, %dma_wait3A_1842, %dma_wait3A_1845] : memref<2x25x80xi32, #tpu.memory_space<vmem>> -> memref<1x1x80xi32, #tpu.memory_space<vmem>>
      %dma_wait3A_1847 = tpu.memref_squeeze %dma_wait3A_1846 : memref<1x1x80xi32, #tpu.memory_space<vmem>> -> memref<80xi32, #tpu.memory_space<vmem>>
      %dma_wait3A_1848 = arith.constant 0 : i32
      %dma_wait3A_1849 = tpu.memref_slice %arg18[%dma_wait3A_1848] : memref<10240xf32, #tpu.memory_space<vmem_shared>> -> memref<10240xf32, #tpu.memory_space<vmem_shared>>
      tpu.wait_indirect_dma semaphore(%arg27 : memref<!tpu.dma_semaphore, #tpu.memory_space<semaphore_mem>>) src(%dma_wait3A_1844 : memref<80xf32, #tpu.memory_space<vmem>>) dst(%dma_wait3A_1849 : memref<10240xf32, #tpu.memory_space<vmem_shared>>)
      %dma_wait3A_1850 = arith.constant 1 : i32
      %dma_wait3A_1851 = arith.constant 24 : i32
      %dma_wait3A_1852 = arith.constant 0 : i32
      %dma_wait3A_1853 = tpu.memref_slice %arg16[%dma_wait3A_1852] : memref<128xf32, #tpu.memory_space<vmem>> -> memref<80xf32, #tpu.memory_space<vmem>>
      %dma_wait3A_1854 = arith.constant 0 : i32
      %dma_wait3A_1855 = tpu.memref_slice %arg11[%dma_wait3A_1850, %dma_wait3A_1851, %dma_wait3A_1854] : memref<2x25x80xi32, #tpu.memory_space<vmem>> -> memref<1x1x80xi32, #tpu.memory_space<vmem>>
      %dma_wait3A_1856 = tpu.memref_squeeze %dma_wait3A_1855 : memref<1x1x80xi32, #tpu.memory_space<vmem>> -> memref<80xi32, #tpu.memory_space<vmem>>
      %dma_wait3A_1857 = arith.constant 0 : i32
      %dma_wait3A_1858 = tpu.memref_slice %arg18[%dma_wait3A_1857] : memref<10240xf32, #tpu.memory_space<vmem_shared>> -> memref<10240xf32, #tpu.memory_space<vmem_shared>>
      tpu.wait_indirect_dma semaphore(%arg27 : memref<!tpu.dma_semaphore, #tpu.memory_space<semaphore_mem>>) src(%dma_wait3A_1853 : memref<80xf32, #tpu.memory_space<vmem>>) dst(%dma_wait3A_1858 : memref<10240xf32, #tpu.memory_space<vmem_shared>>)
    }
    %scan3A_154 = arith.constant 10 : i32
    "tpu.region"() ({
      %run_scoped3A_608 = tpu.sem_alloc : memref<!tpu.dma_semaphore, #tpu.memory_space<semaphore_mem>>
      %dma_start3A_609 = tpu.memref_slice %arg19[%mul3A_0] : memref<10240xf32, #tpu.memory_space<vmem_shared>> -> memref<640xf32, #tpu.memory_space<vmem_shared>>
      %dma_start3A_610 = tpu.memref_slice %arg19[%mul3A_0] : memref<10240xf32, #tpu.memory_space<vmem_shared>> -> memref<640xf32, #tpu.memory_space<vmem_shared>>
      tpu.enqueue_dma source(%dma_start3A_610 : memref<640xf32, #tpu.memory_space<vmem_shared>>) target(%arg15 : memref<640xf32, #tpu.memory_space<vmem>>) target_semaphore(%run_scoped3A_608 : memref<!tpu.dma_semaphore, #tpu.memory_space<semaphore_mem>>)
      %dma_wait3A_611 = tpu.memref_slice %arg19[%mul3A_0] : memref<10240xf32, #tpu.memory_space<vmem_shared>> -> memref<640xf32, #tpu.memory_space<vmem_shared>>
      %dma_wait3A_612 = tpu.memref_slice %arg19[%mul3A_0] : memref<10240xf32, #tpu.memory_space<vmem_shared>> -> memref<640xf32, #tpu.memory_space<vmem_shared>>
      tpu.wait_dma2 semaphore(%run_scoped3A_608 : memref<!tpu.dma_semaphore, #tpu.memory_space<semaphore_mem>>) src(%dma_wait3A_612 : memref<640xf32, #tpu.memory_space<vmem_shared>>) dst(%arg15 : memref<640xf32, #tpu.memory_space<vmem>>)
      tpu.yield
    }) : () -> ()
    %scan3A_155 = arith.constant 0.000000e+00 : f32
    %scan3A_156 = arith.constant 0 : i32
    %scan3A_157 = arith.constant 40 : i32
    %scan3A_158 = arith.addi %scan3A_156, %scan3A_157 : i32
    %scan3A_159 = arith.constant 1 : i32
    %scan3A_160 = scf.for %scan3A_608 = %scan3A_156 to %scan3A_158 step %scan3A_159 iter_args(%scan3A_609 = %scan3A_155) -> (f32)  : i32 {
      %mul3A_610 = arith.constant 16 : i32
      %mul3A_611 = arith.muli %scan3A_608, %mul3A_610 : i32
      %get3A_612 = arith.index_cast %mul3A_611 : i32 to index
      %get3A_613 = tpu.vector_load %arg15[%get3A_612] {strides = array<i32>} : memref<640xf32, #tpu.memory_space<vmem>>, vector<16xf32>,
      %min3A = arith.constant 1.000000e+00 : f32
      %min3A_614 = vector.broadcast %min3A : f32 to vector<16xf32>
      %min3A_615 = arith.minimumf %get3A_613, %min3A_614 : vector<16xf32>
      %broadcast_in_dim3A_616 = arith.constant true
      %broadcast_in_dim3A_617 = vector.broadcast %broadcast_in_dim3A_616 : i1 to vector<16xi1>
      %masked_cumsum3A_618 = tpu.scan <sum>, %min3A_615 masked %broadcast_in_dim3A_617 : vector<16xf32>, vector<16xi1> -> vector<16xf32>
      %add3A_619 = vector.broadcast %scan3A_609 : f32 to vector<16xf32>
      %add3A_620 = arith.addf %add3A_619, %masked_cumsum3A_618 : vector<16xf32>
      %sub3A_621 = arith.subf %add3A_620, %min3A_615 : vector<16xf32>
      %mul3A_622 = arith.constant 16 : i32
      %mul3A_623 = arith.muli %scan3A_608, %mul3A_622 : i32
      %swap3A_624 = arith.index_cast %mul3A_623 : i32 to index
      %swap3A_625 = tpu.vector_load %arg15[%swap3A_624] {strides = array<i32>} : memref<640xf32, #tpu.memory_space<vmem>>, vector<16xf32>,
      tpu.vector_store %arg15[%swap3A_624], %sub3A_621 {strides = array<i32>} : memref<640xf32, #tpu.memory_space<vmem>>, vector<16xf32>,
      %slice3A_626 = vector.extract_strided_slice %masked_cumsum3A_618 {offsets = [15], sizes = [1], strides = [1]} : vector<16xf32> to vector<1xf32>
      %squeeze3A_627 = vector.extract %slice3A_626[0] : f32 from vector<1xf32>
      %add3A_628 = arith.addf %scan3A_609, %squeeze3A_627 : f32
      scf.yield %add3A_628 : f32
    }
    %scan3A_161 = arith.constant 40 : i32
    %broadcast_in_dim3A_162 = arith.constant 0.000000e+00 : f32
    %broadcast_in_dim3A_163 = vector.broadcast %broadcast_in_dim3A_162 : f32 to vector<16xf32>
    %add3A_164 = vector.broadcast %scan3A_160 : f32 to vector<16xf32>
    %add3A_165 = arith.addf %broadcast_in_dim3A_163, %add3A_164 : vector<16xf32>
    %swap3A_166 = arith.constant 0 : index
    %swap3A_167 = tpu.vector_load %arg14[%swap3A_166] {strides = array<i32>} : memref<512xf32, #tpu.memory_space<vmem>>, vector<16xf32>,
    tpu.vector_store %arg14[%swap3A_166], %add3A_165 {strides = array<i32>} : memref<512xf32, #tpu.memory_space<vmem>>, vector<16xf32>,
    %mul3A_168 = arith.constant 16 : i32
    %mul3A_169 = arith.muli %arg1, %mul3A_168 : i32
    "tpu.region"() ({
      %run_scoped3A_608 = tpu.sem_alloc : memref<!tpu.dma_semaphore, #tpu.memory_space<semaphore_mem>>
      %dma_start3A_609 = arith.constant 0 : i32
      %dma_start3A_610 = tpu.memref_slice %arg14[%dma_start3A_609] : memref<512xf32, #tpu.memory_space<vmem>> -> memref<16xf32, #tpu.memory_space<vmem>>
      %dma_start3A_611 = tpu.memref_slice %arg20[%mul3A_169] : memref<256xf32, #tpu.memory_space<vmem_shared>> -> memref<16xf32, #tpu.memory_space<vmem_shared>>
      %dma_start3A_612 = tpu.memref_slice %arg20[%mul3A_169] : memref<256xf32, #tpu.memory_space<vmem_shared>> -> memref<16xf32, #tpu.memory_space<vmem_shared>>
      %dma_start3A_613 = arith.constant 0 : i32
      %dma_start3A_614 = tpu.memref_slice %arg14[%dma_start3A_613] : memref<512xf32, #tpu.memory_space<vmem>> -> memref<16xf32, #tpu.memory_space<vmem>>
      tpu.enqueue_dma source(%dma_start3A_614 : memref<16xf32, #tpu.memory_space<vmem>>) target(%dma_start3A_612 : memref<16xf32, #tpu.memory_space<vmem_shared>>) target_semaphore(%run_scoped3A_608 : memref<!tpu.dma_semaphore, #tpu.memory_space<semaphore_mem>>)
      %dma_wait3A_615 = arith.constant 0 : i32
      %dma_wait3A_616 = tpu.memref_slice %arg14[%dma_wait3A_615] : memref<512xf32, #tpu.memory_space<vmem>> -> memref<16xf32, #tpu.memory_space<vmem>>
      %dma_wait3A_617 = tpu.memref_slice %arg20[%mul3A_169] : memref<256xf32, #tpu.memory_space<vmem_shared>> -> memref<16xf32, #tpu.memory_space<vmem_shared>>
      %dma_wait3A_618 = tpu.memref_slice %arg20[%mul3A_169] : memref<256xf32, #tpu.memory_space<vmem_shared>> -> memref<16xf32, #tpu.memory_space<vmem_shared>>
      %dma_wait3A_619 = arith.constant 0 : i32
      %dma_wait3A_620 = tpu.memref_slice %arg14[%dma_wait3A_619] : memref<512xf32, #tpu.memory_space<vmem>> -> memref<16xf32, #tpu.memory_space<vmem>>
      tpu.wait_dma2 semaphore(%run_scoped3A_608 : memref<!tpu.dma_semaphore, #tpu.memory_space<semaphore_mem>>) src(%dma_wait3A_620 : memref<16xf32, #tpu.memory_space<vmem>>) dst(%dma_wait3A_618 : memref<16xf32, #tpu.memory_space<vmem_shared>>)
      tpu.yield
    }) : () -> ()
    %barrier3A_170 = arith.constant 0 : index
    tpu.barrier barrier_id(%barrier3A_170)
    "tpu.region"() ({
      %run_scoped3A_608 = tpu.sem_alloc : memref<!tpu.dma_semaphore, #tpu.memory_space<semaphore_mem>>
      %dma_start3A_609 = arith.constant 0 : i32
      %dma_start3A_610 = tpu.memref_slice %arg14[%dma_start3A_609] : memref<512xf32, #tpu.memory_space<vmem>> -> memref<256xf32, #tpu.memory_space<vmem>>
      %dma_start3A_611 = arith.constant 0 : i32
      %dma_start3A_612 = tpu.memref_slice %arg14[%dma_start3A_611] : memref<512xf32, #tpu.memory_space<vmem>> -> memref<256xf32, #tpu.memory_space<vmem>>
      tpu.enqueue_dma source(%arg20 : memref<256xf32, #tpu.memory_space<vmem_shared>>) target(%dma_start3A_612 : memref<256xf32, #tpu.memory_space<vmem>>) target_semaphore(%run_scoped3A_608 : memref<!tpu.dma_semaphore, #tpu.memory_space<semaphore_mem>>)
      %dma_wait3A_613 = arith.constant 0 : i32
      %dma_wait3A_614 = tpu.memref_slice %arg14[%dma_wait3A_613] : memref<512xf32, #tpu.memory_space<vmem>> -> memref<256xf32, #tpu.memory_space<vmem>>
      %dma_wait3A_615 = arith.constant 0 : i32
      %dma_wait3A_616 = tpu.memref_slice %arg14[%dma_wait3A_615] : memref<512xf32, #tpu.memory_space<vmem>> -> memref<256xf32, #tpu.memory_space<vmem>>
      tpu.wait_dma2 semaphore(%run_scoped3A_608 : memref<!tpu.dma_semaphore, #tpu.memory_space<semaphore_mem>>) src(%arg20 : memref<256xf32, #tpu.memory_space<vmem_shared>>) dst(%dma_wait3A_616 : memref<256xf32, #tpu.memory_space<vmem>>)
      tpu.yield
    }) : () -> ()
    %iota3A = tpu.iota {dimensions = array<i32: 0>} : vector<16xi32>
    %mul3A_171 = arith.constant 16 : i32
    %mul3A_172 = vector.broadcast %mul3A_171 : i32 to vector<16xi32>
    %mul3A_173 = arith.muli %iota3A, %mul3A_172 : vector<16xi32>
    %gather3A = tpu.vector_load_idx %arg14[%mul3A_173] : memref<512xf32, #tpu.memory_space<vmem>>[vector<16xi32>], vector<16xf32>,
    %broadcast_in_dim3A_174 = arith.constant true
    %broadcast_in_dim3A_175 = vector.broadcast %broadcast_in_dim3A_174 : i1 to vector<16xi1>
    %masked_cumsum3A = tpu.scan <sum>, %gather3A masked %broadcast_in_dim3A_175 : vector<16xf32>, vector<16xi1> -> vector<16xf32>
    %sub3A = arith.subf %masked_cumsum3A, %gather3A : vector<16xf32>
    %eq3A = vector.broadcast %arg1 : i32 to vector<16xi32>
    %eq3A_176 = arith.cmpi eq, %iota3A, %eq3A : vector<16xi32>
    %jit3A = arith.constant 0.000000e+00 : f32
    %broadcast_in_dim3A_177 = vector.broadcast %jit3A : f32 to vector<16xf32>
    %select_n3A = arith.select %eq3A_176, %sub3A, %broadcast_in_dim3A_177 : vector<16xi1>, vector<16xf32>
    %broadcast_in_dim3A_178 = arith.constant true
    %broadcast_in_dim3A_179 = vector.broadcast %broadcast_in_dim3A_178 : i1 to vector<16xi1>
    %masked_cumsum3A_180 = tpu.scan <sum>, %select_n3A masked %broadcast_in_dim3A_179 : vector<16xf32>, vector<16xi1> -> vector<16xf32>
    %slice3A = vector.extract_strided_slice %masked_cumsum3A_180 {offsets = [15], sizes = [1], strides = [1]} : vector<16xf32> to vector<1xf32>
    %squeeze3A = vector.extract %slice3A[0] : f32 from vector<1xf32>
    %scan3A_181 = arith.constant 0 : i32
    %scan3A_182 = arith.constant 0 : i32
    %scan3A_183 = arith.constant 40 : i32
    %scan3A_184 = arith.addi %scan3A_182, %scan3A_183 : i32
    %scan3A_185 = arith.constant 1 : i32
    scf.for %scan3A_608 = %scan3A_182 to %scan3A_184 step %scan3A_185  : i32 {
      %mul3A_609 = arith.constant 16 : i32
      %mul3A_610 = arith.muli %scan3A_608, %mul3A_609 : i32
      %get3A_611 = arith.index_cast %mul3A_610 : i32 to index
      %get3A_612 = tpu.vector_load %arg15[%get3A_611] {strides = array<i32>} : memref<640xf32, #tpu.memory_space<vmem>>, vector<16xf32>,
      %add3A_613 = vector.broadcast %squeeze3A : f32 to vector<16xf32>
      %add3A_614 = arith.addf %get3A_612, %add3A_613 : vector<16xf32>
      %swap3A_615 = arith.index_cast %mul3A_610 : i32 to index
      %swap3A_616 = tpu.vector_load %arg15[%swap3A_615] {strides = array<i32>} : memref<640xf32, #tpu.memory_space<vmem>>, vector<16xf32>,
      tpu.vector_store %arg15[%swap3A_615], %add3A_614 {strides = array<i32>} : memref<640xf32, #tpu.memory_space<vmem>>, vector<16xf32>,
    }
    %scan3A_186 = arith.constant 40 : i32
    "tpu.region"() ({
      %run_scoped3A_608 = tpu.sem_alloc : memref<!tpu.dma_semaphore, #tpu.memory_space<semaphore_mem>>
      %dma_start3A_609 = tpu.memref_slice %arg19[%mul3A_0] : memref<10240xf32, #tpu.memory_space<vmem_shared>> -> memref<640xf32, #tpu.memory_space<vmem_shared>>
      %dma_start3A_610 = tpu.memref_slice %arg19[%mul3A_0] : memref<10240xf32, #tpu.memory_space<vmem_shared>> -> memref<640xf32, #tpu.memory_space<vmem_shared>>
      tpu.enqueue_dma source(%arg15 : memref<640xf32, #tpu.memory_space<vmem>>) target(%dma_start3A_610 : memref<640xf32, #tpu.memory_space<vmem_shared>>) target_semaphore(%run_scoped3A_608 : memref<!tpu.dma_semaphore, #tpu.memory_space<semaphore_mem>>)
      %dma_wait3A_611 = tpu.memref_slice %arg19[%mul3A_0] : memref<10240xf32, #tpu.memory_space<vmem_shared>> -> memref<640xf32, #tpu.memory_space<vmem_shared>>
      %dma_wait3A_612 = tpu.memref_slice %arg19[%mul3A_0] : memref<10240xf32, #tpu.memory_space<vmem_shared>> -> memref<640xf32, #tpu.memory_space<vmem_shared>>
      tpu.wait_dma2 semaphore(%run_scoped3A_608 : memref<!tpu.dma_semaphore, #tpu.memory_space<semaphore_mem>>) src(%arg15 : memref<640xf32, #tpu.memory_space<vmem>>) dst(%dma_wait3A_612 : memref<640xf32, #tpu.memory_space<vmem_shared>>)
      tpu.yield
    }) : () -> ()
    %add3A_187 = arith.constant 0 : i32
    %add3A_188 = arith.addi %add3A_187, %arg1 : i32
    %lt3A = arith.constant 125 : i32
    %lt3A_189 = arith.cmpi slt, %add3A_188, %lt3A : i32
    %convert_element_type3A = arith.extui %lt3A_189 : i1 to i32
    %cond3A = arith.constant 0 : i32
    %cond3A_190 = arith.cmpi ne, %convert_element_type3A, %cond3A : i32
    scf.if %cond3A_190 {
      %mul3A_608 = arith.constant 80 : i32
      %mul3A_609 = arith.muli %add3A_188, %mul3A_608 : i32
      %dma_start3A_610 = arith.constant 0 : i32
      %dma_start3A_611 = tpu.memref_slice %arg17[%mul3A_609, %dma_start3A_610] : memref<10000x128xf32, #tpu.memory_space<vmem_shared>> -> memref<80x128xf32, #tpu.memory_space<vmem_shared>>
      %dma_start3A_612 = arith.constant 0 : i32
      %dma_start3A_613 = tpu.memref_slice %arg17[%mul3A_609, %dma_start3A_612] : memref<10000x128xf32, #tpu.memory_space<vmem_shared>> -> memref<80x128xf32, #tpu.memory_space<vmem_shared>>
      tpu.enqueue_dma source(%dma_start3A_613 : memref<80x128xf32, #tpu.memory_space<vmem_shared>>) target(%arg8 : memref<80x128xf32, #tpu.memory_space<vmem>>) target_semaphore(%arg21 : memref<!tpu.dma_semaphore, #tpu.memory_space<semaphore_mem>>)
      %dma_wait3A_614 = arith.constant 0 : i32
      %dma_wait3A_615 = tpu.memref_slice %arg17[%mul3A_609, %dma_wait3A_614] : memref<10000x128xf32, #tpu.memory_space<vmem_shared>> -> memref<80x128xf32, #tpu.memory_space<vmem_shared>>
      %dma_wait3A_616 = arith.constant 0 : i32
      %dma_wait3A_617 = tpu.memref_slice %arg17[%mul3A_609, %dma_wait3A_616] : memref<10000x128xf32, #tpu.memory_space<vmem_shared>> -> memref<80x128xf32, #tpu.memory_space<vmem_shared>>
      tpu.wait_dma2 semaphore(%arg21 : memref<!tpu.dma_semaphore, #tpu.memory_space<semaphore_mem>>) src(%dma_wait3A_617 : memref<80x128xf32, #tpu.memory_space<vmem_shared>>) dst(%arg8 : memref<80x128xf32, #tpu.memory_space<vmem>>)
      %mul3A_618 = arith.constant 80 : i32
      %mul3A_619 = arith.muli %add3A_188, %mul3A_618 : i32
      %dma_start3A_620 = arith.constant 0 : i32
      %dma_start3A_621 = tpu.memref_slice %arg5[%arg0, %mul3A_619, %dma_start3A_620] : memref<2x10000x128xf32, #tpu.memory_space<hbm>> -> memref<1x80x128xf32, #tpu.memory_space<hbm>>
      %dma_start3A_622 = tpu.memref_squeeze %dma_start3A_621 : memref<1x80x128xf32, #tpu.memory_space<hbm>> -> memref<80x128xf32, #tpu.memory_space<hbm>>
      %dma_start3A_623 = arith.constant 0 : i32
      %dma_start3A_624 = tpu.memref_slice %arg5[%arg0, %mul3A_619, %dma_start3A_623] : memref<2x10000x128xf32, #tpu.memory_space<hbm>> -> memref<1x80x128xf32, #tpu.memory_space<hbm>>
      %dma_start3A_625 = tpu.memref_squeeze %dma_start3A_624 : memref<1x80x128xf32, #tpu.memory_space<hbm>> -> memref<80x128xf32, #tpu.memory_space<hbm>>
      tpu.enqueue_dma source(%arg8 : memref<80x128xf32, #tpu.memory_space<vmem>>) target(%dma_start3A_625 : memref<80x128xf32, #tpu.memory_space<hbm>>) target_semaphore(%arg24 : memref<!tpu.dma_semaphore, #tpu.memory_space<semaphore_mem>>)
    } else {
    }
    %add3A_191 = arith.constant 16 : i32
    %add3A_192 = arith.addi %add3A_191, %arg1 : i32
    %lt3A_193 = arith.constant 125 : i32
    %lt3A_194 = arith.cmpi slt, %add3A_192, %lt3A_193 : i32
    %convert_element_type3A_195 = arith.extui %lt3A_194 : i1 to i32
    %cond3A_196 = arith.constant 0 : i32
    %cond3A_197 = arith.cmpi ne, %convert_element_type3A_195, %cond3A_196 : i32
    scf.if %cond3A_197 {
      %mul3A_608 = arith.constant 80 : i32
      %mul3A_609 = arith.muli %add3A_192, %mul3A_608 : i32
      %dma_start3A_610 = arith.constant 0 : i32
      %dma_start3A_611 = tpu.memref_slice %arg17[%mul3A_609, %dma_start3A_610] : memref<10000x128xf32, #tpu.memory_space<vmem_shared>> -> memref<80x128xf32, #tpu.memory_space<vmem_shared>>
      %dma_start3A_612 = arith.constant 0 : i32
      %dma_start3A_613 = tpu.memref_slice %arg17[%mul3A_609, %dma_start3A_612] : memref<10000x128xf32, #tpu.memory_space<vmem_shared>> -> memref<80x128xf32, #tpu.memory_space<vmem_shared>>
      tpu.enqueue_dma source(%dma_start3A_613 : memref<80x128xf32, #tpu.memory_space<vmem_shared>>) target(%arg9 : memref<80x128xf32, #tpu.memory_space<vmem>>) target_semaphore(%arg22 : memref<!tpu.dma_semaphore, #tpu.memory_space<semaphore_mem>>)
      %dma_wait3A_614 = arith.constant 0 : i32
      %dma_wait3A_615 = tpu.memref_slice %arg17[%mul3A_609, %dma_wait3A_614] : memref<10000x128xf32, #tpu.memory_space<vmem_shared>> -> memref<80x128xf32, #tpu.memory_space<vmem_shared>>
      %dma_wait3A_616 = arith.constant 0 : i32
      %dma_wait3A_617 = tpu.memref_slice %arg17[%mul3A_609, %dma_wait3A_616] : memref<10000x128xf32, #tpu.memory_space<vmem_shared>> -> memref<80x128xf32, #tpu.memory_space<vmem_shared>>
      tpu.wait_dma2 semaphore(%arg22 : memref<!tpu.dma_semaphore, #tpu.memory_space<semaphore_mem>>) src(%dma_wait3A_617 : memref<80x128xf32, #tpu.memory_space<vmem_shared>>) dst(%arg9 : memref<80x128xf32, #tpu.memory_space<vmem>>)
      %mul3A_618 = arith.constant 80 : i32
      %mul3A_619 = arith.muli %add3A_192, %mul3A_618 : i32
      %dma_start3A_620 = arith.constant 0 : i32
      %dma_start3A_621 = tpu.memref_slice %arg5[%arg0, %mul3A_619, %dma_start3A_620] : memref<2x10000x128xf32, #tpu.memory_space<hbm>> -> memref<1x80x128xf32, #tpu.memory_space<hbm>>
      %dma_start3A_622 = tpu.memref_squeeze %dma_start3A_621 : memref<1x80x128xf32, #tpu.memory_space<hbm>> -> memref<80x128xf32, #tpu.memory_space<hbm>>
      %dma_start3A_623 = arith.constant 0 : i32
      %dma_start3A_624 = tpu.memref_slice %arg5[%arg0, %mul3A_619, %dma_start3A_623] : memref<2x10000x128xf32, #tpu.memory_space<hbm>> -> memref<1x80x128xf32, #tpu.memory_space<hbm>>
      %dma_start3A_625 = tpu.memref_squeeze %dma_start3A_624 : memref<1x80x128xf32, #tpu.memory_space<hbm>> -> memref<80x128xf32, #tpu.memory_space<hbm>>
      tpu.enqueue_dma source(%arg9 : memref<80x128xf32, #tpu.memory_space<vmem>>) target(%dma_start3A_625 : memref<80x128xf32, #tpu.memory_space<hbm>>) target_semaphore(%arg25 : memref<!tpu.dma_semaphore, #tpu.memory_space<semaphore_mem>>)
    } else {
    }
    %add3A_198 = arith.constant 32 : i32
    %add3A_199 = arith.addi %add3A_198, %arg1 : i32
    %lt3A_200 = arith.constant 125 : i32
    %lt3A_201 = arith.cmpi slt, %add3A_199, %lt3A_200 : i32
    %convert_element_type3A_202 = arith.extui %lt3A_201 : i1 to i32
    %cond3A_203 = arith.constant 0 : i32
    %cond3A_204 = arith.cmpi ne, %convert_element_type3A_202, %cond3A_203 : i32
    scf.if %cond3A_204 {
      %add3A_608 = arith.constant 0 : i32
      %add3A_609 = arith.addi %add3A_608, %arg1 : i32
      %mul3A_610 = arith.constant 80 : i32
      %mul3A_611 = arith.muli %add3A_609, %mul3A_610 : i32
      %dma_wait3A_612 = arith.constant 0 : i32
      %dma_wait3A_613 = tpu.memref_slice %arg5[%arg0, %mul3A_611, %dma_wait3A_612] : memref<2x10000x128xf32, #tpu.memory_space<hbm>> -> memref<1x80x128xf32, #tpu.memory_space<hbm>>
      %dma_wait3A_614 = tpu.memref_squeeze %dma_wait3A_613 : memref<1x80x128xf32, #tpu.memory_space<hbm>> -> memref<80x128xf32, #tpu.memory_space<hbm>>
      %dma_wait3A_615 = arith.constant 0 : i32
      %dma_wait3A_616 = tpu.memref_slice %arg5[%arg0, %mul3A_611, %dma_wait3A_615] : memref<2x10000x128xf32, #tpu.memory_space<hbm>> -> memref<1x80x128xf32, #tpu.memory_space<hbm>>
      %dma_wait3A_617 = tpu.memref_squeeze %dma_wait3A_616 : memref<1x80x128xf32, #tpu.memory_space<hbm>> -> memref<80x128xf32, #tpu.memory_space<hbm>>
      tpu.wait_dma2 semaphore(%arg24 : memref<!tpu.dma_semaphore, #tpu.memory_space<semaphore_mem>>) src(%arg8 : memref<80x128xf32, #tpu.memory_space<vmem>>) dst(%dma_wait3A_617 : memref<80x128xf32, #tpu.memory_space<hbm>>)
      %mul3A_618 = arith.constant 80 : i32
      %mul3A_619 = arith.muli %add3A_199, %mul3A_618 : i32
      %dma_start3A_620 = arith.constant 0 : i32
      %dma_start3A_621 = tpu.memref_slice %arg17[%mul3A_619, %dma_start3A_620] : memref<10000x128xf32, #tpu.memory_space<vmem_shared>> -> memref<80x128xf32, #tpu.memory_space<vmem_shared>>
      %dma_start3A_622 = arith.constant 0 : i32
      %dma_start3A_623 = tpu.memref_slice %arg17[%mul3A_619, %dma_start3A_622] : memref<10000x128xf32, #tpu.memory_space<vmem_shared>> -> memref<80x128xf32, #tpu.memory_space<vmem_shared>>
      tpu.enqueue_dma source(%dma_start3A_623 : memref<80x128xf32, #tpu.memory_space<vmem_shared>>) target(%arg8 : memref<80x128xf32, #tpu.memory_space<vmem>>) target_semaphore(%arg21 : memref<!tpu.dma_semaphore, #tpu.memory_space<semaphore_mem>>)
      %dma_wait3A_624 = arith.constant 0 : i32
      %dma_wait3A_625 = tpu.memref_slice %arg17[%mul3A_619, %dma_wait3A_624] : memref<10000x128xf32, #tpu.memory_space<vmem_shared>> -> memref<80x128xf32, #tpu.memory_space<vmem_shared>>
      %dma_wait3A_626 = arith.constant 0 : i32
      %dma_wait3A_627 = tpu.memref_slice %arg17[%mul3A_619, %dma_wait3A_626] : memref<10000x128xf32, #tpu.memory_space<vmem_shared>> -> memref<80x128xf32, #tpu.memory_space<vmem_shared>>
      tpu.wait_dma2 semaphore(%arg21 : memref<!tpu.dma_semaphore, #tpu.memory_space<semaphore_mem>>) src(%dma_wait3A_627 : memref<80x128xf32, #tpu.memory_space<vmem_shared>>) dst(%arg8 : memref<80x128xf32, #tpu.memory_space<vmem>>)
      %mul3A_628 = arith.constant 80 : i32
      %mul3A_629 = arith.muli %add3A_199, %mul3A_628 : i32
      %dma_start3A_630 = arith.constant 0 : i32
      %dma_start3A_631 = tpu.memref_slice %arg5[%arg0, %mul3A_629, %dma_start3A_630] : memref<2x10000x128xf32, #tpu.memory_space<hbm>> -> memref<1x80x128xf32, #tpu.memory_space<hbm>>
      %dma_start3A_632 = tpu.memref_squeeze %dma_start3A_631 : memref<1x80x128xf32, #tpu.memory_space<hbm>> -> memref<80x128xf32, #tpu.memory_space<hbm>>
      %dma_start3A_633 = arith.constant 0 : i32
      %dma_start3A_634 = tpu.memref_slice %arg5[%arg0, %mul3A_629, %dma_start3A_633] : memref<2x10000x128xf32, #tpu.memory_space<hbm>> -> memref<1x80x128xf32, #tpu.memory_space<hbm>>
      %dma_start3A_635 = tpu.memref_squeeze %dma_start3A_634 : memref<1x80x128xf32, #tpu.memory_space<hbm>> -> memref<80x128xf32, #tpu.memory_space<hbm>>
      tpu.enqueue_dma source(%arg8 : memref<80x128xf32, #tpu.memory_space<vmem>>) target(%dma_start3A_635 : memref<80x128xf32, #tpu.memory_space<hbm>>) target_semaphore(%arg24 : memref<!tpu.dma_semaphore, #tpu.memory_space<semaphore_mem>>)
    } else {
    }
    %add3A_205 = arith.constant 48 : i32
    %add3A_206 = arith.addi %add3A_205, %arg1 : i32
    %lt3A_207 = arith.constant 125 : i32
    %lt3A_208 = arith.cmpi slt, %add3A_206, %lt3A_207 : i32
    %convert_element_type3A_209 = arith.extui %lt3A_208 : i1 to i32
    %cond3A_210 = arith.constant 0 : i32
    %cond3A_211 = arith.cmpi ne, %convert_element_type3A_209, %cond3A_210 : i32
    scf.if %cond3A_211 {
      %add3A_608 = arith.constant 16 : i32
      %add3A_609 = arith.addi %add3A_608, %arg1 : i32
      %mul3A_610 = arith.constant 80 : i32
      %mul3A_611 = arith.muli %add3A_609, %mul3A_610 : i32
      %dma_wait3A_612 = arith.constant 0 : i32
      %dma_wait3A_613 = tpu.memref_slice %arg5[%arg0, %mul3A_611, %dma_wait3A_612] : memref<2x10000x128xf32, #tpu.memory_space<hbm>> -> memref<1x80x128xf32, #tpu.memory_space<hbm>>
      %dma_wait3A_614 = tpu.memref_squeeze %dma_wait3A_613 : memref<1x80x128xf32, #tpu.memory_space<hbm>> -> memref<80x128xf32, #tpu.memory_space<hbm>>
      %dma_wait3A_615 = arith.constant 0 : i32
      %dma_wait3A_616 = tpu.memref_slice %arg5[%arg0, %mul3A_611, %dma_wait3A_615] : memref<2x10000x128xf32, #tpu.memory_space<hbm>> -> memref<1x80x128xf32, #tpu.memory_space<hbm>>
      %dma_wait3A_617 = tpu.memref_squeeze %dma_wait3A_616 : memref<1x80x128xf32, #tpu.memory_space<hbm>> -> memref<80x128xf32, #tpu.memory_space<hbm>>
      tpu.wait_dma2 semaphore(%arg25 : memref<!tpu.dma_semaphore, #tpu.memory_space<semaphore_mem>>) src(%arg9 : memref<80x128xf32, #tpu.memory_space<vmem>>) dst(%dma_wait3A_617 : memref<80x128xf32, #tpu.memory_space<hbm>>)
      %mul3A_618 = arith.constant 80 : i32
      %mul3A_619 = arith.muli %add3A_206, %mul3A_618 : i32
      %dma_start3A_620 = arith.constant 0 : i32
      %dma_start3A_621 = tpu.memref_slice %arg17[%mul3A_619, %dma_start3A_620] : memref<10000x128xf32, #tpu.memory_space<vmem_shared>> -> memref<80x128xf32, #tpu.memory_space<vmem_shared>>
      %dma_start3A_622 = arith.constant 0 : i32
      %dma_start3A_623 = tpu.memref_slice %arg17[%mul3A_619, %dma_start3A_622] : memref<10000x128xf32, #tpu.memory_space<vmem_shared>> -> memref<80x128xf32, #tpu.memory_space<vmem_shared>>
      tpu.enqueue_dma source(%dma_start3A_623 : memref<80x128xf32, #tpu.memory_space<vmem_shared>>) target(%arg9 : memref<80x128xf32, #tpu.memory_space<vmem>>) target_semaphore(%arg22 : memref<!tpu.dma_semaphore, #tpu.memory_space<semaphore_mem>>)
      %dma_wait3A_624 = arith.constant 0 : i32
      %dma_wait3A_625 = tpu.memref_slice %arg17[%mul3A_619, %dma_wait3A_624] : memref<10000x128xf32, #tpu.memory_space<vmem_shared>> -> memref<80x128xf32, #tpu.memory_space<vmem_shared>>
      %dma_wait3A_626 = arith.constant 0 : i32
      %dma_wait3A_627 = tpu.memref_slice %arg17[%mul3A_619, %dma_wait3A_626] : memref<10000x128xf32, #tpu.memory_space<vmem_shared>> -> memref<80x128xf32, #tpu.memory_space<vmem_shared>>
      tpu.wait_dma2 semaphore(%arg22 : memref<!tpu.dma_semaphore, #tpu.memory_space<semaphore_mem>>) src(%dma_wait3A_627 : memref<80x128xf32, #tpu.memory_space<vmem_shared>>) dst(%arg9 : memref<80x128xf32, #tpu.memory_space<vmem>>)
      %mul3A_628 = arith.constant 80 : i32
      %mul3A_629 = arith.muli %add3A_206, %mul3A_628 : i32
      %dma_start3A_630 = arith.constant 0 : i32
      %dma_start3A_631 = tpu.memref_slice %arg5[%arg0, %mul3A_629, %dma_start3A_630] : memref<2x10000x128xf32, #tpu.memory_space<hbm>> -> memref<1x80x128xf32, #tpu.memory_space<hbm>>
      %dma_start3A_632 = tpu.memref_squeeze %dma_start3A_631 : memref<1x80x128xf32, #tpu.memory_space<hbm>> -> memref<80x128xf32, #tpu.memory_space<hbm>>
      %dma_start3A_633 = arith.constant 0 : i32
      %dma_start3A_634 = tpu.memref_slice %arg5[%arg0, %mul3A_629, %dma_start3A_633] : memref<2x10000x128xf32, #tpu.memory_space<hbm>> -> memref<1x80x128xf32, #tpu.memory_space<hbm>>
      %dma_start3A_635 = tpu.memref_squeeze %dma_start3A_634 : memref<1x80x128xf32, #tpu.memory_space<hbm>> -> memref<80x128xf32, #tpu.memory_space<hbm>>
      tpu.enqueue_dma source(%arg9 : memref<80x128xf32, #tpu.memory_space<vmem>>) target(%dma_start3A_635 : memref<80x128xf32, #tpu.memory_space<hbm>>) target_semaphore(%arg25 : memref<!tpu.dma_semaphore, #tpu.memory_space<semaphore_mem>>)
    } else {
    }
    %add3A_212 = arith.constant 64 : i32
    %add3A_213 = arith.addi %add3A_212, %arg1 : i32
    %lt3A_214 = arith.constant 125 : i32
    %lt3A_215 = arith.cmpi slt, %add3A_213, %lt3A_214 : i32
    %convert_element_type3A_216 = arith.extui %lt3A_215 : i1 to i32
    %cond3A_217 = arith.constant 0 : i32
    %cond3A_218 = arith.cmpi ne, %convert_element_type3A_216, %cond3A_217 : i32
    scf.if %cond3A_218 {
      %add3A_608 = arith.constant 32 : i32
      %add3A_609 = arith.addi %add3A_608, %arg1 : i32
      %mul3A_610 = arith.constant 80 : i32
      %mul3A_611 = arith.muli %add3A_609, %mul3A_610 : i32
      %dma_wait3A_612 = arith.constant 0 : i32
      %dma_wait3A_613 = tpu.memref_slice %arg5[%arg0, %mul3A_611, %dma_wait3A_612] : memref<2x10000x128xf32, #tpu.memory_space<hbm>> -> memref<1x80x128xf32, #tpu.memory_space<hbm>>
      %dma_wait3A_614 = tpu.memref_squeeze %dma_wait3A_613 : memref<1x80x128xf32, #tpu.memory_space<hbm>> -> memref<80x128xf32, #tpu.memory_space<hbm>>
      %dma_wait3A_615 = arith.constant 0 : i32
      %dma_wait3A_616 = tpu.memref_slice %arg5[%arg0, %mul3A_611, %dma_wait3A_615] : memref<2x10000x128xf32, #tpu.memory_space<hbm>> -> memref<1x80x128xf32, #tpu.memory_space<hbm>>
      %dma_wait3A_617 = tpu.memref_squeeze %dma_wait3A_616 : memref<1x80x128xf32, #tpu.memory_space<hbm>> -> memref<80x128xf32, #tpu.memory_space<hbm>>
      tpu.wait_dma2 semaphore(%arg24 : memref<!tpu.dma_semaphore, #tpu.memory_space<semaphore_mem>>) src(%arg8 : memref<80x128xf32, #tpu.memory_space<vmem>>) dst(%dma_wait3A_617 : memref<80x128xf32, #tpu.memory_space<hbm>>)
      %mul3A_618 = arith.constant 80 : i32
      %mul3A_619 = arith.muli %add3A_213, %mul3A_618 : i32
      %dma_start3A_620 = arith.constant 0 : i32
      %dma_start3A_621 = tpu.memref_slice %arg17[%mul3A_619, %dma_start3A_620] : memref<10000x128xf32, #tpu.memory_space<vmem_shared>> -> memref<80x128xf32, #tpu.memory_space<vmem_shared>>
      %dma_start3A_622 = arith.constant 0 : i32
      %dma_start3A_623 = tpu.memref_slice %arg17[%mul3A_619, %dma_start3A_622] : memref<10000x128xf32, #tpu.memory_space<vmem_shared>> -> memref<80x128xf32, #tpu.memory_space<vmem_shared>>
      tpu.enqueue_dma source(%dma_start3A_623 : memref<80x128xf32, #tpu.memory_space<vmem_shared>>) target(%arg8 : memref<80x128xf32, #tpu.memory_space<vmem>>) target_semaphore(%arg21 : memref<!tpu.dma_semaphore, #tpu.memory_space<semaphore_mem>>)
      %dma_wait3A_624 = arith.constant 0 : i32
      %dma_wait3A_625 = tpu.memref_slice %arg17[%mul3A_619, %dma_wait3A_624] : memref<10000x128xf32, #tpu.memory_space<vmem_shared>> -> memref<80x128xf32, #tpu.memory_space<vmem_shared>>
      %dma_wait3A_626 = arith.constant 0 : i32
      %dma_wait3A_627 = tpu.memref_slice %arg17[%mul3A_619, %dma_wait3A_626] : memref<10000x128xf32, #tpu.memory_space<vmem_shared>> -> memref<80x128xf32, #tpu.memory_space<vmem_shared>>
      tpu.wait_dma2 semaphore(%arg21 : memref<!tpu.dma_semaphore, #tpu.memory_space<semaphore_mem>>) src(%dma_wait3A_627 : memref<80x128xf32, #tpu.memory_space<vmem_shared>>) dst(%arg8 : memref<80x128xf32, #tpu.memory_space<vmem>>)
      %mul3A_628 = arith.constant 80 : i32
      %mul3A_629 = arith.muli %add3A_213, %mul3A_628 : i32
      %dma_start3A_630 = arith.constant 0 : i32
      %dma_start3A_631 = tpu.memref_slice %arg5[%arg0, %mul3A_629, %dma_start3A_630] : memref<2x10000x128xf32, #tpu.memory_space<hbm>> -> memref<1x80x128xf32, #tpu.memory_space<hbm>>
      %dma_start3A_632 = tpu.memref_squeeze %dma_start3A_631 : memref<1x80x128xf32, #tpu.memory_space<hbm>> -> memref<80x128xf32, #tpu.memory_space<hbm>>
      %dma_start3A_633 = arith.constant 0 : i32
      %dma_start3A_634 = tpu.memref_slice %arg5[%arg0, %mul3A_629, %dma_start3A_633] : memref<2x10000x128xf32, #tpu.memory_space<hbm>> -> memref<1x80x128xf32, #tpu.memory_space<hbm>>
      %dma_start3A_635 = tpu.memref_squeeze %dma_start3A_634 : memref<1x80x128xf32, #tpu.memory_space<hbm>> -> memref<80x128xf32, #tpu.memory_space<hbm>>
      tpu.enqueue_dma source(%arg8 : memref<80x128xf32, #tpu.memory_space<vmem>>) target(%dma_start3A_635 : memref<80x128xf32, #tpu.memory_space<hbm>>) target_semaphore(%arg24 : memref<!tpu.dma_semaphore, #tpu.memory_space<semaphore_mem>>)
    } else {
    }
    %add3A_219 = arith.constant 80 : i32
    %add3A_220 = arith.addi %add3A_219, %arg1 : i32
    %lt3A_221 = arith.constant 125 : i32
    %lt3A_222 = arith.cmpi slt, %add3A_220, %lt3A_221 : i32
    %convert_element_type3A_223 = arith.extui %lt3A_222 : i1 to i32
    %cond3A_224 = arith.constant 0 : i32
    %cond3A_225 = arith.cmpi ne, %convert_element_type3A_223, %cond3A_224 : i32
    scf.if %cond3A_225 {
      %add3A_608 = arith.constant 48 : i32
      %add3A_609 = arith.addi %add3A_608, %arg1 : i32
      %mul3A_610 = arith.constant 80 : i32
      %mul3A_611 = arith.muli %add3A_609, %mul3A_610 : i32
      %dma_wait3A_612 = arith.constant 0 : i32
      %dma_wait3A_613 = tpu.memref_slice %arg5[%arg0, %mul3A_611, %dma_wait3A_612] : memref<2x10000x128xf32, #tpu.memory_space<hbm>> -> memref<1x80x128xf32, #tpu.memory_space<hbm>>
      %dma_wait3A_614 = tpu.memref_squeeze %dma_wait3A_613 : memref<1x80x128xf32, #tpu.memory_space<hbm>> -> memref<80x128xf32, #tpu.memory_space<hbm>>
      %dma_wait3A_615 = arith.constant 0 : i32
      %dma_wait3A_616 = tpu.memref_slice %arg5[%arg0, %mul3A_611, %dma_wait3A_615] : memref<2x10000x128xf32, #tpu.memory_space<hbm>> -> memref<1x80x128xf32, #tpu.memory_space<hbm>>
      %dma_wait3A_617 = tpu.memref_squeeze %dma_wait3A_616 : memref<1x80x128xf32, #tpu.memory_space<hbm>> -> memref<80x128xf32, #tpu.memory_space<hbm>>
      tpu.wait_dma2 semaphore(%arg25 : memref<!tpu.dma_semaphore, #tpu.memory_space<semaphore_mem>>) src(%arg9 : memref<80x128xf32, #tpu.memory_space<vmem>>) dst(%dma_wait3A_617 : memref<80x128xf32, #tpu.memory_space<hbm>>)
      %mul3A_618 = arith.constant 80 : i32
      %mul3A_619 = arith.muli %add3A_220, %mul3A_618 : i32
      %dma_start3A_620 = arith.constant 0 : i32
      %dma_start3A_621 = tpu.memref_slice %arg17[%mul3A_619, %dma_start3A_620] : memref<10000x128xf32, #tpu.memory_space<vmem_shared>> -> memref<80x128xf32, #tpu.memory_space<vmem_shared>>
      %dma_start3A_622 = arith.constant 0 : i32
      %dma_start3A_623 = tpu.memref_slice %arg17[%mul3A_619, %dma_start3A_622] : memref<10000x128xf32, #tpu.memory_space<vmem_shared>> -> memref<80x128xf32, #tpu.memory_space<vmem_shared>>
      tpu.enqueue_dma source(%dma_start3A_623 : memref<80x128xf32, #tpu.memory_space<vmem_shared>>) target(%arg9 : memref<80x128xf32, #tpu.memory_space<vmem>>) target_semaphore(%arg22 : memref<!tpu.dma_semaphore, #tpu.memory_space<semaphore_mem>>)
      %dma_wait3A_624 = arith.constant 0 : i32
      %dma_wait3A_625 = tpu.memref_slice %arg17[%mul3A_619, %dma_wait3A_624] : memref<10000x128xf32, #tpu.memory_space<vmem_shared>> -> memref<80x128xf32, #tpu.memory_space<vmem_shared>>
      %dma_wait3A_626 = arith.constant 0 : i32
      %dma_wait3A_627 = tpu.memref_slice %arg17[%mul3A_619, %dma_wait3A_626] : memref<10000x128xf32, #tpu.memory_space<vmem_shared>> -> memref<80x128xf32, #tpu.memory_space<vmem_shared>>
      tpu.wait_dma2 semaphore(%arg22 : memref<!tpu.dma_semaphore, #tpu.memory_space<semaphore_mem>>) src(%dma_wait3A_627 : memref<80x128xf32, #tpu.memory_space<vmem_shared>>) dst(%arg9 : memref<80x128xf32, #tpu.memory_space<vmem>>)
      %mul3A_628 = arith.constant 80 : i32
      %mul3A_629 = arith.muli %add3A_220, %mul3A_628 : i32
      %dma_start3A_630 = arith.constant 0 : i32
      %dma_start3A_631 = tpu.memref_slice %arg5[%arg0, %mul3A_629, %dma_start3A_630] : memref<2x10000x128xf32, #tpu.memory_space<hbm>> -> memref<1x80x128xf32, #tpu.memory_space<hbm>>
      %dma_start3A_632 = tpu.memref_squeeze %dma_start3A_631 : memref<1x80x128xf32, #tpu.memory_space<hbm>> -> memref<80x128xf32, #tpu.memory_space<hbm>>
      %dma_start3A_633 = arith.constant 0 : i32
      %dma_start3A_634 = tpu.memref_slice %arg5[%arg0, %mul3A_629, %dma_start3A_633] : memref<2x10000x128xf32, #tpu.memory_space<hbm>> -> memref<1x80x128xf32, #tpu.memory_space<hbm>>
      %dma_start3A_635 = tpu.memref_squeeze %dma_start3A_634 : memref<1x80x128xf32, #tpu.memory_space<hbm>> -> memref<80x128xf32, #tpu.memory_space<hbm>>
      tpu.enqueue_dma source(%arg9 : memref<80x128xf32, #tpu.memory_space<vmem>>) target(%dma_start3A_635 : memref<80x128xf32, #tpu.memory_space<hbm>>) target_semaphore(%arg25 : memref<!tpu.dma_semaphore, #tpu.memory_space<semaphore_mem>>)
    } else {
    }
    %add3A_226 = arith.constant 96 : i32
    %add3A_227 = arith.addi %add3A_226, %arg1 : i32
    %lt3A_228 = arith.constant 125 : i32
    %lt3A_229 = arith.cmpi slt, %add3A_227, %lt3A_228 : i32
    %convert_element_type3A_230 = arith.extui %lt3A_229 : i1 to i32
    %cond3A_231 = arith.constant 0 : i32
    %cond3A_232 = arith.cmpi ne, %convert_element_type3A_230, %cond3A_231 : i32
    scf.if %cond3A_232 {
      %add3A_608 = arith.constant 64 : i32
      %add3A_609 = arith.addi %add3A_608, %arg1 : i32
      %mul3A_610 = arith.constant 80 : i32
      %mul3A_611 = arith.muli %add3A_609, %mul3A_610 : i32
      %dma_wait3A_612 = arith.constant 0 : i32
      %dma_wait3A_613 = tpu.memref_slice %arg5[%arg0, %mul3A_611, %dma_wait3A_612] : memref<2x10000x128xf32, #tpu.memory_space<hbm>> -> memref<1x80x128xf32, #tpu.memory_space<hbm>>
      %dma_wait3A_614 = tpu.memref_squeeze %dma_wait3A_613 : memref<1x80x128xf32, #tpu.memory_space<hbm>> -> memref<80x128xf32, #tpu.memory_space<hbm>>
      %dma_wait3A_615 = arith.constant 0 : i32
      %dma_wait3A_616 = tpu.memref_slice %arg5[%arg0, %mul3A_611, %dma_wait3A_615] : memref<2x10000x128xf32, #tpu.memory_space<hbm>> -> memref<1x80x128xf32, #tpu.memory_space<hbm>>
      %dma_wait3A_617 = tpu.memref_squeeze %dma_wait3A_616 : memref<1x80x128xf32, #tpu.memory_space<hbm>> -> memref<80x128xf32, #tpu.memory_space<hbm>>
      tpu.wait_dma2 semaphore(%arg24 : memref<!tpu.dma_semaphore, #tpu.memory_space<semaphore_mem>>) src(%arg8 : memref<80x128xf32, #tpu.memory_space<vmem>>) dst(%dma_wait3A_617 : memref<80x128xf32, #tpu.memory_space<hbm>>)
      %mul3A_618 = arith.constant 80 : i32
      %mul3A_619 = arith.muli %add3A_227, %mul3A_618 : i32
      %dma_start3A_620 = arith.constant 0 : i32
      %dma_start3A_621 = tpu.memref_slice %arg17[%mul3A_619, %dma_start3A_620] : memref<10000x128xf32, #tpu.memory_space<vmem_shared>> -> memref<80x128xf32, #tpu.memory_space<vmem_shared>>
      %dma_start3A_622 = arith.constant 0 : i32
      %dma_start3A_623 = tpu.memref_slice %arg17[%mul3A_619, %dma_start3A_622] : memref<10000x128xf32, #tpu.memory_space<vmem_shared>> -> memref<80x128xf32, #tpu.memory_space<vmem_shared>>
      tpu.enqueue_dma source(%dma_start3A_623 : memref<80x128xf32, #tpu.memory_space<vmem_shared>>) target(%arg8 : memref<80x128xf32, #tpu.memory_space<vmem>>) target_semaphore(%arg21 : memref<!tpu.dma_semaphore, #tpu.memory_space<semaphore_mem>>)
      %dma_wait3A_624 = arith.constant 0 : i32
      %dma_wait3A_625 = tpu.memref_slice %arg17[%mul3A_619, %dma_wait3A_624] : memref<10000x128xf32, #tpu.memory_space<vmem_shared>> -> memref<80x128xf32, #tpu.memory_space<vmem_shared>>
      %dma_wait3A_626 = arith.constant 0 : i32
      %dma_wait3A_627 = tpu.memref_slice %arg17[%mul3A_619, %dma_wait3A_626] : memref<10000x128xf32, #tpu.memory_space<vmem_shared>> -> memref<80x128xf32, #tpu.memory_space<vmem_shared>>
      tpu.wait_dma2 semaphore(%arg21 : memref<!tpu.dma_semaphore, #tpu.memory_space<semaphore_mem>>) src(%dma_wait3A_627 : memref<80x128xf32, #tpu.memory_space<vmem_shared>>) dst(%arg8 : memref<80x128xf32, #tpu.memory_space<vmem>>)
      %mul3A_628 = arith.constant 80 : i32
      %mul3A_629 = arith.muli %add3A_227, %mul3A_628 : i32
      %dma_start3A_630 = arith.constant 0 : i32
      %dma_start3A_631 = tpu.memref_slice %arg5[%arg0, %mul3A_629, %dma_start3A_630] : memref<2x10000x128xf32, #tpu.memory_space<hbm>> -> memref<1x80x128xf32, #tpu.memory_space<hbm>>
      %dma_start3A_632 = tpu.memref_squeeze %dma_start3A_631 : memref<1x80x128xf32, #tpu.memory_space<hbm>> -> memref<80x128xf32, #tpu.memory_space<hbm>>
      %dma_start3A_633 = arith.constant 0 : i32
      %dma_start3A_634 = tpu.memref_slice %arg5[%arg0, %mul3A_629, %dma_start3A_633] : memref<2x10000x128xf32, #tpu.memory_space<hbm>> -> memref<1x80x128xf32, #tpu.memory_space<hbm>>
      %dma_start3A_635 = tpu.memref_squeeze %dma_start3A_634 : memref<1x80x128xf32, #tpu.memory_space<hbm>> -> memref<80x128xf32, #tpu.memory_space<hbm>>
      tpu.enqueue_dma source(%arg8 : memref<80x128xf32, #tpu.memory_space<vmem>>) target(%dma_start3A_635 : memref<80x128xf32, #tpu.memory_space<hbm>>) target_semaphore(%arg24 : memref<!tpu.dma_semaphore, #tpu.memory_space<semaphore_mem>>)
    } else {
    }
    %add3A_233 = arith.constant 112 : i32
    %add3A_234 = arith.addi %add3A_233, %arg1 : i32
    %lt3A_235 = arith.constant 125 : i32
    %lt3A_236 = arith.cmpi slt, %add3A_234, %lt3A_235 : i32
    %convert_element_type3A_237 = arith.extui %lt3A_236 : i1 to i32
    %cond3A_238 = arith.constant 0 : i32
    %cond3A_239 = arith.cmpi ne, %convert_element_type3A_237, %cond3A_238 : i32
    scf.if %cond3A_239 {
      %add3A_608 = arith.constant 80 : i32
      %add3A_609 = arith.addi %add3A_608, %arg1 : i32
      %mul3A_610 = arith.constant 80 : i32
      %mul3A_611 = arith.muli %add3A_609, %mul3A_610 : i32
      %dma_wait3A_612 = arith.constant 0 : i32
      %dma_wait3A_613 = tpu.memref_slice %arg5[%arg0, %mul3A_611, %dma_wait3A_612] : memref<2x10000x128xf32, #tpu.memory_space<hbm>> -> memref<1x80x128xf32, #tpu.memory_space<hbm>>
      %dma_wait3A_614 = tpu.memref_squeeze %dma_wait3A_613 : memref<1x80x128xf32, #tpu.memory_space<hbm>> -> memref<80x128xf32, #tpu.memory_space<hbm>>
      %dma_wait3A_615 = arith.constant 0 : i32
      %dma_wait3A_616 = tpu.memref_slice %arg5[%arg0, %mul3A_611, %dma_wait3A_615] : memref<2x10000x128xf32, #tpu.memory_space<hbm>> -> memref<1x80x128xf32, #tpu.memory_space<hbm>>
      %dma_wait3A_617 = tpu.memref_squeeze %dma_wait3A_616 : memref<1x80x128xf32, #tpu.memory_space<hbm>> -> memref<80x128xf32, #tpu.memory_space<hbm>>
      tpu.wait_dma2 semaphore(%arg25 : memref<!tpu.dma_semaphore, #tpu.memory_space<semaphore_mem>>) src(%arg9 : memref<80x128xf32, #tpu.memory_space<vmem>>) dst(%dma_wait3A_617 : memref<80x128xf32, #tpu.memory_space<hbm>>)
      %mul3A_618 = arith.constant 80 : i32
      %mul3A_619 = arith.muli %add3A_234, %mul3A_618 : i32
      %dma_start3A_620 = arith.constant 0 : i32
      %dma_start3A_621 = tpu.memref_slice %arg17[%mul3A_619, %dma_start3A_620] : memref<10000x128xf32, #tpu.memory_space<vmem_shared>> -> memref<80x128xf32, #tpu.memory_space<vmem_shared>>
      %dma_start3A_622 = arith.constant 0 : i32
      %dma_start3A_623 = tpu.memref_slice %arg17[%mul3A_619, %dma_start3A_622] : memref<10000x128xf32, #tpu.memory_space<vmem_shared>> -> memref<80x128xf32, #tpu.memory_space<vmem_shared>>
      tpu.enqueue_dma source(%dma_start3A_623 : memref<80x128xf32, #tpu.memory_space<vmem_shared>>) target(%arg9 : memref<80x128xf32, #tpu.memory_space<vmem>>) target_semaphore(%arg22 : memref<!tpu.dma_semaphore, #tpu.memory_space<semaphore_mem>>)
      %dma_wait3A_624 = arith.constant 0 : i32
      %dma_wait3A_625 = tpu.memref_slice %arg17[%mul3A_619, %dma_wait3A_624] : memref<10000x128xf32, #tpu.memory_space<vmem_shared>> -> memref<80x128xf32, #tpu.memory_space<vmem_shared>>
      %dma_wait3A_626 = arith.constant 0 : i32
      %dma_wait3A_627 = tpu.memref_slice %arg17[%mul3A_619, %dma_wait3A_626] : memref<10000x128xf32, #tpu.memory_space<vmem_shared>> -> memref<80x128xf32, #tpu.memory_space<vmem_shared>>
      tpu.wait_dma2 semaphore(%arg22 : memref<!tpu.dma_semaphore, #tpu.memory_space<semaphore_mem>>) src(%dma_wait3A_627 : memref<80x128xf32, #tpu.memory_space<vmem_shared>>) dst(%arg9 : memref<80x128xf32, #tpu.memory_space<vmem>>)
      %mul3A_628 = arith.constant 80 : i32
      %mul3A_629 = arith.muli %add3A_234, %mul3A_628 : i32
      %dma_start3A_630 = arith.constant 0 : i32
      %dma_start3A_631 = tpu.memref_slice %arg5[%arg0, %mul3A_629, %dma_start3A_630] : memref<2x10000x128xf32, #tpu.memory_space<hbm>> -> memref<1x80x128xf32, #tpu.memory_space<hbm>>
      %dma_start3A_632 = tpu.memref_squeeze %dma_start3A_631 : memref<1x80x128xf32, #tpu.memory_space<hbm>> -> memref<80x128xf32, #tpu.memory_space<hbm>>
      %dma_start3A_633 = arith.constant 0 : i32
      %dma_start3A_634 = tpu.memref_slice %arg5[%arg0, %mul3A_629, %dma_start3A_633] : memref<2x10000x128xf32, #tpu.memory_space<hbm>> -> memref<1x80x128xf32, #tpu.memory_space<hbm>>
      %dma_start3A_635 = tpu.memref_squeeze %dma_start3A_634 : memref<1x80x128xf32, #tpu.memory_space<hbm>> -> memref<80x128xf32, #tpu.memory_space<hbm>>
      tpu.enqueue_dma source(%arg9 : memref<80x128xf32, #tpu.memory_space<vmem>>) target(%dma_start3A_635 : memref<80x128xf32, #tpu.memory_space<hbm>>) target_semaphore(%arg25 : memref<!tpu.dma_semaphore, #tpu.memory_space<semaphore_mem>>)
    } else {
    }
    %add3A_240 = arith.constant 96 : i32
    %add3A_241 = arith.addi %add3A_240, %arg1 : i32
    %lt3A_242 = arith.constant 125 : i32
    %lt3A_243 = arith.cmpi slt, %add3A_241, %lt3A_242 : i32
    %convert_element_type3A_244 = arith.extui %lt3A_243 : i1 to i32
    %cond3A_245 = arith.constant 0 : i32
    %cond3A_246 = arith.cmpi ne, %convert_element_type3A_244, %cond3A_245 : i32
    scf.if %cond3A_246 {
      %mul3A_608 = arith.constant 80 : i32
      %mul3A_609 = arith.muli %add3A_241, %mul3A_608 : i32
      %dma_wait3A_610 = arith.constant 0 : i32
      %dma_wait3A_611 = tpu.memref_slice %arg5[%arg0, %mul3A_609, %dma_wait3A_610] : memref<2x10000x128xf32, #tpu.memory_space<hbm>> -> memref<1x80x128xf32, #tpu.memory_space<hbm>>
      %dma_wait3A_612 = tpu.memref_squeeze %dma_wait3A_611 : memref<1x80x128xf32, #tpu.memory_space<hbm>> -> memref<80x128xf32, #tpu.memory_space<hbm>>
      %dma_wait3A_613 = arith.constant 0 : i32
      %dma_wait3A_614 = tpu.memref_slice %arg5[%arg0, %mul3A_609, %dma_wait3A_613] : memref<2x10000x128xf32, #tpu.memory_space<hbm>> -> memref<1x80x128xf32, #tpu.memory_space<hbm>>
      %dma_wait3A_615 = tpu.memref_squeeze %dma_wait3A_614 : memref<1x80x128xf32, #tpu.memory_space<hbm>> -> memref<80x128xf32, #tpu.memory_space<hbm>>
      tpu.wait_dma2 semaphore(%arg24 : memref<!tpu.dma_semaphore, #tpu.memory_space<semaphore_mem>>) src(%arg8 : memref<80x128xf32, #tpu.memory_space<vmem>>) dst(%dma_wait3A_615 : memref<80x128xf32, #tpu.memory_space<hbm>>)
    } else {
    }
    %add3A_247 = arith.constant 112 : i32
    %add3A_248 = arith.addi %add3A_247, %arg1 : i32
    %lt3A_249 = arith.constant 125 : i32
    %lt3A_250 = arith.cmpi slt, %add3A_248, %lt3A_249 : i32
    %convert_element_type3A_251 = arith.extui %lt3A_250 : i1 to i32
    %cond3A_252 = arith.constant 0 : i32
    %cond3A_253 = arith.cmpi ne, %convert_element_type3A_251, %cond3A_252 : i32
    scf.if %cond3A_253 {
      %mul3A_608 = arith.constant 80 : i32
      %mul3A_609 = arith.muli %add3A_248, %mul3A_608 : i32
      %dma_wait3A_610 = arith.constant 0 : i32
      %dma_wait3A_611 = tpu.memref_slice %arg5[%arg0, %mul3A_609, %dma_wait3A_610] : memref<2x10000x128xf32, #tpu.memory_space<hbm>> -> memref<1x80x128xf32, #tpu.memory_space<hbm>>
      %dma_wait3A_612 = tpu.memref_squeeze %dma_wait3A_611 : memref<1x80x128xf32, #tpu.memory_space<hbm>> -> memref<80x128xf32, #tpu.memory_space<hbm>>
      %dma_wait3A_613 = arith.constant 0 : i32
      %dma_wait3A_614 = tpu.memref_slice %arg5[%arg0, %mul3A_609, %dma_wait3A_613] : memref<2x10000x128xf32, #tpu.memory_space<hbm>> -> memref<1x80x128xf32, #tpu.memory_space<hbm>>
      %dma_wait3A_615 = tpu.memref_squeeze %dma_wait3A_614 : memref<1x80x128xf32, #tpu.memory_space<hbm>> -> memref<80x128xf32, #tpu.memory_space<hbm>>
      tpu.wait_dma2 semaphore(%arg25 : memref<!tpu.dma_semaphore, #tpu.memory_space<semaphore_mem>>) src(%arg9 : memref<80x128xf32, #tpu.memory_space<vmem>>) dst(%dma_wait3A_615 : memref<80x128xf32, #tpu.memory_space<hbm>>)
    } else {
    }
    "tpu.region"() ({
      %run_scoped3A_608 = tpu.sem_alloc : memref<!tpu.dma_semaphore, #tpu.memory_space<semaphore_mem>>
      %dma_start3A_609 = tpu.memref_slice %arg18[%mul3A_0] : memref<10240xf32, #tpu.memory_space<vmem_shared>> -> memref<640xf32, #tpu.memory_space<vmem_shared>>
      %dma_start3A_610 = tpu.memref_slice %arg18[%mul3A_0] : memref<10240xf32, #tpu.memory_space<vmem_shared>> -> memref<640xf32, #tpu.memory_space<vmem_shared>>
      tpu.enqueue_dma source(%dma_start3A_610 : memref<640xf32, #tpu.memory_space<vmem_shared>>) target(%arg15 : memref<640xf32, #tpu.memory_space<vmem>>) target_semaphore(%run_scoped3A_608 : memref<!tpu.dma_semaphore, #tpu.memory_space<semaphore_mem>>)
      %dma_wait3A_611 = tpu.memref_slice %arg18[%mul3A_0] : memref<10240xf32, #tpu.memory_space<vmem_shared>> -> memref<640xf32, #tpu.memory_space<vmem_shared>>
      %dma_wait3A_612 = tpu.memref_slice %arg18[%mul3A_0] : memref<10240xf32, #tpu.memory_space<vmem_shared>> -> memref<640xf32, #tpu.memory_space<vmem_shared>>
      tpu.wait_dma2 semaphore(%run_scoped3A_608 : memref<!tpu.dma_semaphore, #tpu.memory_space<semaphore_mem>>) src(%dma_wait3A_612 : memref<640xf32, #tpu.memory_space<vmem_shared>>) dst(%arg15 : memref<640xf32, #tpu.memory_space<vmem>>)
      tpu.yield
    }) : () -> ()
    "tpu.region"() ({
      %run_scoped3A_608 = tpu.sem_alloc : memref<!tpu.dma_semaphore, #tpu.memory_space<semaphore_mem>>
      %dma_start3A_609 = tpu.memref_slice %arg6[%arg0, %mul3A_0] : memref<2x10240xf32, #tpu.memory_space<hbm>> -> memref<1x640xf32, #tpu.memory_space<hbm>>
      %dma_start3A_610 = tpu.memref_squeeze %dma_start3A_609 : memref<1x640xf32, #tpu.memory_space<hbm>> -> memref<640xf32, #tpu.memory_space<hbm>>
      %dma_start3A_611 = tpu.memref_slice %arg6[%arg0, %mul3A_0] : memref<2x10240xf32, #tpu.memory_space<hbm>> -> memref<1x640xf32, #tpu.memory_space<hbm>>
      %dma_start3A_612 = tpu.memref_squeeze %dma_start3A_611 : memref<1x640xf32, #tpu.memory_space<hbm>> -> memref<640xf32, #tpu.memory_space<hbm>>
      tpu.enqueue_dma source(%arg15 : memref<640xf32, #tpu.memory_space<vmem>>) target(%dma_start3A_612 : memref<640xf32, #tpu.memory_space<hbm>>) target_semaphore(%run_scoped3A_608 : memref<!tpu.dma_semaphore, #tpu.memory_space<semaphore_mem>>)
      %dma_wait3A_613 = tpu.memref_slice %arg6[%arg0, %mul3A_0] : memref<2x10240xf32, #tpu.memory_space<hbm>> -> memref<1x640xf32, #tpu.memory_space<hbm>>
      %dma_wait3A_614 = tpu.memref_squeeze %dma_wait3A_613 : memref<1x640xf32, #tpu.memory_space<hbm>> -> memref<640xf32, #tpu.memory_space<hbm>>
      %dma_wait3A_615 = tpu.memref_slice %arg6[%arg0, %mul3A_0] : memref<2x10240xf32, #tpu.memory_space<hbm>> -> memref<1x640xf32, #tpu.memory_space<hbm>>
      %dma_wait3A_616 = tpu.memref_squeeze %dma_wait3A_615 : memref<1x640xf32, #tpu.memory_space<hbm>> -> memref<640xf32, #tpu.memory_space<hbm>>
      tpu.wait_dma2 semaphore(%run_scoped3A_608 : memref<!tpu.dma_semaphore, #tpu.memory_space<semaphore_mem>>) src(%arg15 : memref<640xf32, #tpu.memory_space<vmem>>) dst(%dma_wait3A_616 : memref<640xf32, #tpu.memory_space<hbm>>)
      tpu.yield
    }) : () -> ()
    %barrier3A_254 = arith.constant 0 : index
    tpu.barrier barrier_id(%barrier3A_254)
    %dma_start3A_255 = arith.constant 0 : i32
    %dma_start3A_256 = arith.constant 0 : i32
    %dma_start3A_257 = tpu.memref_slice %arg14[%dma_start3A_256] : memref<512xf32, #tpu.memory_space<vmem>> -> memref<128xf32, #tpu.memory_space<vmem>>
    %dma_start3A_258 = arith.constant 0 : i32
    %dma_start3A_259 = tpu.memref_slice %arg12[%dma_start3A_255, %dma_start3A_258] : memref<4x128xi32, #tpu.memory_space<vmem>> -> memref<1x128xi32, #tpu.memory_space<vmem>>
    %dma_start3A_260 = tpu.memref_squeeze %dma_start3A_259 : memref<1x128xi32, #tpu.memory_space<vmem>> -> memref<128xi32, #tpu.memory_space<vmem>>
    %dma_start3A_261 = arith.constant 0 : i32
    %dma_start3A_262 = tpu.memref_slice %arg19[%dma_start3A_261] : memref<10240xf32, #tpu.memory_space<vmem_shared>> -> memref<10240xf32, #tpu.memory_space<vmem_shared>>
    tpu.enqueue_indirect_dma source(%dma_start3A_262 : memref<10240xf32, #tpu.memory_space<vmem_shared>>) target(%dma_start3A_257 : memref<128xf32, #tpu.memory_space<vmem>>) offsets(%dma_start3A_260 : memref<128xi32, #tpu.memory_space<vmem>>) semaphore(%arg21 : memref<!tpu.dma_semaphore, #tpu.memory_space<semaphore_mem>>)
    %dma_wait3A_263 = arith.constant 0 : i32
    %dma_wait3A_264 = arith.constant 0 : i32
    %dma_wait3A_265 = tpu.memref_slice %arg14[%dma_wait3A_264] : memref<512xf32, #tpu.memory_space<vmem>> -> memref<128xf32, #tpu.memory_space<vmem>>
    %dma_wait3A_266 = arith.constant 0 : i32
    %dma_wait3A_267 = tpu.memref_slice %arg12[%dma_wait3A_263, %dma_wait3A_266] : memref<4x128xi32, #tpu.memory_space<vmem>> -> memref<1x128xi32, #tpu.memory_space<vmem>>
    %dma_wait3A_268 = tpu.memref_squeeze %dma_wait3A_267 : memref<1x128xi32, #tpu.memory_space<vmem>> -> memref<128xi32, #tpu.memory_space<vmem>>
    %dma_wait3A_269 = arith.constant 0 : i32
    %dma_wait3A_270 = tpu.memref_slice %arg19[%dma_wait3A_269] : memref<10240xf32, #tpu.memory_space<vmem_shared>> -> memref<10240xf32, #tpu.memory_space<vmem_shared>>
    tpu.wait_indirect_dma semaphore(%arg21 : memref<!tpu.dma_semaphore, #tpu.memory_space<semaphore_mem>>) src(%dma_wait3A_270 : memref<10240xf32, #tpu.memory_space<vmem_shared>>) dst(%dma_wait3A_265 : memref<128xf32, #tpu.memory_space<vmem>>)
    %dma_start3A_271 = arith.constant 1 : i32
    %dma_start3A_272 = arith.constant 128 : i32
    %dma_start3A_273 = tpu.memref_slice %arg14[%dma_start3A_272] : memref<512xf32, #tpu.memory_space<vmem>> -> memref<128xf32, #tpu.memory_space<vmem>>
    %dma_start3A_274 = arith.constant 0 : i32
    %dma_start3A_275 = tpu.memref_slice %arg12[%dma_start3A_271, %dma_start3A_274] : memref<4x128xi32, #tpu.memory_space<vmem>> -> memref<1x128xi32, #tpu.memory_space<vmem>>
    %dma_start3A_276 = tpu.memref_squeeze %dma_start3A_275 : memref<1x128xi32, #tpu.memory_space<vmem>> -> memref<128xi32, #tpu.memory_space<vmem>>
    %dma_start3A_277 = arith.constant 0 : i32
    %dma_start3A_278 = tpu.memref_slice %arg19[%dma_start3A_277] : memref<10240xf32, #tpu.memory_space<vmem_shared>> -> memref<10240xf32, #tpu.memory_space<vmem_shared>>
    tpu.enqueue_indirect_dma source(%dma_start3A_278 : memref<10240xf32, #tpu.memory_space<vmem_shared>>) target(%dma_start3A_273 : memref<128xf32, #tpu.memory_space<vmem>>) offsets(%dma_start3A_276 : memref<128xi32, #tpu.memory_space<vmem>>) semaphore(%arg21 : memref<!tpu.dma_semaphore, #tpu.memory_space<semaphore_mem>>)
    %dma_wait3A_279 = arith.constant 1 : i32
    %dma_wait3A_280 = arith.constant 128 : i32
    %dma_wait3A_281 = tpu.memref_slice %arg14[%dma_wait3A_280] : memref<512xf32, #tpu.memory_space<vmem>> -> memref<128xf32, #tpu.memory_space<vmem>>
    %dma_wait3A_282 = arith.constant 0 : i32
    %dma_wait3A_283 = tpu.memref_slice %arg12[%dma_wait3A_279, %dma_wait3A_282] : memref<4x128xi32, #tpu.memory_space<vmem>> -> memref<1x128xi32, #tpu.memory_space<vmem>>
    %dma_wait3A_284 = tpu.memref_squeeze %dma_wait3A_283 : memref<1x128xi32, #tpu.memory_space<vmem>> -> memref<128xi32, #tpu.memory_space<vmem>>
    %dma_wait3A_285 = arith.constant 0 : i32
    %dma_wait3A_286 = tpu.memref_slice %arg19[%dma_wait3A_285] : memref<10240xf32, #tpu.memory_space<vmem_shared>> -> memref<10240xf32, #tpu.memory_space<vmem_shared>>
    tpu.wait_indirect_dma semaphore(%arg21 : memref<!tpu.dma_semaphore, #tpu.memory_space<semaphore_mem>>) src(%dma_wait3A_286 : memref<10240xf32, #tpu.memory_space<vmem_shared>>) dst(%dma_wait3A_281 : memref<128xf32, #tpu.memory_space<vmem>>)
    %dma_start3A_287 = arith.constant 2 : i32
    %dma_start3A_288 = arith.constant 256 : i32
    %dma_start3A_289 = tpu.memref_slice %arg14[%dma_start3A_288] : memref<512xf32, #tpu.memory_space<vmem>> -> memref<128xf32, #tpu.memory_space<vmem>>
    %dma_start3A_290 = arith.constant 0 : i32
    %dma_start3A_291 = tpu.memref_slice %arg12[%dma_start3A_287, %dma_start3A_290] : memref<4x128xi32, #tpu.memory_space<vmem>> -> memref<1x128xi32, #tpu.memory_space<vmem>>
    %dma_start3A_292 = tpu.memref_squeeze %dma_start3A_291 : memref<1x128xi32, #tpu.memory_space<vmem>> -> memref<128xi32, #tpu.memory_space<vmem>>
    %dma_start3A_293 = arith.constant 0 : i32
    %dma_start3A_294 = tpu.memref_slice %arg19[%dma_start3A_293] : memref<10240xf32, #tpu.memory_space<vmem_shared>> -> memref<10240xf32, #tpu.memory_space<vmem_shared>>
    tpu.enqueue_indirect_dma source(%dma_start3A_294 : memref<10240xf32, #tpu.memory_space<vmem_shared>>) target(%dma_start3A_289 : memref<128xf32, #tpu.memory_space<vmem>>) offsets(%dma_start3A_292 : memref<128xi32, #tpu.memory_space<vmem>>) semaphore(%arg21 : memref<!tpu.dma_semaphore, #tpu.memory_space<semaphore_mem>>)
    %dma_wait3A_295 = arith.constant 2 : i32
    %dma_wait3A_296 = arith.constant 256 : i32
    %dma_wait3A_297 = tpu.memref_slice %arg14[%dma_wait3A_296] : memref<512xf32, #tpu.memory_space<vmem>> -> memref<128xf32, #tpu.memory_space<vmem>>
    %dma_wait3A_298 = arith.constant 0 : i32
    %dma_wait3A_299 = tpu.memref_slice %arg12[%dma_wait3A_295, %dma_wait3A_298] : memref<4x128xi32, #tpu.memory_space<vmem>> -> memref<1x128xi32, #tpu.memory_space<vmem>>
    %dma_wait3A_300 = tpu.memref_squeeze %dma_wait3A_299 : memref<1x128xi32, #tpu.memory_space<vmem>> -> memref<128xi32, #tpu.memory_space<vmem>>
    %dma_wait3A_301 = arith.constant 0 : i32
    %dma_wait3A_302 = tpu.memref_slice %arg19[%dma_wait3A_301] : memref<10240xf32, #tpu.memory_space<vmem_shared>> -> memref<10240xf32, #tpu.memory_space<vmem_shared>>
    tpu.wait_indirect_dma semaphore(%arg21 : memref<!tpu.dma_semaphore, #tpu.memory_space<semaphore_mem>>) src(%dma_wait3A_302 : memref<10240xf32, #tpu.memory_space<vmem_shared>>) dst(%dma_wait3A_297 : memref<128xf32, #tpu.memory_space<vmem>>)
    %dma_start3A_303 = arith.constant 3 : i32
    %dma_start3A_304 = arith.constant 384 : i32
    %dma_start3A_305 = tpu.memref_slice %arg14[%dma_start3A_304] : memref<512xf32, #tpu.memory_space<vmem>> -> memref<128xf32, #tpu.memory_space<vmem>>
    %dma_start3A_306 = arith.constant 0 : i32
    %dma_start3A_307 = tpu.memref_slice %arg12[%dma_start3A_303, %dma_start3A_306] : memref<4x128xi32, #tpu.memory_space<vmem>> -> memref<1x128xi32, #tpu.memory_space<vmem>>
    %dma_start3A_308 = tpu.memref_squeeze %dma_start3A_307 : memref<1x128xi32, #tpu.memory_space<vmem>> -> memref<128xi32, #tpu.memory_space<vmem>>
    %dma_start3A_309 = arith.constant 0 : i32
    %dma_start3A_310 = tpu.memref_slice %arg19[%dma_start3A_309] : memref<10240xf32, #tpu.memory_space<vmem_shared>> -> memref<10240xf32, #tpu.memory_space<vmem_shared>>
    tpu.enqueue_indirect_dma source(%dma_start3A_310 : memref<10240xf32, #tpu.memory_space<vmem_shared>>) target(%dma_start3A_305 : memref<128xf32, #tpu.memory_space<vmem>>) offsets(%dma_start3A_308 : memref<128xi32, #tpu.memory_space<vmem>>) semaphore(%arg21 : memref<!tpu.dma_semaphore, #tpu.memory_space<semaphore_mem>>)
    %dma_wait3A_311 = arith.constant 3 : i32
    %dma_wait3A_312 = arith.constant 384 : i32
    %dma_wait3A_313 = tpu.memref_slice %arg14[%dma_wait3A_312] : memref<512xf32, #tpu.memory_space<vmem>> -> memref<128xf32, #tpu.memory_space<vmem>>
    %dma_wait3A_314 = arith.constant 0 : i32
    %dma_wait3A_315 = tpu.memref_slice %arg12[%dma_wait3A_311, %dma_wait3A_314] : memref<4x128xi32, #tpu.memory_space<vmem>> -> memref<1x128xi32, #tpu.memory_space<vmem>>
    %dma_wait3A_316 = tpu.memref_squeeze %dma_wait3A_315 : memref<1x128xi32, #tpu.memory_space<vmem>> -> memref<128xi32, #tpu.memory_space<vmem>>
    %dma_wait3A_317 = arith.constant 0 : i32
    %dma_wait3A_318 = tpu.memref_slice %arg19[%dma_wait3A_317] : memref<10240xf32, #tpu.memory_space<vmem_shared>> -> memref<10240xf32, #tpu.memory_space<vmem_shared>>
    tpu.wait_indirect_dma semaphore(%arg21 : memref<!tpu.dma_semaphore, #tpu.memory_space<semaphore_mem>>) src(%dma_wait3A_318 : memref<10240xf32, #tpu.memory_space<vmem_shared>>) dst(%dma_wait3A_313 : memref<128xf32, #tpu.memory_space<vmem>>)
    %mul3A_319 = arith.constant 10000 : i32
    %mul3A_320 = arith.muli %arg0, %mul3A_319 : i32
    %get3A = arith.constant 0 : index
    %get3A_321 = tpu.vector_load %arg14[%get3A] {strides = array<i32>} : memref<512xf32, #tpu.memory_space<vmem>>, vector<16xf32>,
    %convert_element_type3A_322 = arith.fptosi %get3A_321 : vector<16xf32> to vector<16xi32>
    %add3A_323 = vector.broadcast %mul3A_320 : i32 to vector<16xi32>
    %add3A_324 = arith.addi %convert_element_type3A_322, %add3A_323 : vector<16xi32>
    %swap3A_325 = arith.constant 0 : i32
    %swap3A_326 = arith.index_cast %swap3A_325 : i32 to index
    %swap3A_327 = arith.constant 0 : index
    %swap3A_328 = tpu.vector_load %arg13[%swap3A_326, %swap3A_327] {strides = array<i32>} : memref<4x128xi32, #tpu.memory_space<vmem>>, vector<16xi32>,
    tpu.vector_store %arg13[%swap3A_326, %swap3A_327], %add3A_324 {strides = array<i32>} : memref<4x128xi32, #tpu.memory_space<vmem>>, vector<16xi32>,
    %get3A_329 = arith.constant 16 : index
    %get3A_330 = tpu.vector_load %arg14[%get3A_329] {strides = array<i32>} : memref<512xf32, #tpu.memory_space<vmem>>, vector<16xf32>,
    %convert_element_type3A_331 = arith.fptosi %get3A_330 : vector<16xf32> to vector<16xi32>
    %add3A_332 = vector.broadcast %mul3A_320 : i32 to vector<16xi32>
    %add3A_333 = arith.addi %convert_element_type3A_331, %add3A_332 : vector<16xi32>
    %swap3A_334 = arith.constant 0 : i32
    %swap3A_335 = arith.index_cast %swap3A_334 : i32 to index
    %swap3A_336 = arith.constant 16 : index
    %swap3A_337 = tpu.vector_load %arg13[%swap3A_335, %swap3A_336] {strides = array<i32>} : memref<4x128xi32, #tpu.memory_space<vmem>>, vector<16xi32>,
    tpu.vector_store %arg13[%swap3A_335, %swap3A_336], %add3A_333 {strides = array<i32>} : memref<4x128xi32, #tpu.memory_space<vmem>>, vector<16xi32>,
    %get3A_338 = arith.constant 32 : index
    %get3A_339 = tpu.vector_load %arg14[%get3A_338] {strides = array<i32>} : memref<512xf32, #tpu.memory_space<vmem>>, vector<16xf32>,
    %convert_element_type3A_340 = arith.fptosi %get3A_339 : vector<16xf32> to vector<16xi32>
    %add3A_341 = vector.broadcast %mul3A_320 : i32 to vector<16xi32>
    %add3A_342 = arith.addi %convert_element_type3A_340, %add3A_341 : vector<16xi32>
    %swap3A_343 = arith.constant 0 : i32
    %swap3A_344 = arith.index_cast %swap3A_343 : i32 to index
    %swap3A_345 = arith.constant 32 : index
    %swap3A_346 = tpu.vector_load %arg13[%swap3A_344, %swap3A_345] {strides = array<i32>} : memref<4x128xi32, #tpu.memory_space<vmem>>, vector<16xi32>,
    tpu.vector_store %arg13[%swap3A_344, %swap3A_345], %add3A_342 {strides = array<i32>} : memref<4x128xi32, #tpu.memory_space<vmem>>, vector<16xi32>,
    %get3A_347 = arith.constant 48 : index
    %get3A_348 = tpu.vector_load %arg14[%get3A_347] {strides = array<i32>} : memref<512xf32, #tpu.memory_space<vmem>>, vector<16xf32>,
    %convert_element_type3A_349 = arith.fptosi %get3A_348 : vector<16xf32> to vector<16xi32>
    %add3A_350 = vector.broadcast %mul3A_320 : i32 to vector<16xi32>
    %add3A_351 = arith.addi %convert_element_type3A_349, %add3A_350 : vector<16xi32>
    %swap3A_352 = arith.constant 0 : i32
    %swap3A_353 = arith.index_cast %swap3A_352 : i32 to index
    %swap3A_354 = arith.constant 48 : index
    %swap3A_355 = tpu.vector_load %arg13[%swap3A_353, %swap3A_354] {strides = array<i32>} : memref<4x128xi32, #tpu.memory_space<vmem>>, vector<16xi32>,
    tpu.vector_store %arg13[%swap3A_353, %swap3A_354], %add3A_351 {strides = array<i32>} : memref<4x128xi32, #tpu.memory_space<vmem>>, vector<16xi32>,
    %get3A_356 = arith.constant 64 : index
    %get3A_357 = tpu.vector_load %arg14[%get3A_356] {strides = array<i32>} : memref<512xf32, #tpu.memory_space<vmem>>, vector<16xf32>,
    %convert_element_type3A_358 = arith.fptosi %get3A_357 : vector<16xf32> to vector<16xi32>
    %add3A_359 = vector.broadcast %mul3A_320 : i32 to vector<16xi32>
    %add3A_360 = arith.addi %convert_element_type3A_358, %add3A_359 : vector<16xi32>
    %swap3A_361 = arith.constant 0 : i32
    %swap3A_362 = arith.index_cast %swap3A_361 : i32 to index
    %swap3A_363 = arith.constant 64 : index
    %swap3A_364 = tpu.vector_load %arg13[%swap3A_362, %swap3A_363] {strides = array<i32>} : memref<4x128xi32, #tpu.memory_space<vmem>>, vector<16xi32>,
    tpu.vector_store %arg13[%swap3A_362, %swap3A_363], %add3A_360 {strides = array<i32>} : memref<4x128xi32, #tpu.memory_space<vmem>>, vector<16xi32>,
    %get3A_365 = arith.constant 80 : index
    %get3A_366 = tpu.vector_load %arg14[%get3A_365] {strides = array<i32>} : memref<512xf32, #tpu.memory_space<vmem>>, vector<16xf32>,
    %convert_element_type3A_367 = arith.fptosi %get3A_366 : vector<16xf32> to vector<16xi32>
    %add3A_368 = vector.broadcast %mul3A_320 : i32 to vector<16xi32>
    %add3A_369 = arith.addi %convert_element_type3A_367, %add3A_368 : vector<16xi32>
    %swap3A_370 = arith.constant 0 : i32
    %swap3A_371 = arith.index_cast %swap3A_370 : i32 to index
    %swap3A_372 = arith.constant 80 : index
    %swap3A_373 = tpu.vector_load %arg13[%swap3A_371, %swap3A_372] {strides = array<i32>} : memref<4x128xi32, #tpu.memory_space<vmem>>, vector<16xi32>,
    tpu.vector_store %arg13[%swap3A_371, %swap3A_372], %add3A_369 {strides = array<i32>} : memref<4x128xi32, #tpu.memory_space<vmem>>, vector<16xi32>,
    %get3A_374 = arith.constant 96 : index
    %get3A_375 = tpu.vector_load %arg14[%get3A_374] {strides = array<i32>} : memref<512xf32, #tpu.memory_space<vmem>>, vector<16xf32>,
    %convert_element_type3A_376 = arith.fptosi %get3A_375 : vector<16xf32> to vector<16xi32>
    %add3A_377 = vector.broadcast %mul3A_320 : i32 to vector<16xi32>
    %add3A_378 = arith.addi %convert_element_type3A_376, %add3A_377 : vector<16xi32>
    %swap3A_379 = arith.constant 0 : i32
    %swap3A_380 = arith.index_cast %swap3A_379 : i32 to index
    %swap3A_381 = arith.constant 96 : index
    %swap3A_382 = tpu.vector_load %arg13[%swap3A_380, %swap3A_381] {strides = array<i32>} : memref<4x128xi32, #tpu.memory_space<vmem>>, vector<16xi32>,
    tpu.vector_store %arg13[%swap3A_380, %swap3A_381], %add3A_378 {strides = array<i32>} : memref<4x128xi32, #tpu.memory_space<vmem>>, vector<16xi32>,
    %get3A_383 = arith.constant 112 : index
    %get3A_384 = tpu.vector_load %arg14[%get3A_383] {strides = array<i32>} : memref<512xf32, #tpu.memory_space<vmem>>, vector<16xf32>,
    %convert_element_type3A_385 = arith.fptosi %get3A_384 : vector<16xf32> to vector<16xi32>
    %add3A_386 = vector.broadcast %mul3A_320 : i32 to vector<16xi32>
    %add3A_387 = arith.addi %convert_element_type3A_385, %add3A_386 : vector<16xi32>
    %swap3A_388 = arith.constant 0 : i32
    %swap3A_389 = arith.index_cast %swap3A_388 : i32 to index
    %swap3A_390 = arith.constant 112 : index
    %swap3A_391 = tpu.vector_load %arg13[%swap3A_389, %swap3A_390] {strides = array<i32>} : memref<4x128xi32, #tpu.memory_space<vmem>>, vector<16xi32>,
    tpu.vector_store %arg13[%swap3A_389, %swap3A_390], %add3A_387 {strides = array<i32>} : memref<4x128xi32, #tpu.memory_space<vmem>>, vector<16xi32>,
    %get3A_392 = arith.constant 128 : index
    %get3A_393 = tpu.vector_load %arg14[%get3A_392] {strides = array<i32>} : memref<512xf32, #tpu.memory_space<vmem>>, vector<16xf32>,
    %convert_element_type3A_394 = arith.fptosi %get3A_393 : vector<16xf32> to vector<16xi32>
    %add3A_395 = vector.broadcast %mul3A_320 : i32 to vector<16xi32>
    %add3A_396 = arith.addi %convert_element_type3A_394, %add3A_395 : vector<16xi32>
    %swap3A_397 = arith.constant 1 : i32
    %swap3A_398 = arith.index_cast %swap3A_397 : i32 to index
    %swap3A_399 = arith.constant 0 : index
    %swap3A_400 = tpu.vector_load %arg13[%swap3A_398, %swap3A_399] {strides = array<i32>} : memref<4x128xi32, #tpu.memory_space<vmem>>, vector<16xi32>,
    tpu.vector_store %arg13[%swap3A_398, %swap3A_399], %add3A_396 {strides = array<i32>} : memref<4x128xi32, #tpu.memory_space<vmem>>, vector<16xi32>,
    %get3A_401 = arith.constant 144 : index
    %get3A_402 = tpu.vector_load %arg14[%get3A_401] {strides = array<i32>} : memref<512xf32, #tpu.memory_space<vmem>>, vector<16xf32>,
    %convert_element_type3A_403 = arith.fptosi %get3A_402 : vector<16xf32> to vector<16xi32>
    %add3A_404 = vector.broadcast %mul3A_320 : i32 to vector<16xi32>
    %add3A_405 = arith.addi %convert_element_type3A_403, %add3A_404 : vector<16xi32>
    %swap3A_406 = arith.constant 1 : i32
    %swap3A_407 = arith.index_cast %swap3A_406 : i32 to index
    %swap3A_408 = arith.constant 16 : index
    %swap3A_409 = tpu.vector_load %arg13[%swap3A_407, %swap3A_408] {strides = array<i32>} : memref<4x128xi32, #tpu.memory_space<vmem>>, vector<16xi32>,
    tpu.vector_store %arg13[%swap3A_407, %swap3A_408], %add3A_405 {strides = array<i32>} : memref<4x128xi32, #tpu.memory_space<vmem>>, vector<16xi32>,
    %get3A_410 = arith.constant 160 : index
    %get3A_411 = tpu.vector_load %arg14[%get3A_410] {strides = array<i32>} : memref<512xf32, #tpu.memory_space<vmem>>, vector<16xf32>,
    %convert_element_type3A_412 = arith.fptosi %get3A_411 : vector<16xf32> to vector<16xi32>
    %add3A_413 = vector.broadcast %mul3A_320 : i32 to vector<16xi32>
    %add3A_414 = arith.addi %convert_element_type3A_412, %add3A_413 : vector<16xi32>
    %swap3A_415 = arith.constant 1 : i32
    %swap3A_416 = arith.index_cast %swap3A_415 : i32 to index
    %swap3A_417 = arith.constant 32 : index
    %swap3A_418 = tpu.vector_load %arg13[%swap3A_416, %swap3A_417] {strides = array<i32>} : memref<4x128xi32, #tpu.memory_space<vmem>>, vector<16xi32>,
    tpu.vector_store %arg13[%swap3A_416, %swap3A_417], %add3A_414 {strides = array<i32>} : memref<4x128xi32, #tpu.memory_space<vmem>>, vector<16xi32>,
    %get3A_419 = arith.constant 176 : index
    %get3A_420 = tpu.vector_load %arg14[%get3A_419] {strides = array<i32>} : memref<512xf32, #tpu.memory_space<vmem>>, vector<16xf32>,
    %convert_element_type3A_421 = arith.fptosi %get3A_420 : vector<16xf32> to vector<16xi32>
    %add3A_422 = vector.broadcast %mul3A_320 : i32 to vector<16xi32>
    %add3A_423 = arith.addi %convert_element_type3A_421, %add3A_422 : vector<16xi32>
    %swap3A_424 = arith.constant 1 : i32
    %swap3A_425 = arith.index_cast %swap3A_424 : i32 to index
    %swap3A_426 = arith.constant 48 : index
    %swap3A_427 = tpu.vector_load %arg13[%swap3A_425, %swap3A_426] {strides = array<i32>} : memref<4x128xi32, #tpu.memory_space<vmem>>, vector<16xi32>,
    tpu.vector_store %arg13[%swap3A_425, %swap3A_426], %add3A_423 {strides = array<i32>} : memref<4x128xi32, #tpu.memory_space<vmem>>, vector<16xi32>,
    %get3A_428 = arith.constant 192 : index
    %get3A_429 = tpu.vector_load %arg14[%get3A_428] {strides = array<i32>} : memref<512xf32, #tpu.memory_space<vmem>>, vector<16xf32>,
    %convert_element_type3A_430 = arith.fptosi %get3A_429 : vector<16xf32> to vector<16xi32>
    %add3A_431 = vector.broadcast %mul3A_320 : i32 to vector<16xi32>
    %add3A_432 = arith.addi %convert_element_type3A_430, %add3A_431 : vector<16xi32>
    %swap3A_433 = arith.constant 1 : i32
    %swap3A_434 = arith.index_cast %swap3A_433 : i32 to index
    %swap3A_435 = arith.constant 64 : index
    %swap3A_436 = tpu.vector_load %arg13[%swap3A_434, %swap3A_435] {strides = array<i32>} : memref<4x128xi32, #tpu.memory_space<vmem>>, vector<16xi32>,
    tpu.vector_store %arg13[%swap3A_434, %swap3A_435], %add3A_432 {strides = array<i32>} : memref<4x128xi32, #tpu.memory_space<vmem>>, vector<16xi32>,
    %get3A_437 = arith.constant 208 : index
    %get3A_438 = tpu.vector_load %arg14[%get3A_437] {strides = array<i32>} : memref<512xf32, #tpu.memory_space<vmem>>, vector<16xf32>,
    %convert_element_type3A_439 = arith.fptosi %get3A_438 : vector<16xf32> to vector<16xi32>
    %add3A_440 = vector.broadcast %mul3A_320 : i32 to vector<16xi32>
    %add3A_441 = arith.addi %convert_element_type3A_439, %add3A_440 : vector<16xi32>
    %swap3A_442 = arith.constant 1 : i32
    %swap3A_443 = arith.index_cast %swap3A_442 : i32 to index
    %swap3A_444 = arith.constant 80 : index
    %swap3A_445 = tpu.vector_load %arg13[%swap3A_443, %swap3A_444] {strides = array<i32>} : memref<4x128xi32, #tpu.memory_space<vmem>>, vector<16xi32>,
    tpu.vector_store %arg13[%swap3A_443, %swap3A_444], %add3A_441 {strides = array<i32>} : memref<4x128xi32, #tpu.memory_space<vmem>>, vector<16xi32>,
    %get3A_446 = arith.constant 224 : index
    %get3A_447 = tpu.vector_load %arg14[%get3A_446] {strides = array<i32>} : memref<512xf32, #tpu.memory_space<vmem>>, vector<16xf32>,
    %convert_element_type3A_448 = arith.fptosi %get3A_447 : vector<16xf32> to vector<16xi32>
    %add3A_449 = vector.broadcast %mul3A_320 : i32 to vector<16xi32>
    %add3A_450 = arith.addi %convert_element_type3A_448, %add3A_449 : vector<16xi32>
    %swap3A_451 = arith.constant 1 : i32
    %swap3A_452 = arith.index_cast %swap3A_451 : i32 to index
    %swap3A_453 = arith.constant 96 : index
    %swap3A_454 = tpu.vector_load %arg13[%swap3A_452, %swap3A_453] {strides = array<i32>} : memref<4x128xi32, #tpu.memory_space<vmem>>, vector<16xi32>,
    tpu.vector_store %arg13[%swap3A_452, %swap3A_453], %add3A_450 {strides = array<i32>} : memref<4x128xi32, #tpu.memory_space<vmem>>, vector<16xi32>,
    %get3A_455 = arith.constant 240 : index
    %get3A_456 = tpu.vector_load %arg14[%get3A_455] {strides = array<i32>} : memref<512xf32, #tpu.memory_space<vmem>>, vector<16xf32>,
    %convert_element_type3A_457 = arith.fptosi %get3A_456 : vector<16xf32> to vector<16xi32>
    %add3A_458 = vector.broadcast %mul3A_320 : i32 to vector<16xi32>
    %add3A_459 = arith.addi %convert_element_type3A_457, %add3A_458 : vector<16xi32>
    %swap3A_460 = arith.constant 1 : i32
    %swap3A_461 = arith.index_cast %swap3A_460 : i32 to index
    %swap3A_462 = arith.constant 112 : index
    %swap3A_463 = tpu.vector_load %arg13[%swap3A_461, %swap3A_462] {strides = array<i32>} : memref<4x128xi32, #tpu.memory_space<vmem>>, vector<16xi32>,
    tpu.vector_store %arg13[%swap3A_461, %swap3A_462], %add3A_459 {strides = array<i32>} : memref<4x128xi32, #tpu.memory_space<vmem>>, vector<16xi32>,
    %get3A_464 = arith.constant 256 : index
    %get3A_465 = tpu.vector_load %arg14[%get3A_464] {strides = array<i32>} : memref<512xf32, #tpu.memory_space<vmem>>, vector<16xf32>,
    %convert_element_type3A_466 = arith.fptosi %get3A_465 : vector<16xf32> to vector<16xi32>
    %add3A_467 = vector.broadcast %mul3A_320 : i32 to vector<16xi32>
    %add3A_468 = arith.addi %convert_element_type3A_466, %add3A_467 : vector<16xi32>
    %swap3A_469 = arith.constant 2 : i32
    %swap3A_470 = arith.index_cast %swap3A_469 : i32 to index
    %swap3A_471 = arith.constant 0 : index
    %swap3A_472 = tpu.vector_load %arg13[%swap3A_470, %swap3A_471] {strides = array<i32>} : memref<4x128xi32, #tpu.memory_space<vmem>>, vector<16xi32>,
    tpu.vector_store %arg13[%swap3A_470, %swap3A_471], %add3A_468 {strides = array<i32>} : memref<4x128xi32, #tpu.memory_space<vmem>>, vector<16xi32>,
    %get3A_473 = arith.constant 272 : index
    %get3A_474 = tpu.vector_load %arg14[%get3A_473] {strides = array<i32>} : memref<512xf32, #tpu.memory_space<vmem>>, vector<16xf32>,
    %convert_element_type3A_475 = arith.fptosi %get3A_474 : vector<16xf32> to vector<16xi32>
    %add3A_476 = vector.broadcast %mul3A_320 : i32 to vector<16xi32>
    %add3A_477 = arith.addi %convert_element_type3A_475, %add3A_476 : vector<16xi32>
    %swap3A_478 = arith.constant 2 : i32
    %swap3A_479 = arith.index_cast %swap3A_478 : i32 to index
    %swap3A_480 = arith.constant 16 : index
    %swap3A_481 = tpu.vector_load %arg13[%swap3A_479, %swap3A_480] {strides = array<i32>} : memref<4x128xi32, #tpu.memory_space<vmem>>, vector<16xi32>,
    tpu.vector_store %arg13[%swap3A_479, %swap3A_480], %add3A_477 {strides = array<i32>} : memref<4x128xi32, #tpu.memory_space<vmem>>, vector<16xi32>,
    %get3A_482 = arith.constant 288 : index
    %get3A_483 = tpu.vector_load %arg14[%get3A_482] {strides = array<i32>} : memref<512xf32, #tpu.memory_space<vmem>>, vector<16xf32>,
    %convert_element_type3A_484 = arith.fptosi %get3A_483 : vector<16xf32> to vector<16xi32>
    %add3A_485 = vector.broadcast %mul3A_320 : i32 to vector<16xi32>
    %add3A_486 = arith.addi %convert_element_type3A_484, %add3A_485 : vector<16xi32>
    %swap3A_487 = arith.constant 2 : i32
    %swap3A_488 = arith.index_cast %swap3A_487 : i32 to index
    %swap3A_489 = arith.constant 32 : index
    %swap3A_490 = tpu.vector_load %arg13[%swap3A_488, %swap3A_489] {strides = array<i32>} : memref<4x128xi32, #tpu.memory_space<vmem>>, vector<16xi32>,
    tpu.vector_store %arg13[%swap3A_488, %swap3A_489], %add3A_486 {strides = array<i32>} : memref<4x128xi32, #tpu.memory_space<vmem>>, vector<16xi32>,
    %get3A_491 = arith.constant 304 : index
    %get3A_492 = tpu.vector_load %arg14[%get3A_491] {strides = array<i32>} : memref<512xf32, #tpu.memory_space<vmem>>, vector<16xf32>,
    %convert_element_type3A_493 = arith.fptosi %get3A_492 : vector<16xf32> to vector<16xi32>
    %add3A_494 = vector.broadcast %mul3A_320 : i32 to vector<16xi32>
    %add3A_495 = arith.addi %convert_element_type3A_493, %add3A_494 : vector<16xi32>
    %swap3A_496 = arith.constant 2 : i32
    %swap3A_497 = arith.index_cast %swap3A_496 : i32 to index
    %swap3A_498 = arith.constant 48 : index
    %swap3A_499 = tpu.vector_load %arg13[%swap3A_497, %swap3A_498] {strides = array<i32>} : memref<4x128xi32, #tpu.memory_space<vmem>>, vector<16xi32>,
    tpu.vector_store %arg13[%swap3A_497, %swap3A_498], %add3A_495 {strides = array<i32>} : memref<4x128xi32, #tpu.memory_space<vmem>>, vector<16xi32>,
    %get3A_500 = arith.constant 320 : index
    %get3A_501 = tpu.vector_load %arg14[%get3A_500] {strides = array<i32>} : memref<512xf32, #tpu.memory_space<vmem>>, vector<16xf32>,
    %convert_element_type3A_502 = arith.fptosi %get3A_501 : vector<16xf32> to vector<16xi32>
    %add3A_503 = vector.broadcast %mul3A_320 : i32 to vector<16xi32>
    %add3A_504 = arith.addi %convert_element_type3A_502, %add3A_503 : vector<16xi32>
    %swap3A_505 = arith.constant 2 : i32
    %swap3A_506 = arith.index_cast %swap3A_505 : i32 to index
    %swap3A_507 = arith.constant 64 : index
    %swap3A_508 = tpu.vector_load %arg13[%swap3A_506, %swap3A_507] {strides = array<i32>} : memref<4x128xi32, #tpu.memory_space<vmem>>, vector<16xi32>,
    tpu.vector_store %arg13[%swap3A_506, %swap3A_507], %add3A_504 {strides = array<i32>} : memref<4x128xi32, #tpu.memory_space<vmem>>, vector<16xi32>,
    %get3A_509 = arith.constant 336 : index
    %get3A_510 = tpu.vector_load %arg14[%get3A_509] {strides = array<i32>} : memref<512xf32, #tpu.memory_space<vmem>>, vector<16xf32>,
    %convert_element_type3A_511 = arith.fptosi %get3A_510 : vector<16xf32> to vector<16xi32>
    %add3A_512 = vector.broadcast %mul3A_320 : i32 to vector<16xi32>
    %add3A_513 = arith.addi %convert_element_type3A_511, %add3A_512 : vector<16xi32>
    %swap3A_514 = arith.constant 2 : i32
    %swap3A_515 = arith.index_cast %swap3A_514 : i32 to index
    %swap3A_516 = arith.constant 80 : index
    %swap3A_517 = tpu.vector_load %arg13[%swap3A_515, %swap3A_516] {strides = array<i32>} : memref<4x128xi32, #tpu.memory_space<vmem>>, vector<16xi32>,
    tpu.vector_store %arg13[%swap3A_515, %swap3A_516], %add3A_513 {strides = array<i32>} : memref<4x128xi32, #tpu.memory_space<vmem>>, vector<16xi32>,
    %get3A_518 = arith.constant 352 : index
    %get3A_519 = tpu.vector_load %arg14[%get3A_518] {strides = array<i32>} : memref<512xf32, #tpu.memory_space<vmem>>, vector<16xf32>,
    %convert_element_type3A_520 = arith.fptosi %get3A_519 : vector<16xf32> to vector<16xi32>
    %add3A_521 = vector.broadcast %mul3A_320 : i32 to vector<16xi32>
    %add3A_522 = arith.addi %convert_element_type3A_520, %add3A_521 : vector<16xi32>
    %swap3A_523 = arith.constant 2 : i32
    %swap3A_524 = arith.index_cast %swap3A_523 : i32 to index
    %swap3A_525 = arith.constant 96 : index
    %swap3A_526 = tpu.vector_load %arg13[%swap3A_524, %swap3A_525] {strides = array<i32>} : memref<4x128xi32, #tpu.memory_space<vmem>>, vector<16xi32>,
    tpu.vector_store %arg13[%swap3A_524, %swap3A_525], %add3A_522 {strides = array<i32>} : memref<4x128xi32, #tpu.memory_space<vmem>>, vector<16xi32>,
    %get3A_527 = arith.constant 368 : index
    %get3A_528 = tpu.vector_load %arg14[%get3A_527] {strides = array<i32>} : memref<512xf32, #tpu.memory_space<vmem>>, vector<16xf32>,
    %convert_element_type3A_529 = arith.fptosi %get3A_528 : vector<16xf32> to vector<16xi32>
    %add3A_530 = vector.broadcast %mul3A_320 : i32 to vector<16xi32>
    %add3A_531 = arith.addi %convert_element_type3A_529, %add3A_530 : vector<16xi32>
    %swap3A_532 = arith.constant 2 : i32
    %swap3A_533 = arith.index_cast %swap3A_532 : i32 to index
    %swap3A_534 = arith.constant 112 : index
    %swap3A_535 = tpu.vector_load %arg13[%swap3A_533, %swap3A_534] {strides = array<i32>} : memref<4x128xi32, #tpu.memory_space<vmem>>, vector<16xi32>,
    tpu.vector_store %arg13[%swap3A_533, %swap3A_534], %add3A_531 {strides = array<i32>} : memref<4x128xi32, #tpu.memory_space<vmem>>, vector<16xi32>,
    %get3A_536 = arith.constant 384 : index
    %get3A_537 = tpu.vector_load %arg14[%get3A_536] {strides = array<i32>} : memref<512xf32, #tpu.memory_space<vmem>>, vector<16xf32>,
    %convert_element_type3A_538 = arith.fptosi %get3A_537 : vector<16xf32> to vector<16xi32>
    %add3A_539 = vector.broadcast %mul3A_320 : i32 to vector<16xi32>
    %add3A_540 = arith.addi %convert_element_type3A_538, %add3A_539 : vector<16xi32>
    %swap3A_541 = arith.constant 3 : i32
    %swap3A_542 = arith.index_cast %swap3A_541 : i32 to index
    %swap3A_543 = arith.constant 0 : index
    %swap3A_544 = tpu.vector_load %arg13[%swap3A_542, %swap3A_543] {strides = array<i32>} : memref<4x128xi32, #tpu.memory_space<vmem>>, vector<16xi32>,
    tpu.vector_store %arg13[%swap3A_542, %swap3A_543], %add3A_540 {strides = array<i32>} : memref<4x128xi32, #tpu.memory_space<vmem>>, vector<16xi32>,
    %get3A_545 = arith.constant 400 : index
    %get3A_546 = tpu.vector_load %arg14[%get3A_545] {strides = array<i32>} : memref<512xf32, #tpu.memory_space<vmem>>, vector<16xf32>,
    %convert_element_type3A_547 = arith.fptosi %get3A_546 : vector<16xf32> to vector<16xi32>
    %add3A_548 = vector.broadcast %mul3A_320 : i32 to vector<16xi32>
    %add3A_549 = arith.addi %convert_element_type3A_547, %add3A_548 : vector<16xi32>
    %swap3A_550 = arith.constant 3 : i32
    %swap3A_551 = arith.index_cast %swap3A_550 : i32 to index
    %swap3A_552 = arith.constant 16 : index
    %swap3A_553 = tpu.vector_load %arg13[%swap3A_551, %swap3A_552] {strides = array<i32>} : memref<4x128xi32, #tpu.memory_space<vmem>>, vector<16xi32>,
    tpu.vector_store %arg13[%swap3A_551, %swap3A_552], %add3A_549 {strides = array<i32>} : memref<4x128xi32, #tpu.memory_space<vmem>>, vector<16xi32>,
    %get3A_554 = arith.constant 416 : index
    %get3A_555 = tpu.vector_load %arg14[%get3A_554] {strides = array<i32>} : memref<512xf32, #tpu.memory_space<vmem>>, vector<16xf32>,
    %convert_element_type3A_556 = arith.fptosi %get3A_555 : vector<16xf32> to vector<16xi32>
    %add3A_557 = vector.broadcast %mul3A_320 : i32 to vector<16xi32>
    %add3A_558 = arith.addi %convert_element_type3A_556, %add3A_557 : vector<16xi32>
    %swap3A_559 = arith.constant 3 : i32
    %swap3A_560 = arith.index_cast %swap3A_559 : i32 to index
    %swap3A_561 = arith.constant 32 : index
    %swap3A_562 = tpu.vector_load %arg13[%swap3A_560, %swap3A_561] {strides = array<i32>} : memref<4x128xi32, #tpu.memory_space<vmem>>, vector<16xi32>,
    tpu.vector_store %arg13[%swap3A_560, %swap3A_561], %add3A_558 {strides = array<i32>} : memref<4x128xi32, #tpu.memory_space<vmem>>, vector<16xi32>,
    %get3A_563 = arith.constant 432 : index
    %get3A_564 = tpu.vector_load %arg14[%get3A_563] {strides = array<i32>} : memref<512xf32, #tpu.memory_space<vmem>>, vector<16xf32>,
    %convert_element_type3A_565 = arith.fptosi %get3A_564 : vector<16xf32> to vector<16xi32>
    %add3A_566 = vector.broadcast %mul3A_320 : i32 to vector<16xi32>
    %add3A_567 = arith.addi %convert_element_type3A_565, %add3A_566 : vector<16xi32>
    %swap3A_568 = arith.constant 3 : i32
    %swap3A_569 = arith.index_cast %swap3A_568 : i32 to index
    %swap3A_570 = arith.constant 48 : index
    %swap3A_571 = tpu.vector_load %arg13[%swap3A_569, %swap3A_570] {strides = array<i32>} : memref<4x128xi32, #tpu.memory_space<vmem>>, vector<16xi32>,
    tpu.vector_store %arg13[%swap3A_569, %swap3A_570], %add3A_567 {strides = array<i32>} : memref<4x128xi32, #tpu.memory_space<vmem>>, vector<16xi32>,
    %get3A_572 = arith.constant 448 : index
    %get3A_573 = tpu.vector_load %arg14[%get3A_572] {strides = array<i32>} : memref<512xf32, #tpu.memory_space<vmem>>, vector<16xf32>,
    %convert_element_type3A_574 = arith.fptosi %get3A_573 : vector<16xf32> to vector<16xi32>
    %add3A_575 = vector.broadcast %mul3A_320 : i32 to vector<16xi32>
    %add3A_576 = arith.addi %convert_element_type3A_574, %add3A_575 : vector<16xi32>
    %swap3A_577 = arith.constant 3 : i32
    %swap3A_578 = arith.index_cast %swap3A_577 : i32 to index
    %swap3A_579 = arith.constant 64 : index
    %swap3A_580 = tpu.vector_load %arg13[%swap3A_578, %swap3A_579] {strides = array<i32>} : memref<4x128xi32, #tpu.memory_space<vmem>>, vector<16xi32>,
    tpu.vector_store %arg13[%swap3A_578, %swap3A_579], %add3A_576 {strides = array<i32>} : memref<4x128xi32, #tpu.memory_space<vmem>>, vector<16xi32>,
    %get3A_581 = arith.constant 464 : index
    %get3A_582 = tpu.vector_load %arg14[%get3A_581] {strides = array<i32>} : memref<512xf32, #tpu.memory_space<vmem>>, vector<16xf32>,
    %convert_element_type3A_583 = arith.fptosi %get3A_582 : vector<16xf32> to vector<16xi32>
    %add3A_584 = vector.broadcast %mul3A_320 : i32 to vector<16xi32>
    %add3A_585 = arith.addi %convert_element_type3A_583, %add3A_584 : vector<16xi32>
    %swap3A_586 = arith.constant 3 : i32
    %swap3A_587 = arith.index_cast %swap3A_586 : i32 to index
    %swap3A_588 = arith.constant 80 : index
    %swap3A_589 = tpu.vector_load %arg13[%swap3A_587, %swap3A_588] {strides = array<i32>} : memref<4x128xi32, #tpu.memory_space<vmem>>, vector<16xi32>,
    tpu.vector_store %arg13[%swap3A_587, %swap3A_588], %add3A_585 {strides = array<i32>} : memref<4x128xi32, #tpu.memory_space<vmem>>, vector<16xi32>,
    %get3A_590 = arith.constant 480 : index
    %get3A_591 = tpu.vector_load %arg14[%get3A_590] {strides = array<i32>} : memref<512xf32, #tpu.memory_space<vmem>>, vector<16xf32>,
    %convert_element_type3A_592 = arith.fptosi %get3A_591 : vector<16xf32> to vector<16xi32>
    %add3A_593 = vector.broadcast %mul3A_320 : i32 to vector<16xi32>
    %add3A_594 = arith.addi %convert_element_type3A_592, %add3A_593 : vector<16xi32>
    %swap3A_595 = arith.constant 3 : i32
    %swap3A_596 = arith.index_cast %swap3A_595 : i32 to index
    %swap3A_597 = arith.constant 96 : index
    %swap3A_598 = tpu.vector_load %arg13[%swap3A_596, %swap3A_597] {strides = array<i32>} : memref<4x128xi32, #tpu.memory_space<vmem>>, vector<16xi32>,
    tpu.vector_store %arg13[%swap3A_596, %swap3A_597], %add3A_594 {strides = array<i32>} : memref<4x128xi32, #tpu.memory_space<vmem>>, vector<16xi32>,
    %get3A_599 = arith.constant 496 : index
    %get3A_600 = tpu.vector_load %arg14[%get3A_599] {strides = array<i32>} : memref<512xf32, #tpu.memory_space<vmem>>, vector<16xf32>,
    %convert_element_type3A_601 = arith.fptosi %get3A_600 : vector<16xf32> to vector<16xi32>
    %add3A_602 = vector.broadcast %mul3A_320 : i32 to vector<16xi32>
    %add3A_603 = arith.addi %convert_element_type3A_601, %add3A_602 : vector<16xi32>
    %swap3A_604 = arith.constant 3 : i32
    %swap3A_605 = arith.index_cast %swap3A_604 : i32 to index
    %swap3A_606 = arith.constant 112 : index
    %swap3A_607 = tpu.vector_load %arg13[%swap3A_605, %swap3A_606] {strides = array<i32>} : memref<4x128xi32, #tpu.memory_space<vmem>>, vector<16xi32>,
    tpu.vector_store %arg13[%swap3A_605, %swap3A_606], %add3A_603 {strides = array<i32>} : memref<4x128xi32, #tpu.memory_space<vmem>>, vector<16xi32>,
    "tpu.region"() ({
      %run_scoped3A_608 = tpu.sem_alloc : memref<!tpu.dma_semaphore, #tpu.memory_space<semaphore_mem>>
      %dma_start3A_609 = arith.constant 0 : i32
      %dma_start3A_610 = arith.constant 0 : i32
      %dma_start3A_611 = tpu.memref_slice %arg7[%arg0, %arg1, %dma_start3A_609, %dma_start3A_610] : memref<2x16x4x128xi32, #tpu.memory_space<hbm>> -> memref<1x1x4x128xi32, #tpu.memory_space<hbm>>
      %dma_start3A_612 = tpu.memref_squeeze %dma_start3A_611 : memref<1x1x4x128xi32, #tpu.memory_space<hbm>> -> memref<4x128xi32, #tpu.memory_space<hbm>>
      %dma_start3A_613 = arith.constant 0 : i32
      %dma_start3A_614 = arith.constant 0 : i32
      %dma_start3A_615 = tpu.memref_slice %arg7[%arg0, %arg1, %dma_start3A_613, %dma_start3A_614] : memref<2x16x4x128xi32, #tpu.memory_space<hbm>> -> memref<1x1x4x128xi32, #tpu.memory_space<hbm>>
      %dma_start3A_616 = tpu.memref_squeeze %dma_start3A_615 : memref<1x1x4x128xi32, #tpu.memory_space<hbm>> -> memref<4x128xi32, #tpu.memory_space<hbm>>
      tpu.enqueue_dma source(%arg13 : memref<4x128xi32, #tpu.memory_space<vmem>>) target(%dma_start3A_616 : memref<4x128xi32, #tpu.memory_space<hbm>>) target_semaphore(%run_scoped3A_608 : memref<!tpu.dma_semaphore, #tpu.memory_space<semaphore_mem>>)
      %dma_wait3A_617 = arith.constant 0 : i32
      %dma_wait3A_618 = arith.constant 0 : i32
      %dma_wait3A_619 = tpu.memref_slice %arg7[%arg0, %arg1, %dma_wait3A_617, %dma_wait3A_618] : memref<2x16x4x128xi32, #tpu.memory_space<hbm>> -> memref<1x1x4x128xi32, #tpu.memory_space<hbm>>
      %dma_wait3A_620 = tpu.memref_squeeze %dma_wait3A_619 : memref<1x1x4x128xi32, #tpu.memory_space<hbm>> -> memref<4x128xi32, #tpu.memory_space<hbm>>
      %dma_wait3A_621 = arith.constant 0 : i32
      %dma_wait3A_622 = arith.constant 0 : i32
      %dma_wait3A_623 = tpu.memref_slice %arg7[%arg0, %arg1, %dma_wait3A_621, %dma_wait3A_622] : memref<2x16x4x128xi32, #tpu.memory_space<hbm>> -> memref<1x1x4x128xi32, #tpu.memory_space<hbm>>
      %dma_wait3A_624 = tpu.memref_squeeze %dma_wait3A_623 : memref<1x1x4x128xi32, #tpu.memory_space<hbm>> -> memref<4x128xi32, #tpu.memory_space<hbm>>
      tpu.wait_dma2 semaphore(%run_scoped3A_608 : memref<!tpu.dma_semaphore, #tpu.memory_space<semaphore_mem>>) src(%arg13 : memref<4x128xi32, #tpu.memory_space<vmem>>) dst(%dma_wait3A_624 : memref<4x128xi32, #tpu.memory_space<hbm>>)
      tpu.yield
    }) : () -> ()
    return
  }
}

module attributes {stable_mosaic.version = 14 : i64} {
  func.func @_tc_body(%arg0: i32, %arg1: i32, %arg2: memref<2000x128xf32, #tpu.memory_space<vmem>>, %arg3: memref<1x2000x128xf32, #tpu.memory_space<vmem>>, %arg4: memref<1x1x2000xf32, #tpu.memory_space<vmem>>, %arg5: memref<128x128xf32, #tpu.memory_space<vmem>>, %arg6: memref<128x128xf32, #tpu.memory_space<vmem>>, %arg7: memref<1x128x128xf32, #tpu.memory_space<vmem>>, %arg8: memref<1x128xf32, #tpu.memory_space<vmem>>, %arg9: memref<1x128xf32, #tpu.memory_space<vmem>>, %arg10: memref<1x128xf32, #tpu.memory_space<vmem>>, %arg11: memref<1x2000x128xf32, #tpu.memory_space<vmem>>) attributes {dimension_semantics = [#tpu.dimension_semantics<arbitrary>, #tpu.dimension_semantics<arbitrary>], iteration_bounds = array<i64: 2, 5>, scalar_prefetch = 0 : i64, scratch_operands = 0 : i64, tpu.core_type = #tpu.core_type<tc>, window_params = [{transform_indices = @transform_0, window_bounds = array<i64: 2000, 128>}, {transform_indices = @transform_1, window_bounds = array<i64: 1, 2000, 128>}, {transform_indices = @transform_2, window_bounds = array<i64: 1, 1, 2000>}, {pipeline_mode = #tpu.pipeline_mode<synchronous>, transform_indices = @transform_3, window_bounds = array<i64: 128, 128>}, {pipeline_mode = #tpu.pipeline_mode<synchronous>, transform_indices = @transform_4, window_bounds = array<i64: 128, 128>}, {transform_indices = @transform_5, window_bounds = array<i64: 1, 128, 128>}, {pipeline_mode = #tpu.pipeline_mode<synchronous>, transform_indices = @transform_6, window_bounds = array<i64: 1, 128>}, {pipeline_mode = #tpu.pipeline_mode<synchronous>, transform_indices = @transform_7, window_bounds = array<i64: 1, 128>}, {pipeline_mode = #tpu.pipeline_mode<synchronous>, transform_indices = @transform_8, window_bounds = array<i64: 1, 128>}, {transform_indices = @transform_9, window_bounds = array<i64: 1, 2000, 128>}]} {
    %get3A = arith.constant 0 : index
    %get3A_0 = arith.constant 0 : index
    %get3A_1 = vector.load %arg2[%get3A, %get3A_0] : memref<2000x128xf32, #tpu.memory_space<vmem>>, vector<2000x128xf32>
    %get3A_2 = arith.constant 0 : index
    %get3A_3 = arith.constant 0 : index
    %get3A_4 = arith.constant 0 : index
    %get3A_5 = vector.load %arg3[%get3A_2, %get3A_3, %get3A_4] : memref<1x2000x128xf32, #tpu.memory_space<vmem>>, vector<1x2000x128xf32>
    %get3A_6 = vector.shape_cast %get3A_5 : vector<1x2000x128xf32> to vector<2000x128xf32>
    %get3A_7 = arith.constant 0 : index
    %get3A_8 = arith.constant 0 : index
    %get3A_9 = arith.constant 0 : index
    %get3A_10 = vector.load %arg4[%get3A_7, %get3A_8, %get3A_9] : memref<1x1x2000xf32, #tpu.memory_space<vmem>>, vector<1x1x2000xf32>
    %get3A_11 = vector.shape_cast %get3A_10 : vector<1x1x2000xf32> to vector<2000xf32>
    %reshape3A = vector.shape_cast %get3A_11 : vector<2000xf32> to vector<2000x1xf32>
    %max3A = arith.constant 1.000000e+00 : f32
    %max3A_12 = vector.broadcast %max3A : f32 to vector<2000x1xf32>
    %max3A_13 = arith.maximumf %reshape3A, %max3A_12 : vector<2000x1xf32>
    %div3A = vector.broadcast %max3A_13 : vector<2000x1xf32> to vector<2000x128xf32>
    %div3A_14 = arith.divf %get3A_6, %div3A : vector<2000x128xf32>
    %get3A_15 = arith.constant 0 : index
    %get3A_16 = arith.constant 0 : index
    %get3A_17 = vector.load %arg5[%get3A_15, %get3A_16] : memref<128x128xf32, #tpu.memory_space<vmem>>, vector<128x128xf32>
    %dot_general3A = arith.constant dense<0.000000e+00> : vector<2000x128xf32>
    %dot_general3A_18 = tpu.matmul %get3A_1, %get3A_17, %dot_general3A {dimension_numbers = #tpu.dot_dimension_numbers<[1], [0], [0], [1], [0, 0, 1, 1], [], []>, transpose_lhs_hint = false} : vector<2000x128xf32>, vector<128x128xf32>, vector<2000x128xf32> -> vector<2000x128xf32>
    %get3A_19 = arith.constant 0 : index
    %get3A_20 = arith.constant 0 : index
    %get3A_21 = vector.load %arg6[%get3A_19, %get3A_20] : memref<128x128xf32, #tpu.memory_space<vmem>>, vector<128x128xf32>
    %dot_general3A_22 = arith.constant dense<0.000000e+00> : vector<2000x128xf32>
    %dot_general3A_23 = tpu.matmul %div3A_14, %get3A_21, %dot_general3A_22 {dimension_numbers = #tpu.dot_dimension_numbers<[1], [0], [0], [1], [0, 0, 1, 1], [], []>, transpose_lhs_hint = false} : vector<2000x128xf32>, vector<128x128xf32>, vector<2000x128xf32> -> vector<2000x128xf32>
    %add3A = arith.addf %dot_general3A_18, %dot_general3A_23 : vector<2000x128xf32>
    %get3A_24 = arith.constant 0 : index
    %get3A_25 = arith.constant 0 : index
    %get3A_26 = vector.load %arg8[%get3A_24, %get3A_25] : memref<1x128xf32, #tpu.memory_space<vmem>>, vector<1x128xf32>
    %add3A_27 = vector.broadcast %get3A_26 : vector<1x128xf32> to vector<2000x128xf32>
    %add3A_28 = arith.addf %add3A, %add3A_27 : vector<2000x128xf32>
    %get3A_29 = arith.constant 0 : index
    %get3A_30 = arith.constant 0 : index
    %get3A_31 = vector.load %arg9[%get3A_29, %get3A_30] : memref<1x128xf32, #tpu.memory_space<vmem>>, vector<1x128xf32>
    %add3A_32 = vector.broadcast %get3A_31 : vector<1x128xf32> to vector<2000x128xf32>
    %add3A_33 = arith.addf %add3A_28, %add3A_32 : vector<2000x128xf32>
    %max3A_34 = arith.constant 0.000000e+00 : f32
    %max3A_35 = vector.broadcast %max3A_34 : f32 to vector<2000x128xf32>
    %max3A_36 = arith.maximumf %add3A_33, %max3A_35 : vector<2000x128xf32>
    %mul3A = arith.mulf %max3A_36, %max3A_36 : vector<2000x128xf32>
    %reduce_sum3A = arith.constant dense<0.000000e+00> : vector<2000xf32>
    %reduce_sum3A_37 = vector.multi_reduction <add>, %mul3A, %reduce_sum3A [1] : vector<2000x128xf32> to vector<2000xf32>
    %broadcast_in_dim3A = vector.shape_cast %reduce_sum3A_37 : vector<2000xf32> to vector<2000x1xf32>
    %sqrt3A = math.sqrt %broadcast_in_dim3A : vector<2000x1xf32>
    %max3A_38 = arith.constant 9.99999996E-13 : f32
    %max3A_39 = vector.broadcast %max3A_38 : f32 to vector<2000x1xf32>
    %max3A_40 = arith.maximumf %sqrt3A, %max3A_39 : vector<2000x1xf32>
    %div3A_41 = vector.broadcast %max3A_40 : vector<2000x1xf32> to vector<2000x128xf32>
    %div3A_42 = arith.divf %max3A_36, %div3A_41 : vector<2000x128xf32>
    %eq3A = arith.constant 1 : i32
    %eq3A_43 = arith.cmpi eq, %arg0, %eq3A : i32
    %convert_element_type3A = arith.extui %eq3A_43 : i1 to i32
    %convert_element_type3A_44 = arith.sitofp %convert_element_type3A : i32 to f32
    %get3A_45 = arith.constant 0 : index
    %get3A_46 = arith.constant 0 : index
    %get3A_47 = arith.constant 0 : index
    %get3A_48 = vector.load %arg7[%get3A_45, %get3A_46, %get3A_47] : memref<1x128x128xf32, #tpu.memory_space<vmem>>, vector<1x128x128xf32>
    %get3A_49 = vector.shape_cast %get3A_48 : vector<1x128x128xf32> to vector<128x128xf32>
    %dot_general3A_50 = arith.constant dense<0.000000e+00> : vector<2000x128xf32>
    %dot_general3A_51 = tpu.matmul %div3A_42, %get3A_49, %dot_general3A_50 {dimension_numbers = #tpu.dot_dimension_numbers<[1], [0], [0], [1], [0, 0, 1, 1], [], []>, transpose_lhs_hint = false} : vector<2000x128xf32>, vector<128x128xf32>, vector<2000x128xf32> -> vector<2000x128xf32>
    %get3A_52 = arith.constant 0 : index
    %get3A_53 = arith.constant 0 : index
    %get3A_54 = vector.load %arg10[%get3A_52, %get3A_53] : memref<1x128xf32, #tpu.memory_space<vmem>>, vector<1x128xf32>
    %mul3A_55 = vector.broadcast %convert_element_type3A_44 : f32 to vector<1x128xf32>
    %mul3A_56 = arith.mulf %mul3A_55, %get3A_54 : vector<1x128xf32>
    %add3A_57 = vector.broadcast %mul3A_56 : vector<1x128xf32> to vector<2000x128xf32>
    %add3A_58 = arith.addf %dot_general3A_51, %add3A_57 : vector<2000x128xf32>
    %swap3A = arith.constant 0 : index
    %swap3A_59 = arith.constant 0 : index
    %swap3A_60 = arith.constant 0 : index
    %swap3A_61 = vector.load %arg11[%swap3A, %swap3A_59, %swap3A_60] : memref<1x2000x128xf32, #tpu.memory_space<vmem>>, vector<1x2000x128xf32>
    %swap3A_62 = vector.shape_cast %swap3A_61 : vector<1x2000x128xf32> to vector<2000x128xf32>
    %swap3A_63 = vector.shape_cast %add3A_58 : vector<2000x128xf32> to vector<1x2000x128xf32>
    tpu.vector_store %arg11[%swap3A, %swap3A_59, %swap3A_60], %swap3A_63 {strides = array<i32>} : memref<1x2000x128xf32, #tpu.memory_space<vmem>>, vector<1x2000x128xf32>,
    return
  }
  func.func @transform_0(%arg0: i32, %arg1: i32) -> (i32, i32) {
    %mul3A = arith.constant 5 : i32
    %mul3A_0 = arith.muli %arg0, %mul3A : i32
    %add3A = arith.addi %mul3A_0, %arg1 : i32
    %c0_i32 = arith.constant 0 : i32
    %c0_i32_1 = arith.constant 0 : i32
    return %add3A, %c0_i32 : i32, i32
  }
  func.func @transform_1(%arg0: i32, %arg1: i32) -> (i32, i32, i32) {
    %c0_i32 = arith.constant 0 : i32
    %c0_i32_0 = arith.constant 0 : i32
    return %arg0, %arg1, %c0_i32 : i32, i32, i32
  }
  func.func @transform_2(%arg0: i32, %arg1: i32) -> (i32, i32, i32) {
    %mul3A = arith.constant 5 : i32
    %mul3A_0 = arith.muli %arg0, %mul3A : i32
    %add3A = arith.addi %mul3A_0, %arg1 : i32
    %c0_i32 = arith.constant 0 : i32
    %c0_i32_1 = arith.constant 0 : i32
    %c0_i32_2 = arith.constant 0 : i32
    return %add3A, %c0_i32, %c0_i32_1 : i32, i32, i32
  }
  func.func @transform_3(%arg0: i32, %arg1: i32) -> (i32, i32) {
    %c0_i32 = arith.constant 0 : i32
    %c0_i32_0 = arith.constant 0 : i32
    %c0_i32_1 = arith.constant 0 : i32
    return %c0_i32, %c0_i32_0 : i32, i32
  }
  func.func @transform_4(%arg0: i32, %arg1: i32) -> (i32, i32) {
    %c0_i32 = arith.constant 0 : i32
    %c0_i32_0 = arith.constant 0 : i32
    %c0_i32_1 = arith.constant 0 : i32
    return %c0_i32, %c0_i32_0 : i32, i32
  }
  func.func @transform_5(%arg0: i32, %arg1: i32) -> (i32, i32, i32) {
    %c0_i32 = arith.constant 0 : i32
    %c0_i32_0 = arith.constant 0 : i32
    %c0_i32_1 = arith.constant 0 : i32
    return %arg0, %c0_i32, %c0_i32_0 : i32, i32, i32
  }
  func.func @transform_6(%arg0: i32, %arg1: i32) -> (i32, i32) {
    %c0_i32 = arith.constant 0 : i32
    %c0_i32_0 = arith.constant 0 : i32
    %c0_i32_1 = arith.constant 0 : i32
    return %c0_i32, %c0_i32_0 : i32, i32
  }
  func.func @transform_7(%arg0: i32, %arg1: i32) -> (i32, i32) {
    %c0_i32 = arith.constant 0 : i32
    %c0_i32_0 = arith.constant 0 : i32
    %c0_i32_1 = arith.constant 0 : i32
    return %c0_i32, %c0_i32_0 : i32, i32
  }
  func.func @transform_8(%arg0: i32, %arg1: i32) -> (i32, i32) {
    %c0_i32 = arith.constant 0 : i32
    %c0_i32_0 = arith.constant 0 : i32
    %c0_i32_1 = arith.constant 0 : i32
    return %c0_i32, %c0_i32_0 : i32, i32
  }
  func.func @transform_9(%arg0: i32, %arg1: i32) -> (i32, i32, i32) {
    %c0_i32 = arith.constant 0 : i32
    %c0_i32_0 = arith.constant 0 : i32
    return %arg0, %arg1, %c0_i32 : i32, i32, i32
  }
}

</mosaic_0001>

<sc_bundles>
// kernel: kernel.5.cloned.1.call-start
scs
__scs_entry_jumppad:
0x0: {  	(pc) =	sbr.rel $0x88, $3  }
0x1: {  	(tag) =	ssettag $0x0;
	lr =	simm.s32 $0x1  }
0x2: {  	[smem:$0x3F95] =	sst lr;
	_ =	strace $0xD0000000  }
0x3: {  	_ = 	snop  }
0x4: {  	_ = 	snop  }
0x5: {  	_ = 	snop  }
0x6: {  	_ = 	snop  }
0x7: {  	_ = 	snop  }
__scs_overlays_trampoline_lowered:
0x8: {  	[smem:$0x3FA4] =	sst s0  }
0x9: {  	[smem:$0x3FA5] =	sst s1  }
0xa: {  	[smem:$0x3FA6] =	sst s2  }
0xb: {  	[smem:$0x3FA7] =	sst s3  }
0xc: {  	[smem:$0x3FA8] =	sst s4  }
0xd: {  	[smem:$0x3FA9] =	sst s5  }
0xe: {  	[smem:$0x3FAA] =	sst s6  }
0xf: {  	[smem:$0x3FAB] =	sst s7  }
0x10: {  	[smem:$0x3FAC] =	sst s8  }
0x11: {  	[smem:$0x3FAD] =	sst s9;
	s0 =	simm.s32 @!p0 $0x0  }
0x12: {  	s1 =	sld [smem:$0x3F93];
	s0 =	simm.s32 @p0 $0x1  }
0x13: {  	[smem:$0x3FAE] =	sst s0;
	s0 =	simm.s32 @!p1 $0x0  }
0x14: {  	s2 =	sld [smem:$0x3F92];
	s0 =	simm.s32 @p1 $0x1  }
0x15: {  	[smem:$0x3FAF] =	sst s0;
	s0 =	simm.s32 @!p2 $0x0  }
0x16: {  	s3 =	sld [smem:$0x3FDB];
	s0 =	simm.s32 @p2 $0x1  }
0x17: {  	s4 =	simm.s32 $0x1BF5;
	[smem:$0x3FB1] =	sst s0  }
0x18: {  	s0 =	sld [smem:$0x3F94];
	_ =	swait.ge [sflag:s4], $0x0  }
0x19: {  	s7 =	sld [smem:$0x3F95]  }
0x1a: {  	s8 =	sadd.s32 $0xFFFFE003, lr  }
0x1b: {  	s9 =	sadd.s32 $0xFFFFFEF7, lr;
	s5 =	simm.s32 $0xFFFFFFFF;
	p2 =	slt.u32 s8, $0xFFFFF086  }
0x1c: {  	p1 =	slt.u32 s9, $0xF7A;
	s5 =	simm.s32 @!p2 $0x0  }
0x1d: {  	s5 =	simm.s32 @p1 $0x1;
	p0 =	seq.s32 s7, s2  }
0x1e: {  	s7 =	smul.u32 @!p0 $0xF7A, s2;
	p2 =	seq.s32 @!p0 s5, $0x0  }
0x1f: {  	s9 =	smul.u32 $0xF7A, s1;
	s8 =	simm.s32 @!p0 $0x1BF5;
	p2 =	por !p2, p0  }
0x20: {  	[sflag:s8] =	ssyncset.s32 @!p0 $0xFFFFF086;
	s6 =	sadd.s32 @!p0 s3, s7;
	s7 =	simm.s32 @!p0 $0x108  }
0x21: {  	s3 =	sadd.s32 s3, s9;
	s6 =	sadd.s32 @!p0 $0x88, s6;
	s7 =	simm.s32 @p2 $0x1082  }
0x22: {  	[simem:s7], [sflag:s8] =	dma.local @!p0 [hbm:s6], $0xF7A  }
0x23: {  	s9 =	sor.u32 $0xD0000000, s2;
	s6 =	simm.s32 $0x108;
	_ =	swait.ge @!p0 [sflag:s8], $0x0  }
0x24: {  	s3 =	sadd.s32 $0x88, s3;
	s6 =	simm.s32 @!p1 $0x1082;
	[sflag:s4] =	ssyncset.s32 $0xFFFFF086  }
0x25: {  	[simem:s6], [sflag:s4] =	dma.local [hbm:s3], $0xF7A  }
0x26: {  	[smem:$0x3F95] =	sst s1;
	(tag) =	ssettag s2;
	_ =	strace s9  }
0x27: {  	s1 =	sld [smem:$0x3FA5]  }
0x28: {  	s2 =	sld [smem:$0x3FA6]  }
0x29: {  	s4 =	sld [smem:$0x3FA8]  }
0x2a: {  	p0 =	seq.s32 s5, $0x0;
	s5 =	sld [smem:$0x3FA9]  }
0x2b: {  	s6 =	sld [smem:$0x3FAA]  }
0x2c: {  	s7 =	sld [smem:$0x3FAB]  }
0x2d: {  	s3 =	simm.s32 $0x108;
	s8 =	sld [smem:$0x3FAC]  }
0x2e: {  	s3 =	simm.s32 @!p0 $0x1082;
	s9 =	sld [smem:$0x3FAD]  }
0x2f: {  	lr =	sadd.s32 s0, s3;
	s0 =	sld [smem:$0x3FA4]  }
0x30: {  	s3 =	sld [smem:$0x3FA7]  }
0x31: {  	[smem:$0x3FB0] =	sst s10  }
0x32: {  	s10 =	sld [smem:$0x3FAE];
	_ =	sdelay $0x3  }
0x33: {  	p0 =	seq.s32 s10, $0x1;
	s10 =	sld [smem:$0x3FB0];
	_ =	sdelay $0x3  }
0x34: {  	[smem:$0x3FB0] =	sst s10  }
0x35: {  	s10 =	sld [smem:$0x3FAF];
	_ =	sdelay $0x3  }
0x36: {  	p1 =	seq.s32 s10, $0x1;
	s10 =	sld [smem:$0x3FB0];
	_ =	sdelay $0x3  }
0x37: {  	[smem:$0x3FB0] =	sst s10  }
0x38: {  	s10 =	sld [smem:$0x3FB1]  }
0x39: {  	_ = 	snop;
	(pc) =	sbr.ind lr, $3  }
0x3a: {  	_ = 	snop  }
0x3b: {  	_ = 	snop  }
0x3c: {  	p2 =	seq.s32 s10, $0x1;
	s10 =	sld [smem:$0x3FB0]  }
0x3d: {  	_ =	shalt  }
0x3e: {  	_ =	shalt  }
0x3f: {  	_ =	shalt  }
0x40: {  	_ =	shalt  }
0x41: {  	_ =	shalt  }
0x42: {  	_ =	shalt  }
0x43: {  	_ =	shalt  }
0x44: {  	_ =	shalt  }
0x45: {  	_ =	shalt  }
0x46: {  	_ =	shalt  }
0x47: {  	_ =	shalt  }
0x48: {  	_ =	shalt  }
0x49: {  	_ =	shalt  }
0x4a: {  	_ =	shalt  }
0x4b: {  	_ =	shalt  }
0x4c: {  	_ =	shalt  }
0x4d: {  	_ =	shalt  }
0x4e: {  	_ =	shalt  }
0x4f: {  	_ =	shalt  }
0x50: {  	_ =	shalt  }
0x51: {  	_ =	shalt  }
0x52: {  	_ =	shalt  }
0x53: {  	_ =	shalt  }
0x54: {  	_ =	shalt  }
0x55: {  	_ =	shalt  }
0x56: {  	_ =	shalt  }
0x57: {  	_ =	shalt  }
0x58: {  	_ =	shalt  }
0x59: {  	_ =	shalt  }
0x5a: {  	_ =	shalt  }
0x5b: {  	_ =	shalt  }
0x5c: {  	_ =	shalt  }
0x5d: {  	_ =	shalt  }
0x5e: {  	_ =	shalt  }
0x5f: {  	_ =	shalt  }
0x60: {  	_ =	shalt  }
0x61: {  	_ =	shalt  }
0x62: {  	_ =	shalt  }
0x63: {  	_ =	shalt  }
0x64: {  	_ =	shalt  }
0x65: {  	_ =	shalt  }
0x66: {  	_ =	shalt  }
0x67: {  	_ =	shalt  }
0x68: {  	_ =	shalt  }
0x69: {  	_ =	shalt  }
0x6a: {  	_ =	shalt  }
0x6b: {  	_ =	shalt  }
0x6c: {  	_ =	shalt  }
0x6d: {  	_ =	shalt  }
0x6e: {  	_ =	shalt  }
0x6f: {  	_ =	shalt  }
0x70: {  	_ =	shalt  }
0x71: {  	_ =	shalt  }
0x72: {  	_ =	shalt  }
0x73: {  	_ =	shalt  }
0x74: {  	_ =	shalt  }
0x75: {  	_ =	shalt  }
0x76: {  	_ =	shalt  }
0x77: {  	_ =	shalt  }
0x78: {  	_ =	shalt  }
0x79: {  	_ =	shalt  }
0x7a: {  	_ =	shalt  }
0x7b: {  	_ =	shalt  }
0x7c: {  	_ =	shalt  }
0x7d: {  	_ =	shalt  }
0x7e: {  	_ =	shalt  }
0x7f: {  	_ =	shalt  }
0x80: {  	_ =	shalt  }
0x81: {  	_ =	shalt  }
0x82: {  	_ =	shalt  }
0x83: {  	_ =	shalt  }
0x84: {  	_ =	shalt  }
0x85: {  	_ =	shalt  }
0x86: {  	_ =	shalt  }
0x87: {  	_ =	shalt  }
.Lfunc_end0:
.L_simem_size_0:
called_computation_lowered:
.L_overlay_start_0:
0x88: {  	s2 =	sld [smem:$0x3FD9]  }
0x89: {  	s3 =	sld [smem:$0x3FFE];
	_ =	sdelay $0x1  }
0x8a: {  	s1 =	srdreg.scid  }
0x8b: {  	s0 =	sand.u32 $0x1, s1  }
0x8c: {  	s17 =	sshll.u32 s0, $0xA;
	s2 =	sadd.s32 s3, s2  }
0x8d: {  	s2 =	sadd.s32 s2, s17  }
0x8e: {  	[smem:$0x3FBC] =	sst s2  }
0x8f: {  	_ = 	snop  }
0x90: {  	s2 =	sld [smem:$0x3FD0];
	(tm) =	ssettm $0x1  }
0x91: {  	s18 =	sld [smem:$0x3FFB];
	_ =	sdelay $0x3  }
0x92: {  	_ =	strace s18  }
0x93: {  	s3 =	sld [smem:$0x3FFC];
	_ =	sdelay $0x3  }
0x94: {  	_ =	strace s3  }
0x95: {  	s3 =	sld [smem:$0x3FFD];
	_ =	sdelay $0x3  }
0x96: {  	_ =	strace s3  }
0x97: {  	_ =	strace $0x8FFFFFFF  }
0x98: {  	s19 =	sld [smem:$0x3FDB];
	_ =	sdelay $0x1  }
0x99: {  	s4 =	simm.s32 $_scs_section_size  }
0x9a: {  	s5 =	simm.s32 $_size__tile_overlayer_lowered;
	s6 =	simm.s32 $_tile_overlayer_lowered  }
0x9b: {  	s22 =	simm.s32 $0x1BFF;
	s21 =	sshll.u32 s6, $0x1;
	s3 =	sadd.s32 s4, s19  }
0x9c: {  	s7 =	simm.s32 $0x0;
	s20 =	sshll.u32 s5, $0x1;
	s5 =	sadd.s32 s21, s3  }
0x9d: {  	[timem:s7], [sflag:s22] =	dma.local [hbm:s5], s20  }
0x9e: {  	_ =	swait.ge [sflag:s22], s20  }
0x9f: {  	s4 =	ssub.s32 $0x0, s20;
	[sflag:s22] =	ssyncset.done $0x0  }
0xa0: {  	[sflag:s22] =	ssyncadd.s32 s4;
	_ =	sdelay $0x1  }
0xa1: {  	s23 =	simm.s32 $0x1B8B  }
0xa2: {  	_ =	swait.ge [sflag:s23], $0x1  }
0xa3: {  	[sflag:s23] =	ssyncset.done $0x0  }
0xa4: {  	s25 =	simm.s32 $0x1B8E;
	s24 =	sld [smem:$0x3FFE];
	[sflag:s23] =	ssyncadd.s32 $0xFFFFFFFF  }
0xa5: {  	s26 =	simm.s32 $execute0_lowered;
	[smem:$0x3FD2] =	sst s25  }
0xa6: {  	s5 =	sshll.u32 s26, $0x1;
	_ =	strace $0x80000046;
	[dreg:$0x1] =	wrdreg $0xFFFFFFFF  }
0xa7: {  	s28 =	simm.s32 $_size_execute0_lowered;
	s3 =	sadd.s32 s3, s5;
	[dreg:$0x0] =	wrdreg $0x0  }
0xa8: {  	s5 =	sshll.u32 s28, $0x1;
	[dreg:$0x2] =	wrdreg s3  }
0xa9: {  	[dreg:$0x3] =	wrdreg s5  }
0xaa: {  	[dreg:$0x4] =	wrdreg $0xC0  }
0xab: {  	_ =	task [dreg:s7], $0x5FFFF  }
0xac: {  	[dreg:$0x1] =	wrdreg $0xFFFFFFFF  }
0xad: {  	[dreg:$0x0] =	wrdreg $0x60  }
0xae: {  	[dreg:$0x2] =	wrdreg s24  }
0xaf: {  	[dreg:$0x3] =	wrdreg s2  }
0xb0: {  	[dreg:$0x4] =	wrdreg $0xA1000  }
0xb1: {  	[dreg:$0x5] =	wrdreg $0x1D9800  }
0xb2: {  	[dreg:$0x6] =	wrdreg $0x1DC000  }
0xb3: {  	[dreg:$0x7] =	wrdreg $0x1DE800  }
0xb4: {  	[dreg:$0x8] =	wrdreg $0x9  }
0xb5: {  	_ =	task.clear_ibuf [dreg:s7], $0x9FFFF;
	_ =	strace $0x90000046  }
0xb6: {  	s29 =	simm.s32 $0x9;
	_ =	strace $0x80000048  }
0xb7: {  	_ =	swait.ge [sflag:s29], $0x1  }
0xb8: {  	[sflag:s29] =	ssyncadd.s32 $0xFFFFFFFF  }
0xb9: {  	_ =	strace $0x90000048  }
0xba: {  	_ =	sfence  }
0xbb: {  	s30 =	sld [smem:$0x0];
	_ =	sdelay $0x2  }
0xbc: {  	s31 =	sshll.u32 s1, $0xD;
	s1 =	sshrl.u32 s1, $0x2  }
0xbd: {  	s3 =	sand.u32 $0x4000, s31;
	s1 =	sadd.s32 s1, s30  }
0xbe: {  	s0 =	sor.u32 s3, s0;
	s1 =	sshll.u32 s1, $0x11  }
0xbf: {  	s0 =	sor.u32 s1, s0  }
0xc0: {  	s0 =	sadd.s32 $0x8F2B, s0  }
0xc1: {  	[sflag:s0] =	ssyncadd.remote.s32 $0x1  }
0xc2: {  	_ =	sfence.sel $0xFFFF  }
0xc3: {  	[dreg:$0x0] =	wrdreg $0xFFFFFFFF;
	(pc) =	sbr.abs _section_cstart, $3  }
0xc4: {  	[dreg:$0x1] =	wrdreg $0xFFFFFFFF  }
0xc5: {  	_ =	task.clear_ibuf [dreg:s7], $0x2FFFF;
	_ =	strace $0x9FFFFFFF  }
0xc6: {  	(tm) =	ssettm $0x7FFFFFFF  }
0xc7: {  	_ =	shalt  }
tec
execute0_lowered:
.L_overlay_start_1:
0x0: {  	(tag) =	ssettag $0x1  }
0x1: {  	s4 =	rddreg [dreg:$0x0]  }
0x2: {  	s5 =	rddreg [dreg:$0x1]  }
0x3: {  	s0 =	srdreg.scid;
	s24 =	stileid.u32  }
0x4: {  	s1 =	rddreg [dreg:$0x2];
	s0 =	sand.u32 $0x1, s0;
	s6 =	smul.u32 $0x14000, s24  }
0x5: {  	s3 =	rddreg [dreg:$0x3];
	s2 =	smul.u32 $0x140000, s0  }
0x6: {  	s26 =	rddreg [dreg:$0x4]  }
0x7: {  	s28 =	rddreg [dreg:$0x5];
	s2 =	sadd.s32 s6, s2;
	s6 =	simm.s32 $0x0  }
0x8: {  	s16 =	simm.s32 $0x7880;
	s17 =	simm.s32 $0x7900;
	[smem:$0x7FF] =	sst s6  }
0x9: {  	s18 =	simm.s32 $0x7980;
	_ =	strace $0x80000047;
	[dreg:$0x8] =	wrdreg s16  }
0xa: {  	s10 =	simm.s32 $0x7A00;
	s19 =	simm.s32 $0x7A80;
	[dreg:$0x9] =	wrdreg s17  }
0xb: {  	s20 =	simm.s32 $0x7B00;
	s21 =	simm.s32 $0x7B80;
	[dreg:$0xa] =	wrdreg s18  }
0xc: {  	s23 =	simm.s32 $0x7C00;
	s25 =	simm.s32 $0x7C80;
	[dreg:$0xb] =	wrdreg s10  }
0xd: {  	s12 =	simm.s32 $0x7D00;
	s13 =	simm.s32 $0x7D80;
	[dreg:$0xc] =	wrdreg s19  }
0xe: {  	s29 =	simm.s32 $0x2800;
	s9 =	smul.u32 $0x2800, s24;
	[dreg:$0xd] =	wrdreg s20  }
0xf: {  	s30 =	simm.s32 $0x5000;
	s14 =	smul.u32 $0x138800, s0;
	[dreg:$0xe] =	wrdreg s21  }
0x10: {  	s31 =	simm.s32 $0x1;
	s7 =	ssub.s32 $0x2, s0;
	[dreg:$0xf] =	wrdreg s23  }
0x11: {  	s8 =	sshrl.u32 s7, $0x1;
	s15 =	sadd.s32 s9, s14;
	[dreg:$0x10] =	wrdreg s25  }
0x12: {  	s9 =	sor.u32 $0x30, s24;
	s2 =	sshrl.u32 s2, $0x3;
	[dreg:$0x11] =	wrdreg s12  }
0x13: {  	s15 =	sshrl.u32 s15, $0x3;
	[dreg:$0x12] =	wrdreg s13;
	s18 =	simm.s32 $0x7E00  }
0x14: {  	s2 =	sadd.s32 s2, s4;
	s19 =	simm.s32 $0x7E80;
	[dreg:$0x13] =	wrdreg s18  }
0x15: {  	s20 =	simm.s32 $0x7F00;
	s10 =	sor.u32 $0x40, s24;
	[dreg:$0x14] =	wrdreg s19  }
0x16: {  	s21 =	simm.s32 $0x7F80;
	s12 =	simm.s32 $0x8000;
	[dreg:$0x15] =	wrdreg s20  }
0x17: {  	s13 =	simm.s32 $0x8100;
	s23 =	simm.s32 $0x8180;
	[dreg:$0x16] =	wrdreg s21  }
0x18: {  	s25 =	simm.s32 $0x8280;
	s18 =	smul.u32 $0x2800, s9;
	[dreg:$0x17] =	wrdreg s12  }
0x19: {  	s2 =	sadd.s32 $0x51600, s2;
	s19 =	smul.u32 $0x2800, s10;
	[dreg:$0x19] =	wrdreg s13  }
0x1a: {  	s12 =	sor.u32 $0x60, s24;
	[dreg:$0x1a] =	wrdreg s23;
	s13 =	sor.u32 $0x70, s24  }
0x1b: {  	s23 =	simm.s32 $0x8200;
	[dreg:$0x1c] =	wrdreg s25;
	s9 =	smul.u32 $0xA000, s9  }
0x1c: {  	s25 =	simm.s32 $0x8300;
	s10 =	smul.u32 $0xA000, s10;
	[dreg:$0x7] =	wrdreg s2  }
0x1d: {  	s2 =	ssub.s32 s7, s8;
	s8 =	sor.u32 $0x10, s24;
	s21 =	smul.u32 $0x2800, s12  }
0x1e: {  	s7 =	sor.u32 $0x20, s24;
	[dreg:$0x1b] =	wrdreg s23;
	s22 =	smul.u32 $0x2800, s8  }
0x1f: {  	s23 =	sadd.s32 $0xA1600, s4;
	[dreg:$0x1d] =	wrdreg s25;
	s11 =	smul.u32 $0x2800, s7  }
0x20: {  	s18 =	sadd.s32 s14, s18;
	s19 =	sadd.s32 s14, s19;
	s15 =	sadd.s32 s23, s15  }
0x21: {  	s7 =	smul.u32 $0xA000, s7;
	s9 =	sshrl.u32 s9, $0x2;
	s10 =	sshrl.u32 s10, $0x2  }
0x22: {  	s21 =	sadd.s32 s14, s21;
	[smem:$0x7DF] =	sst s15;
	s25 =	sshrl.u32 s18, $0x3  }
0x23: {  	s19 =	sshrl.u32 s19, $0x3;
	s17 =	sadd.s32 s14, s11;
	s11 =	sor.u32 $0x50, s24  }
0x24: {  	s16 =	sadd.s32 s14, s22;
	s22 =	simm.s32 $0x8080;
	s20 =	smul.u32 $0x2800, s11  }
0x25: {  	s18 =	sadd.s32 s23, s25;
	[dreg:$0x18] =	wrdreg s22;
	s22 =	smul.u32 $0x2800, s13  }
0x26: {  	s16 =	sshrl.u32 s16, $0x3;
	[smem:$0x7E2] =	sst s18;
	s18 =	simm.s32 $0x8380  }
0x27: {  	s15 =	sadd.s32 s23, s16;
	[dreg:$0x1e] =	wrdreg s18;
	s18 =	stileid.u32  }
0x28: {  	s20 =	sadd.s32 s14, s20;
	s14 =	sadd.s32 s14, s22;
	s22 =	smul.u32 $0x500, s24  }
0x29: {  	s24 =	sshll.u32 s0, $0x7;
	[smem:$0x7E0] =	sst s15;
	s15 =	sadd.s32 s23, s19  }
0x2a: {  	s19 =	sshll.u32 s0, $0xA;
	p0 =	sgt.u32 s18, $0xC;
	s20 =	sshrl.u32 s20, $0x3  }
0x2b: {  	[smem:$0x7E3] =	sst s15;
	s14 =	sshrl.u32 s14, $0x3;
	s22 =	sor.u32 s24, s22  }
0x2c: {  	s24 =	sshrl.u32 s17, $0x3;
	s25 =	sadd.s32 s23, s20;
	s14 =	sadd.s32 s23, s14  }
0x2d: {  	s20 =	stileid.u32;
	s16 =	sadd.s32 s23, s24;
	s24 =	sshrl.u32 s21, $0x3  }
0x2e: {  	[smem:$0x7E4] =	sst s25;
	s17 =	sshrl.u32 s22, $0x3;
	s22 =	smul.u32 $0x4E200, s20  }
0x2f: {  	[smem:$0x7E6] =	sst s14;
	s21 =	sshll.u32 s20, $0x6;
	s25 =	smul.u32 $0xA000, s18  }
0x30: {  	v3 =	vmov s18;
	s18 =	simm.s32 $0x8C80;
	[smem:$0x7E1] =	sst s16;
	s16 =	sadd.s32 s23, s24  }
0x31: {  	s5 =	sadd.s32 s5, s17;
	s23 =	simm.s32 $0x8400;
	s17 =	smul.u32 $0x280, s20  }
0x32: {  	s14 =	sshrl.u32 s21, $0x2;
	s20 =	smul.u32 $0xA000, s11;
	[smem:$0x7E5] =	sst s16  }
0x33: {  	[smem:$0x7E7] =	sst s5;
	s5 =	smul.u32 $0xA000, s8;
	s8 =	sor.u32 s21, s19  }
0x34: {  	[dreg:$0x1f] =	wrdreg s23;
	s16 =	sadd.s32 $0x3400, s4;
	s24 =	sshrl.u32 s22, $0x2  }
0x35: {  	s14 =	sadd.s32 s14, s28;
	s21 =	sshrl.u32 s7, $0x2;
	s22 =	smul.u32 $0xA000, s12  }
0x36: {  	s12 =	smul.u32 $0x2710, s0;
	s0 =	simm.s32 $0x8;
	s8 =	sadd.s32 s8, s4  }
0x37: {  	s23 =	sadd.s32 s17, s3;
	s17 =	sadd.s32 s17, s26;
	[smem:$0x7E9] =	sst s14  }
0x38: {  	s4 =	sshrl.u32 s25, $0x2;
	s25 =	sadd.s32 s9, s1;
	[smem:$0x7E8] =	sst s17  }
0x39: {  	s28 =	simm.s32 $0x50;
	s26 =	sadd.s32 s10, s1;
	[smem:$0x7ED] =	sst s25  }
0x3a: {  	s15 =	sadd.s32 s24, s1;
	s24 =	smul.u32 $0xA000, s13;
	[smem:$0x7EE] =	sst s26  }
0x3b: {  	s4 =	sadd.s32 s4, s1;
	s19 =	sshrl.u32 s5, $0x2;
	[smem:$0x7FB] =	sst s15  }
0x3c: {  	s5 =	sshrl.u32 s20, $0x2;
	s7 =	sshrl.u32 s22, $0x2;
	[smem:$0x7FD] =	sst s23  }
0x3d: {  	s13 =	sadd.s32 $0x2C00, s8;
	s14 =	sadd.s32 $0xEF800, s8;
	[smem:$0x7EA] =	sst s4  }
0x3e: {  	s17 =	smax.u32 s2, $0x1;
	s20 =	sadd.s32 $0x5000, s15;
	[smem:$0x7F2] =	sst s13  }
0x3f: {  	s22 =	sadd.s32 $0xA000, s15;
	s25 =	sadd.s32 $0xF000, s15;
	[smem:$0x7F3] =	sst s14  }
0x40: {  	s26 =	sadd.s32 $0x11800, s15;
	s2 =	simm.s32 $0x2;
	[smem:$0x7F4] =	sst s17  }
0x41: {  	s8 =	simm.s32 $0x0;
	s4 =	sadd.s32 s19, s1;
	[smem:$0x7F6] =	sst s20  }
0x42: {  	s9 =	sshrl.u32 s24, $0x2;
	s10 =	sadd.s32 s7, s1;
	[smem:$0x7F8] =	sst s22  }
0x43: {  	s19 =	sadd.s32 $0x2800, s15;
	s24 =	sadd.s32 $0xC800, s15;
	[smem:$0x7FA] =	sst s25  }
0x44: {  	[smem:$0x7FC] =	sst s26;
	s13 =	simm.s32 $0x4;
	s14 =	simm.s32 $0x5  }
0x45: {  	s20 =	simm.s32 $0x7;
	s7 =	simm.s32 $0x8800;
	[smem:$0x7EB] =	sst s4  }
0x46: {  	s22 =	simm.s32 $0x8800;
	s17 =	simm.s32 $0x8B80;
	[smem:$0x7F0] =	sst s10  }
0x47: {  	s26 =	simm.s32 $0x8D80;
	s4 =	sadd.s32 s21, s1;
	[smem:$0x7F5] =	sst s19  }
0x48: {  	s11 =	sadd.s32 s9, s1;
	s21 =	sadd.s32 $0x7800, s15;
	[smem:$0x7F9] =	sst s24  }
0x49: {  	s15 =	simm.s32 $0x6;
	s24 =	simm.s32 $0xA080;
	[smem:$0x7EC] =	sst s4  }
0x4a: {  	s10 =	simm.s32 $0x8A80;
	s19 =	simm.s32 $0x8D00;
	[smem:$0x7F1] =	sst s11  }
0x4b: {  	v1 =	vimm.f32 $0.0e+00;
	v4 =	vlaneseq.u32;
	v2 =	vimm.f32 $1.000000000e+00;
	s4 =	sadd.s32 s5, s1;
	[smem:$0x7F7] =	sst s21;
	s5 =	simm.s32 $0x3  }
0x4c: {  	vm0 =	veq.s32 v3, v4;
	v3 =	vmul.u32 $0x10, v4;
	v0 =	vmov s12;
	s11 =	simm.s32 $0x8B00;
	s21 =	simm.s32 $0x8C00;
	[smem:$0x7EF] =	sst s4  }
.LBB2_1:
0x4d: {  	[smem:$0x7DE] =	sst s8;
	s4 =	simm.s32 $0x0;
	s12 =	simm.s32 $0x200  }
.LBB2_2:
0x4e: {  	p1 =	sne.s32 s12, $0x9E00;
	[tilespmem:s4+$0x70] =	vst v1  }
0x4f: {  	[tilespmem:s4+$0x0] =	vst v1  }
0x50: {  	[tilespmem:s4+$0x10] =	vst v1  }
.Ltmp0:
0x51: {  	[tilespmem:s4+$0x20] =	vst v1;
	(pc) =	sbr.rel @p1 .LBB2_2-.Ltmp0, $4  }
0x52: {  	[tilespmem:s4+$0x30] =	vst v1  }
0x53: {  	[tilespmem:s4+$0x40] =	vst v1  }
0x54: {  	[tilespmem:s4+$0x50] =	vst v1  }
0x55: {  	[tilespmem:s4+$0x60] =	vst v1;
	s4 =	sshra.s32 s12, $0x2;
	s12 =	sadd.s32 $0x200, s12  }
0x56: {  	[tilespmem:s4+$0x70] =	vst v1  }
0x57: {  	[tilespmem:s4+$0x0] =	vst v1  }
0x58: {  	[tilespmem:s4+$0x10] =	vst v1  }
0x59: {  	[tilespmem:s4+$0x20] =	vst v1  }
0x5a: {  	[tilespmem:s4+$0x30] =	vst v1  }
0x5b: {  	[tilespmem:s4+$0x40] =	vst v1  }
0x5c: {  	[tilespmem:s4+$0x50] =	vst v1  }
0x5d: {  	[tilespmem:s4+$0x60] =	vst v1  }
0x5e: {  	[tilespmem:$0x9E00] =	vst v1  }
0x5f: {  	[tilespmem:$0x9E10] =	vst v1  }
0x60: {  	[tilespmem:$0x9E20] =	vst v1  }
0x61: {  	[tilespmem:$0x9E30] =	vst v1  }
0x62: {  	[tilespmem:$0x9E40] =	vst v1  }
0x63: {  	[tilespmem:$0x9E50] =	vst v1  }
0x64: {  	[tilespmem:$0x9E60] =	vst v1  }
0x65: {  	[tilespmem:$0x9E70] =	vst v1  }
0x66: {  	[tilespmem:$0x9E80] =	vst v1  }
0x67: {  	[tilespmem:$0x9E90] =	vst v1  }
0x68: {  	[tilespmem:$0x9EA0] =	vst v1  }
0x69: {  	[tilespmem:$0x9EB0] =	vst v1  }
0x6a: {  	[tilespmem:$0x9EC0] =	vst v1  }
0x6b: {  	[tilespmem:$0x9ED0] =	vst v1  }
0x6c: {  	[tilespmem:$0x9EE0] =	vst v1  }
0x6d: {  	[tilespmem:$0x9EF0] =	vst v1  }
0x6e: {  	[tilespmem:$0x9F00] =	vst v1  }
0x6f: {  	[tilespmem:$0x9F10] =	vst v1  }
0x70: {  	[tilespmem:$0x9F20] =	vst v1  }
0x71: {  	[tilespmem:$0x9F30] =	vst v1  }
0x72: {  	[tilespmem:$0x9F40] =	vst v1  }
0x73: {  	[tilespmem:$0x9F50] =	vst v1  }
0x74: {  	[tilespmem:$0x9F60] =	vst v1  }
0x75: {  	[tilespmem:$0x9F70] =	vst v1  }
0x76: {  	[tilespmem:$0x9F80] =	vst v1  }
0x77: {  	[tilespmem:$0x9F90] =	vst v1  }
0x78: {  	[tilespmem:$0x9FA0] =	vst v1  }
0x79: {  	[tilespmem:$0x9FB0] =	vst v1  }
0x7a: {  	[tilespmem:$0x9FC0] =	vst v1  }
0x7b: {  	[tilespmem:$0x9FD0] =	vst v1  }
0x7c: {  	[tilespmem:$0x9FE0] =	vst v1  }
0x7d: {  	[tilespmem:$0x9FF0] =	vst v1  }
0x7e: {  	[tilespmem:$0xA000] =	vst v1  }
0x7f: {  	[tilespmem:$0xA010] =	vst v1  }
0x80: {  	[tilespmem:$0xA020] =	vst v1  }
0x81: {  	[tilespmem:$0xA030] =	vst v1  }
0x82: {  	[tilespmem:$0xA040] =	vst v1  }
0x83: {  	[tilespmem:$0xA050] =	vst v1  }
0x84: {  	[tilespmem:$0xA060] =	vst v1  }
0x85: {  	[tilespmem:$0xA070] =	vst v1  }
0x86: {  	[tilespmem:$0xA080] =	vst v2  }
0x87: {  	[tilespmem:$0xA090] =	vst v2  }
0x88: {  	[tilespmem:$0xA0A0] =	vst v2  }
0x89: {  	[tilespmem:$0xA0B0] =	vst v2  }
0x8a: {  	[tilespmem:$0xA0C0] =	vst v2  }
0x8b: {  	s12 =	sld [smem:$0x7FB];
	[tilespmem:$0xA0D0] =	vst v2  }
0x8c: {  	[tilespmem:$0xA0E0] =	vst v2  }
0x8d: {  	s4 =	simm.s32 $0x0;
	s9 =	sld [smem:$0x7F5];
	[tilespmem:$0xA0F0] =	vst v2  }
0x8e: {  	[spmem:s12] =	stream.linear.scatter [tilespmem:s4], [sflag:$0x4], $0x2800, $0x38;
	[tilespmem:$0x1DE90] =	vst v63  }
0x8f: {  	s25 =	sld [smem:$0x7F6]  }
0x90: {  	[spmem:s9] =	stream.linear.scatter [tilespmem:s4], [sflag:$0x4], $0x2800, $0x38;
	[tilespmem:$0x1DE90] =	vst v63  }
0x91: {  	s8 =	sld [smem:$0x7F7]  }
0x92: {  	[spmem:s25] =	stream.linear.scatter [tilespmem:s4], [sflag:$0x4], $0x2800, $0x38;
	[tilespmem:$0x1DE90] =	vst v63  }
0x93: {  	s9 =	sld [smem:$0x7F8]  }
0x94: {  	[spmem:s8] =	stream.linear.scatter [tilespmem:s4], [sflag:$0x4], $0x2800, $0x38;
	[tilespmem:$0x1DE90] =	vst v63  }
0x95: {  	s25 =	sld [smem:$0x7F9]  }
0x96: {  	[spmem:s9] =	stream.linear.scatter [tilespmem:s4], [sflag:$0x4], $0x2800, $0x38;
	[tilespmem:$0x1DE90] =	vst v63  }
0x97: {  	s8 =	sld [smem:$0x7FA]  }
0x98: {  	[spmem:s25] =	stream.linear.scatter [tilespmem:s4], [sflag:$0x4], $0x2800, $0x38;
	[tilespmem:$0x1DE90] =	vst v63  }
0x99: {  	s9 =	sld [smem:$0x7FC]  }
0x9a: {  	[spmem:s8] =	stream.linear.scatter [tilespmem:s4], [sflag:$0x4], $0x2800, $0x38;
	[tilespmem:$0x1DE90] =	vst v63  }
0x9b: {  	_ = 	snop  }
0x9c: {  	[spmem:s9] =	stream.linear.scatter [tilespmem:s4], [sflag:$0x5], $0x2080, $0x38;
	[tilespmem:$0x1DE90] =	vst v63  }
0x9d: {  	s25 =	simm.s32 $0x9E00  }
0x9e: {  	[spmem:s23] =	stream.linear.scatter [tilespmem:s25], [sflag:$0x6], $0x280, $0x38;
	[tilespmem:$0x1DE90] =	vst v63  }
0x9f: {  	s23 =	sld [smem:$0x7E8];
	_ =	sdelay $0x2  }
0xa0: {  	[spmem:s23] =	stream.linear.scatter [tilespmem:s25], [sflag:$0x7], $0x280, $0x38;
	[tilespmem:$0x1DE90] =	vst v63  }
0xa1: {  	_ =	swait.ge [sflag:s13], $0x2800  }
0xa2: {  	[sflag:s13] =	ssyncset.done $0x0  }
0xa3: {  	[sflag:s13] =	ssyncadd.s32 $0xFFFFD800  }
0xa4: {  	_ =	swait.ge [sflag:s13], $0x2800  }
0xa5: {  	[sflag:s13] =	ssyncset.done $0x0  }
0xa6: {  	[sflag:s13] =	ssyncadd.s32 $0xFFFFD800  }
0xa7: {  	_ =	swait.ge [sflag:s13], $0x2800  }
0xa8: {  	[sflag:s13] =	ssyncset.done $0x0  }
0xa9: {  	[sflag:s13] =	ssyncadd.s32 $0xFFFFD800  }
0xaa: {  	_ =	swait.ge [sflag:s13], $0x2800  }
0xab: {  	[sflag:s13] =	ssyncset.done $0x0  }
0xac: {  	[sflag:s13] =	ssyncadd.s32 $0xFFFFD800  }
0xad: {  	_ =	swait.ge [sflag:s13], $0x2800  }
0xae: {  	[sflag:s13] =	ssyncset.done $0x0  }
0xaf: {  	[sflag:s13] =	ssyncadd.s32 $0xFFFFD800  }
0xb0: {  	_ =	swait.ge [sflag:s13], $0x2800  }
0xb1: {  	[sflag:s13] =	ssyncset.done $0x0  }
0xb2: {  	[sflag:s13] =	ssyncadd.s32 $0xFFFFD800  }
0xb3: {  	_ =	swait.ge [sflag:s13], $0x2800  }
0xb4: {  	[sflag:s13] =	ssyncset.done $0x0  }
0xb5: {  	[sflag:s13] =	ssyncadd.s32 $0xFFFFD800  }
0xb6: {  	_ =	swait.ge [sflag:s14], $0x2080  }
0xb7: {  	[sflag:s14] =	ssyncset.done $0x0  }
0xb8: {  	[sflag:s14] =	ssyncadd.s32 $0xFFFFDF80  }
0xb9: {  	_ =	swait.ge [sflag:s15], $0x280  }
0xba: {  	[sflag:s15] =	ssyncset.done $0x0  }
0xbb: {  	[sflag:s15] =	ssyncadd.s32 $0xFFFFFD80  }
0xbc: {  	_ =	swait.ge [sflag:s20], $0x280  }
0xbd: {  	s8 =	sld [smem:$0x7F2]  }
0xbe: {  	[sflag:s20] =	ssyncset.done $0x0  }
0xbf: {  	s9 =	simm.s32 $0x9800;
	[sflag:s20] =	ssyncadd.s32 $0xFFFFFD80  }
0xc0: {  	[tilespmem:s9], [sflag:$0x8] =	stream.linear.gather [hbm4b:s8+s4], $0x200, $0x38;
	[tilespmem:$0x1DE90] =	vst v63  }
0xc1: {  	_ =	swait.ge [sflag:s0], $0x200  }
0xc2: {  	[sflag:s0] =	ssyncset.done $0x0  }
0xc3: {  	[sflag:s0] =	ssyncadd.s32 $0xFFFFFE00  }
0xc4: {  	[bflag:$0x0] =	sbarrier.arrive $0xFFFF  }
0xc5: {  	s12 =	simm.s32 $0x80;
	s4 =	rddreg [dreg:$0x4]  }
0xc6: {  	[spmem:s4] =	stream.indirect.scatter.add.f32 [tilespmem:s24], [sflag:$0x8], $0x1, s9, s12, $0xb8;
	[tilespmem:$0x1DE90] =	vst v63  }
0xc7: {  	_ =	swait.ge [sflag:s0], $0x80  }
0xc8: {  	[sflag:s0] =	ssyncset.done $0x0  }
0xc9: {  	s25 =	simm.s32 $0x9880;
	[sflag:s0] =	ssyncadd.s32 $0xFFFFFF80  }
0xca: {  	[spmem:s4] =	stream.indirect.scatter.add.f32 [tilespmem:s24], [sflag:$0x8], $0x1, s25, s12, $0xb8;
	[tilespmem:$0x1DE90] =	vst v63  }
0xcb: {  	_ =	swait.ge [sflag:s0], $0x80  }
0xcc: {  	[sflag:s0] =	ssyncset.done $0x0  }
0xcd: {  	s8 =	simm.s32 $0x9900;
	[sflag:s0] =	ssyncadd.s32 $0xFFFFFF80  }
0xce: {  	[spmem:s4] =	stream.indirect.scatter.add.f32 [tilespmem:s24], [sflag:$0x8], $0x1, s8, s12, $0xb8;
	[tilespmem:$0x1DE90] =	vst v63  }
0xcf: {  	_ =	swait.ge [sflag:s0], $0x80  }
0xd0: {  	[sflag:s0] =	ssyncset.done $0x0  }
0xd1: {  	s9 =	simm.s32 $0x9980;
	[sflag:s0] =	ssyncadd.s32 $0xFFFFFF80  }
0xd2: {  	[spmem:s4] =	stream.indirect.scatter.add.f32 [tilespmem:s24], [sflag:$0x8], $0x1, s9, s12, $0xb8;
	[tilespmem:$0x1DE90] =	vst v63  }
0xd3: {  	_ =	swait.ge [sflag:s0], $0x80  }
0xd4: {  	[sflag:s0] =	ssyncset.done $0x0  }
0xd5: {  	[sflag:s0] =	ssyncadd.s32 $0xFFFFFF80  }
0xd6: {  	[bflag:$0x0] =	sbarrier.arrive $0xFFFF  }
0xd7: {  	s23 =	rddreg [dreg:$0x7]  }
0xd8: {  	s8 =	simm.s32 $0x7800;
	s4 =	sadd.s32 $0x0, s23  }
0xd9: {  	[tilespmem:s8], [sflag:$0x8] =	stream.linear.gather [hbm4b:s4+s6], $0xC80, $0x38;
	[tilespmem:$0x1DE90] =	vst v63  }
0xda: {  	s4 =	sadd.s32 $0x200, s4  }
0xdb: {  	[tilespmem:s7], [sflag:$0x8] =	stream.linear.gather [hbm4b:s4+s6], $0xC80, $0x38;
	[tilespmem:$0x1DE90] =	vst v63  }
0xdc: {  	_ =	swait.ge [sflag:s0], $0x1900  }
0xdd: {  	[sflag:s0] =	ssyncset.done $0x0  }
0xde: {  	[sflag:s0] =	ssyncadd.s32 $0xFFFFE700  }
0xdf: {  	[tilespmem:s6], [sflag:$0x1] =	stream.indirect.gather [hbm4b:s16+s28], $0x80, s8, s28, $0xb8;
	[tilespmem:$0x1DE90] =	vst v63  }
0xe0: {  	s25 =	rddreg [dreg:$0x8]  }
0xe1: {  	[tilespmem:s29], [sflag:$0x2] =	stream.indirect.gather [hbm4b:s16+s28], $0x80, s25, s28, $0xb8;
	[tilespmem:$0x1DE90] =	vst v63  }
0xe2: {  	s0 =	rddreg [dreg:$0x9]  }
0xe3: {  	[tilespmem:s30], [sflag:$0x3] =	stream.indirect.gather [hbm4b:s16+s28], $0x80, s0, s28, $0xb8;
	[tilespmem:$0x1DE90] =	vst v63  }
0xe4: {  	_ =	swait.ge [sflag:s31], $0x2800  }
0xe5: {  	[sflag:s31] =	ssyncset.done $0x0  }
0xe6: {  	[sflag:s31] =	ssyncadd.s32 $0xFFFFD800  }
0xe7: {  	[spmem:s1] =	stream.indirect.scatter.add.f32 [tilespmem:s6], [sflag:$0x4], $0x80, s7, s28, $0xb8;
	[tilespmem:$0x1DE90] =	vst v63  }
0xe8: {  	_ = 	snop  }
0xe9: {  	[spmem:s3] =	stream.indirect.scatter.add.f32 [tilespmem:s24], [sflag:$0x7], $0x1, s7, s28, $0xb8;
	[tilespmem:$0x1DE90] =	vst v63  }
0xea: {  	_ =	swait.ge [sflag:s2], $0x2800  }
0xeb: {  	[sflag:s2] =	ssyncset.done $0x0  }
0xec: {  	s7 =	simm.s32 $0x8880;
	[sflag:s2] =	ssyncadd.s32 $0xFFFFD800  }
0xed: {  	[spmem:s1] =	stream.indirect.scatter.add.f32 [tilespmem:s29], [sflag:$0x5], $0x80, s7, s28, $0xb8;
	[tilespmem:$0x1DE90] =	vst v63  }
0xee: {  	_ = 	snop  }
0xef: {  	[spmem:s3] =	stream.indirect.scatter.add.f32 [tilespmem:s24], [sflag:$0x7], $0x1, s7, s28, $0xb8;
	[tilespmem:$0x1DE90] =	vst v63  }
0xf0: {  	_ =	swait.ge [sflag:s13], $0x2800  }
0xf1: {  	[sflag:s13] =	ssyncset.done $0x0  }
0xf2: {  	s8 =	rddreg [dreg:$0xa];
	[sflag:s13] =	ssyncadd.s32 $0xFFFFD800  }
0xf3: {  	[tilespmem:s6], [sflag:$0x1] =	stream.indirect.gather [hbm4b:s16+s28], $0x80, s8, s28, $0xb8;
	[tilespmem:$0x1DE90] =	vst v63  }
0xf4: {  	_ =	swait.ge [sflag:s5], $0x2800  }
0xf5: {  	[sflag:s5] =	ssyncset.done $0x0  }
0xf6: {  	s7 =	simm.s32 $0x8900;
	[sflag:s5] =	ssyncadd.s32 $0xFFFFD800  }
0xf7: {  	[spmem:s1] =	stream.indirect.scatter.add.f32 [tilespmem:s30], [sflag:$0x6], $0x80, s7, s28, $0xb8;
	[tilespmem:$0x1DE90] =	vst v63  }
0xf8: {  	_ = 	snop  }
0xf9: {  	[spmem:s3] =	stream.indirect.scatter.add.f32 [tilespmem:s24], [sflag:$0x7], $0x1, s7, s28, $0xb8;
	[tilespmem:$0x1DE90] =	vst v63  }
0xfa: {  	_ =	swait.ge [sflag:s14], $0x2800  }
0xfb: {  	[sflag:s14] =	ssyncset.done $0x0  }
0xfc: {  	s9 =	rddreg [dreg:$0xb];
	[sflag:s14] =	ssyncadd.s32 $0xFFFFD800  }
0xfd: {  	[tilespmem:s29], [sflag:$0x2] =	stream.indirect.gather [hbm4b:s16+s28], $0x80, s9, s28, $0xb8;
	[tilespmem:$0x1DE90] =	vst v63  }
0xfe: {  	_ =	swait.ge [sflag:s31], $0x2800  }
0xff: {  	[sflag:s31] =	ssyncset.done $0x0  }
0x100: {  	s8 =	simm.s32 $0x8980;
	[sflag:s31] =	ssyncadd.s32 $0xFFFFD800  }
0x101: {  	[spmem:s1] =	stream.indirect.scatter.add.f32 [tilespmem:s6], [sflag:$0x4], $0x80, s8, s28, $0xb8;
	[tilespmem:$0x1DE90] =	vst v63  }
0x102: {  	_ = 	snop  }
0x103: {  	[spmem:s3] =	stream.indirect.scatter.add.f32 [tilespmem:s24], [sflag:$0x7], $0x1, s8, s28, $0xb8;
	[tilespmem:$0x1DE90] =	vst v63  }
0x104: {  	_ =	swait.ge [sflag:s15], $0x2800  }
0x105: {  	[sflag:s15] =	ssyncset.done $0x0  }
0x106: {  	s12 =	rddreg [dreg:$0xc];
	[sflag:s15] =	ssyncadd.s32 $0xFFFFD800  }
0x107: {  	[tilespmem:s30], [sflag:$0x3] =	stream.indirect.gather [hbm4b:s16+s28], $0x80, s12, s28, $0xb8;
	[tilespmem:$0x1DE90] =	vst v63  }
0x108: {  	_ =	swait.ge [sflag:s2], $0x2800  }
0x109: {  	[sflag:s2] =	ssyncset.done $0x0  }
0x10a: {  	s9 =	simm.s32 $0x8A00;
	[sflag:s2] =	ssyncadd.s32 $0xFFFFD800  }
0x10b: {  	[spmem:s1] =	stream.indirect.scatter.add.f32 [tilespmem:s29], [sflag:$0x5], $0x80, s9, s28, $0xb8;
	[tilespmem:$0x1DE90] =	vst v63  }
0x10c: {  	_ = 	snop  }
0x10d: {  	[spmem:s3] =	stream.indirect.scatter.add.f32 [tilespmem:s24], [sflag:$0x7], $0x1, s9, s28, $0xb8;
	[tilespmem:$0x1DE90] =	vst v63  }
0x10e: {  	_ =	swait.ge [sflag:s13], $0x2800  }
0x10f: {  	[sflag:s13] =	ssyncset.done $0x0  }
0x110: {  	s23 =	rddreg [dreg:$0xd];
	[sflag:s13] =	ssyncadd.s32 $0xFFFFD800  }
0x111: {  	[tilespmem:s6], [sflag:$0x1] =	stream.indirect.gather [hbm4b:s16+s28], $0x80, s23, s28, $0xb8;
	[tilespmem:$0x1DE90] =	vst v63  }
0x112: {  	_ =	swait.ge [sflag:s5], $0x2800  }
0x113: {  	[sflag:s5] =	ssyncset.done $0x0  }
0x114: {  	[sflag:s5] =	ssyncadd.s32 $0xFFFFD800  }
0x115: {  	[spmem:s1] =	stream.indirect.scatter.add.f32 [tilespmem:s30], [sflag:$0x6], $0x80, s10, s28, $0xb8;
	[tilespmem:$0x1DE90] =	vst v63  }
0x116: {  	_ = 	snop  }
0x117: {  	[spmem:s3] =	stream.indirect.scatter.add.f32 [tilespmem:s24], [sflag:$0x7], $0x1, s10, s28, $0xb8;
	[tilespmem:$0x1DE90] =	vst v63  }
0x118: {  	_ =	swait.ge [sflag:s14], $0x2800  }
0x119: {  	[sflag:s14] =	ssyncset.done $0x0  }
0x11a: {  	s25 =	rddreg [dreg:$0xe];
	[sflag:s14] =	ssyncadd.s32 $0xFFFFD800  }
0x11b: {  	[tilespmem:s29], [sflag:$0x2] =	stream.indirect.gather [hbm4b:s16+s28], $0x80, s25, s28, $0xb8;
	[tilespmem:$0x1DE90] =	vst v63  }
0x11c: {  	_ =	swait.ge [sflag:s31], $0x2800  }
0x11d: {  	[sflag:s31] =	ssyncset.done $0x0  }
0x11e: {  	[sflag:s31] =	ssyncadd.s32 $0xFFFFD800  }
0x11f: {  	[spmem:s1] =	stream.indirect.scatter.add.f32 [tilespmem:s6], [sflag:$0x4], $0x80, s11, s28, $0xb8;
	[tilespmem:$0x1DE90] =	vst v63  }
0x120: {  	_ = 	snop  }
0x121: {  	[spmem:s3] =	stream.indirect.scatter.add.f32 [tilespmem:s24], [sflag:$0x7], $0x1, s11, s28, $0xb8;
	[tilespmem:$0x1DE90] =	vst v63  }
0x122: {  	_ =	swait.ge [sflag:s15], $0x2800  }
0x123: {  	[sflag:s15] =	ssyncset.done $0x0  }
0x124: {  	s12 =	rddreg [dreg:$0xf];
	[sflag:s15] =	ssyncadd.s32 $0xFFFFD800  }
0x125: {  	[tilespmem:s30], [sflag:$0x3] =	stream.indirect.gather [hbm4b:s16+s28], $0x80, s12, s28, $0xb8;
	[tilespmem:$0x1DE90] =	vst v63  }
0x126: {  	_ =	swait.ge [sflag:s2], $0x2800  }
0x127: {  	[sflag:s2] =	ssyncset.done $0x0  }
0x128: {  	[sflag:s2] =	ssyncadd.s32 $0xFFFFD800  }
0x129: {  	[spmem:s1] =	stream.indirect.scatter.add.f32 [tilespmem:s29], [sflag:$0x5], $0x80, s17, s28, $0xb8;
	[tilespmem:$0x1DE90] =	vst v63  }
0x12a: {  	_ = 	snop  }
0x12b: {  	[spmem:s3] =	stream.indirect.scatter.add.f32 [tilespmem:s24], [sflag:$0x7], $0x1, s17, s28, $0xb8;
	[tilespmem:$0x1DE90] =	vst v63  }
0x12c: {  	_ =	swait.ge [sflag:s13], $0x2800  }
0x12d: {  	[sflag:s13] =	ssyncset.done $0x0  }
0x12e: {  	s23 =	rddreg [dreg:$0x10];
	[sflag:s13] =	ssyncadd.s32 $0xFFFFD800  }
0x12f: {  	[tilespmem:s6], [sflag:$0x1] =	stream.indirect.gather [hbm4b:s16+s28], $0x80, s23, s28, $0xb8;
	[tilespmem:$0x1DE90] =	vst v63  }
0x130: {  	_ =	swait.ge [sflag:s5], $0x2800  }
0x131: {  	[sflag:s5] =	ssyncset.done $0x0  }
0x132: {  	[sflag:s5] =	ssyncadd.s32 $0xFFFFD800  }
0x133: {  	[spmem:s1] =	stream.indirect.scatter.add.f32 [tilespmem:s30], [sflag:$0x6], $0x80, s21, s28, $0xb8;
	[tilespmem:$0x1DE90] =	vst v63  }
0x134: {  	_ = 	snop  }
0x135: {  	[spmem:s3] =	stream.indirect.scatter.add.f32 [tilespmem:s24], [sflag:$0x7], $0x1, s21, s28, $0xb8;
	[tilespmem:$0x1DE90] =	vst v63  }
0x136: {  	_ =	swait.ge [sflag:s14], $0x2800  }
0x137: {  	[sflag:s14] =	ssyncset.done $0x0  }
0x138: {  	s25 =	rddreg [dreg:$0x11];
	[sflag:s14] =	ssyncadd.s32 $0xFFFFD800  }
0x139: {  	[tilespmem:s29], [sflag:$0x2] =	stream.indirect.gather [hbm4b:s16+s28], $0x80, s25, s28, $0xb8;
	[tilespmem:$0x1DE90] =	vst v63  }
0x13a: {  	_ =	swait.ge [sflag:s31], $0x2800  }
0x13b: {  	[sflag:s31] =	ssyncset.done $0x0  }
0x13c: {  	[sflag:s31] =	ssyncadd.s32 $0xFFFFD800  }
0x13d: {  	[spmem:s1] =	stream.indirect.scatter.add.f32 [tilespmem:s6], [sflag:$0x4], $0x80, s18, s28, $0xb8;
	[tilespmem:$0x1DE90] =	vst v63  }
0x13e: {  	_ = 	snop  }
0x13f: {  	[spmem:s3] =	stream.indirect.scatter.add.f32 [tilespmem:s24], [sflag:$0x7], $0x1, s18, s28, $0xb8;
	[tilespmem:$0x1DE90] =	vst v63  }
0x140: {  	_ =	swait.ge [sflag:s15], $0x2800  }
0x141: {  	[sflag:s15] =	ssyncset.done $0x0  }
0x142: {  	s12 =	rddreg [dreg:$0x12];
	[sflag:s15] =	ssyncadd.s32 $0xFFFFD800  }
0x143: {  	[tilespmem:s30], [sflag:$0x3] =	stream.indirect.gather [hbm4b:s16+s28], $0x80, s12, s28, $0xb8;
	[tilespmem:$0x1DE90] =	vst v63  }
0x144: {  	_ =	swait.ge [sflag:s2], $0x2800  }
0x145: {  	[sflag:s2] =	ssyncset.done $0x0  }
0x146: {  	[sflag:s2] =	ssyncadd.s32 $0xFFFFD800  }
0x147: {  	[spmem:s1] =	stream.indirect.scatter.add.f32 [tilespmem:s29], [sflag:$0x5], $0x80, s19, s28, $0xb8;
	[tilespmem:$0x1DE90] =	vst v63  }
0x148: {  	_ = 	snop  }
0x149: {  	[spmem:s3] =	stream.indirect.scatter.add.f32 [tilespmem:s24], [sflag:$0x7], $0x1, s19, s28, $0xb8;
	[tilespmem:$0x1DE90] =	vst v63  }
0x14a: {  	_ =	swait.ge [sflag:s13], $0x2800  }
0x14b: {  	[sflag:s13] =	ssyncset.done $0x0  }
0x14c: {  	s23 =	rddreg [dreg:$0x13];
	[sflag:s13] =	ssyncadd.s32 $0xFFFFD800  }
0x14d: {  	[tilespmem:s6], [sflag:$0x1] =	stream.indirect.gather [hbm4b:s16+s28], $0x80, s23, s28, $0xb8;
	[tilespmem:$0x1DE90] =	vst v63  }
0x14e: {  	_ =	swait.ge [sflag:s5], $0x2800  }
0x14f: {  	[sflag:s5] =	ssyncset.done $0x0  }
0x150: {  	[sflag:s5] =	ssyncadd.s32 $0xFFFFD800  }
0x151: {  	[spmem:s1] =	stream.indirect.scatter.add.f32 [tilespmem:s30], [sflag:$0x6], $0x80, s26, s28, $0xb8;
	[tilespmem:$0x1DE90] =	vst v63  }
0x152: {  	_ = 	snop  }
0x153: {  	[spmem:s3] =	stream.indirect.scatter.add.f32 [tilespmem:s24], [sflag:$0x7], $0x1, s26, s28, $0xb8;
	[tilespmem:$0x1DE90] =	vst v63  }
0x154: {  	_ =	swait.ge [sflag:s14], $0x2800  }
0x155: {  	[sflag:s14] =	ssyncset.done $0x0  }
0x156: {  	s25 =	rddreg [dreg:$0x14];
	[sflag:s14] =	ssyncadd.s32 $0xFFFFD800  }
0x157: {  	[tilespmem:s29], [sflag:$0x2] =	stream.indirect.gather [hbm4b:s16+s28], $0x80, s25, s28, $0xb8;
	[tilespmem:$0x1DE90] =	vst v63  }
0x158: {  	_ =	swait.ge [sflag:s31], $0x2800  }
0x159: {  	[sflag:s31] =	ssyncset.done $0x0  }
0x15a: {  	s12 =	simm.s32 $0x8E00;
	[sflag:s31] =	ssyncadd.s32 $0xFFFFD800  }
0x15b: {  	[spmem:s1] =	stream.indirect.scatter.add.f32 [tilespmem:s6], [sflag:$0x4], $0x80, s12, s28, $0xb8;
	[tilespmem:$0x1DE90] =	vst v63  }
0x15c: {  	_ = 	snop  }
0x15d: {  	[spmem:s3] =	stream.indirect.scatter.add.f32 [tilespmem:s24], [sflag:$0x7], $0x1, s12, s28, $0xb8;
	[tilespmem:$0x1DE90] =	vst v63  }
0x15e: {  	_ =	swait.ge [sflag:s15], $0x2800  }
0x15f: {  	[sflag:s15] =	ssyncset.done $0x0  }
0x160: {  	s23 =	rddreg [dreg:$0x15];
	[sflag:s15] =	ssyncadd.s32 $0xFFFFD800  }
0x161: {  	[tilespmem:s30], [sflag:$0x3] =	stream.indirect.gather [hbm4b:s16+s28], $0x80, s23, s28, $0xb8;
	[tilespmem:$0x1DE90] =	vst v63  }
0x162: {  	_ =	swait.ge [sflag:s2], $0x2800  }
0x163: {  	[sflag:s2] =	ssyncset.done $0x0  }
0x164: {  	s25 =	simm.s32 $0x8E80;
	[sflag:s2] =	ssyncadd.s32 $0xFFFFD800  }
0x165: {  	[spmem:s1] =	stream.indirect.scatter.add.f32 [tilespmem:s29], [sflag:$0x5], $0x80, s25, s28, $0xb8;
	[tilespmem:$0x1DE90] =	vst v63  }
0x166: {  	_ = 	snop  }
0x167: {  	[spmem:s3] =	stream.indirect.scatter.add.f32 [tilespmem:s24], [sflag:$0x7], $0x1, s25, s28, $0xb8;
	[tilespmem:$0x1DE90] =	vst v63  }
0x168: {  	_ =	swait.ge [sflag:s13], $0x2800  }
0x169: {  	[sflag:s13] =	ssyncset.done $0x0  }
0x16a: {  	s12 =	rddreg [dreg:$0x16];
	[sflag:s13] =	ssyncadd.s32 $0xFFFFD800  }
0x16b: {  	[tilespmem:s6], [sflag:$0x1] =	stream.indirect.gather [hbm4b:s16+s28], $0x80, s12, s28, $0xb8;
	[tilespmem:$0x1DE90] =	vst v63  }
0x16c: {  	_ =	swait.ge [sflag:s5], $0x2800  }
0x16d: {  	[sflag:s5] =	ssyncset.done $0x0  }
0x16e: {  	s23 =	simm.s32 $0x8F00;
	[sflag:s5] =	ssyncadd.s32 $0xFFFFD800  }
0x16f: {  	[spmem:s1] =	stream.indirect.scatter.add.f32 [tilespmem:s30], [sflag:$0x6], $0x80, s23, s28, $0xb8;
	[tilespmem:$0x1DE90] =	vst v63  }
0x170: {  	_ = 	snop  }
0x171: {  	[spmem:s3] =	stream.indirect.scatter.add.f32 [tilespmem:s24], [sflag:$0x7], $0x1, s23, s28, $0xb8;
	[tilespmem:$0x1DE90] =	vst v63  }
0x172: {  	_ =	swait.ge [sflag:s14], $0x2800  }
0x173: {  	[sflag:s14] =	ssyncset.done $0x0  }
0x174: {  	s25 =	rddreg [dreg:$0x17];
	[sflag:s14] =	ssyncadd.s32 $0xFFFFD800  }
0x175: {  	[tilespmem:s29], [sflag:$0x2] =	stream.indirect.gather [hbm4b:s16+s28], $0x80, s25, s28, $0xb8;
	[tilespmem:$0x1DE90] =	vst v63  }
0x176: {  	_ =	swait.ge [sflag:s31], $0x2800  }
0x177: {  	[sflag:s31] =	ssyncset.done $0x0  }
0x178: {  	s12 =	simm.s32 $0x8F80;
	[sflag:s31] =	ssyncadd.s32 $0xFFFFD800  }
0x179: {  	[spmem:s1] =	stream.indirect.scatter.add.f32 [tilespmem:s6], [sflag:$0x4], $0x80, s12, s28, $0xb8;
	[tilespmem:$0x1DE90] =	vst v63  }
0x17a: {  	_ = 	snop  }
0x17b: {  	[spmem:s3] =	stream.indirect.scatter.add.f32 [tilespmem:s24], [sflag:$0x7], $0x1, s12, s28, $0xb8;
	[tilespmem:$0x1DE90] =	vst v63  }
0x17c: {  	_ =	swait.ge [sflag:s15], $0x2800  }
0x17d: {  	[sflag:s15] =	ssyncset.done $0x0  }
0x17e: {  	s23 =	rddreg [dreg:$0x18];
	[sflag:s15] =	ssyncadd.s32 $0xFFFFD800  }
0x17f: {  	[tilespmem:s30], [sflag:$0x3] =	stream.indirect.gather [hbm4b:s16+s28], $0x80, s23, s28, $0xb8;
	[tilespmem:$0x1DE90] =	vst v63  }
0x180: {  	_ =	swait.ge [sflag:s2], $0x2800  }
0x181: {  	[sflag:s2] =	ssyncset.done $0x0  }
0x182: {  	s25 =	simm.s32 $0x9000;
	[sflag:s2] =	ssyncadd.s32 $0xFFFFD800  }
0x183: {  	[spmem:s1] =	stream.indirect.scatter.add.f32 [tilespmem:s29], [sflag:$0x5], $0x80, s25, s28, $0xb8;
	[tilespmem:$0x1DE90] =	vst v63  }
0x184: {  	_ = 	snop  }
0x185: {  	[spmem:s3] =	stream.indirect.scatter.add.f32 [tilespmem:s24], [sflag:$0x7], $0x1, s25, s28, $0xb8;
	[tilespmem:$0x1DE90] =	vst v63  }
0x186: {  	_ =	swait.ge [sflag:s13], $0x2800  }
0x187: {  	[sflag:s13] =	ssyncset.done $0x0  }
0x188: {  	s12 =	rddreg [dreg:$0x19];
	[sflag:s13] =	ssyncadd.s32 $0xFFFFD800  }
0x189: {  	[tilespmem:s6], [sflag:$0x1] =	stream.indirect.gather [hbm4b:s16+s28], $0x80, s12, s28, $0xb8;
	[tilespmem:$0x1DE90] =	vst v63  }
0x18a: {  	_ =	swait.ge [sflag:s5], $0x2800  }
0x18b: {  	[sflag:s5] =	ssyncset.done $0x0  }
0x18c: {  	s23 =	simm.s32 $0x9080;
	[sflag:s5] =	ssyncadd.s32 $0xFFFFD800  }
0x18d: {  	[spmem:s1] =	stream.indirect.scatter.add.f32 [tilespmem:s30], [sflag:$0x6], $0x80, s23, s28, $0xb8;
	[tilespmem:$0x1DE90] =	vst v63  }
0x18e: {  	_ = 	snop  }
0x18f: {  	[spmem:s3] =	stream.indirect.scatter.add.f32 [tilespmem:s24], [sflag:$0x7], $0x1, s23, s28, $0xb8;
	[tilespmem:$0x1DE90] =	vst v63  }
0x190: {  	_ =	swait.ge [sflag:s14], $0x2800  }
0x191: {  	[sflag:s14] =	ssyncset.done $0x0  }
0x192: {  	s25 =	rddreg [dreg:$0x1a];
	[sflag:s14] =	ssyncadd.s32 $0xFFFFD800  }
0x193: {  	[tilespmem:s29], [sflag:$0x2] =	stream.indirect.gather [hbm4b:s16+s28], $0x80, s25, s28, $0xb8;
	[tilespmem:$0x1DE90] =	vst v63  }
0x194: {  	_ =	swait.ge [sflag:s31], $0x2800  }
0x195: {  	[sflag:s31] =	ssyncset.done $0x0  }
0x196: {  	s12 =	simm.s32 $0x9100;
	[sflag:s31] =	ssyncadd.s32 $0xFFFFD800  }
0x197: {  	[spmem:s1] =	stream.indirect.scatter.add.f32 [tilespmem:s6], [sflag:$0x4], $0x80, s12, s28, $0xb8;
	[tilespmem:$0x1DE90] =	vst v63  }
0x198: {  	_ = 	snop  }
0x199: {  	[spmem:s3] =	stream.indirect.scatter.add.f32 [tilespmem:s24], [sflag:$0x7], $0x1, s12, s28, $0xb8;
	[tilespmem:$0x1DE90] =	vst v63  }
0x19a: {  	_ =	swait.ge [sflag:s15], $0x2800  }
0x19b: {  	[sflag:s15] =	ssyncset.done $0x0  }
0x19c: {  	s23 =	rddreg [dreg:$0x1b];
	[sflag:s15] =	ssyncadd.s32 $0xFFFFD800  }
0x19d: {  	[tilespmem:s30], [sflag:$0x3] =	stream.indirect.gather [hbm4b:s16+s28], $0x80, s23, s28, $0xb8;
	[tilespmem:$0x1DE90] =	vst v63  }
0x19e: {  	_ =	swait.ge [sflag:s2], $0x2800  }
0x19f: {  	[sflag:s2] =	ssyncset.done $0x0  }
0x1a0: {  	s25 =	simm.s32 $0x9180;
	[sflag:s2] =	ssyncadd.s32 $0xFFFFD800  }
0x1a1: {  	[spmem:s1] =	stream.indirect.scatter.add.f32 [tilespmem:s29], [sflag:$0x5], $0x80, s25, s28, $0xb8;
	[tilespmem:$0x1DE90] =	vst v63  }
0x1a2: {  	_ = 	snop  }
0x1a3: {  	[spmem:s3] =	stream.indirect.scatter.add.f32 [tilespmem:s24], [sflag:$0x7], $0x1, s25, s28, $0xb8;
	[tilespmem:$0x1DE90] =	vst v63  }
0x1a4: {  	_ =	swait.ge [sflag:s13], $0x2800  }
0x1a5: {  	[sflag:s13] =	ssyncset.done $0x0  }
0x1a6: {  	s12 =	rddreg [dreg:$0x1c];
	[sflag:s13] =	ssyncadd.s32 $0xFFFFD800  }
0x1a7: {  	[tilespmem:s6], [sflag:$0x1] =	stream.indirect.gather [hbm4b:s16+s28], $0x80, s12, s28, $0xb8;
	[tilespmem:$0x1DE90] =	vst v63  }
0x1a8: {  	_ =	swait.ge [sflag:s5], $0x2800  }
0x1a9: {  	[sflag:s5] =	ssyncset.done $0x0  }
0x1aa: {  	s23 =	simm.s32 $0x9200;
	[sflag:s5] =	ssyncadd.s32 $0xFFFFD800  }
0x1ab: {  	[spmem:s1] =	stream.indirect.scatter.add.f32 [tilespmem:s30], [sflag:$0x6], $0x80, s23, s28, $0xb8;
	[tilespmem:$0x1DE90] =	vst v63  }
0x1ac: {  	_ = 	snop  }
0x1ad: {  	[spmem:s3] =	stream.indirect.scatter.add.f32 [tilespmem:s24], [sflag:$0x7], $0x1, s23, s28, $0xb8;
	[tilespmem:$0x1DE90] =	vst v63  }
0x1ae: {  	_ =	swait.ge [sflag:s14], $0x2800  }
0x1af: {  	[sflag:s14] =	ssyncset.done $0x0  }
0x1b0: {  	s25 =	rddreg [dreg:$0x1d];
	[sflag:s14] =	ssyncadd.s32 $0xFFFFD800  }
0x1b1: {  	[tilespmem:s29], [sflag:$0x2] =	stream.indirect.gather [hbm4b:s16+s28], $0x80, s25, s28, $0xb8;
	[tilespmem:$0x1DE90] =	vst v63  }
0x1b2: {  	_ =	swait.ge [sflag:s31], $0x2800  }
0x1b3: {  	[sflag:s31] =	ssyncset.done $0x0  }
0x1b4: {  	s12 =	simm.s32 $0x9280;
	[sflag:s31] =	ssyncadd.s32 $0xFFFFD800  }
0x1b5: {  	[spmem:s1] =	stream.indirect.scatter.add.f32 [tilespmem:s6], [sflag:$0x4], $0x80, s12, s28, $0xb8;
	[tilespmem:$0x1DE90] =	vst v63  }
0x1b6: {  	_ = 	snop  }
0x1b7: {  	[spmem:s3] =	stream.indirect.scatter.add.f32 [tilespmem:s24], [sflag:$0x7], $0x1, s12, s28, $0xb8;
	[tilespmem:$0x1DE90] =	vst v63  }
0x1b8: {  	_ =	swait.ge [sflag:s15], $0x2800  }
0x1b9: {  	[sflag:s15] =	ssyncset.done $0x0  }
0x1ba: {  	s23 =	rddreg [dreg:$0x1e];
	[sflag:s15] =	ssyncadd.s32 $0xFFFFD800  }
0x1bb: {  	[tilespmem:s30], [sflag:$0x3] =	stream.indirect.gather [hbm4b:s16+s28], $0x80, s23, s28, $0xb8;
	[tilespmem:$0x1DE90] =	vst v63  }
0x1bc: {  	_ =	swait.ge [sflag:s2], $0x2800  }
0x1bd: {  	[sflag:s2] =	ssyncset.done $0x0  }
0x1be: {  	s25 =	simm.s32 $0x9300;
	[sflag:s2] =	ssyncadd.s32 $0xFFFFD800  }
0x1bf: {  	[spmem:s1] =	stream.indirect.scatter.add.f32 [tilespmem:s29], [sflag:$0x5], $0x80, s25, s28, $0xb8;
	[tilespmem:$0x1DE90] =	vst v63  }
0x1c0: {  	_ = 	snop  }
0x1c1: {  	[spmem:s3] =	stream.indirect.scatter.add.f32 [tilespmem:s24], [sflag:$0x7], $0x1, s25, s28, $0xb8;
	[tilespmem:$0x1DE90] =	vst v63  }
0x1c2: {  	_ =	swait.ge [sflag:s13], $0x2800  }
0x1c3: {  	[sflag:s13] =	ssyncset.done $0x0  }
0x1c4: {  	s12 =	rddreg [dreg:$0x1f];
	[sflag:s13] =	ssyncadd.s32 $0xFFFFD800  }
0x1c5: {  	[tilespmem:s6], [sflag:$0x1] =	stream.indirect.gather [hbm4b:s16+s28], $0x80, s12, s28, $0xb8;
	[tilespmem:$0x1DE90] =	vst v63  }
0x1c6: {  	_ =	swait.ge [sflag:s5], $0x2800  }
0x1c7: {  	[sflag:s5] =	ssyncset.done $0x0  }
0x1c8: {  	s23 =	simm.s32 $0x9380;
	[sflag:s5] =	ssyncadd.s32 $0xFFFFD800  }
0x1c9: {  	[spmem:s1] =	stream.indirect.scatter.add.f32 [tilespmem:s30], [sflag:$0x6], $0x80, s23, s28, $0xb8;
	[tilespmem:$0x1DE90] =	vst v63  }
0x1ca: {  	_ = 	snop  }
0x1cb: {  	[spmem:s3] =	stream.indirect.scatter.add.f32 [tilespmem:s24], [sflag:$0x7], $0x1, s23, s28, $0xb8;
	[tilespmem:$0x1DE90] =	vst v63  }
0x1cc: {  	_ =	swait.ge [sflag:s31], $0x2800  }
0x1cd: {  	[sflag:s31] =	ssyncset.done $0x0  }
0x1ce: {  	s25 =	simm.s32 $0x9400;
	[sflag:s31] =	ssyncadd.s32 $0xFFFFD800  }
0x1cf: {  	[spmem:s1] =	stream.indirect.scatter.add.f32 [tilespmem:s6], [sflag:$0x4], $0x80, s25, s28, $0xb8;
	[tilespmem:$0x1DE90] =	vst v63  }
0x1d0: {  	_ = 	snop  }
0x1d1: {  	[spmem:s3] =	stream.indirect.scatter.add.f32 [tilespmem:s24], [sflag:$0x7], $0x1, s25, s28, $0xb8;
	[tilespmem:$0x1DE90] =	vst v63  }
0x1d2: {  	_ =	swait.ge [sflag:s14], $0x2800  }
0x1d3: {  	[sflag:s14] =	ssyncset.done $0x0  }
0x1d4: {  	[sflag:s14] =	ssyncadd.s32 $0xFFFFD800  }
0x1d5: {  	_ =	swait.ge [sflag:s15], $0x2800  }
0x1d6: {  	[sflag:s15] =	ssyncset.done $0x0  }
0x1d7: {  	[sflag:s15] =	ssyncadd.s32 $0xFFFFD800  }
0x1d8: {  	_ =	swait.ge [sflag:s13], $0x2800  }
0x1d9: {  	[sflag:s13] =	ssyncset.done $0x0  }
0x1da: {  	[sflag:s13] =	ssyncadd.s32 $0xFFFFD800  }
0x1db: {  	_ =	swait.ge [sflag:s20], $0x50  }
0x1dc: {  	[sflag:s20] =	ssyncset.done $0x0  }
0x1dd: {  	[sflag:s20] =	ssyncadd.s32 $0xFFFFFFB0  }
0x1de: {  	_ =	swait.ge [sflag:s20], $0x50  }
0x1df: {  	[sflag:s20] =	ssyncset.done $0x0  }
0x1e0: {  	[sflag:s20] =	ssyncadd.s32 $0xFFFFFFB0  }
0x1e1: {  	_ =	swait.ge [sflag:s20], $0x50  }
0x1e2: {  	[sflag:s20] =	ssyncset.done $0x0  }
0x1e3: {  	[sflag:s20] =	ssyncadd.s32 $0xFFFFFFB0  }
0x1e4: {  	_ =	swait.ge [sflag:s20], $0x50  }
0x1e5: {  	[sflag:s20] =	ssyncset.done $0x0  }
0x1e6: {  	[sflag:s20] =	ssyncadd.s32 $0xFFFFFFB0  }
0x1e7: {  	_ =	swait.ge [sflag:s20], $0x50  }
0x1e8: {  	[sflag:s20] =	ssyncset.done $0x0  }
0x1e9: {  	[sflag:s20] =	ssyncadd.s32 $0xFFFFFFB0  }
0x1ea: {  	_ =	swait.ge [sflag:s20], $0x50  }
0x1eb: {  	[sflag:s20] =	ssyncset.done $0x0  }
0x1ec: {  	[sflag:s20] =	ssyncadd.s32 $0xFFFFFFB0  }
0x1ed: {  	_ =	swait.ge [sflag:s20], $0x50  }
0x1ee: {  	[sflag:s20] =	ssyncset.done $0x0  }
0x1ef: {  	[sflag:s20] =	ssyncadd.s32 $0xFFFFFFB0  }
0x1f0: {  	_ =	swait.ge [sflag:s20], $0x50  }
0x1f1: {  	[sflag:s20] =	ssyncset.done $0x0  }
0x1f2: {  	[sflag:s20] =	ssyncadd.s32 $0xFFFFFFB0  }
0x1f3: {  	_ =	swait.ge [sflag:s20], $0x50  }
0x1f4: {  	[sflag:s20] =	ssyncset.done $0x0  }
0x1f5: {  	[sflag:s20] =	ssyncadd.s32 $0xFFFFFFB0  }
0x1f6: {  	_ =	swait.ge [sflag:s20], $0x50  }
0x1f7: {  	[sflag:s20] =	ssyncset.done $0x0  }
0x1f8: {  	[sflag:s20] =	ssyncadd.s32 $0xFFFFFFB0  }
0x1f9: {  	_ =	swait.ge [sflag:s20], $0x50  }
0x1fa: {  	[sflag:s20] =	ssyncset.done $0x0  }
0x1fb: {  	[sflag:s20] =	ssyncadd.s32 $0xFFFFFFB0  }
0x1fc: {  	_ =	swait.ge [sflag:s20], $0x50  }
0x1fd: {  	[sflag:s20] =	ssyncset.done $0x0  }
0x1fe: {  	[sflag:s20] =	ssyncadd.s32 $0xFFFFFFB0  }
0x1ff: {  	_ =	swait.ge [sflag:s20], $0x50  }
0x200: {  	[sflag:s20] =	ssyncset.done $0x0  }
0x201: {  	[sflag:s20] =	ssyncadd.s32 $0xFFFFFFB0  }
0x202: {  	_ =	swait.ge [sflag:s20], $0x50  }
0x203: {  	[sflag:s20] =	ssyncset.done $0x0  }
0x204: {  	[sflag:s20] =	ssyncadd.s32 $0xFFFFFFB0  }
0x205: {  	_ =	swait.ge [sflag:s20], $0x50  }
0x206: {  	[sflag:s20] =	ssyncset.done $0x0  }
0x207: {  	[sflag:s20] =	ssyncadd.s32 $0xFFFFFFB0  }
0x208: {  	_ =	swait.ge [sflag:s20], $0x50  }
0x209: {  	[sflag:s20] =	ssyncset.done $0x0  }
0x20a: {  	[sflag:s20] =	ssyncadd.s32 $0xFFFFFFB0  }
0x20b: {  	_ =	swait.ge [sflag:s20], $0x50  }
0x20c: {  	[sflag:s20] =	ssyncset.done $0x0  }
0x20d: {  	[sflag:s20] =	ssyncadd.s32 $0xFFFFFFB0  }
0x20e: {  	_ =	swait.ge [sflag:s20], $0x50  }
0x20f: {  	[sflag:s20] =	ssyncset.done $0x0  }
0x210: {  	[sflag:s20] =	ssyncadd.s32 $0xFFFFFFB0  }
0x211: {  	_ =	swait.ge [sflag:s20], $0x50  }
0x212: {  	[sflag:s20] =	ssyncset.done $0x0  }
0x213: {  	[sflag:s20] =	ssyncadd.s32 $0xFFFFFFB0  }
0x214: {  	_ =	swait.ge [sflag:s20], $0x50  }
0x215: {  	[sflag:s20] =	ssyncset.done $0x0  }
0x216: {  	[sflag:s20] =	ssyncadd.s32 $0xFFFFFFB0  }
0x217: {  	_ =	swait.ge [sflag:s20], $0x50  }
0x218: {  	[sflag:s20] =	ssyncset.done $0x0  }
0x219: {  	[sflag:s20] =	ssyncadd.s32 $0xFFFFFFB0  }
0x21a: {  	_ =	swait.ge [sflag:s20], $0x50  }
0x21b: {  	[sflag:s20] =	ssyncset.done $0x0  }
0x21c: {  	[sflag:s20] =	ssyncadd.s32 $0xFFFFFFB0  }
0x21d: {  	_ =	swait.ge [sflag:s20], $0x50  }
0x21e: {  	[sflag:s20] =	ssyncset.done $0x0  }
0x21f: {  	[sflag:s20] =	ssyncadd.s32 $0xFFFFFFB0  }
0x220: {  	_ =	swait.ge [sflag:s20], $0x50  }
0x221: {  	[sflag:s20] =	ssyncset.done $0x0  }
0x222: {  	[sflag:s20] =	ssyncadd.s32 $0xFFFFFFB0  }
0x223: {  	s4 =	simm.s32 $0x800;
	s0 =	simm.s32 $0x8;
	_ =	swait.ge [sflag:s20], $0x50  }
0x224: {  	s12 =	simm.s32 $0x400;
	s23 =	rddreg [dreg:$0x7];
	[sflag:s20] =	ssyncset.done $0x0  }
.LBB2_4:
0x225: {  	[sflag:s20] =	ssyncadd.s32 $0xFFFFFFB0;
	s25 =	smov.u32 s4  }
0x226: {  	s23 =	sadd.s32 s12, s23;
	s12 =	smov.u32 s25;
	s25 =	simm.s32 $0x7800  }
0x227: {  	[tilespmem:s25], [sflag:$0x8] =	stream.linear.gather [hbm4b:s23+s6], $0xC80, $0x38;
	[tilespmem:$0x1DE90] =	vst v63  }
0x228: {  	s23 =	sadd.s32 $0x200, s23  }
0x229: {  	[tilespmem:s22], [sflag:$0x8] =	stream.linear.gather [hbm4b:s23+s6], $0xC80, $0x38;
	[tilespmem:$0x1DE90] =	vst v63  }
0x22a: {  	_ =	swait.ge [sflag:s0], $0x1900  }
0x22b: {  	[sflag:s0] =	ssyncset.done $0x0  }
0x22c: {  	[sflag:s0] =	ssyncadd.s32 $0xFFFFE700  }
0x22d: {  	[tilespmem:s6], [sflag:$0x1] =	stream.indirect.gather [hbm4b:s16+s28], $0x80, s25, s28, $0xb8;
	[tilespmem:$0x1DE90] =	vst v63  }
0x22e: {  	s23 =	rddreg [dreg:$0x8]  }
0x22f: {  	[tilespmem:s29], [sflag:$0x2] =	stream.indirect.gather [hbm4b:s16+s28], $0x80, s23, s28, $0xb8;
	[tilespmem:$0x1DE90] =	vst v63  }
0x230: {  	s25 =	rddreg [dreg:$0x9]  }
0x231: {  	[tilespmem:s30], [sflag:$0x3] =	stream.indirect.gather [hbm4b:s16+s28], $0x80, s25, s28, $0xb8;
	[tilespmem:$0x1DE90] =	vst v63  }
0x232: {  	_ =	swait.ge [sflag:s31], $0x2800  }
0x233: {  	[sflag:s31] =	ssyncset.done $0x0  }
0x234: {  	[sflag:s31] =	ssyncadd.s32 $0xFFFFD800  }
0x235: {  	[spmem:s1] =	stream.indirect.scatter.add.f32 [tilespmem:s6], [sflag:$0x4], $0x80, s22, s28, $0xb8;
	[tilespmem:$0x1DE90] =	vst v63  }
0x236: {  	_ = 	snop  }
0x237: {  	[spmem:s3] =	stream.indirect.scatter.add.f32 [tilespmem:s24], [sflag:$0x7], $0x1, s22, s28, $0xb8;
	[tilespmem:$0x1DE90] =	vst v63  }
0x238: {  	_ =	swait.ge [sflag:s2], $0x2800  }
0x239: {  	[sflag:s2] =	ssyncset.done $0x0  }
0x23a: {  	s25 =	simm.s32 $0x8880;
	[sflag:s2] =	ssyncadd.s32 $0xFFFFD800  }
0x23b: {  	[spmem:s1] =	stream.indirect.scatter.add.f32 [tilespmem:s29], [sflag:$0x5], $0x80, s25, s28, $0xb8;
	[tilespmem:$0x1DE90] =	vst v63  }
0x23c: {  	_ = 	snop  }
0x23d: {  	[spmem:s3] =	stream.indirect.scatter.add.f32 [tilespmem:s24], [sflag:$0x7], $0x1, s25, s28, $0xb8;
	[tilespmem:$0x1DE90] =	vst v63  }
0x23e: {  	_ =	swait.ge [sflag:s13], $0x2800  }
0x23f: {  	[sflag:s13] =	ssyncset.done $0x0  }
0x240: {  	s23 =	rddreg [dreg:$0xa];
	[sflag:s13] =	ssyncadd.s32 $0xFFFFD800  }
0x241: {  	[tilespmem:s6], [sflag:$0x1] =	stream.indirect.gather [hbm4b:s16+s28], $0x80, s23, s28, $0xb8;
	[tilespmem:$0x1DE90] =	vst v63  }
0x242: {  	_ =	swait.ge [sflag:s5], $0x2800  }
0x243: {  	[sflag:s5] =	ssyncset.done $0x0  }
0x244: {  	[sflag:s5] =	ssyncadd.s32 $0xFFFFD800  }
0x245: {  	[spmem:s1] =	stream.indirect.scatter.add.f32 [tilespmem:s30], [sflag:$0x6], $0x80, s7, s28, $0xb8;
	[tilespmem:$0x1DE90] =	vst v63  }
0x246: {  	_ = 	snop  }
0x247: {  	[spmem:s3] =	stream.indirect.scatter.add.f32 [tilespmem:s24], [sflag:$0x7], $0x1, s7, s28, $0xb8;
	[tilespmem:$0x1DE90] =	vst v63  }
0x248: {  	_ =	swait.ge [sflag:s14], $0x2800  }
0x249: {  	[sflag:s14] =	ssyncset.done $0x0  }
0x24a: {  	s23 =	rddreg [dreg:$0xb];
	[sflag:s14] =	ssyncadd.s32 $0xFFFFD800  }
0x24b: {  	[tilespmem:s29], [sflag:$0x2] =	stream.indirect.gather [hbm4b:s16+s28], $0x80, s23, s28, $0xb8;
	[tilespmem:$0x1DE90] =	vst v63  }
0x24c: {  	_ =	swait.ge [sflag:s31], $0x2800  }
0x24d: {  	[sflag:s31] =	ssyncset.done $0x0  }
0x24e: {  	[sflag:s31] =	ssyncadd.s32 $0xFFFFD800  }
0x24f: {  	[spmem:s1] =	stream.indirect.scatter.add.f32 [tilespmem:s6], [sflag:$0x4], $0x80, s8, s28, $0xb8;
	[tilespmem:$0x1DE90] =	vst v63  }
0x250: {  	_ = 	snop  }
0x251: {  	[spmem:s3] =	stream.indirect.scatter.add.f32 [tilespmem:s24], [sflag:$0x7], $0x1, s8, s28, $0xb8;
	[tilespmem:$0x1DE90] =	vst v63  }
0x252: {  	_ =	swait.ge [sflag:s15], $0x2800  }
0x253: {  	[sflag:s15] =	ssyncset.done $0x0  }
0x254: {  	s23 =	rddreg [dreg:$0xc];
	[sflag:s15] =	ssyncadd.s32 $0xFFFFD800  }
0x255: {  	[tilespmem:s30], [sflag:$0x3] =	stream.indirect.gather [hbm4b:s16+s28], $0x80, s23, s28, $0xb8;
	[tilespmem:$0x1DE90] =	vst v63  }
0x256: {  	_ =	swait.ge [sflag:s2], $0x2800  }
0x257: {  	[sflag:s2] =	ssyncset.done $0x0  }
0x258: {  	[sflag:s2] =	ssyncadd.s32 $0xFFFFD800  }
0x259: {  	[spmem:s1] =	stream.indirect.scatter.add.f32 [tilespmem:s29], [sflag:$0x5], $0x80, s9, s28, $0xb8;
	[tilespmem:$0x1DE90] =	vst v63  }
0x25a: {  	_ = 	snop  }
0x25b: {  	[spmem:s3] =	stream.indirect.scatter.add.f32 [tilespmem:s24], [sflag:$0x7], $0x1, s9, s28, $0xb8;
	[tilespmem:$0x1DE90] =	vst v63  }
0x25c: {  	_ =	swait.ge [sflag:s13], $0x2800  }
0x25d: {  	[sflag:s13] =	ssyncset.done $0x0  }
0x25e: {  	s23 =	rddreg [dreg:$0xd];
	[sflag:s13] =	ssyncadd.s32 $0xFFFFD800  }
0x25f: {  	[tilespmem:s6], [sflag:$0x1] =	stream.indirect.gather [hbm4b:s16+s28], $0x80, s23, s28, $0xb8;
	[tilespmem:$0x1DE90] =	vst v63  }
0x260: {  	_ =	swait.ge [sflag:s5], $0x2800  }
0x261: {  	[sflag:s5] =	ssyncset.done $0x0  }
0x262: {  	[sflag:s5] =	ssyncadd.s32 $0xFFFFD800  }
0x263: {  	[spmem:s1] =	stream.indirect.scatter.add.f32 [tilespmem:s30], [sflag:$0x6], $0x80, s10, s28, $0xb8;
	[tilespmem:$0x1DE90] =	vst v63  }
0x264: {  	_ = 	snop  }
0x265: {  	[spmem:s3] =	stream.indirect.scatter.add.f32 [tilespmem:s24], [sflag:$0x7], $0x1, s10, s28, $0xb8;
	[tilespmem:$0x1DE90] =	vst v63  }
0x266: {  	_ =	swait.ge [sflag:s14], $0x2800  }
0x267: {  	[sflag:s14] =	ssyncset.done $0x0  }
0x268: {  	s23 =	rddreg [dreg:$0xe];
	[sflag:s14] =	ssyncadd.s32 $0xFFFFD800  }
0x269: {  	[tilespmem:s29], [sflag:$0x2] =	stream.indirect.gather [hbm4b:s16+s28], $0x80, s23, s28, $0xb8;
	[tilespmem:$0x1DE90] =	vst v63  }
0x26a: {  	_ =	swait.ge [sflag:s31], $0x2800  }
0x26b: {  	[sflag:s31] =	ssyncset.done $0x0  }
0x26c: {  	[sflag:s31] =	ssyncadd.s32 $0xFFFFD800  }
0x26d: {  	[spmem:s1] =	stream.indirect.scatter.add.f32 [tilespmem:s6], [sflag:$0x4], $0x80, s11, s28, $0xb8;
	[tilespmem:$0x1DE90] =	vst v63  }
0x26e: {  	_ = 	snop  }
0x26f: {  	[spmem:s3] =	stream.indirect.scatter.add.f32 [tilespmem:s24], [sflag:$0x7], $0x1, s11, s28, $0xb8;
	[tilespmem:$0x1DE90] =	vst v63  }
0x270: {  	_ =	swait.ge [sflag:s15], $0x2800  }
0x271: {  	[sflag:s15] =	ssyncset.done $0x0  }
0x272: {  	s23 =	rddreg [dreg:$0xf];
	[sflag:s15] =	ssyncadd.s32 $0xFFFFD800  }
0x273: {  	[tilespmem:s30], [sflag:$0x3] =	stream.indirect.gather [hbm4b:s16+s28], $0x80, s23, s28, $0xb8;
	[tilespmem:$0x1DE90] =	vst v63  }
0x274: {  	_ =	swait.ge [sflag:s2], $0x2800  }
0x275: {  	[sflag:s2] =	ssyncset.done $0x0  }
0x276: {  	[sflag:s2] =	ssyncadd.s32 $0xFFFFD800  }
0x277: {  	[spmem:s1] =	stream.indirect.scatter.add.f32 [tilespmem:s29], [sflag:$0x5], $0x80, s17, s28, $0xb8;
	[tilespmem:$0x1DE90] =	vst v63  }
0x278: {  	_ = 	snop  }
0x279: {  	[spmem:s3] =	stream.indirect.scatter.add.f32 [tilespmem:s24], [sflag:$0x7], $0x1, s17, s28, $0xb8;
	[tilespmem:$0x1DE90] =	vst v63  }
0x27a: {  	_ =	swait.ge [sflag:s13], $0x2800  }
0x27b: {  	[sflag:s13] =	ssyncset.done $0x0  }
0x27c: {  	s23 =	rddreg [dreg:$0x10];
	[sflag:s13] =	ssyncadd.s32 $0xFFFFD800  }
0x27d: {  	[tilespmem:s6], [sflag:$0x1] =	stream.indirect.gather [hbm4b:s16+s28], $0x80, s23, s28, $0xb8;
	[tilespmem:$0x1DE90] =	vst v63  }
0x27e: {  	_ =	swait.ge [sflag:s5], $0x2800  }
0x27f: {  	[sflag:s5] =	ssyncset.done $0x0  }
0x280: {  	[sflag:s5] =	ssyncadd.s32 $0xFFFFD800  }
0x281: {  	[spmem:s1] =	stream.indirect.scatter.add.f32 [tilespmem:s30], [sflag:$0x6], $0x80, s21, s28, $0xb8;
	[tilespmem:$0x1DE90] =	vst v63  }
0x282: {  	_ = 	snop  }
0x283: {  	[spmem:s3] =	stream.indirect.scatter.add.f32 [tilespmem:s24], [sflag:$0x7], $0x1, s21, s28, $0xb8;
	[tilespmem:$0x1DE90] =	vst v63  }
0x284: {  	_ =	swait.ge [sflag:s14], $0x2800  }
0x285: {  	[sflag:s14] =	ssyncset.done $0x0  }
0x286: {  	s23 =	rddreg [dreg:$0x11];
	[sflag:s14] =	ssyncadd.s32 $0xFFFFD800  }
0x287: {  	[tilespmem:s29], [sflag:$0x2] =	stream.indirect.gather [hbm4b:s16+s28], $0x80, s23, s28, $0xb8;
	[tilespmem:$0x1DE90] =	vst v63  }
0x288: {  	_ =	swait.ge [sflag:s31], $0x2800  }
0x289: {  	[sflag:s31] =	ssyncset.done $0x0  }
0x28a: {  	[sflag:s31] =	ssyncadd.s32 $0xFFFFD800  }
0x28b: {  	[spmem:s1] =	stream.indirect.scatter.add.f32 [tilespmem:s6], [sflag:$0x4], $0x80, s18, s28, $0xb8;
	[tilespmem:$0x1DE90] =	vst v63  }
0x28c: {  	_ = 	snop  }
0x28d: {  	[spmem:s3] =	stream.indirect.scatter.add.f32 [tilespmem:s24], [sflag:$0x7], $0x1, s18, s28, $0xb8;
	[tilespmem:$0x1DE90] =	vst v63  }
0x28e: {  	_ =	swait.ge [sflag:s15], $0x2800  }
0x28f: {  	[sflag:s15] =	ssyncset.done $0x0  }
0x290: {  	s23 =	rddreg [dreg:$0x12];
	[sflag:s15] =	ssyncadd.s32 $0xFFFFD800  }
0x291: {  	[tilespmem:s30], [sflag:$0x3] =	stream.indirect.gather [hbm4b:s16+s28], $0x80, s23, s28, $0xb8;
	[tilespmem:$0x1DE90] =	vst v63  }
0x292: {  	_ =	swait.ge [sflag:s2], $0x2800  }
0x293: {  	[sflag:s2] =	ssyncset.done $0x0  }
0x294: {  	[sflag:s2] =	ssyncadd.s32 $0xFFFFD800  }
0x295: {  	[spmem:s1] =	stream.indirect.scatter.add.f32 [tilespmem:s29], [sflag:$0x5], $0x80, s19, s28, $0xb8;
	[tilespmem:$0x1DE90] =	vst v63  }
0x296: {  	_ = 	snop  }
0x297: {  	[spmem:s3] =	stream.indirect.scatter.add.f32 [tilespmem:s24], [sflag:$0x7], $0x1, s19, s28, $0xb8;
	[tilespmem:$0x1DE90] =	vst v63  }
0x298: {  	_ =	swait.ge [sflag:s13], $0x2800  }
0x299: {  	[sflag:s13] =	ssyncset.done $0x0  }
0x29a: {  	s23 =	rddreg [dreg:$0x13];
	[sflag:s13] =	ssyncadd.s32 $0xFFFFD800  }
0x29b: {  	[tilespmem:s6], [sflag:$0x1] =	stream.indirect.gather [hbm4b:s16+s28], $0x80, s23, s28, $0xb8;
	[tilespmem:$0x1DE90] =	vst v63  }
0x29c: {  	_ =	swait.ge [sflag:s5], $0x2800  }
0x29d: {  	[sflag:s5] =	ssyncset.done $0x0  }
0x29e: {  	[sflag:s5] =	ssyncadd.s32 $0xFFFFD800  }
0x29f: {  	[spmem:s1] =	stream.indirect.scatter.add.f32 [tilespmem:s30], [sflag:$0x6], $0x80, s26, s28, $0xb8;
	[tilespmem:$0x1DE90] =	vst v63  }
0x2a0: {  	_ = 	snop  }
0x2a1: {  	[spmem:s3] =	stream.indirect.scatter.add.f32 [tilespmem:s24], [sflag:$0x7], $0x1, s26, s28, $0xb8;
	[tilespmem:$0x1DE90] =	vst v63  }
0x2a2: {  	_ =	swait.ge [sflag:s14], $0x2800  }
0x2a3: {  	[sflag:s14] =	ssyncset.done $0x0  }
0x2a4: {  	s23 =	rddreg [dreg:$0x14];
	[sflag:s14] =	ssyncadd.s32 $0xFFFFD800  }
0x2a5: {  	[tilespmem:s29], [sflag:$0x2] =	stream.indirect.gather [hbm4b:s16+s28], $0x80, s23, s28, $0xb8;
	[tilespmem:$0x1DE90] =	vst v63  }
0x2a6: {  	_ =	swait.ge [sflag:s31], $0x2800  }
0x2a7: {  	[sflag:s31] =	ssyncset.done $0x0  }
0x2a8: {  	s23 =	simm.s32 $0x8E00;
	[sflag:s31] =	ssyncadd.s32 $0xFFFFD800  }
0x2a9: {  	[spmem:s1] =	stream.indirect.scatter.add.f32 [tilespmem:s6], [sflag:$0x4], $0x80, s23, s28, $0xb8;
	[tilespmem:$0x1DE90] =	vst v63  }
0x2aa: {  	_ = 	snop  }
0x2ab: {  	[spmem:s3] =	stream.indirect.scatter.add.f32 [tilespmem:s24], [sflag:$0x7], $0x1, s23, s28, $0xb8;
	[tilespmem:$0x1DE90] =	vst v63  }
0x2ac: {  	_ =	swait.ge [sflag:s15], $0x2800  }
0x2ad: {  	[sflag:s15] =	ssyncset.done $0x0  }
0x2ae: {  	s23 =	rddreg [dreg:$0x15];
	[sflag:s15] =	ssyncadd.s32 $0xFFFFD800  }
0x2af: {  	[tilespmem:s30], [sflag:$0x3] =	stream.indirect.gather [hbm4b:s16+s28], $0x80, s23, s28, $0xb8;
	[tilespmem:$0x1DE90] =	vst v63  }
0x2b0: {  	_ =	swait.ge [sflag:s2], $0x2800  }
0x2b1: {  	[sflag:s2] =	ssyncset.done $0x0  }
0x2b2: {  	s23 =	simm.s32 $0x8E80;
	[sflag:s2] =	ssyncadd.s32 $0xFFFFD800  }
0x2b3: {  	[spmem:s1] =	stream.indirect.scatter.add.f32 [tilespmem:s29], [sflag:$0x5], $0x80, s23, s28, $0xb8;
	[tilespmem:$0x1DE90] =	vst v63  }
0x2b4: {  	_ = 	snop  }
0x2b5: {  	[spmem:s3] =	stream.indirect.scatter.add.f32 [tilespmem:s24], [sflag:$0x7], $0x1, s23, s28, $0xb8;
	[tilespmem:$0x1DE90] =	vst v63  }
0x2b6: {  	_ =	swait.ge [sflag:s13], $0x2800  }
0x2b7: {  	[sflag:s13] =	ssyncset.done $0x0  }
0x2b8: {  	s23 =	rddreg [dreg:$0x16];
	[sflag:s13] =	ssyncadd.s32 $0xFFFFD800  }
0x2b9: {  	[tilespmem:s6], [sflag:$0x1] =	stream.indirect.gather [hbm4b:s16+s28], $0x80, s23, s28, $0xb8;
	[tilespmem:$0x1DE90] =	vst v63  }
0x2ba: {  	_ =	swait.ge [sflag:s5], $0x2800  }
0x2bb: {  	[sflag:s5] =	ssyncset.done $0x0  }
0x2bc: {  	s23 =	simm.s32 $0x8F00;
	[sflag:s5] =	ssyncadd.s32 $0xFFFFD800  }
0x2bd: {  	[spmem:s1] =	stream.indirect.scatter.add.f32 [tilespmem:s30], [sflag:$0x6], $0x80, s23, s28, $0xb8;
	[tilespmem:$0x1DE90] =	vst v63  }
0x2be: {  	_ = 	snop  }
0x2bf: {  	[spmem:s3] =	stream.indirect.scatter.add.f32 [tilespmem:s24], [sflag:$0x7], $0x1, s23, s28, $0xb8;
	[tilespmem:$0x1DE90] =	vst v63  }
0x2c0: {  	_ =	swait.ge [sflag:s14], $0x2800  }
0x2c1: {  	[sflag:s14] =	ssyncset.done $0x0  }
0x2c2: {  	s23 =	rddreg [dreg:$0x17];
	[sflag:s14] =	ssyncadd.s32 $0xFFFFD800  }
0x2c3: {  	[tilespmem:s29], [sflag:$0x2] =	stream.indirect.gather [hbm4b:s16+s28], $0x80, s23, s28, $0xb8;
	[tilespmem:$0x1DE90] =	vst v63  }
0x2c4: {  	_ =	swait.ge [sflag:s31], $0x2800  }
0x2c5: {  	[sflag:s31] =	ssyncset.done $0x0  }
0x2c6: {  	s23 =	simm.s32 $0x8F80;
	[sflag:s31] =	ssyncadd.s32 $0xFFFFD800  }
0x2c7: {  	[spmem:s1] =	stream.indirect.scatter.add.f32 [tilespmem:s6], [sflag:$0x4], $0x80, s23, s28, $0xb8;
	[tilespmem:$0x1DE90] =	vst v63  }
0x2c8: {  	_ = 	snop  }
0x2c9: {  	[spmem:s3] =	stream.indirect.scatter.add.f32 [tilespmem:s24], [sflag:$0x7], $0x1, s23, s28, $0xb8;
	[tilespmem:$0x1DE90] =	vst v63  }
0x2ca: {  	_ =	swait.ge [sflag:s15], $0x2800  }
0x2cb: {  	[sflag:s15] =	ssyncset.done $0x0  }
0x2cc: {  	s23 =	rddreg [dreg:$0x18];
	[sflag:s15] =	ssyncadd.s32 $0xFFFFD800  }
0x2cd: {  	[tilespmem:s30], [sflag:$0x3] =	stream.indirect.gather [hbm4b:s16+s28], $0x80, s23, s28, $0xb8;
	[tilespmem:$0x1DE90] =	vst v63  }
0x2ce: {  	_ =	swait.ge [sflag:s2], $0x2800  }
0x2cf: {  	[sflag:s2] =	ssyncset.done $0x0  }
0x2d0: {  	s23 =	simm.s32 $0x9000;
	[sflag:s2] =	ssyncadd.s32 $0xFFFFD800  }
0x2d1: {  	[spmem:s1] =	stream.indirect.scatter.add.f32 [tilespmem:s29], [sflag:$0x5], $0x80, s23, s28, $0xb8;
	[tilespmem:$0x1DE90] =	vst v63  }
0x2d2: {  	_ = 	snop  }
0x2d3: {  	[spmem:s3] =	stream.indirect.scatter.add.f32 [tilespmem:s24], [sflag:$0x7], $0x1, s23, s28, $0xb8;
	[tilespmem:$0x1DE90] =	vst v63  }
0x2d4: {  	_ =	swait.ge [sflag:s13], $0x2800  }
0x2d5: {  	[sflag:s13] =	ssyncset.done $0x0  }
0x2d6: {  	s23 =	rddreg [dreg:$0x19];
	[sflag:s13] =	ssyncadd.s32 $0xFFFFD800  }
0x2d7: {  	[tilespmem:s6], [sflag:$0x1] =	stream.indirect.gather [hbm4b:s16+s28], $0x80, s23, s28, $0xb8;
	[tilespmem:$0x1DE90] =	vst v63  }
0x2d8: {  	_ =	swait.ge [sflag:s5], $0x2800  }
0x2d9: {  	[sflag:s5] =	ssyncset.done $0x0  }
0x2da: {  	s23 =	simm.s32 $0x9080;
	[sflag:s5] =	ssyncadd.s32 $0xFFFFD800  }
0x2db: {  	[spmem:s1] =	stream.indirect.scatter.add.f32 [tilespmem:s30], [sflag:$0x6], $0x80, s23, s28, $0xb8;
	[tilespmem:$0x1DE90] =	vst v63  }
0x2dc: {  	_ = 	snop  }
0x2dd: {  	[spmem:s3] =	stream.indirect.scatter.add.f32 [tilespmem:s24], [sflag:$0x7], $0x1, s23, s28, $0xb8;
	[tilespmem:$0x1DE90] =	vst v63  }
0x2de: {  	_ =	swait.ge [sflag:s14], $0x2800  }
0x2df: {  	[sflag:s14] =	ssyncset.done $0x0  }
0x2e0: {  	s23 =	rddreg [dreg:$0x1a];
	[sflag:s14] =	ssyncadd.s32 $0xFFFFD800  }
0x2e1: {  	[tilespmem:s29], [sflag:$0x2] =	stream.indirect.gather [hbm4b:s16+s28], $0x80, s23, s28, $0xb8;
	[tilespmem:$0x1DE90] =	vst v63  }
0x2e2: {  	_ =	swait.ge [sflag:s31], $0x2800  }
0x2e3: {  	[sflag:s31] =	ssyncset.done $0x0  }
0x2e4: {  	s23 =	simm.s32 $0x9100;
	[sflag:s31] =	ssyncadd.s32 $0xFFFFD800  }
0x2e5: {  	[spmem:s1] =	stream.indirect.scatter.add.f32 [tilespmem:s6], [sflag:$0x4], $0x80, s23, s28, $0xb8;
	[tilespmem:$0x1DE90] =	vst v63  }
0x2e6: {  	_ = 	snop  }
0x2e7: {  	[spmem:s3] =	stream.indirect.scatter.add.f32 [tilespmem:s24], [sflag:$0x7], $0x1, s23, s28, $0xb8;
	[tilespmem:$0x1DE90] =	vst v63  }
0x2e8: {  	_ =	swait.ge [sflag:s15], $0x2800  }
0x2e9: {  	[sflag:s15] =	ssyncset.done $0x0  }
0x2ea: {  	s23 =	rddreg [dreg:$0x1b];
	[sflag:s15] =	ssyncadd.s32 $0xFFFFD800  }
0x2eb: {  	[tilespmem:s30], [sflag:$0x3] =	stream.indirect.gather [hbm4b:s16+s28], $0x80, s23, s28, $0xb8;
	[tilespmem:$0x1DE90] =	vst v63  }
0x2ec: {  	_ =	swait.ge [sflag:s2], $0x2800  }
0x2ed: {  	[sflag:s2] =	ssyncset.done $0x0  }
0x2ee: {  	s23 =	simm.s32 $0x9180;
	[sflag:s2] =	ssyncadd.s32 $0xFFFFD800  }
0x2ef: {  	[spmem:s1] =	stream.indirect.scatter.add.f32 [tilespmem:s29], [sflag:$0x5], $0x80, s23, s28, $0xb8;
	[tilespmem:$0x1DE90] =	vst v63  }
0x2f0: {  	_ = 	snop  }
0x2f1: {  	[spmem:s3] =	stream.indirect.scatter.add.f32 [tilespmem:s24], [sflag:$0x7], $0x1, s23, s28, $0xb8;
	[tilespmem:$0x1DE90] =	vst v63  }
0x2f2: {  	_ =	swait.ge [sflag:s13], $0x2800  }
0x2f3: {  	[sflag:s13] =	ssyncset.done $0x0  }
0x2f4: {  	s23 =	rddreg [dreg:$0x1c];
	[sflag:s13] =	ssyncadd.s32 $0xFFFFD800  }
0x2f5: {  	[tilespmem:s6], [sflag:$0x1] =	stream.indirect.gather [hbm4b:s16+s28], $0x80, s23, s28, $0xb8;
	[tilespmem:$0x1DE90] =	vst v63  }
0x2f6: {  	_ =	swait.ge [sflag:s5], $0x2800  }
0x2f7: {  	[sflag:s5] =	ssyncset.done $0x0  }
0x2f8: {  	s23 =	simm.s32 $0x9200;
	[sflag:s5] =	ssyncadd.s32 $0xFFFFD800  }
0x2f9: {  	[spmem:s1] =	stream.indirect.scatter.add.f32 [tilespmem:s30], [sflag:$0x6], $0x80, s23, s28, $0xb8;
	[tilespmem:$0x1DE90] =	vst v63  }
0x2fa: {  	_ = 	snop  }
0x2fb: {  	[spmem:s3] =	stream.indirect.scatter.add.f32 [tilespmem:s24], [sflag:$0x7], $0x1, s23, s28, $0xb8;
	[tilespmem:$0x1DE90] =	vst v63  }
0x2fc: {  	_ =	swait.ge [sflag:s14], $0x2800  }
0x2fd: {  	[sflag:s14] =	ssyncset.done $0x0  }
0x2fe: {  	s23 =	rddreg [dreg:$0x1d];
	[sflag:s14] =	ssyncadd.s32 $0xFFFFD800  }
0x2ff: {  	[tilespmem:s29], [sflag:$0x2] =	stream.indirect.gather [hbm4b:s16+s28], $0x80, s23, s28, $0xb8;
	[tilespmem:$0x1DE90] =	vst v63  }
0x300: {  	_ =	swait.ge [sflag:s31], $0x2800  }
0x301: {  	[sflag:s31] =	ssyncset.done $0x0  }
0x302: {  	s23 =	simm.s32 $0x9280;
	[sflag:s31] =	ssyncadd.s32 $0xFFFFD800  }
0x303: {  	[spmem:s1] =	stream.indirect.scatter.add.f32 [tilespmem:s6], [sflag:$0x4], $0x80, s23, s28, $0xb8;
	[tilespmem:$0x1DE90] =	vst v63  }
0x304: {  	_ = 	snop  }
0x305: {  	[spmem:s3] =	stream.indirect.scatter.add.f32 [tilespmem:s24], [sflag:$0x7], $0x1, s23, s28, $0xb8;
	[tilespmem:$0x1DE90] =	vst v63  }
0x306: {  	_ =	swait.ge [sflag:s15], $0x2800  }
0x307: {  	[sflag:s15] =	ssyncset.done $0x0  }
0x308: {  	s23 =	rddreg [dreg:$0x1e];
	[sflag:s15] =	ssyncadd.s32 $0xFFFFD800  }
0x309: {  	[tilespmem:s30], [sflag:$0x3] =	stream.indirect.gather [hbm4b:s16+s28], $0x80, s23, s28, $0xb8;
	[tilespmem:$0x1DE90] =	vst v63  }
0x30a: {  	_ =	swait.ge [sflag:s2], $0x2800  }
0x30b: {  	[sflag:s2] =	ssyncset.done $0x0  }
0x30c: {  	s23 =	simm.s32 $0x9300;
	[sflag:s2] =	ssyncadd.s32 $0xFFFFD800  }
0x30d: {  	[spmem:s1] =	stream.indirect.scatter.add.f32 [tilespmem:s29], [sflag:$0x5], $0x80, s23, s28, $0xb8;
	[tilespmem:$0x1DE90] =	vst v63  }
0x30e: {  	_ = 	snop  }
0x30f: {  	[spmem:s3] =	stream.indirect.scatter.add.f32 [tilespmem:s24], [sflag:$0x7], $0x1, s23, s28, $0xb8;
	[tilespmem:$0x1DE90] =	vst v63  }
0x310: {  	_ =	swait.ge [sflag:s13], $0x2800  }
0x311: {  	[sflag:s13] =	ssyncset.done $0x0  }
0x312: {  	s23 =	rddreg [dreg:$0x1f];
	[sflag:s13] =	ssyncadd.s32 $0xFFFFD800  }
0x313: {  	[tilespmem:s6], [sflag:$0x1] =	stream.indirect.gather [hbm4b:s16+s28], $0x80, s23, s28, $0xb8;
	[tilespmem:$0x1DE90] =	vst v63  }
0x314: {  	_ =	swait.ge [sflag:s5], $0x2800  }
0x315: {  	[sflag:s5] =	ssyncset.done $0x0  }
0x316: {  	s23 =	simm.s32 $0x9380;
	[sflag:s5] =	ssyncadd.s32 $0xFFFFD800  }
0x317: {  	[spmem:s1] =	stream.indirect.scatter.add.f32 [tilespmem:s30], [sflag:$0x6], $0x80, s23, s28, $0xb8;
	[tilespmem:$0x1DE90] =	vst v63  }
0x318: {  	_ = 	snop  }
0x319: {  	[spmem:s3] =	stream.indirect.scatter.add.f32 [tilespmem:s24], [sflag:$0x7], $0x1, s23, s28, $0xb8;
	[tilespmem:$0x1DE90] =	vst v63  }
0x31a: {  	_ =	swait.ge [sflag:s31], $0x2800  }
0x31b: {  	[sflag:s31] =	ssyncset.done $0x0  }
0x31c: {  	s23 =	simm.s32 $0x9400;
	[sflag:s31] =	ssyncadd.s32 $0xFFFFD800  }
0x31d: {  	[spmem:s1] =	stream.indirect.scatter.add.f32 [tilespmem:s6], [sflag:$0x4], $0x80, s23, s28, $0xb8;
	[tilespmem:$0x1DE90] =	vst v63  }
0x31e: {  	_ = 	snop  }
0x31f: {  	[spmem:s3] =	stream.indirect.scatter.add.f32 [tilespmem:s24], [sflag:$0x7], $0x1, s23, s28, $0xb8;
	[tilespmem:$0x1DE90] =	vst v63  }
0x320: {  	_ =	swait.ge [sflag:s14], $0x2800  }
0x321: {  	[sflag:s14] =	ssyncset.done $0x0  }
0x322: {  	[sflag:s14] =	ssyncadd.s32 $0xFFFFD800  }
0x323: {  	_ =	swait.ge [sflag:s15], $0x2800  }
0x324: {  	[sflag:s15] =	ssyncset.done $0x0  }
0x325: {  	[sflag:s15] =	ssyncadd.s32 $0xFFFFD800  }
0x326: {  	_ =	swait.ge [sflag:s13], $0x2800  }
0x327: {  	[sflag:s13] =	ssyncset.done $0x0  }
0x328: {  	[sflag:s13] =	ssyncadd.s32 $0xFFFFD800  }
0x329: {  	_ =	swait.ge [sflag:s20], $0x50  }
0x32a: {  	[sflag:s20] =	ssyncset.done $0x0  }
0x32b: {  	[sflag:s20] =	ssyncadd.s32 $0xFFFFFFB0  }
0x32c: {  	_ =	swait.ge [sflag:s20], $0x50  }
0x32d: {  	[sflag:s20] =	ssyncset.done $0x0  }
0x32e: {  	[sflag:s20] =	ssyncadd.s32 $0xFFFFFFB0  }
0x32f: {  	_ =	swait.ge [sflag:s20], $0x50  }
0x330: {  	[sflag:s20] =	ssyncset.done $0x0  }
0x331: {  	[sflag:s20] =	ssyncadd.s32 $0xFFFFFFB0  }
0x332: {  	_ =	swait.ge [sflag:s20], $0x50  }
0x333: {  	[sflag:s20] =	ssyncset.done $0x0  }
0x334: {  	[sflag:s20] =	ssyncadd.s32 $0xFFFFFFB0  }
0x335: {  	_ =	swait.ge [sflag:s20], $0x50  }
0x336: {  	[sflag:s20] =	ssyncset.done $0x0  }
0x337: {  	[sflag:s20] =	ssyncadd.s32 $0xFFFFFFB0  }
0x338: {  	_ =	swait.ge [sflag:s20], $0x50  }
0x339: {  	[sflag:s20] =	ssyncset.done $0x0  }
0x33a: {  	[sflag:s20] =	ssyncadd.s32 $0xFFFFFFB0  }
0x33b: {  	_ =	swait.ge [sflag:s20], $0x50  }
0x33c: {  	[sflag:s20] =	ssyncset.done $0x0  }
0x33d: {  	[sflag:s20] =	ssyncadd.s32 $0xFFFFFFB0  }
0x33e: {  	_ =	swait.ge [sflag:s20], $0x50  }
0x33f: {  	[sflag:s20] =	ssyncset.done $0x0  }
0x340: {  	[sflag:s20] =	ssyncadd.s32 $0xFFFFFFB0  }
0x341: {  	_ =	swait.ge [sflag:s20], $0x50  }
0x342: {  	[sflag:s20] =	ssyncset.done $0x0  }
0x343: {  	[sflag:s20] =	ssyncadd.s32 $0xFFFFFFB0  }
0x344: {  	_ =	swait.ge [sflag:s20], $0x50  }
0x345: {  	[sflag:s20] =	ssyncset.done $0x0  }
0x346: {  	[sflag:s20] =	ssyncadd.s32 $0xFFFFFFB0  }
0x347: {  	_ =	swait.ge [sflag:s20], $0x50  }
0x348: {  	[sflag:s20] =	ssyncset.done $0x0  }
0x349: {  	[sflag:s20] =	ssyncadd.s32 $0xFFFFFFB0  }
0x34a: {  	_ =	swait.ge [sflag:s20], $0x50  }
0x34b: {  	[sflag:s20] =	ssyncset.done $0x0  }
0x34c: {  	[sflag:s20] =	ssyncadd.s32 $0xFFFFFFB0  }
0x34d: {  	_ =	swait.ge [sflag:s20], $0x50  }
0x34e: {  	[sflag:s20] =	ssyncset.done $0x0  }
0x34f: {  	[sflag:s20] =	ssyncadd.s32 $0xFFFFFFB0  }
0x350: {  	_ =	swait.ge [sflag:s20], $0x50  }
0x351: {  	[sflag:s20] =	ssyncset.done $0x0  }
0x352: {  	[sflag:s20] =	ssyncadd.s32 $0xFFFFFFB0  }
0x353: {  	_ =	swait.ge [sflag:s20], $0x50  }
0x354: {  	[sflag:s20] =	ssyncset.done $0x0  }
0x355: {  	[sflag:s20] =	ssyncadd.s32 $0xFFFFFFB0  }
0x356: {  	_ =	swait.ge [sflag:s20], $0x50  }
0x357: {  	[sflag:s20] =	ssyncset.done $0x0  }
0x358: {  	[sflag:s20] =	ssyncadd.s32 $0xFFFFFFB0  }
0x359: {  	_ =	swait.ge [sflag:s20], $0x50  }
0x35a: {  	[sflag:s20] =	ssyncset.done $0x0  }
0x35b: {  	[sflag:s20] =	ssyncadd.s32 $0xFFFFFFB0  }
0x35c: {  	_ =	swait.ge [sflag:s20], $0x50  }
0x35d: {  	[sflag:s20] =	ssyncset.done $0x0  }
0x35e: {  	[sflag:s20] =	ssyncadd.s32 $0xFFFFFFB0  }
0x35f: {  	_ =	swait.ge [sflag:s20], $0x50  }
0x360: {  	[sflag:s20] =	ssyncset.done $0x0  }
0x361: {  	[sflag:s20] =	ssyncadd.s32 $0xFFFFFFB0  }
0x362: {  	_ =	swait.ge [sflag:s20], $0x50  }
0x363: {  	[sflag:s20] =	ssyncset.done $0x0  }
0x364: {  	[sflag:s20] =	ssyncadd.s32 $0xFFFFFFB0  }
0x365: {  	_ =	swait.ge [sflag:s20], $0x50  }
0x366: {  	[sflag:s20] =	ssyncset.done $0x0  }
0x367: {  	[sflag:s20] =	ssyncadd.s32 $0xFFFFFFB0  }
0x368: {  	_ =	swait.ge [sflag:s20], $0x50  }
0x369: {  	[sflag:s20] =	ssyncset.done $0x0  }
0x36a: {  	[sflag:s20] =	ssyncadd.s32 $0xFFFFFFB0  }
0x36b: {  	_ =	swait.ge [sflag:s20], $0x50  }
0x36c: {  	[sflag:s20] =	ssyncset.done $0x0  }
0x36d: {  	p1 =	sne.s32 s4, $0x2400;
	[sflag:s20] =	ssyncadd.s32 $0xFFFFFFB0  }
.Ltmp1:
0x36e: {  	_ =	swait.ge [sflag:s20], $0x50;
	(pc) =	sbr.rel @p1 .LBB2_4-.Ltmp1, $4  }
0x36f: {  	[sflag:s20] =	ssyncset.done $0x0  }
0x370: {  	[sflag:s20] =	ssyncadd.s32 $0xFFFFFFB0  }
0x371: {  	_ =	swait.ge [sflag:s20], $0x50  }
0x372: {  	s4 =	sadd.s32 $0x400, s4;
	s23 =	rddreg [dreg:$0x7];
	[sflag:s20] =	ssyncset.done $0x0  }
0x373: {  	[sflag:s20] =	ssyncadd.s32 $0xFFFFFFB0;
	s4 =	sadd.s32 s12, s23;
	s23 =	simm.s32 $0x7800  }
0x374: {  	[tilespmem:s23], [sflag:$0x8] =	stream.linear.gather [hbm4b:s4+s6], $0xC80, $0x38;
	[tilespmem:$0x1DE90] =	vst v63  }
0x375: {  	s4 =	sadd.s32 $0x200, s4  }
0x376: {  	[tilespmem:s22], [sflag:$0x8] =	stream.linear.gather [hbm4b:s4+s6], $0xC80, $0x38;
	[tilespmem:$0x1DE90] =	vst v63  }
0x377: {  	_ =	swait.ge [sflag:s0], $0x1900  }
0x378: {  	[sflag:s0] =	ssyncset.done $0x0  }
0x379: {  	[sflag:s0] =	ssyncadd.s32 $0xFFFFE700  }
0x37a: {  	[tilespmem:s6], [sflag:$0x1] =	stream.indirect.gather [hbm4b:s16+s28], $0x80, s23, s28, $0xb8;
	[tilespmem:$0x1DE90] =	vst v63  }
0x37b: {  	s4 =	rddreg [dreg:$0x8]  }
0x37c: {  	[tilespmem:s29], [sflag:$0x2] =	stream.indirect.gather [hbm4b:s16+s28], $0x80, s4, s28, $0xb8;
	[tilespmem:$0x1DE90] =	vst v63  }
0x37d: {  	s23 =	rddreg [dreg:$0x9]  }
0x37e: {  	[tilespmem:s30], [sflag:$0x3] =	stream.indirect.gather [hbm4b:s16+s28], $0x80, s23, s28, $0xb8;
	[tilespmem:$0x1DE90] =	vst v63  }
0x37f: {  	_ =	swait.ge [sflag:s31], $0x2800  }
0x380: {  	[sflag:s31] =	ssyncset.done $0x0  }
0x381: {  	[sflag:s31] =	ssyncadd.s32 $0xFFFFD800  }
0x382: {  	[spmem:s1] =	stream.indirect.scatter.add.f32 [tilespmem:s6], [sflag:$0x4], $0x80, s22, s28, $0xb8;
	[tilespmem:$0x1DE90] =	vst v63  }
0x383: {  	_ = 	snop  }
0x384: {  	[spmem:s3] =	stream.indirect.scatter.add.f32 [tilespmem:s24], [sflag:$0x7], $0x1, s22, s28, $0xb8;
	[tilespmem:$0x1DE90] =	vst v63  }
0x385: {  	_ =	swait.ge [sflag:s2], $0x2800  }
0x386: {  	[sflag:s2] =	ssyncset.done $0x0  }
0x387: {  	[sflag:s2] =	ssyncadd.s32 $0xFFFFD800  }
0x388: {  	[spmem:s1] =	stream.indirect.scatter.add.f32 [tilespmem:s29], [sflag:$0x5], $0x80, s25, s28, $0xb8;
	[tilespmem:$0x1DE90] =	vst v63  }
0x389: {  	_ = 	snop  }
0x38a: {  	[spmem:s3] =	stream.indirect.scatter.add.f32 [tilespmem:s24], [sflag:$0x7], $0x1, s25, s28, $0xb8;
	[tilespmem:$0x1DE90] =	vst v63  }
0x38b: {  	_ =	swait.ge [sflag:s13], $0x2800  }
0x38c: {  	[sflag:s13] =	ssyncset.done $0x0  }
0x38d: {  	s23 =	rddreg [dreg:$0xa];
	[sflag:s13] =	ssyncadd.s32 $0xFFFFD800  }
0x38e: {  	[tilespmem:s6], [sflag:$0x1] =	stream.indirect.gather [hbm4b:s16+s28], $0x80, s23, s28, $0xb8;
	[tilespmem:$0x1DE90] =	vst v63  }
0x38f: {  	_ =	swait.ge [sflag:s5], $0x2800  }
0x390: {  	[sflag:s5] =	ssyncset.done $0x0  }
0x391: {  	[sflag:s5] =	ssyncadd.s32 $0xFFFFD800  }
0x392: {  	[spmem:s1] =	stream.indirect.scatter.add.f32 [tilespmem:s30], [sflag:$0x6], $0x80, s7, s28, $0xb8;
	[tilespmem:$0x1DE90] =	vst v63  }
0x393: {  	_ = 	snop  }
0x394: {  	[spmem:s3] =	stream.indirect.scatter.add.f32 [tilespmem:s24], [sflag:$0x7], $0x1, s7, s28, $0xb8;
	[tilespmem:$0x1DE90] =	vst v63  }
0x395: {  	_ =	swait.ge [sflag:s14], $0x2800  }
0x396: {  	[sflag:s14] =	ssyncset.done $0x0  }
0x397: {  	s25 =	rddreg [dreg:$0xb];
	[sflag:s14] =	ssyncadd.s32 $0xFFFFD800  }
0x398: {  	[tilespmem:s29], [sflag:$0x2] =	stream.indirect.gather [hbm4b:s16+s28], $0x80, s25, s28, $0xb8;
	[tilespmem:$0x1DE90] =	vst v63  }
0x399: {  	_ =	swait.ge [sflag:s31], $0x2800  }
0x39a: {  	[sflag:s31] =	ssyncset.done $0x0  }
0x39b: {  	[sflag:s31] =	ssyncadd.s32 $0xFFFFD800  }
0x39c: {  	[spmem:s1] =	stream.indirect.scatter.add.f32 [tilespmem:s6], [sflag:$0x4], $0x80, s8, s28, $0xb8;
	[tilespmem:$0x1DE90] =	vst v63  }
0x39d: {  	_ = 	snop  }
0x39e: {  	[spmem:s3] =	stream.indirect.scatter.add.f32 [tilespmem:s24], [sflag:$0x7], $0x1, s8, s28, $0xb8;
	[tilespmem:$0x1DE90] =	vst v63  }
0x39f: {  	_ =	swait.ge [sflag:s15], $0x2800  }
0x3a0: {  	[sflag:s15] =	ssyncset.done $0x0  }
0x3a1: {  	s7 =	rddreg [dreg:$0xc];
	[sflag:s15] =	ssyncadd.s32 $0xFFFFD800  }
0x3a2: {  	[tilespmem:s30], [sflag:$0x3] =	stream.indirect.gather [hbm4b:s16+s28], $0x80, s7, s28, $0xb8;
	[tilespmem:$0x1DE90] =	vst v63  }
0x3a3: {  	_ =	swait.ge [sflag:s2], $0x2800  }
0x3a4: {  	[sflag:s2] =	ssyncset.done $0x0  }
0x3a5: {  	[sflag:s2] =	ssyncadd.s32 $0xFFFFD800  }
0x3a6: {  	[spmem:s1] =	stream.indirect.scatter.add.f32 [tilespmem:s29], [sflag:$0x5], $0x80, s9, s28, $0xb8;
	[tilespmem:$0x1DE90] =	vst v63  }
0x3a7: {  	_ = 	snop  }
0x3a8: {  	[spmem:s3] =	stream.indirect.scatter.add.f32 [tilespmem:s24], [sflag:$0x7], $0x1, s9, s28, $0xb8;
	[tilespmem:$0x1DE90] =	vst v63  }
0x3a9: {  	_ =	swait.ge [sflag:s13], $0x2800  }
0x3aa: {  	[sflag:s13] =	ssyncset.done $0x0  }
0x3ab: {  	s8 =	rddreg [dreg:$0xd];
	[sflag:s13] =	ssyncadd.s32 $0xFFFFD800  }
0x3ac: {  	[tilespmem:s6], [sflag:$0x1] =	stream.indirect.gather [hbm4b:s16+s28], $0x80, s8, s28, $0xb8;
	[tilespmem:$0x1DE90] =	vst v63  }
0x3ad: {  	_ =	swait.ge [sflag:s5], $0x2800  }
0x3ae: {  	[sflag:s5] =	ssyncset.done $0x0  }
0x3af: {  	[sflag:s5] =	ssyncadd.s32 $0xFFFFD800  }
0x3b0: {  	[spmem:s1] =	stream.indirect.scatter.add.f32 [tilespmem:s30], [sflag:$0x6], $0x80, s10, s28, $0xb8;
	[tilespmem:$0x1DE90] =	vst v63  }
0x3b1: {  	_ = 	snop  }
0x3b2: {  	[spmem:s3] =	stream.indirect.scatter.add.f32 [tilespmem:s24], [sflag:$0x7], $0x1, s10, s28, $0xb8;
	[tilespmem:$0x1DE90] =	vst v63  }
0x3b3: {  	_ =	swait.ge [sflag:s14], $0x2800  }
0x3b4: {  	[sflag:s14] =	ssyncset.done $0x0  }
0x3b5: {  	s9 =	rddreg [dreg:$0xe];
	[sflag:s14] =	ssyncadd.s32 $0xFFFFD800  }
0x3b6: {  	[tilespmem:s29], [sflag:$0x2] =	stream.indirect.gather [hbm4b:s16+s28], $0x80, s9, s28, $0xb8;
	[tilespmem:$0x1DE90] =	vst v63  }
0x3b7: {  	_ =	swait.ge [sflag:s31], $0x2800  }
0x3b8: {  	[sflag:s31] =	ssyncset.done $0x0  }
0x3b9: {  	[sflag:s31] =	ssyncadd.s32 $0xFFFFD800  }
0x3ba: {  	[spmem:s1] =	stream.indirect.scatter.add.f32 [tilespmem:s6], [sflag:$0x4], $0x80, s11, s28, $0xb8;
	[tilespmem:$0x1DE90] =	vst v63  }
0x3bb: {  	_ = 	snop  }
0x3bc: {  	[spmem:s3] =	stream.indirect.scatter.add.f32 [tilespmem:s24], [sflag:$0x7], $0x1, s11, s28, $0xb8;
	[tilespmem:$0x1DE90] =	vst v63  }
0x3bd: {  	_ =	swait.ge [sflag:s15], $0x2800  }
0x3be: {  	[sflag:s15] =	ssyncset.done $0x0  }
0x3bf: {  	s12 =	rddreg [dreg:$0xf];
	[sflag:s15] =	ssyncadd.s32 $0xFFFFD800  }
0x3c0: {  	[tilespmem:s30], [sflag:$0x3] =	stream.indirect.gather [hbm4b:s16+s28], $0x80, s12, s28, $0xb8;
	[tilespmem:$0x1DE90] =	vst v63  }
0x3c1: {  	_ =	swait.ge [sflag:s2], $0x2800  }
0x3c2: {  	[sflag:s2] =	ssyncset.done $0x0  }
0x3c3: {  	[sflag:s2] =	ssyncadd.s32 $0xFFFFD800  }
0x3c4: {  	[spmem:s1] =	stream.indirect.scatter.add.f32 [tilespmem:s29], [sflag:$0x5], $0x80, s17, s28, $0xb8;
	[tilespmem:$0x1DE90] =	vst v63  }
0x3c5: {  	_ = 	snop  }
0x3c6: {  	[spmem:s3] =	stream.indirect.scatter.add.f32 [tilespmem:s24], [sflag:$0x7], $0x1, s17, s28, $0xb8;
	[tilespmem:$0x1DE90] =	vst v63  }
0x3c7: {  	_ =	swait.ge [sflag:s13], $0x2800  }
0x3c8: {  	[sflag:s13] =	ssyncset.done $0x0  }
0x3c9: {  	s23 =	rddreg [dreg:$0x10];
	[sflag:s13] =	ssyncadd.s32 $0xFFFFD800  }
0x3ca: {  	[tilespmem:s6], [sflag:$0x1] =	stream.indirect.gather [hbm4b:s16+s28], $0x80, s23, s28, $0xb8;
	[tilespmem:$0x1DE90] =	vst v63  }
0x3cb: {  	_ =	swait.ge [sflag:s5], $0x2800  }
0x3cc: {  	[sflag:s5] =	ssyncset.done $0x0  }
0x3cd: {  	[sflag:s5] =	ssyncadd.s32 $0xFFFFD800  }
0x3ce: {  	[spmem:s1] =	stream.indirect.scatter.add.f32 [tilespmem:s30], [sflag:$0x6], $0x80, s21, s28, $0xb8;
	[tilespmem:$0x1DE90] =	vst v63  }
0x3cf: {  	_ = 	snop  }
0x3d0: {  	[spmem:s3] =	stream.indirect.scatter.add.f32 [tilespmem:s24], [sflag:$0x7], $0x1, s21, s28, $0xb8;
	[tilespmem:$0x1DE90] =	vst v63  }
0x3d1: {  	_ =	swait.ge [sflag:s14], $0x2800  }
0x3d2: {  	[sflag:s14] =	ssyncset.done $0x0  }
0x3d3: {  	s25 =	rddreg [dreg:$0x11];
	[sflag:s14] =	ssyncadd.s32 $0xFFFFD800  }
0x3d4: {  	[tilespmem:s29], [sflag:$0x2] =	stream.indirect.gather [hbm4b:s16+s28], $0x80, s25, s28, $0xb8;
	[tilespmem:$0x1DE90] =	vst v63  }
0x3d5: {  	_ =	swait.ge [sflag:s31], $0x2800  }
0x3d6: {  	[sflag:s31] =	ssyncset.done $0x0  }
0x3d7: {  	[sflag:s31] =	ssyncadd.s32 $0xFFFFD800  }
0x3d8: {  	[spmem:s1] =	stream.indirect.scatter.add.f32 [tilespmem:s6], [sflag:$0x4], $0x80, s18, s28, $0xb8;
	[tilespmem:$0x1DE90] =	vst v63  }
0x3d9: {  	_ = 	snop  }
0x3da: {  	[spmem:s3] =	stream.indirect.scatter.add.f32 [tilespmem:s24], [sflag:$0x7], $0x1, s18, s28, $0xb8;
	[tilespmem:$0x1DE90] =	vst v63  }
0x3db: {  	_ =	swait.ge [sflag:s15], $0x2800  }
0x3dc: {  	[sflag:s15] =	ssyncset.done $0x0  }
0x3dd: {  	s7 =	rddreg [dreg:$0x12];
	[sflag:s15] =	ssyncadd.s32 $0xFFFFD800  }
0x3de: {  	[tilespmem:s30], [sflag:$0x3] =	stream.indirect.gather [hbm4b:s16+s28], $0x80, s7, s28, $0xb8;
	[tilespmem:$0x1DE90] =	vst v63  }
0x3df: {  	_ =	swait.ge [sflag:s2], $0x2800  }
0x3e0: {  	[sflag:s2] =	ssyncset.done $0x0  }
0x3e1: {  	[sflag:s2] =	ssyncadd.s32 $0xFFFFD800  }
0x3e2: {  	[spmem:s1] =	stream.indirect.scatter.add.f32 [tilespmem:s29], [sflag:$0x5], $0x80, s19, s28, $0xb8;
	[tilespmem:$0x1DE90] =	vst v63  }
0x3e3: {  	_ = 	snop  }
0x3e4: {  	[spmem:s3] =	stream.indirect.scatter.add.f32 [tilespmem:s24], [sflag:$0x7], $0x1, s19, s28, $0xb8;
	[tilespmem:$0x1DE90] =	vst v63  }
0x3e5: {  	_ =	swait.ge [sflag:s13], $0x2800  }
0x3e6: {  	[sflag:s13] =	ssyncset.done $0x0  }
0x3e7: {  	s8 =	rddreg [dreg:$0x13];
	[sflag:s13] =	ssyncadd.s32 $0xFFFFD800  }
0x3e8: {  	[tilespmem:s6], [sflag:$0x1] =	stream.indirect.gather [hbm4b:s16+s28], $0x80, s8, s28, $0xb8;
	[tilespmem:$0x1DE90] =	vst v63  }
0x3e9: {  	_ =	swait.ge [sflag:s5], $0x2800  }
0x3ea: {  	[sflag:s5] =	ssyncset.done $0x0  }
0x3eb: {  	[sflag:s5] =	ssyncadd.s32 $0xFFFFD800  }
0x3ec: {  	[spmem:s1] =	stream.indirect.scatter.add.f32 [tilespmem:s30], [sflag:$0x6], $0x80, s26, s28, $0xb8;
	[tilespmem:$0x1DE90] =	vst v63  }
0x3ed: {  	_ = 	snop  }
0x3ee: {  	[spmem:s3] =	stream.indirect.scatter.add.f32 [tilespmem:s24], [sflag:$0x7], $0x1, s26, s28, $0xb8;
	[tilespmem:$0x1DE90] =	vst v63  }
0x3ef: {  	_ =	swait.ge [sflag:s14], $0x2800  }
0x3f0: {  	[sflag:s14] =	ssyncset.done $0x0  }
0x3f1: {  	s9 =	rddreg [dreg:$0x14];
	[sflag:s14] =	ssyncadd.s32 $0xFFFFD800  }
0x3f2: {  	[tilespmem:s29], [sflag:$0x2] =	stream.indirect.gather [hbm4b:s16+s28], $0x80, s9, s28, $0xb8;
	[tilespmem:$0x1DE90] =	vst v63  }
0x3f3: {  	_ =	swait.ge [sflag:s31], $0x2800  }
0x3f4: {  	[sflag:s31] =	ssyncset.done $0x0  }
0x3f5: {  	s12 =	simm.s32 $0x8E00;
	[sflag:s31] =	ssyncadd.s32 $0xFFFFD800  }
0x3f6: {  	[spmem:s1] =	stream.indirect.scatter.add.f32 [tilespmem:s6], [sflag:$0x4], $0x80, s12, s28, $0xb8;
	[tilespmem:$0x1DE90] =	vst v63  }
0x3f7: {  	_ = 	snop  }
0x3f8: {  	[spmem:s3] =	stream.indirect.scatter.add.f32 [tilespmem:s24], [sflag:$0x7], $0x1, s12, s28, $0xb8;
	[tilespmem:$0x1DE90] =	vst v63  }
0x3f9: {  	_ =	swait.ge [sflag:s15], $0x2800  }
0x3fa: {  	[sflag:s15] =	ssyncset.done $0x0  }
0x3fb: {  	s23 =	rddreg [dreg:$0x15];
	[sflag:s15] =	ssyncadd.s32 $0xFFFFD800  }
0x3fc: {  	[tilespmem:s30], [sflag:$0x3] =	stream.indirect.gather [hbm4b:s16+s28], $0x80, s23, s28, $0xb8;
	[tilespmem:$0x1DE90] =	vst v63  }
0x3fd: {  	_ =	swait.ge [sflag:s2], $0x2800  }
0x3fe: {  	[sflag:s2] =	ssyncset.done $0x0  }
0x3ff: {  	s25 =	simm.s32 $0x8E80;
	[sflag:s2] =	ssyncadd.s32 $0xFFFFD800  }
0x400: {  	[spmem:s1] =	stream.indirect.scatter.add.f32 [tilespmem:s29], [sflag:$0x5], $0x80, s25, s28, $0xb8;
	[tilespmem:$0x1DE90] =	vst v63  }
0x401: {  	_ = 	snop  }
0x402: {  	[spmem:s3] =	stream.indirect.scatter.add.f32 [tilespmem:s24], [sflag:$0x7], $0x1, s25, s28, $0xb8;
	[tilespmem:$0x1DE90] =	vst v63  }
0x403: {  	_ =	swait.ge [sflag:s13], $0x2800  }
0x404: {  	[sflag:s13] =	ssyncset.done $0x0  }
0x405: {  	s7 =	rddreg [dreg:$0x16];
	[sflag:s13] =	ssyncadd.s32 $0xFFFFD800  }
0x406: {  	[tilespmem:s6], [sflag:$0x1] =	stream.indirect.gather [hbm4b:s16+s28], $0x80, s7, s28, $0xb8;
	[tilespmem:$0x1DE90] =	vst v63  }
0x407: {  	_ =	swait.ge [sflag:s5], $0x2800  }
0x408: {  	[sflag:s5] =	ssyncset.done $0x0  }
0x409: {  	s8 =	simm.s32 $0x8F00;
	[sflag:s5] =	ssyncadd.s32 $0xFFFFD800  }
0x40a: {  	[spmem:s1] =	stream.indirect.scatter.add.f32 [tilespmem:s30], [sflag:$0x6], $0x80, s8, s28, $0xb8;
	[tilespmem:$0x1DE90] =	vst v63  }
0x40b: {  	_ = 	snop  }
0x40c: {  	[spmem:s3] =	stream.indirect.scatter.add.f32 [tilespmem:s24], [sflag:$0x7], $0x1, s8, s28, $0xb8;
	[tilespmem:$0x1DE90] =	vst v63  }
0x40d: {  	_ =	swait.ge [sflag:s14], $0x2800  }
0x40e: {  	[sflag:s14] =	ssyncset.done $0x0  }
0x40f: {  	s9 =	rddreg [dreg:$0x17];
	[sflag:s14] =	ssyncadd.s32 $0xFFFFD800  }
0x410: {  	[tilespmem:s29], [sflag:$0x2] =	stream.indirect.gather [hbm4b:s16+s28], $0x80, s9, s28, $0xb8;
	[tilespmem:$0x1DE90] =	vst v63  }
0x411: {  	_ =	swait.ge [sflag:s31], $0x2800  }
0x412: {  	[sflag:s31] =	ssyncset.done $0x0  }
0x413: {  	s12 =	simm.s32 $0x8F80;
	[sflag:s31] =	ssyncadd.s32 $0xFFFFD800  }
0x414: {  	[spmem:s1] =	stream.indirect.scatter.add.f32 [tilespmem:s6], [sflag:$0x4], $0x80, s12, s28, $0xb8;
	[tilespmem:$0x1DE90] =	vst v63  }
0x415: {  	_ = 	snop  }
0x416: {  	[spmem:s3] =	stream.indirect.scatter.add.f32 [tilespmem:s24], [sflag:$0x7], $0x1, s12, s28, $0xb8;
	[tilespmem:$0x1DE90] =	vst v63  }
0x417: {  	_ =	swait.ge [sflag:s15], $0x2800  }
0x418: {  	[sflag:s15] =	ssyncset.done $0x0  }
0x419: {  	s23 =	rddreg [dreg:$0x18];
	[sflag:s15] =	ssyncadd.s32 $0xFFFFD800  }
0x41a: {  	[tilespmem:s30], [sflag:$0x3] =	stream.indirect.gather [hbm4b:s16+s28], $0x80, s23, s28, $0xb8;
	[tilespmem:$0x1DE90] =	vst v63  }
0x41b: {  	_ =	swait.ge [sflag:s2], $0x2800  }
0x41c: {  	[sflag:s2] =	ssyncset.done $0x0  }
0x41d: {  	s25 =	simm.s32 $0x9000;
	[sflag:s2] =	ssyncadd.s32 $0xFFFFD800  }
0x41e: {  	[spmem:s1] =	stream.indirect.scatter.add.f32 [tilespmem:s29], [sflag:$0x5], $0x80, s25, s28, $0xb8;
	[tilespmem:$0x1DE90] =	vst v63  }
0x41f: {  	_ = 	snop  }
0x420: {  	[spmem:s3] =	stream.indirect.scatter.add.f32 [tilespmem:s24], [sflag:$0x7], $0x1, s25, s28, $0xb8;
	[tilespmem:$0x1DE90] =	vst v63  }
0x421: {  	_ =	swait.ge [sflag:s13], $0x2800  }
0x422: {  	[sflag:s13] =	ssyncset.done $0x0  }
0x423: {  	s7 =	rddreg [dreg:$0x19];
	[sflag:s13] =	ssyncadd.s32 $0xFFFFD800  }
0x424: {  	[tilespmem:s6], [sflag:$0x1] =	stream.indirect.gather [hbm4b:s16+s28], $0x80, s7, s28, $0xb8;
	[tilespmem:$0x1DE90] =	vst v63  }
0x425: {  	_ =	swait.ge [sflag:s5], $0x2800  }
0x426: {  	[sflag:s5] =	ssyncset.done $0x0  }
0x427: {  	s8 =	simm.s32 $0x9080;
	[sflag:s5] =	ssyncadd.s32 $0xFFFFD800  }
0x428: {  	[spmem:s1] =	stream.indirect.scatter.add.f32 [tilespmem:s30], [sflag:$0x6], $0x80, s8, s28, $0xb8;
	[tilespmem:$0x1DE90] =	vst v63  }
0x429: {  	_ = 	snop  }
0x42a: {  	[spmem:s3] =	stream.indirect.scatter.add.f32 [tilespmem:s24], [sflag:$0x7], $0x1, s8, s28, $0xb8;
	[tilespmem:$0x1DE90] =	vst v63  }
0x42b: {  	_ =	swait.ge [sflag:s14], $0x2800  }
0x42c: {  	[sflag:s14] =	ssyncset.done $0x0  }
0x42d: {  	s9 =	rddreg [dreg:$0x1a];
	[sflag:s14] =	ssyncadd.s32 $0xFFFFD800  }
0x42e: {  	[tilespmem:s29], [sflag:$0x2] =	stream.indirect.gather [hbm4b:s16+s28], $0x80, s9, s28, $0xb8;
	[tilespmem:$0x1DE90] =	vst v63  }
0x42f: {  	_ =	swait.ge [sflag:s31], $0x2800  }
0x430: {  	[sflag:s31] =	ssyncset.done $0x0  }
0x431: {  	s12 =	simm.s32 $0x9100;
	[sflag:s31] =	ssyncadd.s32 $0xFFFFD800  }
0x432: {  	[spmem:s1] =	stream.indirect.scatter.add.f32 [tilespmem:s6], [sflag:$0x4], $0x80, s12, s28, $0xb8;
	[tilespmem:$0x1DE90] =	vst v63  }
0x433: {  	_ = 	snop  }
0x434: {  	[spmem:s3] =	stream.indirect.scatter.add.f32 [tilespmem:s24], [sflag:$0x7], $0x1, s12, s28, $0xb8;
	[tilespmem:$0x1DE90] =	vst v63  }
0x435: {  	_ =	swait.ge [sflag:s15], $0x2800  }
0x436: {  	[sflag:s15] =	ssyncset.done $0x0  }
0x437: {  	s23 =	rddreg [dreg:$0x1b];
	[sflag:s15] =	ssyncadd.s32 $0xFFFFD800  }
0x438: {  	[tilespmem:s30], [sflag:$0x3] =	stream.indirect.gather [hbm4b:s16+s28], $0x80, s23, s28, $0xb8;
	[tilespmem:$0x1DE90] =	vst v63  }
0x439: {  	_ =	swait.ge [sflag:s2], $0x2800  }
0x43a: {  	[sflag:s2] =	ssyncset.done $0x0  }
0x43b: {  	s25 =	simm.s32 $0x9180;
	[sflag:s2] =	ssyncadd.s32 $0xFFFFD800  }
0x43c: {  	[spmem:s1] =	stream.indirect.scatter.add.f32 [tilespmem:s29], [sflag:$0x5], $0x80, s25, s28, $0xb8;
	[tilespmem:$0x1DE90] =	vst v63  }
0x43d: {  	_ = 	snop  }
0x43e: {  	[spmem:s3] =	stream.indirect.scatter.add.f32 [tilespmem:s24], [sflag:$0x7], $0x1, s25, s28, $0xb8;
	[tilespmem:$0x1DE90] =	vst v63  }
0x43f: {  	_ =	swait.ge [sflag:s13], $0x2800  }
0x440: {  	[sflag:s13] =	ssyncset.done $0x0  }
0x441: {  	s7 =	rddreg [dreg:$0x1c];
	[sflag:s13] =	ssyncadd.s32 $0xFFFFD800  }
0x442: {  	[tilespmem:s6], [sflag:$0x1] =	stream.indirect.gather [hbm4b:s16+s28], $0x80, s7, s28, $0xb8;
	[tilespmem:$0x1DE90] =	vst v63  }
0x443: {  	_ =	swait.ge [sflag:s5], $0x2800  }
0x444: {  	[sflag:s5] =	ssyncset.done $0x0  }
0x445: {  	s8 =	simm.s32 $0x9200;
	[sflag:s5] =	ssyncadd.s32 $0xFFFFD800  }
0x446: {  	[spmem:s1] =	stream.indirect.scatter.add.f32 [tilespmem:s30], [sflag:$0x6], $0x80, s8, s28, $0xb8;
	[tilespmem:$0x1DE90] =	vst v63  }
0x447: {  	_ = 	snop  }
0x448: {  	[spmem:s3] =	stream.indirect.scatter.add.f32 [tilespmem:s24], [sflag:$0x7], $0x1, s8, s28, $0xb8;
	[tilespmem:$0x1DE90] =	vst v63  }
0x449: {  	_ =	swait.ge [sflag:s14], $0x2800  }
0x44a: {  	[sflag:s14] =	ssyncset.done $0x0  }
0x44b: {  	s9 =	rddreg [dreg:$0x1d];
	[sflag:s14] =	ssyncadd.s32 $0xFFFFD800  }
0x44c: {  	[tilespmem:s29], [sflag:$0x2] =	stream.indirect.gather [hbm4b:s16+s28], $0x80, s9, s28, $0xb8;
	[tilespmem:$0x1DE90] =	vst v63  }
0x44d: {  	_ =	swait.ge [sflag:s31], $0x2800  }
0x44e: {  	[sflag:s31] =	ssyncset.done $0x0  }
0x44f: {  	s12 =	simm.s32 $0x9280;
	[sflag:s31] =	ssyncadd.s32 $0xFFFFD800  }
0x450: {  	[spmem:s1] =	stream.indirect.scatter.add.f32 [tilespmem:s6], [sflag:$0x4], $0x80, s12, s28, $0xb8;
	[tilespmem:$0x1DE90] =	vst v63  }
0x451: {  	_ = 	snop  }
0x452: {  	[spmem:s3] =	stream.indirect.scatter.add.f32 [tilespmem:s24], [sflag:$0x7], $0x1, s12, s28, $0xb8;
	[tilespmem:$0x1DE90] =	vst v63  }
0x453: {  	_ =	swait.ge [sflag:s15], $0x2800  }
0x454: {  	[sflag:s15] =	ssyncset.done $0x0  }
0x455: {  	s23 =	rddreg [dreg:$0x1e];
	[sflag:s15] =	ssyncadd.s32 $0xFFFFD800  }
0x456: {  	[tilespmem:s30], [sflag:$0x3] =	stream.indirect.gather [hbm4b:s16+s28], $0x80, s23, s28, $0xb8;
	[tilespmem:$0x1DE90] =	vst v63  }
0x457: {  	_ =	swait.ge [sflag:s2], $0x2800  }
0x458: {  	[sflag:s2] =	ssyncset.done $0x0  }
0x459: {  	s25 =	simm.s32 $0x9300;
	[sflag:s2] =	ssyncadd.s32 $0xFFFFD800  }
0x45a: {  	[spmem:s1] =	stream.indirect.scatter.add.f32 [tilespmem:s29], [sflag:$0x5], $0x80, s25, s28, $0xb8;
	[tilespmem:$0x1DE90] =	vst v63  }
0x45b: {  	_ = 	snop  }
0x45c: {  	[spmem:s3] =	stream.indirect.scatter.add.f32 [tilespmem:s24], [sflag:$0x7], $0x1, s25, s28, $0xb8;
	[tilespmem:$0x1DE90] =	vst v63  }
0x45d: {  	_ =	swait.ge [sflag:s13], $0x2800  }
0x45e: {  	[sflag:s13] =	ssyncset.done $0x0  }
0x45f: {  	s7 =	rddreg [dreg:$0x1f];
	[sflag:s13] =	ssyncadd.s32 $0xFFFFD800  }
0x460: {  	[tilespmem:s6], [sflag:$0x1] =	stream.indirect.gather [hbm4b:s16+s28], $0x80, s7, s28, $0xb8;
	[tilespmem:$0x1DE90] =	vst v63  }
0x461: {  	_ =	swait.ge [sflag:s5], $0x2800  }
0x462: {  	[sflag:s5] =	ssyncset.done $0x0  }
0x463: {  	s8 =	simm.s32 $0x9380;
	[sflag:s5] =	ssyncadd.s32 $0xFFFFD800  }
0x464: {  	[spmem:s1] =	stream.indirect.scatter.add.f32 [tilespmem:s30], [sflag:$0x6], $0x80, s8, s28, $0xb8;
	[tilespmem:$0x1DE90] =	vst v63  }
0x465: {  	_ = 	snop  }
0x466: {  	[spmem:s3] =	stream.indirect.scatter.add.f32 [tilespmem:s24], [sflag:$0x7], $0x1, s8, s28, $0xb8;
	[tilespmem:$0x1DE90] =	vst v63  }
0x467: {  	_ =	swait.ge [sflag:s31], $0x2800  }
0x468: {  	[sflag:s31] =	ssyncset.done $0x0  }
0x469: {  	s9 =	simm.s32 $0x9400;
	[sflag:s31] =	ssyncadd.s32 $0xFFFFD800  }
0x46a: {  	[spmem:s1] =	stream.indirect.scatter.add.f32 [tilespmem:s6], [sflag:$0x4], $0x80, s9, s28, $0xb8;
	[tilespmem:$0x1DE90] =	vst v63  }
0x46b: {  	_ = 	snop  }
0x46c: {  	[spmem:s3] =	stream.indirect.scatter.add.f32 [tilespmem:s24], [sflag:$0x7], $0x1, s9, s28, $0xb8;
	[tilespmem:$0x1DE90] =	vst v63  }
0x46d: {  	_ =	swait.ge [sflag:s14], $0x2800  }
0x46e: {  	[sflag:s14] =	ssyncset.done $0x0  }
0x46f: {  	[sflag:s14] =	ssyncadd.s32 $0xFFFFD800  }
0x470: {  	_ =	swait.ge [sflag:s15], $0x2800  }
0x471: {  	[sflag:s15] =	ssyncset.done $0x0  }
0x472: {  	[sflag:s15] =	ssyncadd.s32 $0xFFFFD800  }
0x473: {  	_ =	swait.ge [sflag:s13], $0x2800  }
0x474: {  	[sflag:s13] =	ssyncset.done $0x0  }
0x475: {  	[sflag:s13] =	ssyncadd.s32 $0xFFFFD800  }
0x476: {  	_ =	swait.ge [sflag:s20], $0x50  }
0x477: {  	[sflag:s20] =	ssyncset.done $0x0  }
0x478: {  	[sflag:s20] =	ssyncadd.s32 $0xFFFFFFB0  }
0x479: {  	_ =	swait.ge [sflag:s20], $0x50  }
0x47a: {  	[sflag:s20] =	ssyncset.done $0x0  }
0x47b: {  	[sflag:s20] =	ssyncadd.s32 $0xFFFFFFB0  }
0x47c: {  	_ =	swait.ge [sflag:s20], $0x50  }
0x47d: {  	[sflag:s20] =	ssyncset.done $0x0  }
0x47e: {  	[sflag:s20] =	ssyncadd.s32 $0xFFFFFFB0  }
0x47f: {  	_ =	swait.ge [sflag:s20], $0x50  }
0x480: {  	[sflag:s20] =	ssyncset.done $0x0  }
0x481: {  	[sflag:s20] =	ssyncadd.s32 $0xFFFFFFB0  }
0x482: {  	_ =	swait.ge [sflag:s20], $0x50  }
0x483: {  	[sflag:s20] =	ssyncset.done $0x0  }
0x484: {  	[sflag:s20] =	ssyncadd.s32 $0xFFFFFFB0  }
0x485: {  	_ =	swait.ge [sflag:s20], $0x50  }
0x486: {  	[sflag:s20] =	ssyncset.done $0x0  }
0x487: {  	[sflag:s20] =	ssyncadd.s32 $0xFFFFFFB0  }
0x488: {  	_ =	swait.ge [sflag:s20], $0x50  }
0x489: {  	[sflag:s20] =	ssyncset.done $0x0  }
0x48a: {  	[sflag:s20] =	ssyncadd.s32 $0xFFFFFFB0  }
0x48b: {  	_ =	swait.ge [sflag:s20], $0x50  }
0x48c: {  	[sflag:s20] =	ssyncset.done $0x0  }
0x48d: {  	[sflag:s20] =	ssyncadd.s32 $0xFFFFFFB0  }
0x48e: {  	_ =	swait.ge [sflag:s20], $0x50  }
0x48f: {  	[sflag:s20] =	ssyncset.done $0x0  }
0x490: {  	[sflag:s20] =	ssyncadd.s32 $0xFFFFFFB0  }
0x491: {  	_ =	swait.ge [sflag:s20], $0x50  }
0x492: {  	[sflag:s20] =	ssyncset.done $0x0  }
0x493: {  	[sflag:s20] =	ssyncadd.s32 $0xFFFFFFB0  }
0x494: {  	_ =	swait.ge [sflag:s20], $0x50  }
0x495: {  	[sflag:s20] =	ssyncset.done $0x0  }
0x496: {  	[sflag:s20] =	ssyncadd.s32 $0xFFFFFFB0  }
0x497: {  	_ =	swait.ge [sflag:s20], $0x50  }
0x498: {  	[sflag:s20] =	ssyncset.done $0x0  }
0x499: {  	[sflag:s20] =	ssyncadd.s32 $0xFFFFFFB0  }
0x49a: {  	_ =	swait.ge [sflag:s20], $0x50  }
0x49b: {  	[sflag:s20] =	ssyncset.done $0x0  }
0x49c: {  	[sflag:s20] =	ssyncadd.s32 $0xFFFFFFB0  }
0x49d: {  	_ =	swait.ge [sflag:s20], $0x50  }
0x49e: {  	[sflag:s20] =	ssyncset.done $0x0  }
0x49f: {  	[sflag:s20] =	ssyncadd.s32 $0xFFFFFFB0  }
0x4a0: {  	_ =	swait.ge [sflag:s20], $0x50  }
0x4a1: {  	[sflag:s20] =	ssyncset.done $0x0  }
0x4a2: {  	[sflag:s20] =	ssyncadd.s32 $0xFFFFFFB0  }
0x4a3: {  	_ =	swait.ge [sflag:s20], $0x50  }
0x4a4: {  	[sflag:s20] =	ssyncset.done $0x0  }
0x4a5: {  	[sflag:s20] =	ssyncadd.s32 $0xFFFFFFB0  }
0x4a6: {  	_ =	swait.ge [sflag:s20], $0x50  }
0x4a7: {  	[sflag:s20] =	ssyncset.done $0x0  }
0x4a8: {  	[sflag:s20] =	ssyncadd.s32 $0xFFFFFFB0  }
0x4a9: {  	_ =	swait.ge [sflag:s20], $0x50  }
0x4aa: {  	[sflag:s20] =	ssyncset.done $0x0  }
0x4ab: {  	[sflag:s20] =	ssyncadd.s32 $0xFFFFFFB0  }
0x4ac: {  	_ =	swait.ge [sflag:s20], $0x50  }
0x4ad: {  	[sflag:s20] =	ssyncset.done $0x0  }
0x4ae: {  	[sflag:s20] =	ssyncadd.s32 $0xFFFFFFB0  }
0x4af: {  	_ =	swait.ge [sflag:s20], $0x50  }
0x4b0: {  	[sflag:s20] =	ssyncset.done $0x0  }
0x4b1: {  	[sflag:s20] =	ssyncadd.s32 $0xFFFFFFB0  }
0x4b2: {  	_ =	swait.ge [sflag:s20], $0x50  }
0x4b3: {  	[sflag:s20] =	ssyncset.done $0x0  }
0x4b4: {  	[sflag:s20] =	ssyncadd.s32 $0xFFFFFFB0  }
0x4b5: {  	_ =	swait.ge [sflag:s20], $0x50  }
0x4b6: {  	[sflag:s20] =	ssyncset.done $0x0  }
0x4b7: {  	[sflag:s20] =	ssyncadd.s32 $0xFFFFFFB0  }
0x4b8: {  	_ =	swait.ge [sflag:s20], $0x50  }
0x4b9: {  	[sflag:s20] =	ssyncset.done $0x0  }
0x4ba: {  	[sflag:s20] =	ssyncadd.s32 $0xFFFFFFB0  }
0x4bb: {  	_ =	swait.ge [sflag:s20], $0x50  }
0x4bc: {  	[sflag:s20] =	ssyncset.done $0x0  }
0x4bd: {  	[sflag:s20] =	ssyncadd.s32 $0xFFFFFFB0  }
0x4be: {  	_ =	swait.ge [sflag:s20], $0x50  }
0x4bf: {  	s12 =	sld [smem:$0x7E8]  }
0x4c0: {  	[sflag:s20] =	ssyncset.done $0x0  }
0x4c1: {  	s23 =	simm.s32 $0x9E00;
	[sflag:s20] =	ssyncadd.s32 $0xFFFFFFB0  }
0x4c2: {  	[tilespmem:s23], [sflag:$0x8] =	stream.linear.gather [spmem:s12], $0x280, $0x38;
	[tilespmem:$0x1DE90] =	vst v63  }
0x4c3: {  	_ =	swait.ge [sflag:s0], $0x280  }
0x4c4: {  	[sflag:s0] =	ssyncset.done $0x0  }
0x4c5: {  	s25 =	simm.s32 $0x0;
	[sflag:s0] =	ssyncadd.s32 $0xFFFFFD80  }
0x4c6: {  	v4 =	vld [tilespmem:s25+$0x9E00];
	_ =	sdelay $0x4  }
0x4c7: {  	v4 =	vmin.f32 v4, $1.000000000e+00  }
0x4c8: {  	(xrf2) =	vadd.scan.msk.f32 $0xffff, v4;
	_ =	sdelay $0x9  }
0x4c9: {  	s12 =	simm.f32 $0.0e+00;
	v5, _, _ =	vpop (xrf2)  }
0x4ca: {  	v6 =	vadd.f32 s12, v5;
	(v2sf) =	vpush v5, $0xF;
	_ =	sdelay $0x1  }
0x4cb: {  	v4 =	vsub.f32 v6, v4;
	_ =	sdelay $0x1  }
0x4cc: {  	s4 =	simm.s32 $0x10;
	s23 =	simm.s32 $0x80;
	s0 =	simm.s32 $0x8;
	[tilespmem:s25+$0x9E00] =	vst v4  }
.LBB2_6:
0x4cd: {  	p1 =	sne.s32 s23, $0x9C0;
	v4 =	vld [tilespmem:s4+$0x9E00];
	_ =	sdelay $0x4  }
0x4ce: {  	v4 =	vmin.f32 v4, $1.000000000e+00  }
0x4cf: {  	(xrf2) =	vadd.scan.msk.f32 $0xffff, v4;
	_ =	sdelay $0x3  }
0x4d0: {  	s25 =	spop (v2sf)  }
0x4d1: {  	s12 =	sadd.f32 s25, s12;
	_ =	sdelay $0x4  }
0x4d2: {  	v5, _, _ =	vpop (xrf2)  }
.Ltmp2:
0x4d3: {  	v6 =	vadd.f32 s12, v5;
	(v2sf) =	vpush v5, $0xF;
	(pc) =	sbr.rel @p1 .LBB2_6-.Ltmp2, $3  }
0x4d4: {  	_ = 	snop  }
0x4d5: {  	v4 =	vsub.f32 v6, v4;
	_ =	sdelay $0x1  }
0x4d6: {  	[tilespmem:s4+$0x9E00] =	vst v4;
	s4 =	sshra.s32 s23, $0x2;
	s23 =	sadd.s32 $0x40, s23  }
0x4d7: {  	v4 =	vld [tilespmem:s4+$0x9E00];
	_ =	sdelay $0x4  }
0x4d8: {  	v4 =	vmin.f32 v4, $1.000000000e+00  }
0x4d9: {  	(xrf2) =	vadd.scan.msk.f32 $0xffff, v4;
	_ =	sdelay $0x9  }
0x4da: {  	v5, _, _ =	vpop (xrf2)  }
0x4db: {  	(v2sf) =	vpush v5, $0xF;
	_ =	sdelay $0xc  }
0x4dc: {  	s23 =	spop (v2sf)  }
0x4dd: {  	s12 =	sadd.f32 s23, s12  }
0x4de: {  	s9 =	spop (v2sf)  }
0x4df: {  	s23 =	sadd.f32 s9, s12;
	_ =	sdelay $0x1  }
0x4e0: {  	v5 =	vadd.f32 s12, v5;
	v6 =	vmov s23  }
0x4e1: {  	v6 =	vadd.f32 $0.0e+00, v6  }
0x4e2: {  	v4 =	vsub.f32 v5, v4  }
0x4e3: {  	s23 =	sld [smem:$0x7E9];
	v5 =	vbroadcast v6, $0x0  }
0x4e4: {  	[tilespmem:s4+$0x9E00] =	vst v4  }
0x4e5: {  	s7 =	simm.s32 $0x9C00;
	[tilespmem:$0x9C00] =	vst v5  }
0x4e6: {  	[spmem:s23] =	stream.linear.scatter [tilespmem:s7], [sflag:$0x8], $0x10, $0x38;
	[tilespmem:$0x1DE90] =	vst v63  }
0x4e7: {  	_ =	swait.ge [sflag:s0], $0x10  }
0x4e8: {  	[sflag:s0] =	ssyncset.done $0x0  }
0x4e9: {  	[sflag:s0] =	ssyncadd.s32 $0xFFFFFFF0  }
0x4ea: {  	[bflag:$0x0] =	sbarrier.arrive $0xFFFF  }
0x4eb: {  	s25 =	rddreg [dreg:$0x5]  }
0x4ec: {  	[tilespmem:s7], [sflag:$0x8] =	stream.linear.gather [spmem:s25], $0x100, $0x38;
	[tilespmem:$0x1DE90] =	vst v63  }
0x4ed: {  	_ =	swait.ge [sflag:s0], $0x100  }
0x4ee: {  	[sflag:s0] =	ssyncset.done $0x0  }
0x4ef: {  	[sflag:s0] =	ssyncadd.s32 $0xFFFFFF00  }
0x4f0: {  	v4 =	vld.idx.msk [tilespmem:v3+s7+$0x0], $0xffff;
	_ =	sdelay $0x4  }
0x4f1: {  	(xrf2) =	vadd.scan.msk.f32 $0xffff, v4;
	_ =	sdelay $0x9  }
0x4f2: {  	v5, _, _ =	vpop (xrf2)  }
0x4f3: {  	v4 =	vsub.f32 v5, v4;
	_ =	sdelay $0x1  }
0x4f4: {  	v4 =	vnsel vm0, $0x0, v4  }
0x4f5: {  	(xrf2) =	vadd.scan.msk.f32 $0xffff, v4;
	_ =	sdelay $0x9  }
0x4f6: {  	v4, _, _ =	vpop (xrf2)  }
0x4f7: {  	s4 =	simm.s32 $0x0;
	s12 =	simm.s32 $0x40;
	v4 =	vbroadcast v4, $0xF  }
.LBB2_8:
0x4f8: {  	p1 =	sne.s32 s12, $0x9C0;
	v5 =	vld [tilespmem:s4+$0x9E00];
	_ =	sdelay $0x2  }
.Ltmp3:
0x4f9: {  	(pc) =	sbr.rel @p1 .LBB2_8-.Ltmp3, $3  }
0x4fa: {  	_ = 	snop  }
0x4fb: {  	v5 =	vadd.f32 v5, v4;
	_ =	sdelay $0x1  }
0x4fc: {  	[tilespmem:s4+$0x9E00] =	vst v5;
	s4 =	sshra.s32 s12, $0x2;
	s12 =	sadd.s32 $0x40, s12  }
0x4fd: {  	v5 =	vld [tilespmem:s4+$0x9E00];
	_ =	sdelay $0x4  }
0x4fe: {  	s23 =	sld [smem:$0x7E8];
	v4 =	vadd.f32 v5, v4;
	_ =	sdelay $0x1  }
0x4ff: {  	s9 =	simm.s32 $0x9E00;
	[tilespmem:s4+$0x9E00] =	vst v4  }
0x500: {  	[spmem:s23] =	stream.linear.scatter [tilespmem:s9], [sflag:$0x8], $0x280, $0x38;
	[tilespmem:$0x1DE90] =	vst v63  }
0x501: {  	_ =	swait.ge [sflag:s0], $0x280  }
0x502: {  	s25 =	sld [smem:$0x7EA]  }
0x503: {  	[sflag:s0] =	ssyncset.done $0x0  }
0x504: {  	[sflag:s0] =	ssyncadd.s32 $0xFFFFFD80  }
0x505: {  	[tilespmem:s6], [sflag:$0x1] =	stream.linear.gather [spmem:s25], $0x2800, $0x38;
	[tilespmem:$0x1DE90] =	vst v63  }
0x506: {  	_ =	swait.ge [sflag:s31], $0x2800  }
0x507: {  	s8 =	sld [smem:$0x7DF]  }
0x508: {  	[sflag:s31] =	ssyncset.done $0x0  }
0x509: {  	s12 =	sld [smem:$0x7EB];
	[sflag:s31] =	ssyncadd.s32 $0xFFFFD800  }
0x50a: {  	[hbm4b:s8+s6] =	stream.linear.scatter [tilespmem:s6], [sflag:$0x4], $0x2800, $0x38;
	[tilespmem:$0x1DE90] =	vst v63  }
0x50b: {  	_ = 	snop  }
0x50c: {  	[tilespmem:s29], [sflag:$0x2] =	stream.linear.gather [spmem:s12], $0x2800, $0x38;
	[tilespmem:$0x1DE90] =	vst v63  }
0x50d: {  	_ =	swait.ge [sflag:s2], $0x2800  }
0x50e: {  	s23 =	sld [smem:$0x7E0]  }
0x50f: {  	[sflag:s2] =	ssyncset.done $0x0  }
0x510: {  	[sflag:s2] =	ssyncadd.s32 $0xFFFFD800  }
0x511: {  	[hbm4b:s23+s6] =	stream.linear.scatter [tilespmem:s29], [sflag:$0x5], $0x2800, $0x38;
	[tilespmem:$0x1DE90] =	vst v63  }
0x512: {  	_ =	swait.ge [sflag:s13], $0x2800  }
0x513: {  	s25 =	sld [smem:$0x7EC]  }
0x514: {  	[sflag:s13] =	ssyncset.done $0x0  }
0x515: {  	[sflag:s13] =	ssyncadd.s32 $0xFFFFD800  }
0x516: {  	[tilespmem:s6], [sflag:$0x1] =	stream.linear.gather [spmem:s25], $0x2800, $0x38;
	[tilespmem:$0x1DE90] =	vst v63  }
0x517: {  	_ =	swait.ge [sflag:s31], $0x2800  }
0x518: {  	s8 =	sld [smem:$0x7E1]  }
0x519: {  	[sflag:s31] =	ssyncset.done $0x0  }
0x51a: {  	[sflag:s31] =	ssyncadd.s32 $0xFFFFD800  }
0x51b: {  	[hbm4b:s8+s6] =	stream.linear.scatter [tilespmem:s6], [sflag:$0x4], $0x2800, $0x38;
	[tilespmem:$0x1DE90] =	vst v63  }
0x51c: {  	_ =	swait.ge [sflag:s14], $0x2800  }
0x51d: {  	s12 =	sld [smem:$0x7ED]  }
0x51e: {  	[sflag:s14] =	ssyncset.done $0x0  }
0x51f: {  	[sflag:s14] =	ssyncadd.s32 $0xFFFFD800  }
0x520: {  	[tilespmem:s29], [sflag:$0x2] =	stream.linear.gather [spmem:s12], $0x2800, $0x38;
	[tilespmem:$0x1DE90] =	vst v63  }
0x521: {  	_ =	swait.ge [sflag:s2], $0x2800  }
0x522: {  	s23 =	sld [smem:$0x7E2]  }
0x523: {  	[sflag:s2] =	ssyncset.done $0x0  }
0x524: {  	[sflag:s2] =	ssyncadd.s32 $0xFFFFD800  }
0x525: {  	[hbm4b:s23+s6] =	stream.linear.scatter [tilespmem:s29], [sflag:$0x5], $0x2800, $0x38;
	[tilespmem:$0x1DE90] =	vst v63  }
0x526: {  	_ =	swait.ge [sflag:s13], $0x2800  }
0x527: {  	s25 =	sld [smem:$0x7EE]  }
0x528: {  	[sflag:s13] =	ssyncset.done $0x0  }
0x529: {  	[sflag:s13] =	ssyncadd.s32 $0xFFFFD800  }
0x52a: {  	[tilespmem:s6], [sflag:$0x1] =	stream.linear.gather [spmem:s25], $0x2800, $0x38;
	[tilespmem:$0x1DE90] =	vst v63  }
0x52b: {  	_ =	swait.ge [sflag:s31], $0x2800  }
0x52c: {  	s8 =	sld [smem:$0x7E3]  }
0x52d: {  	[sflag:s31] =	ssyncset.done $0x0  }
0x52e: {  	[sflag:s31] =	ssyncadd.s32 $0xFFFFD800  }
0x52f: {  	[hbm4b:s8+s6] =	stream.linear.scatter [tilespmem:s6], [sflag:$0x4], $0x2800, $0x38;
	[tilespmem:$0x1DE90] =	vst v63  }
0x530: {  	_ =	swait.ge [sflag:s14], $0x2800  }
0x531: {  	s12 =	sld [smem:$0x7EF]  }
0x532: {  	[sflag:s14] =	ssyncset.done $0x0  }
0x533: {  	[sflag:s14] =	ssyncadd.s32 $0xFFFFD800  }
0x534: {  	[tilespmem:s29], [sflag:$0x2] =	stream.linear.gather [spmem:s12], $0x2800, $0x38;
	[tilespmem:$0x1DE90] =	vst v63  }
0x535: {  	_ =	swait.ge [sflag:s2], $0x2800  }
0x536: {  	s23 =	sld [smem:$0x7E4]  }
0x537: {  	[sflag:s2] =	ssyncset.done $0x0  }
0x538: {  	[sflag:s2] =	ssyncadd.s32 $0xFFFFD800  }
0x539: {  	[hbm4b:s23+s6] =	stream.linear.scatter [tilespmem:s29], [sflag:$0x5], $0x2800, $0x38;
	[tilespmem:$0x1DE90] =	vst v63  }
0x53a: {  	_ =	swait.ge [sflag:s13], $0x2800  }
0x53b: {  	s25 =	sld [smem:$0x7F0]  }
0x53c: {  	[sflag:s13] =	ssyncset.done $0x0  }
0x53d: {  	[sflag:s13] =	ssyncadd.s32 $0xFFFFD800  }
0x53e: {  	[tilespmem:s6], [sflag:$0x1] =	stream.linear.gather [spmem:s25], $0x2800, $0x38;
	[tilespmem:$0x1DE90] =	vst v63  }
0x53f: {  	_ =	swait.ge [sflag:s31], $0x2800  }
0x540: {  	s8 =	sld [smem:$0x7E5]  }
0x541: {  	[sflag:s31] =	ssyncset.done $0x0  }
0x542: {  	s4 =	simm.s32 @!p0 $0x5;
	[sflag:s31] =	ssyncadd.s32 $0xFFFFD800  }
0x543: {  	[hbm4b:s8+s6] =	stream.linear.scatter [tilespmem:s6], [sflag:$0x4], $0x2800, $0x38;
	[tilespmem:$0x1DE90] =	vst v63  }
0x544: {  	_ =	swait.ge @!p0 [sflag:s4], $0x2800  }
0x545: {  	s23 =	sld [smem:$0x7F1]  }
0x546: {  	[sflag:s4] =	ssyncset.done @!p0 $0x0  }
0x547: {  	s12 =	simm.s32 @!p0 $0x2800;
	[sflag:s4] =	ssyncadd.s32 @!p0 $0xFFFFD800  }
0x548: {  	[tilespmem:s12], [sflag:$0x2] =	stream.linear.gather @!p0 [spmem:s23], $0x2800, $0x38;
	[tilespmem:$0x1DE90] =	vst v63  }
0x549: {  	s23 =	simm.s32 @!p0 $0x2  }
0x54a: {  	_ =	swait.ge @!p0 [sflag:s23], $0x2800  }
0x54b: {  	s25 =	sld [smem:$0x7E6]  }
0x54c: {  	[sflag:s23] =	ssyncset.done @!p0 $0x0  }
0x54d: {  	[sflag:s23] =	ssyncadd.s32 @!p0 $0xFFFFD800;
	s23 =	simm.s32 @!p0 $0x0  }
0x54e: {  	[hbm4b:s25+s23] =	stream.linear.scatter @!p0 [tilespmem:s12], [sflag:$0x5], $0x2800, $0x38;
	[tilespmem:$0x1DE90] =	vst v63  }
0x54f: {  	s12 =	simm.s32 @!p0 $0x4  }
0x550: {  	_ =	swait.ge @!p0 [sflag:s12], $0x2800  }
0x551: {  	[sflag:s12] =	ssyncset.done @!p0 $0x0  }
0x552: {  	s4 =	simm.s32 @p0 $0x4;
	[sflag:s12] =	ssyncadd.s32 @!p0 $0xFFFFD800  }
0x553: {  	_ =	swait.ge [sflag:s4], $0x2800  }
0x554: {  	s23 =	sld [smem:$0x7FD]  }
0x555: {  	[sflag:s4] =	ssyncset.done $0x0  }
0x556: {  	[sflag:s4] =	ssyncadd.s32 $0xFFFFD800  }
0x557: {  	[tilespmem:s9], [sflag:$0x8] =	stream.linear.gather [spmem:s23], $0x280, $0x38;
	[tilespmem:$0x1DE90] =	vst v63  }
0x558: {  	_ =	swait.ge [sflag:s0], $0x280  }
0x559: {  	s12 =	sld [smem:$0x7E7]  }
0x55a: {  	[sflag:s0] =	ssyncset.done $0x0  }
0x55b: {  	s8 =	simm.s32 $0x100;
	s25 =	simm.s32 $0x80;
	[sflag:s0] =	ssyncadd.s32 $0xFFFFFD80  }
0x55c: {  	[hbm4b:s12+s25] =	stream.strided.scatter [tilespmem:s9], [sflag:$0x8], $0x280, s8, s25, $0x38;
	[tilespmem:$0x1DE90] =	vst v63  }
0x55d: {  	_ =	swait.ge [sflag:s0], $0x280  }
0x55e: {  	[sflag:s0] =	ssyncset.done $0x0  }
0x55f: {  	[sflag:s0] =	ssyncadd.s32 $0xFFFFFD80  }
0x560: {  	[bflag:$0x0] =	sbarrier.arrive $0xFFFF  }
0x561: {  	s9 =	simm.s32 $0x9800;
	s4 =	rddreg [dreg:$0x4]  }
0x562: {  	[tilespmem:s7], [sflag:$0x1] =	stream.indirect.gather [spmem:s4], $0x1, s9, s25, $0xb8;
	[tilespmem:$0x1DE90] =	vst v63  }
0x563: {  	_ =	swait.ge [sflag:s31], $0x80  }
0x564: {  	[sflag:s31] =	ssyncset.done $0x0  }
0x565: {  	s8 =	simm.s32 $0x9880;
	s9 =	simm.s32 $0x9C80;
	[sflag:s31] =	ssyncadd.s32 $0xFFFFFF80  }
0x566: {  	[tilespmem:s9], [sflag:$0x1] =	stream.indirect.gather [spmem:s4], $0x1, s8, s25, $0xb8;
	[tilespmem:$0x1DE90] =	vst v63  }
0x567: {  	_ =	swait.ge [sflag:s31], $0x80  }
0x568: {  	[sflag:s31] =	ssyncset.done $0x0  }
0x569: {  	s8 =	simm.s32 $0x9900;
	s9 =	simm.s32 $0x9D00;
	[sflag:s31] =	ssyncadd.s32 $0xFFFFFF80  }
0x56a: {  	[tilespmem:s9], [sflag:$0x1] =	stream.indirect.gather [spmem:s4], $0x1, s8, s25, $0xb8;
	[tilespmem:$0x1DE90] =	vst v63  }
0x56b: {  	_ =	swait.ge [sflag:s31], $0x80  }
0x56c: {  	[sflag:s31] =	ssyncset.done $0x0  }
0x56d: {  	s8 =	simm.s32 $0x9980;
	s9 =	simm.s32 $0x9D80;
	[sflag:s31] =	ssyncadd.s32 $0xFFFFFF80  }
0x56e: {  	[tilespmem:s9], [sflag:$0x1] =	stream.indirect.gather [spmem:s4], $0x1, s8, s25, $0xb8;
	[tilespmem:$0x1DE90] =	vst v63  }
0x56f: {  	_ =	swait.ge [sflag:s31], $0x80  }
0x570: {  	[sflag:s31] =	ssyncset.done $0x0  }
0x571: {  	[sflag:s31] =	ssyncadd.s32 $0xFFFFFF80  }
0x572: {  	v4 =	vld [tilespmem:$0x9C00]  }
0x573: {  	v5 =	vld [tilespmem:$0x9C10]  }
0x574: {  	v6 =	vld [tilespmem:$0x9C20]  }
0x575: {  	v7 =	vld [tilespmem:$0x9C30]  }
0x576: {  	v8 =	vld [tilespmem:$0x9C40]  }
0x577: {  	v9 =	vld [tilespmem:$0x9C50];
	v4 =	vtrunc.f32 v4  }
0x578: {  	v10 =	vld [tilespmem:$0x9C60];
	v5 =	vtrunc.f32 v5;
	v4 =	vcvt.f32.s32 v4  }
0x579: {  	v11 =	vld [tilespmem:$0x9C70];
	v6 =	vtrunc.f32 v6;
	v5 =	vcvt.f32.s32 v5  }
0x57a: {  	v12 =	vld [tilespmem:$0x9C80];
	v7 =	vtrunc.f32 v7;
	v6 =	vcvt.f32.s32 v6;
	v4 =	vadd.s32 v4, v0  }
0x57b: {  	v48 =	vld [tilespmem:$0x9C90];
	v47 =	vtrunc.f32 v8;
	[tilespmem:$0x9A00] =	vst v4;
	v4 =	vadd.s32 v5, v0;
	v5 =	vcvt.f32.s32 v7  }
0x57c: {  	v51 =	vld [tilespmem:$0x9CA0];
	v50 =	vtrunc.f32 v9;
	v49 =	vcvt.f32.s32 v47;
	[tilespmem:$0x9A10] =	vst v4;
	v4 =	vadd.s32 v6, v0  }
0x57d: {  	v53 =	vld [tilespmem:$0x9CB0];
	v52 =	vtrunc.f32 v10;
	[tilespmem:$0x9A20] =	vst v4;
	v4 =	vadd.s32 v5, v0;
	v5 =	vcvt.f32.s32 v50  }
0x57e: {  	v56 =	vld [tilespmem:$0x9CC0];
	v55 =	vtrunc.f32 v11;
	v54 =	vcvt.f32.s32 v52;
	[tilespmem:$0x9A30] =	vst v4;
	v4 =	vadd.s32 v49, v0  }
0x57f: {  	v58 =	vld [tilespmem:$0x9CD0];
	v57 =	vtrunc.f32 v12;
	[tilespmem:$0x9A40] =	vst v4;
	v4 =	vadd.s32 v5, v0;
	v5 =	vcvt.f32.s32 v55  }
0x580: {  	v61 =	vld [tilespmem:$0x9CE0];
	v60 =	vtrunc.f32 v48;
	v59 =	vcvt.f32.s32 v57;
	[tilespmem:$0x9A50] =	vst v4;
	v4 =	vadd.s32 v54, v0  }
0x581: {  	v63 =	vld [tilespmem:$0x9CF0];
	v62 =	vtrunc.f32 v51;
	[tilespmem:$0x9A60] =	vst v4;
	v4 =	vadd.s32 v5, v0;
	v5 =	vcvt.f32.s32 v60  }
0x582: {  	v18 =	vld [tilespmem:$0x9D00];
	v17 =	vtrunc.f32 v53;
	v16 =	vcvt.f32.s32 v62;
	[tilespmem:$0x9A70] =	vst v4;
	v4 =	vadd.s32 v59, v0  }
0x583: {  	v20 =	vld [tilespmem:$0x9D10];
	v19 =	vtrunc.f32 v56;
	[tilespmem:$0x9A80] =	vst v4;
	v4 =	vadd.s32 v5, v0;
	v5 =	vcvt.f32.s32 v17  }
0x584: {  	v23 =	vld [tilespmem:$0x9D20];
	v22 =	vtrunc.f32 v58;
	v21 =	vcvt.f32.s32 v19;
	[tilespmem:$0x9A90] =	vst v4;
	v4 =	vadd.s32 v16, v0  }
0x585: {  	v25 =	vld [tilespmem:$0x9D30];
	v24 =	vtrunc.f32 v61;
	[tilespmem:$0x9AA0] =	vst v4;
	v4 =	vadd.s32 v5, v0;
	v5 =	vcvt.f32.s32 v22  }
0x586: {  	v28 =	vld [tilespmem:$0x9D40];
	v27 =	vtrunc.f32 v63;
	v26 =	vcvt.f32.s32 v24;
	[tilespmem:$0x9AB0] =	vst v4;
	v4 =	vadd.s32 v21, v0  }
0x587: {  	v30 =	vld [tilespmem:$0x9D50];
	v29 =	vtrunc.f32 v18;
	[tilespmem:$0x9AC0] =	vst v4;
	v4 =	vadd.s32 v5, v0;
	v5 =	vcvt.f32.s32 v27  }
0x588: {  	v33 =	vld [tilespmem:$0x9D60];
	v32 =	vtrunc.f32 v20;
	v31 =	vcvt.f32.s32 v29;
	[tilespmem:$0x9AD0] =	vst v4;
	v4 =	vadd.s32 v26, v0  }
0x589: {  	v35 =	vld [tilespmem:$0x9D70];
	v34 =	vtrunc.f32 v23;
	[tilespmem:$0x9AE0] =	vst v4;
	v4 =	vadd.s32 v5, v0;
	v5 =	vcvt.f32.s32 v32  }
0x58a: {  	v38 =	vld [tilespmem:$0x9D80];
	v37 =	vtrunc.f32 v25;
	v36 =	vcvt.f32.s32 v34;
	[tilespmem:$0x9AF0] =	vst v4;
	v4 =	vadd.s32 v31, v0  }
0x58b: {  	v40 =	vld [tilespmem:$0x9D90];
	v39 =	vtrunc.f32 v28;
	[tilespmem:$0x9B00] =	vst v4;
	v4 =	vadd.s32 v5, v0;
	v5 =	vcvt.f32.s32 v37  }
0x58c: {  	v43 =	vld [tilespmem:$0x9DA0];
	v42 =	vtrunc.f32 v30;
	v41 =	vcvt.f32.s32 v39;
	[tilespmem:$0x9B10] =	vst v4;
	v4 =	vadd.s32 v36, v0  }
0x58d: {  	v45 =	vld [tilespmem:$0x9DB0];
	v44 =	vtrunc.f32 v33;
	[tilespmem:$0x9B20] =	vst v4;
	v4 =	vadd.s32 v5, v0;
	v5 =	vcvt.f32.s32 v42  }
0x58e: {  	v48 =	vld [tilespmem:$0x9DC0];
	v46 =	vcvt.f32.s32 v44;
	v47 =	vtrunc.f32 v35;
	[tilespmem:$0x9B30] =	vst v4;
	v4 =	vadd.s32 v41, v0  }
0x58f: {  	v50 =	vld [tilespmem:$0x9DD0];
	v49 =	vtrunc.f32 v38;
	[tilespmem:$0x9B40] =	vst v4;
	v4 =	vadd.s32 v5, v0;
	v5 =	vcvt.f32.s32 v47  }
0x590: {  	v53 =	vld [tilespmem:$0x9DE0];
	v52 =	vtrunc.f32 v40;
	v51 =	vcvt.f32.s32 v49;
	[tilespmem:$0x9B50] =	vst v4;
	v4 =	vadd.s32 v46, v0  }
0x591: {  	v55 =	vld [tilespmem:$0x9DF0];
	v54 =	vtrunc.f32 v43;
	[tilespmem:$0x9B60] =	vst v4;
	v4 =	vadd.s32 v5, v0;
	v5 =	vcvt.f32.s32 v52  }
0x592: {  	v57 =	vtrunc.f32 v45;
	v56 =	vcvt.f32.s32 v54;
	[tilespmem:$0x9B70] =	vst v4;
	v4 =	vadd.s32 v51, v0  }
0x593: {  	v58 =	vtrunc.f32 v48;
	[tilespmem:$0x9B80] =	vst v4;
	v4 =	vadd.s32 v5, v0;
	v5 =	vcvt.f32.s32 v57  }
0x594: {  	v59 =	vcvt.f32.s32 v58;
	v60 =	vtrunc.f32 v50;
	[tilespmem:$0x9B90] =	vst v4;
	v4 =	vadd.s32 v56, v0  }
0x595: {  	v61 =	vtrunc.f32 v53;
	[tilespmem:$0x9BA0] =	vst v4;
	v4 =	vadd.s32 v5, v0;
	v5 =	vcvt.f32.s32 v60  }
0x596: {  	v62 =	vcvt.f32.s32 v61;
	v63 =	vtrunc.f32 v55;
	[tilespmem:$0x9BB0] =	vst v4;
	v4 =	vadd.s32 v59, v0  }
0x597: {  	[tilespmem:$0x9BC0] =	vst v4;
	v4 =	vadd.s32 v5, v0;
	v5 =	vcvt.f32.s32 v63  }
0x598: {  	s8 =	sld [smem:$0x7F3];
	[tilespmem:$0x9BD0] =	vst v4;
	v4 =	vadd.s32 v62, v0  }
0x599: {  	[tilespmem:$0x9BE0] =	vst v4;
	v4 =	vadd.s32 v5, v0  }
0x59a: {  	s9 =	simm.s32 $0x9A00;
	[tilespmem:$0x9BF0] =	vst v4  }
0x59b: {  	[hbm4b:s8+s6] =	stream.linear.scatter [tilespmem:s9], [sflag:$0x8], $0x200, $0x38;
	[tilespmem:$0x1DE90] =	vst v63  }
0x59c: {  	_ =	swait.ge [sflag:s0], $0x200  }
0x59d: {  	s12 =	sld [smem:$0x7DE]  }
0x59e: {  	s25 =	sld [smem:$0x7F4];
	_ =	sdelay $0x1  }
0x59f: {  	s8 =	sadd.s32 $0x1, s12  }
0x5a0: {  	p1 =	sne.s32 s8, s25  }
.Ltmp4:
0x5a1: {  	_ = 	snop;
	(pc) =	sbr.rel @p1 .LBB2_1-.Ltmp4, $3  }
0x5a2: {  	_ =	sdelay $0x1  }
0x5a3: {  	[sflag:s0] =	ssyncset.done $0x0  }
0x5a4: {  	s7 =	simm.s32 $0x8800;
	[sflag:s0] =	ssyncadd.s32 $0xFFFFFE00  }
0x5a5: {  	_ =	sfence.sel $0x180000  }
0x5a6: {  	[bflag:$0x0] =	sbarrier.arrive $0xFFFF  }
0x5a7: {  	_ =	strace $0x90000047  }
0x5a8: {  	s0 =	stileid.u32;
	[bflag:$0x2] =	sbarrier.arrive $0xFFFF  }
0x5a9: {  	p0 =	sne.s32 s0, $0x0;
	s0 =	rddreg [dreg:$0x6]  }
0x5aa: {  	s0 =	sadd.s32 @!p0 $0x100000, s0  }
0x5ab: {  	[sflag:s0] =	ssyncadd.tile.s32 @!p0 $0x1;
	_ =	shalt  }
.Lfunc_end2:
_tile_overlayer_lowered:
.L_overlay_start_2:
0x5ac: {  	(tag) =	ssettag $0x2  }
0x5ad: {  	s0 =	rddreg [dreg:$0x0];
	s2 =	stileid.u32  }
0x5ae: {  	s1 =	rddreg [dreg:$0x1];
	p0 =	sne.s32 s2, $0x0  }
0x5af: {  	s3 =	rddreg [dreg:$0x2];
	[bflag:$0x3] =	sbarrier.arrive $0xFFFF;
	s2 =	simm.s32 @!p0 $0x1C08  }
0x5b0: {  	[timem:s3], [sflag:s2] =	dma.local @!p0 [hbm:s0], s1  }
0x5b1: {  	s0 =	simm.s32 @!p0 $0x8  }
0x5b2: {  	_ =	swait.ge @!p0 [sflag:s0], s1  }
0x5b3: {  	s1 =	ssub.s32 @!p0 $0x0, s1;
	[sflag:s0] =	ssyncset.done @!p0 $0x0  }
0x5b4: {  	[sflag:s0] =	ssyncadd.s32 @!p0 s1  }
0x5b5: {  	[bflag:$0x3] =	sbarrier.arrive $0xFFFF  }
0x5b6: {  	_ =	shalt  }

// kernel: kernel.8.cloned.1.call-start
scs
__scs_entry_jumppad:
0x0: {  	(pc) =	sbr.rel $0x88, $3  }
0x1: {  	(tag) =	ssettag $0x0;
	lr =	simm.s32 $0x1  }
0x2: {  	[smem:$0x3F95] =	sst lr;
	_ =	strace $0xD0000000  }
0x3: {  	_ = 	snop  }
0x4: {  	_ = 	snop  }
0x5: {  	_ = 	snop  }
0x6: {  	_ = 	snop  }
0x7: {  	_ = 	snop  }
__scs_overlays_trampoline_lowered:
0x8: {  	[smem:$0x3FA4] =	sst s0  }
0x9: {  	[smem:$0x3FA5] =	sst s1  }
0xa: {  	[smem:$0x3FA6] =	sst s2  }
0xb: {  	[smem:$0x3FA7] =	sst s3  }
0xc: {  	[smem:$0x3FA8] =	sst s4  }
0xd: {  	[smem:$0x3FA9] =	sst s5  }
0xe: {  	[smem:$0x3FAA] =	sst s6  }
0xf: {  	[smem:$0x3FAB] =	sst s7  }
0x10: {  	[smem:$0x3FAC] =	sst s8  }
0x11: {  	[smem:$0x3FAD] =	sst s9;
	s0 =	simm.s32 @!p0 $0x0  }
0x12: {  	s1 =	sld [smem:$0x3F93];
	s0 =	simm.s32 @p0 $0x1  }
0x13: {  	[smem:$0x3FAE] =	sst s0;
	s0 =	simm.s32 @!p1 $0x0  }
0x14: {  	s2 =	sld [smem:$0x3F92];
	s0 =	simm.s32 @p1 $0x1  }
0x15: {  	[smem:$0x3FAF] =	sst s0;
	s0 =	simm.s32 @!p2 $0x0  }
0x16: {  	s3 =	sld [smem:$0x3FDB];
	s0 =	simm.s32 @p2 $0x1  }
0x17: {  	s4 =	simm.s32 $0x1BF5;
	[smem:$0x3FB1] =	sst s0  }
0x18: {  	s0 =	sld [smem:$0x3F94];
	_ =	swait.ge [sflag:s4], $0x0  }
0x19: {  	s7 =	sld [smem:$0x3F95]  }
0x1a: {  	s8 =	sadd.s32 $0xFFFFE003, lr  }
0x1b: {  	s9 =	sadd.s32 $0xFFFFFEF7, lr;
	s5 =	simm.s32 $0xFFFFFFFF;
	p2 =	slt.u32 s8, $0xFFFFF086  }
0x1c: {  	p1 =	slt.u32 s9, $0xF7A;
	s5 =	simm.s32 @!p2 $0x0  }
0x1d: {  	s5 =	simm.s32 @p1 $0x1;
	p0 =	seq.s32 s7, s2  }
0x1e: {  	s7 =	smul.u32 @!p0 $0xF7A, s2;
	p2 =	seq.s32 @!p0 s5, $0x0  }
0x1f: {  	s9 =	smul.u32 $0xF7A, s1;
	s8 =	simm.s32 @!p0 $0x1BF5;
	p2 =	por !p2, p0  }
0x20: {  	[sflag:s8] =	ssyncset.s32 @!p0 $0xFFFFF086;
	s6 =	sadd.s32 @!p0 s3, s7;
	s7 =	simm.s32 @!p0 $0x108  }
0x21: {  	s3 =	sadd.s32 s3, s9;
	s6 =	sadd.s32 @!p0 $0x88, s6;
	s7 =	simm.s32 @p2 $0x1082  }
0x22: {  	[simem:s7], [sflag:s8] =	dma.local @!p0 [hbm:s6], $0xF7A  }
0x23: {  	s9 =	sor.u32 $0xD0000000, s2;
	s6 =	simm.s32 $0x108;
	_ =	swait.ge @!p0 [sflag:s8], $0x0  }
0x24: {  	s3 =	sadd.s32 $0x88, s3;
	s6 =	simm.s32 @!p1 $0x1082;
	[sflag:s4] =	ssyncset.s32 $0xFFFFF086  }
0x25: {  	[simem:s6], [sflag:s4] =	dma.local [hbm:s3], $0xF7A  }
0x26: {  	[smem:$0x3F95] =	sst s1;
	(tag) =	ssettag s2;
	_ =	strace s9  }
0x27: {  	s1 =	sld [smem:$0x3FA5]  }
0x28: {  	s2 =	sld [smem:$0x3FA6]  }
0x29: {  	s4 =	sld [smem:$0x3FA8]  }
0x2a: {  	p0 =	seq.s32 s5, $0x0;
	s5 =	sld [smem:$0x3FA9]  }
0x2b: {  	s6 =	sld [smem:$0x3FAA]  }
0x2c: {  	s7 =	sld [smem:$0x3FAB]  }
0x2d: {  	s3 =	simm.s32 $0x108;
	s8 =	sld [smem:$0x3FAC]  }
0x2e: {  	s3 =	simm.s32 @!p0 $0x1082;
	s9 =	sld [smem:$0x3FAD]  }
0x2f: {  	lr =	sadd.s32 s0, s3;
	s0 =	sld [smem:$0x3FA4]  }
0x30: {  	s3 =	sld [smem:$0x3FA7]  }
0x31: {  	[smem:$0x3FB0] =	sst s10  }
0x32: {  	s10 =	sld [smem:$0x3FAE];
	_ =	sdelay $0x3  }
0x33: {  	p0 =	seq.s32 s10, $0x1;
	s10 =	sld [smem:$0x3FB0];
	_ =	sdelay $0x3  }
0x34: {  	[smem:$0x3FB0] =	sst s10  }
0x35: {  	s10 =	sld [smem:$0x3FAF];
	_ =	sdelay $0x3  }
0x36: {  	p1 =	seq.s32 s10, $0x1;
	s10 =	sld [smem:$0x3FB0];
	_ =	sdelay $0x3  }
0x37: {  	[smem:$0x3FB0] =	sst s10  }
0x38: {  	s10 =	sld [smem:$0x3FB1]  }
0x39: {  	_ = 	snop;
	(pc) =	sbr.ind lr, $3  }
0x3a: {  	_ = 	snop  }
0x3b: {  	_ = 	snop  }
0x3c: {  	p2 =	seq.s32 s10, $0x1;
	s10 =	sld [smem:$0x3FB0]  }
0x3d: {  	_ =	shalt  }
0x3e: {  	_ =	shalt  }
0x3f: {  	_ =	shalt  }
0x40: {  	_ =	shalt  }
0x41: {  	_ =	shalt  }
0x42: {  	_ =	shalt  }
0x43: {  	_ =	shalt  }
0x44: {  	_ =	shalt  }
0x45: {  	_ =	shalt  }
0x46: {  	_ =	shalt  }
0x47: {  	_ =	shalt  }
0x48: {  	_ =	shalt  }
0x49: {  	_ =	shalt  }
0x4a: {  	_ =	shalt  }
0x4b: {  	_ =	shalt  }
0x4c: {  	_ =	shalt  }
0x4d: {  	_ =	shalt  }
0x4e: {  	_ =	shalt  }
0x4f: {  	_ =	shalt  }
0x50: {  	_ =	shalt  }
0x51: {  	_ =	shalt  }
0x52: {  	_ =	shalt  }
0x53: {  	_ =	shalt  }
0x54: {  	_ =	shalt  }
0x55: {  	_ =	shalt  }
0x56: {  	_ =	shalt  }
0x57: {  	_ =	shalt  }
0x58: {  	_ =	shalt  }
0x59: {  	_ =	shalt  }
0x5a: {  	_ =	shalt  }
0x5b: {  	_ =	shalt  }
0x5c: {  	_ =	shalt  }
0x5d: {  	_ =	shalt  }
0x5e: {  	_ =	shalt  }
0x5f: {  	_ =	shalt  }
0x60: {  	_ =	shalt  }
0x61: {  	_ =	shalt  }
0x62: {  	_ =	shalt  }
0x63: {  	_ =	shalt  }
0x64: {  	_ =	shalt  }
0x65: {  	_ =	shalt  }
0x66: {  	_ =	shalt  }
0x67: {  	_ =	shalt  }
0x68: {  	_ =	shalt  }
0x69: {  	_ =	shalt  }
0x6a: {  	_ =	shalt  }
0x6b: {  	_ =	shalt  }
0x6c: {  	_ =	shalt  }
0x6d: {  	_ =	shalt  }
0x6e: {  	_ =	shalt  }
0x6f: {  	_ =	shalt  }
0x70: {  	_ =	shalt  }
0x71: {  	_ =	shalt  }
0x72: {  	_ =	shalt  }
0x73: {  	_ =	shalt  }
0x74: {  	_ =	shalt  }
0x75: {  	_ =	shalt  }
0x76: {  	_ =	shalt  }
0x77: {  	_ =	shalt  }
0x78: {  	_ =	shalt  }
0x79: {  	_ =	shalt  }
0x7a: {  	_ =	shalt  }
0x7b: {  	_ =	shalt  }
0x7c: {  	_ =	shalt  }
0x7d: {  	_ =	shalt  }
0x7e: {  	_ =	shalt  }
0x7f: {  	_ =	shalt  }
0x80: {  	_ =	shalt  }
0x81: {  	_ =	shalt  }
0x82: {  	_ =	shalt  }
0x83: {  	_ =	shalt  }
0x84: {  	_ =	shalt  }
0x85: {  	_ =	shalt  }
0x86: {  	_ =	shalt  }
0x87: {  	_ =	shalt  }
.Lfunc_end0:
.L_simem_size_0:
called_computation.1_lowered:
.L_overlay_start_0:
0x88: {  	s2 =	sld [smem:$0x3FD9]  }
0x89: {  	s3 =	sld [smem:$0x3FFE];
	_ =	sdelay $0x1  }
0x8a: {  	s1 =	srdreg.scid  }
0x8b: {  	s0 =	sand.u32 $0x1, s1  }
0x8c: {  	s17 =	sshll.u32 s0, $0xA;
	s2 =	sadd.s32 s3, s2  }
0x8d: {  	s2 =	sadd.s32 s2, s17  }
0x8e: {  	[smem:$0x3FBC] =	sst s2  }
0x8f: {  	_ = 	snop  }
0x90: {  	s2 =	sld [smem:$0x3FD0];
	(tm) =	ssettm $0x1  }
0x91: {  	s18 =	sld [smem:$0x3FFB];
	_ =	sdelay $0x3  }
0x92: {  	_ =	strace s18  }
0x93: {  	s3 =	sld [smem:$0x3FFC];
	_ =	sdelay $0x3  }
0x94: {  	_ =	strace s3  }
0x95: {  	s3 =	sld [smem:$0x3FFD];
	_ =	sdelay $0x3  }
0x96: {  	_ =	strace s3  }
0x97: {  	_ =	strace $0x8FFFFFFF  }
0x98: {  	s19 =	sld [smem:$0x3FDB];
	_ =	sdelay $0x1  }
0x99: {  	s4 =	simm.s32 $_scs_section_size  }
0x9a: {  	s5 =	simm.s32 $_size__tile_overlayer_lowered;
	s6 =	simm.s32 $_tile_overlayer_lowered  }
0x9b: {  	s22 =	simm.s32 $0x1BFF;
	s21 =	sshll.u32 s6, $0x1;
	s3 =	sadd.s32 s4, s19  }
0x9c: {  	s7 =	simm.s32 $0x0;
	s20 =	sshll.u32 s5, $0x1;
	s5 =	sadd.s32 s21, s3  }
0x9d: {  	[timem:s7], [sflag:s22] =	dma.local [hbm:s5], s20  }
0x9e: {  	_ =	swait.ge [sflag:s22], s20  }
0x9f: {  	s4 =	ssub.s32 $0x0, s20;
	[sflag:s22] =	ssyncset.done $0x0  }
0xa0: {  	[sflag:s22] =	ssyncadd.s32 s4;
	_ =	sdelay $0x1  }
0xa1: {  	s23 =	simm.s32 $0x1B8B  }
0xa2: {  	_ =	swait.ge [sflag:s23], $0x1  }
0xa3: {  	[sflag:s23] =	ssyncset.done $0x0  }
0xa4: {  	s25 =	simm.s32 $0x1B8E;
	s24 =	sld [smem:$0x3FFE];
	[sflag:s23] =	ssyncadd.s32 $0xFFFFFFFF  }
0xa5: {  	s26 =	simm.s32 $execute0_lowered;
	[smem:$0x3FD2] =	sst s25  }
0xa6: {  	s5 =	sshll.u32 s26, $0x1;
	_ =	strace $0x80000049;
	[dreg:$0x1] =	wrdreg $0xFFFFFFFF  }
0xa7: {  	s28 =	simm.s32 $_size_execute0_lowered;
	s3 =	sadd.s32 s3, s5;
	[dreg:$0x0] =	wrdreg $0x0  }
0xa8: {  	s5 =	sshll.u32 s28, $0x1;
	[dreg:$0x2] =	wrdreg s3  }
0xa9: {  	[dreg:$0x3] =	wrdreg s5  }
0xaa: {  	[dreg:$0x4] =	wrdreg $0xC0  }
0xab: {  	_ =	task [dreg:s7], $0x5FFFF  }
0xac: {  	[dreg:$0x1] =	wrdreg $0xFFFFFFFF  }
0xad: {  	[dreg:$0x0] =	wrdreg $0x60  }
0xae: {  	[dreg:$0x2] =	wrdreg s24  }
0xaf: {  	[dreg:$0x3] =	wrdreg s2  }
0xb0: {  	[dreg:$0x4] =	wrdreg $0x9  }
0xb1: {  	_ =	task.clear_ibuf [dreg:s7], $0x5FFFF;
	_ =	strace $0x90000049  }
0xb2: {  	s29 =	simm.s32 $0x9;
	_ =	strace $0x8000004B  }
0xb3: {  	_ =	swait.ge [sflag:s29], $0x1  }
0xb4: {  	[sflag:s29] =	ssyncadd.s32 $0xFFFFFFFF  }
0xb5: {  	_ =	strace $0x9000004B  }
0xb6: {  	_ =	sfence  }
0xb7: {  	s30 =	sld [smem:$0x0];
	_ =	sdelay $0x2  }
0xb8: {  	s31 =	sshll.u32 s1, $0xD;
	s1 =	sshrl.u32 s1, $0x2  }
0xb9: {  	s3 =	sand.u32 $0x4000, s31;
	s1 =	sadd.s32 s1, s30  }
0xba: {  	s0 =	sor.u32 s3, s0;
	s1 =	sshll.u32 s1, $0x11  }
0xbb: {  	s0 =	sor.u32 s1, s0  }
0xbc: {  	s0 =	sadd.s32 $0x8F2B, s0  }
0xbd: {  	[sflag:s0] =	ssyncadd.remote.s32 $0x1  }
0xbe: {  	_ =	sfence.sel $0xFFFF  }
0xbf: {  	[dreg:$0x0] =	wrdreg $0xFFFFFFFF;
	(pc) =	sbr.abs _section_cstart, $3  }
0xc0: {  	[dreg:$0x1] =	wrdreg $0xFFFFFFFF  }
0xc1: {  	_ =	task.clear_ibuf [dreg:s7], $0x2FFFF;
	_ =	strace $0x9FFFFFFF  }
0xc2: {  	(tm) =	ssettm $0x7FFFFFFF  }
0xc3: {  	_ =	shalt  }
tec
execute0_lowered:
.L_overlay_start_1:
0x0: {  	(tag) =	ssettag $0x1  }
0x1: {  	s4 =	rddreg [dreg:$0x0]  }
0x2: {  	s6 =	rddreg [dreg:$0x1]  }
0x3: {  	s0 =	rddreg [dreg:$0x2];
	s3 =	srdreg.scid  }
0x4: {  	s2 =	simm.s32 $0x0;
	s1 =	stileid.u32;
	s10 =	simm.s32 $0x80  }
0x5: {  	s11 =	simm.s32 $0x200;
	s12 =	simm.s32 $0x8200;
	s13 =	simm.s32 $0x4200  }
0x6: {  	s14 =	simm.s32 $0x180;
	s15 =	simm.s32 $0xC200;
	s16 =	simm.s32 $0x1  }
0x7: {  	s17 =	simm.s32 $0x2;
	s18 =	simm.s32 $0x0;
	s3 =	sand.u32 $0x1, s3  }
0x8: {  	[smem:$0x7FF] =	sst s2;
	s7 =	sshll.u32 s1, $0x8;
	s5 =	sshll.u32 s3, $0xC  }
0x9: {  	_ =	strace $0x8000004A;
	s30 =	ssub.s32 $0x2, s3;
	s5 =	sor.u32 s7, s5  }
0xa: {  	s3 =	sadd.s32 $0x2C00, s4;
	s9 =	sshrl.u32 s30, $0x1;
	s8 =	sshrl.u32 s5, $0x3  }
0xb: {  	s7 =	ssub.s32 s30, s9;
	s31 =	sshll.u32 s5, $0x4;
	s9 =	simm.s32 $0x100  }
0xc: {  	s8 =	sadd.s32 s8, s4;
	s6 =	sadd.s32 s6, s31;
	s7 =	smax.u32 s7, $0x1  }
0xd: {  	s4 =	sadd.s32 $0xEF800, s8;
	s5 =	sadd.s32 $0xEFC00, s8;
	s8 =	simm.s32 $0x3  }
.LBB2_1:
0xe: {  	[tilespmem:s2], [sflag:$0x3] =	stream.linear.gather [hbm4b:s4+s2], $0x100, $0x38;
	[tilespmem:$0x10200] =	vst v63  }
0xf: {  	_ =	swait.ge [sflag:s8], $0x100  }
0x10: {  	[sflag:s8] =	ssyncset.done $0x0  }
0x11: {  	[sflag:s8] =	ssyncadd.s32 $0xFFFFFF00  }
0x12: {  	[tilespmem:s9], [sflag:$0x3] =	stream.linear.gather [hbm4b:s5+s2], $0x100, $0x38;
	[tilespmem:$0x10200] =	vst v63  }
0x13: {  	_ =	swait.ge [sflag:s8], $0x100  }
0x14: {  	[sflag:s8] =	ssyncset.done $0x0  }
0x15: {  	[sflag:s8] =	ssyncadd.s32 $0xFFFFFF00  }
0x16: {  	[tilespmem:s11], [sflag:$0x1] =	stream.indirect.gather [hbm4b:s3+s10], $0x80, s2, s10, $0xb8;
	[tilespmem:$0x10200] =	vst v63  }
0x17: {  	_ = 	snop  }
0x18: {  	[tilespmem:s12], [sflag:$0x2] =	stream.indirect.gather [hbm4b:s3+s10], $0x80, s9, s10, $0xb8;
	[tilespmem:$0x10200] =	vst v63  }
0x19: {  	_ = 	snop  }
0x1a: {  	[tilespmem:s13], [sflag:$0x1] =	stream.indirect.gather [hbm4b:s3+s10], $0x80, s10, s10, $0xb8;
	[tilespmem:$0x10200] =	vst v63  }
0x1b: {  	_ = 	snop  }
0x1c: {  	[tilespmem:s15], [sflag:$0x2] =	stream.indirect.gather [hbm4b:s3+s10], $0x80, s14, s10, $0xb8;
	[tilespmem:$0x10200] =	vst v63  }
0x1d: {  	_ =	swait.ge [sflag:s16], $0x4000  }
0x1e: {  	[sflag:s16] =	ssyncset.done $0x0  }
0x1f: {  	[sflag:s16] =	ssyncadd.s32 $0xFFFFC000  }
0x20: {  	_ =	swait.ge [sflag:s17], $0x4000  }
0x21: {  	[sflag:s17] =	ssyncset.done $0x0  }
0x22: {  	[sflag:s17] =	ssyncadd.s32 $0xFFFFC000  }
0x23: {  	_ =	swait.ge [sflag:s16], $0x4000  }
0x24: {  	[sflag:s16] =	ssyncset.done $0x0  }
0x25: {  	[sflag:s16] =	ssyncadd.s32 $0xFFFFC000  }
0x26: {  	_ =	swait.ge [sflag:s17], $0x4000  }
0x27: {  	[sflag:s17] =	ssyncset.done $0x0  }
0x28: {  	s19 =	simm.s32 $0x0;
	[sflag:s17] =	ssyncadd.s32 $0xFFFFC000  }
0x29: {  	v7 =	vld [tilespmem:s19+$0x8200]  }
0x2a: {  	v11 =	vld [tilespmem:s19+$0x8210]  }
0x2b: {  	v5 =	vld [tilespmem:s19+$0x8220]  }
0x2c: {  	v4 =	vld [tilespmem:s19+$0x8230]  }
0x2d: {  	v3 =	vld [tilespmem:s19+$0x8240]  }
0x2e: {  	v2 =	vld [tilespmem:s19+$0x8250]  }
0x2f: {  	v1 =	vld [tilespmem:s19+$0x8260]  }
0x30: {  	v0 =	vld [tilespmem:s19+$0x8270]  }
0x31: {  	v12 =	vld [tilespmem:s19+$0x200]  }
0x32: {  	v13 =	vld [tilespmem:s19+$0x210]  }
0x33: {  	v10 =	vld [tilespmem:s19+$0x220]  }
0x34: {  	v9 =	vld [tilespmem:s19+$0x230]  }
0x35: {  	v8 =	vld [tilespmem:s19+$0x240]  }
0x36: {  	v6 =	vld [tilespmem:s19+$0x250];
	v12 =	vadd.f32 v7, v12  }
0x37: {  	s20 =	simm.s32 $0x200;
	v11 =	vadd.f32 v11, v13;
	v7 =	vld [tilespmem:s19+$0x260]  }
.LBB2_2:
0x38: {  	s21 =	sshra.s32 s20, $0x2;
	p0 =	sne.s32 s20, $0x1FE00;
	[tilespmem:s19+$0x200] =	vst v12;
	v5 =	vadd.f32 v5, v10;
	v10 =	vld [tilespmem:s19+$0x270]  }
0x39: {  	v12 =	vld [tilespmem:s21+$0x8200];
	[tilespmem:s19+$0x210] =	vst v11;
	v4 =	vadd.f32 v4, v9  }
0x3a: {  	v11 =	vld [tilespmem:s21+$0x8210];
	[tilespmem:s19+$0x220] =	vst v5;
	v3 =	vadd.f32 v3, v8  }
0x3b: {  	v5 =	vld [tilespmem:s21+$0x8220];
	[tilespmem:s19+$0x230] =	vst v4;
	v2 =	vadd.f32 v2, v6  }
0x3c: {  	v4 =	vld [tilespmem:s21+$0x8230];
	[tilespmem:s19+$0x240] =	vst v3;
	v1 =	vadd.f32 v1, v7  }
0x3d: {  	v3 =	vld [tilespmem:s21+$0x8240];
	[tilespmem:s19+$0x250] =	vst v2;
	v0 =	vadd.f32 v0, v10  }
0x3e: {  	v2 =	vld [tilespmem:s21+$0x8250];
	[tilespmem:s19+$0x260] =	vst v1  }
0x3f: {  	v1 =	vld [tilespmem:s21+$0x8260];
	[tilespmem:s19+$0x270] =	vst v0;
	s19 =	smov.u32 s21  }
0x40: {  	v0 =	vld [tilespmem:s19+$0x8270]  }
0x41: {  	v6 =	vld [tilespmem:s19+$0x200]  }
0x42: {  	v7 =	vld [tilespmem:s19+$0x210]  }
.Ltmp0:
0x43: {  	v10 =	vld [tilespmem:s19+$0x220];
	(pc) =	sbr.rel @p0 .LBB2_2-.Ltmp0, $4  }
0x44: {  	v9 =	vld [tilespmem:s19+$0x230]  }
0x45: {  	v8 =	vld [tilespmem:s19+$0x240]  }
0x46: {  	v12 =	vadd.f32 v12, v6;
	v6 =	vld [tilespmem:s19+$0x250]  }
0x47: {  	s20 =	sadd.s32 $0x200, s20;
	v11 =	vadd.f32 v11, v7;
	v7 =	vld [tilespmem:s19+$0x260]  }
0x48: {  	[tilespmem:s19+$0x200] =	vst v12;
	v5 =	vadd.f32 v5, v10;
	v63 =	vld [tilespmem:s19+$0x270]  }
0x49: {  	[tilespmem:s19+$0x210] =	vst v11;
	v4 =	vadd.f32 v4, v9  }
0x4a: {  	[tilespmem:s19+$0x220] =	vst v5;
	v3 =	vadd.f32 v3, v8  }
0x4b: {  	[tilespmem:s19+$0x230] =	vst v4;
	v2 =	vadd.f32 v2, v6  }
0x4c: {  	[tilespmem:s19+$0x240] =	vst v3;
	v1 =	vadd.f32 v1, v7  }
0x4d: {  	s18 =	sadd.s32 $0x1, s18;
	[tilespmem:s19+$0x250] =	vst v2;
	v0 =	vadd.f32 v0, v63  }
0x4e: {  	p0 =	sne.s32 s18, s7;
	[tilespmem:s19+$0x260] =	vst v1  }
.Ltmp1:
0x4f: {  	[tilespmem:s19+$0x270] =	vst v0;
	(pc) =	sbr.rel @p0 .LBB2_1-.Ltmp1, $4  }
0x50: {  	[hbm4b:s6+s2] =	stream.linear.scatter [tilespmem:s11], [sflag:$0x3], $0x8000, $0x38;
	[tilespmem:$0x10200] =	vst v63  }
0x51: {  	_ =	swait.ge [sflag:s8], $0x8000  }
0x52: {  	[sflag:s8] =	ssyncset.done $0x0  }
0x53: {  	[sflag:s8] =	ssyncadd.s32 $0xFFFF8000  }
0x54: {  	_ =	sfence.sel $0x180000  }
0x55: {  	[bflag:$0x0] =	sbarrier.arrive $0xFFFF  }
0x56: {  	p0 =	sne.s32 s1, $0x0;
	_ =	strace $0x9000004A  }
0x57: {  	s0 =	sadd.s32 @!p0 $0x100000, s0;
	[bflag:$0x2] =	sbarrier.arrive $0xFFFF  }
0x58: {  	[sflag:s0] =	ssyncadd.tile.s32 @!p0 $0x1;
	_ =	shalt  }
.Lfunc_end2:
_tile_overlayer_lowered:
.L_overlay_start_2:
0x59: {  	(tag) =	ssettag $0x2  }
0x5a: {  	s0 =	rddreg [dreg:$0x0];
	s2 =	stileid.u32  }
0x5b: {  	s1 =	rddreg [dreg:$0x1];
	p0 =	sne.s32 s2, $0x0  }
0x5c: {  	s3 =	rddreg [dreg:$0x2];
	[bflag:$0x3] =	sbarrier.arrive $0xFFFF;
	s2 =	simm.s32 @!p0 $0x1C03  }
0x5d: {  	[timem:s3], [sflag:s2] =	dma.local @!p0 [hbm:s0], s1  }
0x5e: {  	s0 =	simm.s32 @!p0 $0x3  }
0x5f: {  	_ =	swait.ge @!p0 [sflag:s0], s1  }
0x60: {  	s1 =	ssub.s32 @!p0 $0x0, s1;
	[sflag:s0] =	ssyncset.done @!p0 $0x0  }
0x61: {  	[sflag:s0] =	ssyncadd.s32 @!p0 s1  }
0x62: {  	[bflag:$0x3] =	sbarrier.arrive $0xFFFF  }
0x63: {  	_ =	shalt  }

</sc_bundles>
